<compile_context>
chip_gen: v7x
topology: tpu7x:2x2x1
jax: 0.10.2.dev20260603
libtpu: 0.0.44.dev20260713+nightly
codegen_flags: <defaults>
</compile_context>

<pallas_src>
import functools

import jax
import jax.numpy as jnp
from jax import lax
from jax.experimental import pallas as pl
from jax.experimental.pallas import tpu as pltpu
from jax.experimental.pallas import tpu_sc as plsc

NB = 256
LANES = 16
NW = 32
PIX_PER_TILE = 32768
HIST_WORDS = LANES * 2 * NB


def _hist_body(nclass, probas, labels, out, labels_v, pbuf, hsum, hist,
               sp0, sp1, sf0, sf1):
    cid = lax.axis_index("c")
    sid = lax.axis_index("s")
    wid = sid * 2 + cid
    b = wid // 8
    hw0 = (wid % 8) * PIX_PER_TILE
    pltpu.sync_copy(labels.at[b, pl.ds(hw0, PIX_PER_TILE)], labels_v)

    lane = lax.iota(jnp.int32, LANES)
    base0 = lane * (2 * NB)
    top = jnp.full((LANES,), 2 * NB - 1, jnp.int32)
    ones = jnp.full((LANES,), 1.0, jnp.float32)
    zeros = jnp.zeros((LANES,), jnp.float32)
    sems_p = (sp0, sp1)

    def do_class(c, fb, semf):
        @plsc.parallel_loop(0, HIST_WORDS // LANES, unroll=8)
        def _(i):
            hist[pl.ds(i * LANES, LANES)] = zeros

        @pl.when(c + 1 < nclass)
        def _():
            pltpu.async_copy(probas.at[b, c + 1, pl.ds(hw0, PIX_PER_TILE)],
                             pbuf.at[1 - fb], sems_p[1 - fb])

        pltpu.make_async_copy(probas.at[b, c, pl.ds(hw0, PIX_PER_TILE)],
                              pbuf.at[fb], sems_p[fb]).wait()

        @plsc.parallel_loop(0, PIX_PER_TILE // LANES, unroll=8)
        def _(i):
            p = pbuf[fb, pl.ds(i * LANES, LANES)]
            lab = labels_v[pl.ds(i * LANES, LANES)]
            fg = lab == c
            kp = (p * float(NB)).astype(jnp.int32)
            idx = base0 + jnp.where(fg, top - kp, kp)
            plsc.addupdate_scatter(hist, [idx], ones)

        @plsc.parallel_loop(0, (2 * NB) // LANES, unroll=4)
        def _(j):
            acc = hist[pl.ds(j * LANES, LANES)]
            for l in range(1, LANES):
                acc = acc + hist[pl.ds(l * 2 * NB + j * LANES, LANES)]
            hsum[fb, pl.ds(j * LANES, LANES)] = acc
        pltpu.async_copy(hsum.at[fb], out.at[c, wid], semf)

    npairs = (nclass + 1) // 2
    pltpu.async_copy(probas.at[b, 0, pl.ds(hw0, PIX_PER_TILE)], pbuf.at[0],
                     sp0)

    def pair_body(g, _):
        @pl.when(g >= 1)
        def _():
            pltpu.make_async_copy(hsum.at[0], out.at[0, wid], sf0).wait()
            pltpu.make_async_copy(hsum.at[1], out.at[0, wid], sf1).wait()

        c0 = 2 * g
        do_class(c0, 0, sf0)

        @pl.when(c0 + 1 < nclass)
        def _():
            do_class(c0 + 1, 1, sf1)

        return 0

    lax.fori_loop(0, npairs, pair_body, 0)
    pltpu.make_async_copy(hsum.at[0], out.at[0, wid], sf0).wait()
    if nclass % 2 == 0:
        pltpu.make_async_copy(hsum.at[1], out.at[0, wid], sf1).wait()


ROWS = 8


def _loss_body(nclass, partials, out, acc_v, tbuf, obuf, sh, st0, st1):
    cid = lax.axis_index("c")
    sid = lax.axis_index("s")
    lane = lax.iota(jnp.int32, LANES)
    zeros = jnp.zeros((LANES,), jnp.float32)
    ones = jnp.full((LANES,), 1.0, jnp.float32)
    sems = (st0, st1)
    nch = NW // ROWS

    def do_class(cls):
        pltpu.async_copy(partials.at[cls, pl.ds(0, ROWS)], tbuf.at[0], st0)
        for ch in range(nch):
            cur = ch % 2
            if ch + 1 < nch:
                nxt = (ch + 1) % 2
                pltpu.async_copy(
                    partials.at[cls, pl.ds((ch + 1) * ROWS, ROWS)],
                    tbuf.at[nxt], sems[nxt])
            pltpu.make_async_copy(partials.at[cls, pl.ds(0, ROWS)],
                                  tbuf.at[cur], sems[cur]).wait()

            @plsc.parallel_loop(0, (2 * NB) // LANES, unroll=4)
            def _(j):
                s = pl.ds(j * LANES, LANES)
                acc = tbuf[cur, 0, s]
                for r in range(1, ROWS):
                    acc = acc + tbuf[cur, r, s]
                if ch == 0:
                    acc_v[s] = acc
                else:
                    acc_v[s] = acc_v[s] + acc

        def sumbody(j, cv):
            n0v, pv = cv
            return (n0v + acc_v[pl.ds(j * LANES, LANES)],
                    pv + acc_v[pl.ds(NB + j * LANES, LANES)])

        n0v, pv = lax.fori_loop(0, NB // LANES, sumbody, (zeros, zeros),
                                unroll=4)
        N0 = jnp.sum(n0v)
        P = jnp.sum(pv)

        def scbody(j, carry):
            c0v, c1v, lossv = carry
            h0 = acc_v[pl.ds(j * LANES, LANES)]
            h1 = acc_v[pl.ds(NB + j * LANES, LANES)]
            cs0 = plsc.cumsum(h0) + c0v
            cs1 = plsc.cumsum(h1) + c1v
            C0 = N0 - cs0
            U = P + C0
            V = U + h0
            rU = 1.0 / jnp.maximum(U, 1.0)
            rV = 1.0 / jnp.maximum(V, 1.0)
            jv = jnp.zeros((LANES,), jnp.int32) + j
            ek = ((jv * LANES + lane).astype(jnp.float32) + 0.5) * (1.0 / NB)
            contrib = ek * (h1 * rU + (cs1 - h1) * (rU - rV))
            return (c0v + jnp.sum(h0), c1v + jnp.sum(h1), lossv + contrib)

        _, _, lossv = lax.fori_loop(0, NB // LANES, scbody,
                                    (zeros, zeros, zeros), unroll=2)
        loss_c = jnp.sum(lossv)
        pv16 = zeros + P
        presv = jnp.where(pv16 > 0.0, ones, zeros)
        resv = jnp.where(lane == 0, zeros + loss_c,
                         jnp.where(lane == 1, presv, zeros))
        obuf[...] = resv
        pltpu.sync_copy(obuf, sh.at[cls])

    do_class(sid)

    @pl.when(sid < nclass - LANES)
    def _():
        do_class(sid + LANES)

    plsc.subcore_barrier()

    @pl.when(jnp.logical_and(cid == 0, sid == 0))
    def _():
        def fin(i, av):
            pltpu.sync_copy(sh.at[i], obuf)
            return av + obuf[...]

        accv = lax.fori_loop(0, nclass, fin, zeros)
        lossS = jnp.sum(jnp.where(lane == 0, accv, zeros))
        presS = jnp.sum(jnp.where(lane == 1, accv, zeros))
        obuf[...] = (zeros + lossS) / (zeros + presS)
        pltpu.sync_copy(obuf, out)


def kernel(input, target):
    B, C, H, W = input.shape
    HW = H * W
    probas = input.reshape(B, C, HW)
    labels = target.reshape(B, HW).astype(jnp.int32)

    mesh = plsc.VectorSubcoreMesh(core_axis_name="c", subcore_axis_name="s")
    params = pltpu.CompilerParams(needs_layout_passes=False)

    partials = pl.kernel(
        functools.partial(_hist_body, C),
        out_type=jax.ShapeDtypeStruct((C, NW, 2 * NB), jnp.float32),
        mesh=mesh,
        compiler_params=params,
        scratch_types=[
            pltpu.VMEM((PIX_PER_TILE,), jnp.int32),
            pltpu.VMEM((2, PIX_PER_TILE), jnp.float32),
            pltpu.VMEM((2, 2 * NB), jnp.float32),
            pltpu.VMEM((HIST_WORDS,), jnp.float32),
            pltpu.SemaphoreType.DMA,
            pltpu.SemaphoreType.DMA,
            pltpu.SemaphoreType.DMA,
            pltpu.SemaphoreType.DMA,
        ],
    )(probas, labels)

    out16 = pl.kernel(
        functools.partial(_loss_body, C),
        out_type=jax.ShapeDtypeStruct((LANES,), jnp.float32),
        mesh=mesh,
        compiler_params=params,
        scratch_types=[
            pltpu.VMEM((2 * NB,), jnp.float32),
            pltpu.VMEM((2, ROWS, 2 * NB), jnp.float32),
            pltpu.VMEM((LANES,), jnp.float32),
            pltpu.VMEM_SHARED((C, LANES), jnp.float32),
            pltpu.SemaphoreType.DMA,
            pltpu.SemaphoreType.DMA,
        ],
    )(partials)

    return out16[0]

# --- scband reference (transcript-rebuilt; emitter-appended) ---
"""Pipeline reference for scband-lovasz-loss-42511586296009 (READ-ONLY COPY).

The authoritative reference and input builder live on the scoring server;
editing this copy changes nothing except your own understanding.
"""

import jax, jax.numpy as jnp
import numpy as np


def _lovasz_grad(gt_sorted):
    gts = gt_sorted.sum()
    intersection = gts - jnp.cumsum(gt_sorted, axis=0)
    union = gts + jnp.cumsum(1.0 - gt_sorted, axis=0)
    jaccard = 1.0 - intersection / union
    jaccard = jnp.concatenate([jaccard[:1], jaccard[1:] - jaccard[:-1]])
    return jaccard


def setup_inputs(seed: int = 0) -> dict:
    key = jax.random.key(seed)
    k1, k2 = jax.random.split(key)
    B, C, H, W = 4, 19, 512, 512
    probas = jax.random.uniform(k1, (B, C, H, W), dtype=jnp.float32)
    labels = jax.random.randint(k2, (B, H, W), 0, C).astype(jnp.int64)
    return {"input": probas, "target": labels}


def reference(input, target):
    # multiclass Lovasz-Softmax, per_image=False, ignore=None, classes='present'
    B, C, H, W = input.shape
    probas = jnp.transpose(input.reshape(B, C, -1), (0, 2, 1)).reshape(-1, C)
    labels = target.reshape(-1)
    acc = jnp.asarray(0.0, dtype=probas.dtype)
    count = jnp.asarray(0.0, dtype=probas.dtype)
    for c in range(C):
        present = jnp.any(labels == c)  # classes='present': mask absent classes
        fg = (labels == c).astype(jnp.float32)
        class_pred = probas[:, c]
        errors = jnp.abs(fg - class_pred)
        perm = jnp.argsort(-errors)  # descending sort
        errors_sorted = errors[perm]
        fg_sorted = fg[perm]
        loss_c = jnp.dot(errors_sorted, _lovasz_grad(fg_sorted))
        acc = acc + jnp.where(present, loss_c, 0.0)
        count = count + jnp.where(present, 1.0, 0.0)
    return acc / count

if __name__ == "__main__":
    import jax
    _d = setup_inputs()
    print(jax.jit(kernel)(*tuple(_d.values())))

</pallas_src>

<mosaic_0001>
#map = affine_map<(d0, d1) -> (0, 0, 0)>
#map1 = affine_map<(d0, d1) -> (0, 0)>
module attributes {stable_mosaic.version = 14 : i64} {
  func.func @_hist_body(%arg0: i32, %arg1: i32, %arg2: memref<4x19x262144xf32, #tpu.memory_space<hbm>>, %arg3: memref<4x262144xi32, #tpu.memory_space<hbm>>, %arg4: memref<19x32x512xf32, #tpu.memory_space<hbm>>, %arg5: memref<32768xi32, #tpu.memory_space<vmem>>, %arg6: memref<2x32768xf32, #tpu.memory_space<vmem>>, %arg7: memref<2x512xf32, #tpu.memory_space<vmem>>, %arg8: memref<8192xf32, #tpu.memory_space<vmem>>, %arg9: memref<!tpu.dma_semaphore, #tpu.memory_space<semaphore_mem>>, %arg10: memref<!tpu.dma_semaphore, #tpu.memory_space<semaphore_mem>>, %arg11: memref<!tpu.dma_semaphore, #tpu.memory_space<semaphore_mem>>, %arg12: memref<!tpu.dma_semaphore, #tpu.memory_space<semaphore_mem>>) attributes {dimension_semantics = [#tpu.dimension_semantics<core_parallel>, #tpu.dimension_semantics<subcore_parallel>], iteration_bounds = array<i64: 2, 16>, scalar_prefetch = 0 : i64, scratch_operands = 8 : i64, tpu.core_type = #tpu.core_type<sc_vector_subcore>, window_params = [{transform_indices = #map}, {transform_indices = #map1}, {transform_indices = #map}]} {
    %mul3A = arith.constant 2 : i32
    %mul3A_0 = arith.muli %arg1, %mul3A : i32
    %add3A = arith.addi %mul3A_0, %arg0 : i32
    %jit3A = arith.constant 8 : i32
    %div3A = arith.divsi %add3A, %jit3A : i32
    %sign3A = arith.constant 0 : i32
    %sign3A_1 = arith.cmpi sgt, %add3A, %sign3A : i32
    %sign3A_2 = arith.extui %sign3A_1 : i1 to i32
    %sign3A_3 = arith.constant 0 : i32
    %sign3A_4 = arith.cmpi slt, %add3A, %sign3A_3 : i32
    %sign3A_5 = arith.extui %sign3A_4 : i1 to i32
    %sign3A_6 = arith.subi %sign3A_2, %sign3A_5 : i32
    %sign3A_7 = arith.constant 0 : i32
    %sign3A_8 = arith.cmpi sgt, %jit3A, %sign3A_7 : i32
    %sign3A_9 = arith.extui %sign3A_8 : i1 to i32
    %sign3A_10 = arith.constant 0 : i32
    %sign3A_11 = arith.cmpi slt, %jit3A, %sign3A_10 : i32
    %sign3A_12 = arith.extui %sign3A_11 : i1 to i32
    %sign3A_13 = arith.subi %sign3A_9, %sign3A_12 : i32
    %ne3A = arith.cmpi ne, %sign3A_6, %sign3A_13 : i32
    %rem3A = arith.remsi %add3A, %jit3A : i32
    %ne3A_14 = arith.constant 0 : i32
    %ne3A_15 = arith.cmpi ne, %rem3A, %ne3A_14 : i32
    %and3A = arith.andi %ne3A, %ne3A_15 : i1
    %sub3A = arith.constant 1 : i32
    %sub3A_16 = arith.subi %div3A, %sub3A : i32
    %select_n3A = arith.select %and3A, %sub3A_16, %div3A : i32
    %jit3A_17 = arith.constant 8 : i32
    %eq3A = arith.constant 0 : i32
    %eq3A_18 = arith.cmpi eq, %jit3A_17, %eq3A : i32
    %jit3A_19 = arith.constant 1 : i32
    %select_n3A_20 = arith.select %eq3A_18, %jit3A_19, %jit3A_17 : i32
    %rem3A_21 = arith.remsi %add3A, %select_n3A_20 : i32
    %ne3A_22 = arith.constant 0 : i32
    %ne3A_23 = arith.cmpi ne, %rem3A_21, %ne3A_22 : i32
    %lt3A = arith.constant 0 : i32
    %lt3A_24 = arith.cmpi slt, %rem3A_21, %lt3A : i32
    %lt3A_25 = arith.constant 0 : i32
    %lt3A_26 = arith.cmpi slt, %select_n3A_20, %lt3A_25 : i32
    %ne3A_27 = arith.xori %lt3A_24, %lt3A_26 : i1
    %and3A_28 = arith.andi %ne3A_27, %ne3A_23 : i1
    %add3A_29 = arith.addi %rem3A_21, %select_n3A_20 : i32
    %select_n3A_30 = arith.select %and3A_28, %add3A_29, %rem3A_21 : i32
    %mul3A_31 = arith.constant 32768 : i32
    %mul3A_32 = arith.muli %select_n3A_30, %mul3A_31 : i32
    "tpu.region"() ({
      %run_scoped3A = tpu.sem_alloc : memref<!tpu.dma_semaphore, #tpu.memory_space<semaphore_mem>>
      %dma_start3A_71 = tpu.memref_slice %arg3[%select_n3A, %mul3A_32] : memref<4x262144xi32, #tpu.memory_space<hbm>> -> memref<1x32768xi32, #tpu.memory_space<hbm>>
      %dma_start3A_72 = tpu.memref_squeeze %dma_start3A_71 : memref<1x32768xi32, #tpu.memory_space<hbm>> -> memref<32768xi32, #tpu.memory_space<hbm>>
      %dma_start3A_73 = tpu.memref_slice %arg3[%select_n3A, %mul3A_32] : memref<4x262144xi32, #tpu.memory_space<hbm>> -> memref<1x32768xi32, #tpu.memory_space<hbm>>
      %dma_start3A_74 = tpu.memref_squeeze %dma_start3A_73 : memref<1x32768xi32, #tpu.memory_space<hbm>> -> memref<32768xi32, #tpu.memory_space<hbm>>
      tpu.enqueue_dma source(%dma_start3A_74 : memref<32768xi32, #tpu.memory_space<hbm>>) target(%arg5 : memref<32768xi32, #tpu.memory_space<vmem>>) target_semaphore(%run_scoped3A : memref<!tpu.dma_semaphore, #tpu.memory_space<semaphore_mem>>)
      %dma_wait3A_75 = tpu.memref_slice %arg3[%select_n3A, %mul3A_32] : memref<4x262144xi32, #tpu.memory_space<hbm>> -> memref<1x32768xi32, #tpu.memory_space<hbm>>
      %dma_wait3A_76 = tpu.memref_squeeze %dma_wait3A_75 : memref<1x32768xi32, #tpu.memory_space<hbm>> -> memref<32768xi32, #tpu.memory_space<hbm>>
      %dma_wait3A_77 = tpu.memref_slice %arg3[%select_n3A, %mul3A_32] : memref<4x262144xi32, #tpu.memory_space<hbm>> -> memref<1x32768xi32, #tpu.memory_space<hbm>>
      %dma_wait3A_78 = tpu.memref_squeeze %dma_wait3A_77 : memref<1x32768xi32, #tpu.memory_space<hbm>> -> memref<32768xi32, #tpu.memory_space<hbm>>
      tpu.wait_dma2 semaphore(%run_scoped3A : memref<!tpu.dma_semaphore, #tpu.memory_space<semaphore_mem>>) src(%dma_wait3A_78 : memref<32768xi32, #tpu.memory_space<hbm>>) dst(%arg5 : memref<32768xi32, #tpu.memory_space<vmem>>)
      tpu.yield
    }) : () -> ()
    %iota3A = tpu.iota {dimensions = array<i32: 0>} : vector<16xi32>
    %mul3A_33 = arith.constant 512 : i32
    %mul3A_34 = vector.broadcast %mul3A_33 : i32 to vector<16xi32>
    %mul3A_35 = arith.muli %iota3A, %mul3A_34 : vector<16xi32>
    %broadcast_in_dim3A = arith.constant 511 : i32
    %broadcast_in_dim3A_36 = vector.broadcast %broadcast_in_dim3A : i32 to vector<16xi32>
    %broadcast_in_dim3A_37 = arith.constant 1.000000e+00 : f32
    %broadcast_in_dim3A_38 = vector.broadcast %broadcast_in_dim3A_37 : f32 to vector<16xf32>
    %broadcast_in_dim3A_39 = arith.constant 0.000000e+00 : f32
    %broadcast_in_dim3A_40 = vector.broadcast %broadcast_in_dim3A_39 : f32 to vector<16xf32>
    %dma_start3A = arith.constant 0 : i32
    %dma_start3A_41 = arith.constant 0 : i32
    %dma_start3A_42 = arith.constant 0 : i32
    %dma_start3A_43 = tpu.memref_slice %arg6[%dma_start3A_41, %dma_start3A_42] : memref<2x32768xf32, #tpu.memory_space<vmem>> -> memref<1x32768xf32, #tpu.memory_space<vmem>>
    %dma_start3A_44 = tpu.memref_squeeze %dma_start3A_43 : memref<1x32768xf32, #tpu.memory_space<vmem>> -> memref<32768xf32, #tpu.memory_space<vmem>>
    %dma_start3A_45 = tpu.memref_slice %arg2[%select_n3A, %dma_start3A, %mul3A_32] : memref<4x19x262144xf32, #tpu.memory_space<hbm>> -> memref<1x1x32768xf32, #tpu.memory_space<hbm>>
    %dma_start3A_46 = tpu.memref_squeeze %dma_start3A_45 : memref<1x1x32768xf32, #tpu.memory_space<hbm>> -> memref<32768xf32, #tpu.memory_space<hbm>>
    %dma_start3A_47 = arith.constant 0 : i32
    %dma_start3A_48 = tpu.memref_slice %arg6[%dma_start3A_41, %dma_start3A_47] : memref<2x32768xf32, #tpu.memory_space<vmem>> -> memref<1x32768xf32, #tpu.memory_space<vmem>>
    %dma_start3A_49 = tpu.memref_squeeze %dma_start3A_48 : memref<1x32768xf32, #tpu.memory_space<vmem>> -> memref<32768xf32, #tpu.memory_space<vmem>>
    %dma_start3A_50 = tpu.memref_slice %arg2[%select_n3A, %dma_start3A, %mul3A_32] : memref<4x19x262144xf32, #tpu.memory_space<hbm>> -> memref<1x1x32768xf32, #tpu.memory_space<hbm>>
    %dma_start3A_51 = tpu.memref_squeeze %dma_start3A_50 : memref<1x1x32768xf32, #tpu.memory_space<hbm>> -> memref<32768xf32, #tpu.memory_space<hbm>>
    tpu.enqueue_dma source(%dma_start3A_51 : memref<32768xf32, #tpu.memory_space<hbm>>) target(%dma_start3A_49 : memref<32768xf32, #tpu.memory_space<vmem>>) target_semaphore(%arg9 : memref<!tpu.dma_semaphore, #tpu.memory_space<semaphore_mem>>)
    %scan3A = arith.constant 0 : i32
    %scan3A_52 = arith.constant 0 : i32
    %scan3A_53 = arith.constant 10 : i32
    %scan3A_54 = arith.addi %scan3A_52, %scan3A_53 : i32
    %scan3A_55 = arith.constant 1 : i32
    %scan3A_56 = scf.for %scan3A_71 = %scan3A_52 to %scan3A_54 step %scan3A_55 iter_args(%scan3A_72 = %scan3A) -> (i32)  : i32 {
      %ge3A = arith.constant 1 : i32
      %ge3A_73 = arith.cmpi sge, %scan3A_71, %ge3A : i32
      %convert_element_type3A = arith.extui %ge3A_73 : i1 to i32
      %cond3A = arith.constant 0 : i32
      %cond3A_74 = arith.cmpi ne, %convert_element_type3A, %cond3A : i32
      scf.if %cond3A_74 {
        %dma_wait3A_124 = arith.constant 0 : i32
        %dma_wait3A_125 = arith.constant 0 : i32
        %dma_wait3A_126 = arith.constant 0 : i32
        %dma_wait3A_127 = tpu.memref_slice %arg7[%dma_wait3A_124, %dma_wait3A_126] : memref<2x512xf32, #tpu.memory_space<vmem>> -> memref<1x512xf32, #tpu.memory_space<vmem>>
        %dma_wait3A_128 = tpu.memref_squeeze %dma_wait3A_127 : memref<1x512xf32, #tpu.memory_space<vmem>> -> memref<512xf32, #tpu.memory_space<vmem>>
        %dma_wait3A_129 = arith.constant 0 : i32
        %dma_wait3A_130 = tpu.memref_slice %arg4[%dma_wait3A_125, %add3A, %dma_wait3A_129] : memref<19x32x512xf32, #tpu.memory_space<hbm>> -> memref<1x1x512xf32, #tpu.memory_space<hbm>>
        %dma_wait3A_131 = tpu.memref_squeeze %dma_wait3A_130 : memref<1x1x512xf32, #tpu.memory_space<hbm>> -> memref<512xf32, #tpu.memory_space<hbm>>
        %dma_wait3A_132 = arith.constant 0 : i32
        %dma_wait3A_133 = tpu.memref_slice %arg4[%dma_wait3A_125, %add3A, %dma_wait3A_132] : memref<19x32x512xf32, #tpu.memory_space<hbm>> -> memref<1x1x512xf32, #tpu.memory_space<hbm>>
        %dma_wait3A_134 = tpu.memref_squeeze %dma_wait3A_133 : memref<1x1x512xf32, #tpu.memory_space<hbm>> -> memref<512xf32, #tpu.memory_space<hbm>>
        %dma_wait3A_135 = arith.constant 0 : i32
        %dma_wait3A_136 = tpu.memref_slice %arg7[%dma_wait3A_124, %dma_wait3A_135] : memref<2x512xf32, #tpu.memory_space<vmem>> -> memref<1x512xf32, #tpu.memory_space<vmem>>
        %dma_wait3A_137 = tpu.memref_squeeze %dma_wait3A_136 : memref<1x512xf32, #tpu.memory_space<vmem>> -> memref<512xf32, #tpu.memory_space<vmem>>
        tpu.wait_dma2 semaphore(%arg11 : memref<!tpu.dma_semaphore, #tpu.memory_space<semaphore_mem>>) src(%dma_wait3A_137 : memref<512xf32, #tpu.memory_space<vmem>>) dst(%dma_wait3A_134 : memref<512xf32, #tpu.memory_space<hbm>>)
        %dma_wait3A_138 = arith.constant 1 : i32
        %dma_wait3A_139 = arith.constant 0 : i32
        %dma_wait3A_140 = arith.constant 0 : i32
        %dma_wait3A_141 = tpu.memref_slice %arg7[%dma_wait3A_138, %dma_wait3A_140] : memref<2x512xf32, #tpu.memory_space<vmem>> -> memref<1x512xf32, #tpu.memory_space<vmem>>
        %dma_wait3A_142 = tpu.memref_squeeze %dma_wait3A_141 : memref<1x512xf32, #tpu.memory_space<vmem>> -> memref<512xf32, #tpu.memory_space<vmem>>
        %dma_wait3A_143 = arith.constant 0 : i32
        %dma_wait3A_144 = tpu.memref_slice %arg4[%dma_wait3A_139, %add3A, %dma_wait3A_143] : memref<19x32x512xf32, #tpu.memory_space<hbm>> -> memref<1x1x512xf32, #tpu.memory_space<hbm>>
        %dma_wait3A_145 = tpu.memref_squeeze %dma_wait3A_144 : memref<1x1x512xf32, #tpu.memory_space<hbm>> -> memref<512xf32, #tpu.memory_space<hbm>>
        %dma_wait3A_146 = arith.constant 0 : i32
        %dma_wait3A_147 = tpu.memref_slice %arg4[%dma_wait3A_139, %add3A, %dma_wait3A_146] : memref<19x32x512xf32, #tpu.memory_space<hbm>> -> memref<1x1x512xf32, #tpu.memory_space<hbm>>
        %dma_wait3A_148 = tpu.memref_squeeze %dma_wait3A_147 : memref<1x1x512xf32, #tpu.memory_space<hbm>> -> memref<512xf32, #tpu.memory_space<hbm>>
        %dma_wait3A_149 = arith.constant 0 : i32
        %dma_wait3A_150 = tpu.memref_slice %arg7[%dma_wait3A_138, %dma_wait3A_149] : memref<2x512xf32, #tpu.memory_space<vmem>> -> memref<1x512xf32, #tpu.memory_space<vmem>>
        %dma_wait3A_151 = tpu.memref_squeeze %dma_wait3A_150 : memref<1x512xf32, #tpu.memory_space<vmem>> -> memref<512xf32, #tpu.memory_space<vmem>>
        tpu.wait_dma2 semaphore(%arg12 : memref<!tpu.dma_semaphore, #tpu.memory_space<semaphore_mem>>) src(%dma_wait3A_151 : memref<512xf32, #tpu.memory_space<vmem>>) dst(%dma_wait3A_148 : memref<512xf32, #tpu.memory_space<hbm>>)
      } else {
      }
      %mul3A_75 = arith.constant 2 : i32
      %mul3A_76 = arith.muli %mul3A_75, %scan3A_71 : i32
      %parallel_loop3A = arith.constant 0 : i32
      %parallel_loop3A_77 = arith.constant 512 : i32
      %parallel_loop3A_78 = arith.constant 1 : i32
      scf.for %parallel_loop3A_124 = %parallel_loop3A to %parallel_loop3A_77 step %parallel_loop3A_78  : i32 {
        %parallel_loop3A_125 = arith.constant 16 : i32
        %parallel_loop3A_126 = arith.muli %parallel_loop3A_124, %parallel_loop3A_125 : i32
        %parallel_loop3A_127 = arith.index_cast %parallel_loop3A_126 : i32 to index
        %parallel_loop3A_128 = tpu.vector_load %arg8[%parallel_loop3A_127] {strides = array<i32>} : memref<8192xf32, #tpu.memory_space<vmem>>, vector<16xf32>,
        tpu.vector_store %arg8[%parallel_loop3A_127], %broadcast_in_dim3A_40 {strides = array<i32>} : memref<8192xf32, #tpu.memory_space<vmem>>, vector<16xf32>,
      } {sc.loop_unroll_factor = 8 : i64, sc.parallel_access}
      %add3A_79 = arith.constant 1 : i32
      %add3A_80 = arith.addi %mul3A_76, %add3A_79 : i32
      %lt3A_81 = arith.constant 19 : i32
      %lt3A_82 = arith.cmpi slt, %add3A_80, %lt3A_81 : i32
      %convert_element_type3A_83 = arith.extui %lt3A_82 : i1 to i32
      %cond3A_84 = arith.constant 0 : i32
      %cond3A_85 = arith.cmpi ne, %convert_element_type3A_83, %cond3A_84 : i32
      scf.if %cond3A_85 {
        %add3A_124 = arith.constant 1 : i32
        %add3A_125 = arith.addi %mul3A_76, %add3A_124 : i32
        %dma_start3A_126 = arith.constant 1 : i32
        %dma_start3A_127 = arith.constant 0 : i32
        %dma_start3A_128 = tpu.memref_slice %arg6[%dma_start3A_126, %dma_start3A_127] : memref<2x32768xf32, #tpu.memory_space<vmem>> -> memref<1x32768xf32, #tpu.memory_space<vmem>>
        %dma_start3A_129 = tpu.memref_squeeze %dma_start3A_128 : memref<1x32768xf32, #tpu.memory_space<vmem>> -> memref<32768xf32, #tpu.memory_space<vmem>>
        %dma_start3A_130 = tpu.memref_slice %arg2[%select_n3A, %add3A_125, %mul3A_32] : memref<4x19x262144xf32, #tpu.memory_space<hbm>> -> memref<1x1x32768xf32, #tpu.memory_space<hbm>>
        %dma_start3A_131 = tpu.memref_squeeze %dma_start3A_130 : memref<1x1x32768xf32, #tpu.memory_space<hbm>> -> memref<32768xf32, #tpu.memory_space<hbm>>
        %dma_start3A_132 = arith.constant 0 : i32
        %dma_start3A_133 = tpu.memref_slice %arg6[%dma_start3A_126, %dma_start3A_132] : memref<2x32768xf32, #tpu.memory_space<vmem>> -> memref<1x32768xf32, #tpu.memory_space<vmem>>
        %dma_start3A_134 = tpu.memref_squeeze %dma_start3A_133 : memref<1x32768xf32, #tpu.memory_space<vmem>> -> memref<32768xf32, #tpu.memory_space<vmem>>
        %dma_start3A_135 = tpu.memref_slice %arg2[%select_n3A, %add3A_125, %mul3A_32] : memref<4x19x262144xf32, #tpu.memory_space<hbm>> -> memref<1x1x32768xf32, #tpu.memory_space<hbm>>
        %dma_start3A_136 = tpu.memref_squeeze %dma_start3A_135 : memref<1x1x32768xf32, #tpu.memory_space<hbm>> -> memref<32768xf32, #tpu.memory_space<hbm>>
        tpu.enqueue_dma source(%dma_start3A_136 : memref<32768xf32, #tpu.memory_space<hbm>>) target(%dma_start3A_134 : memref<32768xf32, #tpu.memory_space<vmem>>) target_semaphore(%arg10 : memref<!tpu.dma_semaphore, #tpu.memory_space<semaphore_mem>>)
      } else {
      }
      %dma_wait3A_86 = arith.constant 0 : i32
      %dma_wait3A_87 = arith.constant 0 : i32
      %dma_wait3A_88 = tpu.memref_slice %arg6[%dma_wait3A_86, %dma_wait3A_87] : memref<2x32768xf32, #tpu.memory_space<vmem>> -> memref<1x32768xf32, #tpu.memory_space<vmem>>
      %dma_wait3A_89 = tpu.memref_squeeze %dma_wait3A_88 : memref<1x32768xf32, #tpu.memory_space<vmem>> -> memref<32768xf32, #tpu.memory_space<vmem>>
      %dma_wait3A_90 = tpu.memref_slice %arg2[%select_n3A, %mul3A_76, %mul3A_32] : memref<4x19x262144xf32, #tpu.memory_space<hbm>> -> memref<1x1x32768xf32, #tpu.memory_space<hbm>>
      %dma_wait3A_91 = tpu.memref_squeeze %dma_wait3A_90 : memref<1x1x32768xf32, #tpu.memory_space<hbm>> -> memref<32768xf32, #tpu.memory_space<hbm>>
      %dma_wait3A_92 = arith.constant 0 : i32
      %dma_wait3A_93 = tpu.memref_slice %arg6[%dma_wait3A_86, %dma_wait3A_92] : memref<2x32768xf32, #tpu.memory_space<vmem>> -> memref<1x32768xf32, #tpu.memory_space<vmem>>
      %dma_wait3A_94 = tpu.memref_squeeze %dma_wait3A_93 : memref<1x32768xf32, #tpu.memory_space<vmem>> -> memref<32768xf32, #tpu.memory_space<vmem>>
      %dma_wait3A_95 = tpu.memref_slice %arg2[%select_n3A, %mul3A_76, %mul3A_32] : memref<4x19x262144xf32, #tpu.memory_space<hbm>> -> memref<1x1x32768xf32, #tpu.memory_space<hbm>>
      %dma_wait3A_96 = tpu.memref_squeeze %dma_wait3A_95 : memref<1x1x32768xf32, #tpu.memory_space<hbm>> -> memref<32768xf32, #tpu.memory_space<hbm>>
      tpu.wait_dma2 semaphore(%arg9 : memref<!tpu.dma_semaphore, #tpu.memory_space<semaphore_mem>>) src(%dma_wait3A_96 : memref<32768xf32, #tpu.memory_space<hbm>>) dst(%dma_wait3A_94 : memref<32768xf32, #tpu.memory_space<vmem>>)
      %parallel_loop3A_97 = arith.constant 0 : i32
      %parallel_loop3A_98 = arith.constant 2048 : i32
      %parallel_loop3A_99 = arith.constant 1 : i32
      scf.for %parallel_loop3A_124 = %parallel_loop3A_97 to %parallel_loop3A_98 step %parallel_loop3A_99  : i32 {
        %parallel_loop3A_125 = arith.constant 16 : i32
        %parallel_loop3A_126 = arith.muli %parallel_loop3A_124, %parallel_loop3A_125 : i32
        %parallel_loop3A_127 = arith.constant 0 : i32
        %parallel_loop3A_128 = arith.index_cast %parallel_loop3A_127 : i32 to index
        %parallel_loop3A_129 = arith.index_cast %parallel_loop3A_126 : i32 to index
        %parallel_loop3A_130 = tpu.vector_load %arg6[%parallel_loop3A_128, %parallel_loop3A_129] {strides = array<i32>} : memref<2x32768xf32, #tpu.memory_space<vmem>>, vector<16xf32>,
        %parallel_loop3A_131 = arith.constant 16 : i32
        %parallel_loop3A_132 = arith.muli %parallel_loop3A_124, %parallel_loop3A_131 : i32
        %parallel_loop3A_133 = arith.index_cast %parallel_loop3A_132 : i32 to index
        %parallel_loop3A_134 = tpu.vector_load %arg5[%parallel_loop3A_133] {strides = array<i32>} : memref<32768xi32, #tpu.memory_space<vmem>>, vector<16xi32>,
        %parallel_loop3A_135 = vector.broadcast %mul3A_76 : i32 to vector<16xi32>
        %parallel_loop3A_136 = arith.cmpi eq, %parallel_loop3A_134, %parallel_loop3A_135 : vector<16xi32>
        %parallel_loop3A_137 = arith.constant 2.560000e+02 : f32
        %parallel_loop3A_138 = vector.broadcast %parallel_loop3A_137 : f32 to vector<16xf32>
        %parallel_loop3A_139 = arith.mulf %parallel_loop3A_130, %parallel_loop3A_138 : vector<16xf32>
        %parallel_loop3A_140 = arith.fptosi %parallel_loop3A_139 : vector<16xf32> to vector<16xi32>
        %parallel_loop3A_141 = arith.subi %broadcast_in_dim3A_36, %parallel_loop3A_140 : vector<16xi32>
        %parallel_loop3A_142 = arith.select %parallel_loop3A_136, %parallel_loop3A_141, %parallel_loop3A_140 : vector<16xi1>, vector<16xi32>
        %parallel_loop3A_143 = arith.addi %mul3A_35, %parallel_loop3A_142 : vector<16xi32>
        tpu.vector_store_idx %arg8[%parallel_loop3A_143], %broadcast_in_dim3A_38 {add = true} : memref<8192xf32, #tpu.memory_space<vmem>>[vector<16xi32>], vector<16xf32>,
      } {sc.loop_unroll_factor = 8 : i64, sc.parallel_access}
      %parallel_loop3A_100 = arith.constant 0 : i32
      %parallel_loop3A_101 = arith.constant 32 : i32
      %parallel_loop3A_102 = arith.constant 1 : i32
      scf.for %parallel_loop3A_124 = %parallel_loop3A_100 to %parallel_loop3A_101 step %parallel_loop3A_102  : i32 {
        %parallel_loop3A_125 = arith.constant 16 : i32
        %parallel_loop3A_126 = arith.muli %parallel_loop3A_124, %parallel_loop3A_125 : i32
        %parallel_loop3A_127 = arith.index_cast %parallel_loop3A_126 : i32 to index
        %parallel_loop3A_128 = tpu.vector_load %arg8[%parallel_loop3A_127] {strides = array<i32>} : memref<8192xf32, #tpu.memory_space<vmem>>, vector<16xf32>,
        %parallel_loop3A_129 = arith.constant 16 : i32
        %parallel_loop3A_130 = arith.muli %parallel_loop3A_124, %parallel_loop3A_129 : i32
        %parallel_loop3A_131 = arith.constant 512 : i32
        %parallel_loop3A_132 = arith.addi %parallel_loop3A_131, %parallel_loop3A_130 : i32
        %parallel_loop3A_133 = arith.index_cast %parallel_loop3A_132 : i32 to index
        %parallel_loop3A_134 = tpu.vector_load %arg8[%parallel_loop3A_133] {strides = array<i32>} : memref<8192xf32, #tpu.memory_space<vmem>>, vector<16xf32>,
        %parallel_loop3A_135 = arith.addf %parallel_loop3A_128, %parallel_loop3A_134 : vector<16xf32>
        %parallel_loop3A_136 = arith.constant 16 : i32
        %parallel_loop3A_137 = arith.muli %parallel_loop3A_124, %parallel_loop3A_136 : i32
        %parallel_loop3A_138 = arith.constant 1024 : i32
        %parallel_loop3A_139 = arith.addi %parallel_loop3A_138, %parallel_loop3A_137 : i32
        %parallel_loop3A_140 = arith.index_cast %parallel_loop3A_139 : i32 to index
        %parallel_loop3A_141 = tpu.vector_load %arg8[%parallel_loop3A_140] {strides = array<i32>} : memref<8192xf32, #tpu.memory_space<vmem>>, vector<16xf32>,
        %parallel_loop3A_142 = arith.addf %parallel_loop3A_135, %parallel_loop3A_141 : vector<16xf32>
        %parallel_loop3A_143 = arith.constant 16 : i32
        %parallel_loop3A_144 = arith.muli %parallel_loop3A_124, %parallel_loop3A_143 : i32
        %parallel_loop3A_145 = arith.constant 1536 : i32
        %parallel_loop3A_146 = arith.addi %parallel_loop3A_145, %parallel_loop3A_144 : i32
        %parallel_loop3A_147 = arith.index_cast %parallel_loop3A_146 : i32 to index
        %parallel_loop3A_148 = tpu.vector_load %arg8[%parallel_loop3A_147] {strides = array<i32>} : memref<8192xf32, #tpu.memory_space<vmem>>, vector<16xf32>,
        %parallel_loop3A_149 = arith.addf %parallel_loop3A_142, %parallel_loop3A_148 : vector<16xf32>
        %parallel_loop3A_150 = arith.constant 16 : i32
        %parallel_loop3A_151 = arith.muli %parallel_loop3A_124, %parallel_loop3A_150 : i32
        %parallel_loop3A_152 = arith.constant 2048 : i32
        %parallel_loop3A_153 = arith.addi %parallel_loop3A_152, %parallel_loop3A_151 : i32
        %parallel_loop3A_154 = arith.index_cast %parallel_loop3A_153 : i32 to index
        %parallel_loop3A_155 = tpu.vector_load %arg8[%parallel_loop3A_154] {strides = array<i32>} : memref<8192xf32, #tpu.memory_space<vmem>>, vector<16xf32>,
        %parallel_loop3A_156 = arith.addf %parallel_loop3A_149, %parallel_loop3A_155 : vector<16xf32>
        %parallel_loop3A_157 = arith.constant 16 : i32
        %parallel_loop3A_158 = arith.muli %parallel_loop3A_124, %parallel_loop3A_157 : i32
        %parallel_loop3A_159 = arith.constant 2560 : i32
        %parallel_loop3A_160 = arith.addi %parallel_loop3A_159, %parallel_loop3A_158 : i32
        %parallel_loop3A_161 = arith.index_cast %parallel_loop3A_160 : i32 to index
        %parallel_loop3A_162 = tpu.vector_load %arg8[%parallel_loop3A_161] {strides = array<i32>} : memref<8192xf32, #tpu.memory_space<vmem>>, vector<16xf32>,
        %parallel_loop3A_163 = arith.addf %parallel_loop3A_156, %parallel_loop3A_162 : vector<16xf32>
        %parallel_loop3A_164 = arith.constant 16 : i32
        %parallel_loop3A_165 = arith.muli %parallel_loop3A_124, %parallel_loop3A_164 : i32
        %parallel_loop3A_166 = arith.constant 3072 : i32
        %parallel_loop3A_167 = arith.addi %parallel_loop3A_166, %parallel_loop3A_165 : i32
        %parallel_loop3A_168 = arith.index_cast %parallel_loop3A_167 : i32 to index
        %parallel_loop3A_169 = tpu.vector_load %arg8[%parallel_loop3A_168] {strides = array<i32>} : memref<8192xf32, #tpu.memory_space<vmem>>, vector<16xf32>,
        %parallel_loop3A_170 = arith.addf %parallel_loop3A_163, %parallel_loop3A_169 : vector<16xf32>
        %parallel_loop3A_171 = arith.constant 16 : i32
        %parallel_loop3A_172 = arith.muli %parallel_loop3A_124, %parallel_loop3A_171 : i32
        %parallel_loop3A_173 = arith.constant 3584 : i32
        %parallel_loop3A_174 = arith.addi %parallel_loop3A_173, %parallel_loop3A_172 : i32
        %parallel_loop3A_175 = arith.index_cast %parallel_loop3A_174 : i32 to index
        %parallel_loop3A_176 = tpu.vector_load %arg8[%parallel_loop3A_175] {strides = array<i32>} : memref<8192xf32, #tpu.memory_space<vmem>>, vector<16xf32>,
        %parallel_loop3A_177 = arith.addf %parallel_loop3A_170, %parallel_loop3A_176 : vector<16xf32>
        %parallel_loop3A_178 = arith.constant 16 : i32
        %parallel_loop3A_179 = arith.muli %parallel_loop3A_124, %parallel_loop3A_178 : i32
        %parallel_loop3A_180 = arith.constant 4096 : i32
        %parallel_loop3A_181 = arith.addi %parallel_loop3A_180, %parallel_loop3A_179 : i32
        %parallel_loop3A_182 = arith.index_cast %parallel_loop3A_181 : i32 to index
        %parallel_loop3A_183 = tpu.vector_load %arg8[%parallel_loop3A_182] {strides = array<i32>} : memref<8192xf32, #tpu.memory_space<vmem>>, vector<16xf32>,
        %parallel_loop3A_184 = arith.addf %parallel_loop3A_177, %parallel_loop3A_183 : vector<16xf32>
        %parallel_loop3A_185 = arith.constant 16 : i32
        %parallel_loop3A_186 = arith.muli %parallel_loop3A_124, %parallel_loop3A_185 : i32
        %parallel_loop3A_187 = arith.constant 4608 : i32
        %parallel_loop3A_188 = arith.addi %parallel_loop3A_187, %parallel_loop3A_186 : i32
        %parallel_loop3A_189 = arith.index_cast %parallel_loop3A_188 : i32 to index
        %parallel_loop3A_190 = tpu.vector_load %arg8[%parallel_loop3A_189] {strides = array<i32>} : memref<8192xf32, #tpu.memory_space<vmem>>, vector<16xf32>,
        %parallel_loop3A_191 = arith.addf %parallel_loop3A_184, %parallel_loop3A_190 : vector<16xf32>
        %parallel_loop3A_192 = arith.constant 16 : i32
        %parallel_loop3A_193 = arith.muli %parallel_loop3A_124, %parallel_loop3A_192 : i32
        %parallel_loop3A_194 = arith.constant 5120 : i32
        %parallel_loop3A_195 = arith.addi %parallel_loop3A_194, %parallel_loop3A_193 : i32
        %parallel_loop3A_196 = arith.index_cast %parallel_loop3A_195 : i32 to index
        %parallel_loop3A_197 = tpu.vector_load %arg8[%parallel_loop3A_196] {strides = array<i32>} : memref<8192xf32, #tpu.memory_space<vmem>>, vector<16xf32>,
        %parallel_loop3A_198 = arith.addf %parallel_loop3A_191, %parallel_loop3A_197 : vector<16xf32>
        %parallel_loop3A_199 = arith.constant 16 : i32
        %parallel_loop3A_200 = arith.muli %parallel_loop3A_124, %parallel_loop3A_199 : i32
        %parallel_loop3A_201 = arith.constant 5632 : i32
        %parallel_loop3A_202 = arith.addi %parallel_loop3A_201, %parallel_loop3A_200 : i32
        %parallel_loop3A_203 = arith.index_cast %parallel_loop3A_202 : i32 to index
        %parallel_loop3A_204 = tpu.vector_load %arg8[%parallel_loop3A_203] {strides = array<i32>} : memref<8192xf32, #tpu.memory_space<vmem>>, vector<16xf32>,
        %parallel_loop3A_205 = arith.addf %parallel_loop3A_198, %parallel_loop3A_204 : vector<16xf32>
        %parallel_loop3A_206 = arith.constant 16 : i32
        %parallel_loop3A_207 = arith.muli %parallel_loop3A_124, %parallel_loop3A_206 : i32
        %parallel_loop3A_208 = arith.constant 6144 : i32
        %parallel_loop3A_209 = arith.addi %parallel_loop3A_208, %parallel_loop3A_207 : i32
        %parallel_loop3A_210 = arith.index_cast %parallel_loop3A_209 : i32 to index
        %parallel_loop3A_211 = tpu.vector_load %arg8[%parallel_loop3A_210] {strides = array<i32>} : memref<8192xf32, #tpu.memory_space<vmem>>, vector<16xf32>,
        %parallel_loop3A_212 = arith.addf %parallel_loop3A_205, %parallel_loop3A_211 : vector<16xf32>
        %parallel_loop3A_213 = arith.constant 16 : i32
        %parallel_loop3A_214 = arith.muli %parallel_loop3A_124, %parallel_loop3A_213 : i32
        %parallel_loop3A_215 = arith.constant 6656 : i32
        %parallel_loop3A_216 = arith.addi %parallel_loop3A_215, %parallel_loop3A_214 : i32
        %parallel_loop3A_217 = arith.index_cast %parallel_loop3A_216 : i32 to index
        %parallel_loop3A_218 = tpu.vector_load %arg8[%parallel_loop3A_217] {strides = array<i32>} : memref<8192xf32, #tpu.memory_space<vmem>>, vector<16xf32>,
        %parallel_loop3A_219 = arith.addf %parallel_loop3A_212, %parallel_loop3A_218 : vector<16xf32>
        %parallel_loop3A_220 = arith.constant 16 : i32
        %parallel_loop3A_221 = arith.muli %parallel_loop3A_124, %parallel_loop3A_220 : i32
        %parallel_loop3A_222 = arith.constant 7168 : i32
        %parallel_loop3A_223 = arith.addi %parallel_loop3A_222, %parallel_loop3A_221 : i32
        %parallel_loop3A_224 = arith.index_cast %parallel_loop3A_223 : i32 to index
        %parallel_loop3A_225 = tpu.vector_load %arg8[%parallel_loop3A_224] {strides = array<i32>} : memref<8192xf32, #tpu.memory_space<vmem>>, vector<16xf32>,
        %parallel_loop3A_226 = arith.addf %parallel_loop3A_219, %parallel_loop3A_225 : vector<16xf32>
        %parallel_loop3A_227 = arith.constant 16 : i32
        %parallel_loop3A_228 = arith.muli %parallel_loop3A_124, %parallel_loop3A_227 : i32
        %parallel_loop3A_229 = arith.constant 7680 : i32
        %parallel_loop3A_230 = arith.addi %parallel_loop3A_229, %parallel_loop3A_228 : i32
        %parallel_loop3A_231 = arith.index_cast %parallel_loop3A_230 : i32 to index
        %parallel_loop3A_232 = tpu.vector_load %arg8[%parallel_loop3A_231] {strides = array<i32>} : memref<8192xf32, #tpu.memory_space<vmem>>, vector<16xf32>,
        %parallel_loop3A_233 = arith.addf %parallel_loop3A_226, %parallel_loop3A_232 : vector<16xf32>
        %parallel_loop3A_234 = arith.constant 16 : i32
        %parallel_loop3A_235 = arith.muli %parallel_loop3A_124, %parallel_loop3A_234 : i32
        %parallel_loop3A_236 = arith.constant 0 : i32
        %parallel_loop3A_237 = arith.index_cast %parallel_loop3A_236 : i32 to index
        %parallel_loop3A_238 = arith.index_cast %parallel_loop3A_235 : i32 to index
        %parallel_loop3A_239 = tpu.vector_load %arg7[%parallel_loop3A_237, %parallel_loop3A_238] {strides = array<i32>} : memref<2x512xf32, #tpu.memory_space<vmem>>, vector<16xf32>,
        tpu.vector_store %arg7[%parallel_loop3A_237, %parallel_loop3A_238], %parallel_loop3A_233 {strides = array<i32>} : memref<2x512xf32, #tpu.memory_space<vmem>>, vector<16xf32>,
      } {sc.loop_unroll_factor = 4 : i64, sc.parallel_access}
      %dma_start3A_103 = arith.constant 0 : i32
      %dma_start3A_104 = arith.constant 0 : i32
      %dma_start3A_105 = tpu.memref_slice %arg7[%dma_start3A_103, %dma_start3A_104] : memref<2x512xf32, #tpu.memory_space<vmem>> -> memref<1x512xf32, #tpu.memory_space<vmem>>
      %dma_start3A_106 = tpu.memref_squeeze %dma_start3A_105 : memref<1x512xf32, #tpu.memory_space<vmem>> -> memref<512xf32, #tpu.memory_space<vmem>>
      %dma_start3A_107 = arith.constant 0 : i32
      %dma_start3A_108 = tpu.memref_slice %arg4[%mul3A_76, %add3A, %dma_start3A_107] : memref<19x32x512xf32, #tpu.memory_space<hbm>> -> memref<1x1x512xf32, #tpu.memory_space<hbm>>
      %dma_start3A_109 = tpu.memref_squeeze %dma_start3A_108 : memref<1x1x512xf32, #tpu.memory_space<hbm>> -> memref<512xf32, #tpu.memory_space<hbm>>
      %dma_start3A_110 = arith.constant 0 : i32
      %dma_start3A_111 = tpu.memref_slice %arg4[%mul3A_76, %add3A, %dma_start3A_110] : memref<19x32x512xf32, #tpu.memory_space<hbm>> -> memref<1x1x512xf32, #tpu.memory_space<hbm>>
      %dma_start3A_112 = tpu.memref_squeeze %dma_start3A_111 : memref<1x1x512xf32, #tpu.memory_space<hbm>> -> memref<512xf32, #tpu.memory_space<hbm>>
      %dma_start3A_113 = arith.constant 0 : i32
      %dma_start3A_114 = tpu.memref_slice %arg7[%dma_start3A_103, %dma_start3A_113] : memref<2x512xf32, #tpu.memory_space<vmem>> -> memref<1x512xf32, #tpu.memory_space<vmem>>
      %dma_start3A_115 = tpu.memref_squeeze %dma_start3A_114 : memref<1x512xf32, #tpu.memory_space<vmem>> -> memref<512xf32, #tpu.memory_space<vmem>>
      tpu.enqueue_dma source(%dma_start3A_115 : memref<512xf32, #tpu.memory_space<vmem>>) target(%dma_start3A_112 : memref<512xf32, #tpu.memory_space<hbm>>) target_semaphore(%arg11 : memref<!tpu.dma_semaphore, #tpu.memory_space<semaphore_mem>>)
      %add3A_116 = arith.constant 1 : i32
      %add3A_117 = arith.addi %mul3A_76, %add3A_116 : i32
      %lt3A_118 = arith.constant 19 : i32
      %lt3A_119 = arith.cmpi slt, %add3A_117, %lt3A_118 : i32
      %convert_element_type3A_120 = arith.extui %lt3A_119 : i1 to i32
      %cond3A_121 = arith.constant 0 : i32
      %cond3A_122 = arith.cmpi ne, %convert_element_type3A_120, %cond3A_121 : i32
      scf.if %cond3A_122 {
        %add3A_124 = arith.constant 1 : i32
        %add3A_125 = arith.addi %mul3A_76, %add3A_124 : i32
        %parallel_loop3A_126 = arith.constant 0 : i32
        %parallel_loop3A_127 = arith.constant 512 : i32
        %parallel_loop3A_128 = arith.constant 1 : i32
        scf.for %parallel_loop3A_166 = %parallel_loop3A_126 to %parallel_loop3A_127 step %parallel_loop3A_128  : i32 {
          %parallel_loop3A_167 = arith.constant 16 : i32
          %parallel_loop3A_168 = arith.muli %parallel_loop3A_166, %parallel_loop3A_167 : i32
          %parallel_loop3A_169 = arith.index_cast %parallel_loop3A_168 : i32 to index
          %parallel_loop3A_170 = tpu.vector_load %arg8[%parallel_loop3A_169] {strides = array<i32>} : memref<8192xf32, #tpu.memory_space<vmem>>, vector<16xf32>,
          tpu.vector_store %arg8[%parallel_loop3A_169], %broadcast_in_dim3A_40 {strides = array<i32>} : memref<8192xf32, #tpu.memory_space<vmem>>, vector<16xf32>,
        } {sc.loop_unroll_factor = 8 : i64, sc.parallel_access}
        %add3A_129 = arith.constant 1 : i32
        %add3A_130 = arith.addi %add3A_125, %add3A_129 : i32
        %lt3A_131 = arith.constant 19 : i32
        %lt3A_132 = arith.cmpi slt, %add3A_130, %lt3A_131 : i32
        %convert_element_type3A_133 = arith.extui %lt3A_132 : i1 to i32
        %cond3A_134 = arith.constant 0 : i32
        %cond3A_135 = arith.cmpi ne, %convert_element_type3A_133, %cond3A_134 : i32
        scf.if %cond3A_135 {
          %add3A_166 = arith.constant 1 : i32
          %add3A_167 = arith.addi %add3A_125, %add3A_166 : i32
          %dma_start3A_168 = arith.constant 0 : i32
          %dma_start3A_169 = arith.constant 0 : i32
          %dma_start3A_170 = tpu.memref_slice %arg6[%dma_start3A_168, %dma_start3A_169] : memref<2x32768xf32, #tpu.memory_space<vmem>> -> memref<1x32768xf32, #tpu.memory_space<vmem>>
          %dma_start3A_171 = tpu.memref_squeeze %dma_start3A_170 : memref<1x32768xf32, #tpu.memory_space<vmem>> -> memref<32768xf32, #tpu.memory_space<vmem>>
          %dma_start3A_172 = tpu.memref_slice %arg2[%select_n3A, %add3A_167, %mul3A_32] : memref<4x19x262144xf32, #tpu.memory_space<hbm>> -> memref<1x1x32768xf32, #tpu.memory_space<hbm>>
          %dma_start3A_173 = tpu.memref_squeeze %dma_start3A_172 : memref<1x1x32768xf32, #tpu.memory_space<hbm>> -> memref<32768xf32, #tpu.memory_space<hbm>>
          %dma_start3A_174 = arith.constant 0 : i32
          %dma_start3A_175 = tpu.memref_slice %arg6[%dma_start3A_168, %dma_start3A_174] : memref<2x32768xf32, #tpu.memory_space<vmem>> -> memref<1x32768xf32, #tpu.memory_space<vmem>>
          %dma_start3A_176 = tpu.memref_squeeze %dma_start3A_175 : memref<1x32768xf32, #tpu.memory_space<vmem>> -> memref<32768xf32, #tpu.memory_space<vmem>>
          %dma_start3A_177 = tpu.memref_slice %arg2[%select_n3A, %add3A_167, %mul3A_32] : memref<4x19x262144xf32, #tpu.memory_space<hbm>> -> memref<1x1x32768xf32, #tpu.memory_space<hbm>>
          %dma_start3A_178 = tpu.memref_squeeze %dma_start3A_177 : memref<1x1x32768xf32, #tpu.memory_space<hbm>> -> memref<32768xf32, #tpu.memory_space<hbm>>
          tpu.enqueue_dma source(%dma_start3A_178 : memref<32768xf32, #tpu.memory_space<hbm>>) target(%dma_start3A_176 : memref<32768xf32, #tpu.memory_space<vmem>>) target_semaphore(%arg9 : memref<!tpu.dma_semaphore, #tpu.memory_space<semaphore_mem>>)
        } else {
        }
        %dma_wait3A_136 = arith.constant 1 : i32
        %dma_wait3A_137 = arith.constant 0 : i32
        %dma_wait3A_138 = tpu.memref_slice %arg6[%dma_wait3A_136, %dma_wait3A_137] : memref<2x32768xf32, #tpu.memory_space<vmem>> -> memref<1x32768xf32, #tpu.memory_space<vmem>>
        %dma_wait3A_139 = tpu.memref_squeeze %dma_wait3A_138 : memref<1x32768xf32, #tpu.memory_space<vmem>> -> memref<32768xf32, #tpu.memory_space<vmem>>
        %dma_wait3A_140 = tpu.memref_slice %arg2[%select_n3A, %add3A_125, %mul3A_32] : memref<4x19x262144xf32, #tpu.memory_space<hbm>> -> memref<1x1x32768xf32, #tpu.memory_space<hbm>>
        %dma_wait3A_141 = tpu.memref_squeeze %dma_wait3A_140 : memref<1x1x32768xf32, #tpu.memory_space<hbm>> -> memref<32768xf32, #tpu.memory_space<hbm>>
        %dma_wait3A_142 = arith.constant 0 : i32
        %dma_wait3A_143 = tpu.memref_slice %arg6[%dma_wait3A_136, %dma_wait3A_142] : memref<2x32768xf32, #tpu.memory_space<vmem>> -> memref<1x32768xf32, #tpu.memory_space<vmem>>
        %dma_wait3A_144 = tpu.memref_squeeze %dma_wait3A_143 : memref<1x32768xf32, #tpu.memory_space<vmem>> -> memref<32768xf32, #tpu.memory_space<vmem>>
        %dma_wait3A_145 = tpu.memref_slice %arg2[%select_n3A, %add3A_125, %mul3A_32] : memref<4x19x262144xf32, #tpu.memory_space<hbm>> -> memref<1x1x32768xf32, #tpu.memory_space<hbm>>
        %dma_wait3A_146 = tpu.memref_squeeze %dma_wait3A_145 : memref<1x1x32768xf32, #tpu.memory_space<hbm>> -> memref<32768xf32, #tpu.memory_space<hbm>>
        tpu.wait_dma2 semaphore(%arg10 : memref<!tpu.dma_semaphore, #tpu.memory_space<semaphore_mem>>) src(%dma_wait3A_146 : memref<32768xf32, #tpu.memory_space<hbm>>) dst(%dma_wait3A_144 : memref<32768xf32, #tpu.memory_space<vmem>>)
        %parallel_loop3A_147 = arith.constant 0 : i32
        %parallel_loop3A_148 = arith.constant 2048 : i32
        %parallel_loop3A_149 = arith.constant 1 : i32
        scf.for %parallel_loop3A_166 = %parallel_loop3A_147 to %parallel_loop3A_148 step %parallel_loop3A_149  : i32 {
          %parallel_loop3A_167 = arith.constant 16 : i32
          %parallel_loop3A_168 = arith.muli %parallel_loop3A_166, %parallel_loop3A_167 : i32
          %parallel_loop3A_169 = arith.constant 1 : i32
          %parallel_loop3A_170 = arith.index_cast %parallel_loop3A_169 : i32 to index
          %parallel_loop3A_171 = arith.index_cast %parallel_loop3A_168 : i32 to index
          %parallel_loop3A_172 = tpu.vector_load %arg6[%parallel_loop3A_170, %parallel_loop3A_171] {strides = array<i32>} : memref<2x32768xf32, #tpu.memory_space<vmem>>, vector<16xf32>,
          %parallel_loop3A_173 = arith.constant 16 : i32
          %parallel_loop3A_174 = arith.muli %parallel_loop3A_166, %parallel_loop3A_173 : i32
          %parallel_loop3A_175 = arith.index_cast %parallel_loop3A_174 : i32 to index
          %parallel_loop3A_176 = tpu.vector_load %arg5[%parallel_loop3A_175] {strides = array<i32>} : memref<32768xi32, #tpu.memory_space<vmem>>, vector<16xi32>,
          %parallel_loop3A_177 = vector.broadcast %add3A_125 : i32 to vector<16xi32>
          %parallel_loop3A_178 = arith.cmpi eq, %parallel_loop3A_176, %parallel_loop3A_177 : vector<16xi32>
          %parallel_loop3A_179 = arith.constant 2.560000e+02 : f32
          %parallel_loop3A_180 = vector.broadcast %parallel_loop3A_179 : f32 to vector<16xf32>
          %parallel_loop3A_181 = arith.mulf %parallel_loop3A_172, %parallel_loop3A_180 : vector<16xf32>
          %parallel_loop3A_182 = arith.fptosi %parallel_loop3A_181 : vector<16xf32> to vector<16xi32>
          %parallel_loop3A_183 = arith.subi %broadcast_in_dim3A_36, %parallel_loop3A_182 : vector<16xi32>
          %parallel_loop3A_184 = arith.select %parallel_loop3A_178, %parallel_loop3A_183, %parallel_loop3A_182 : vector<16xi1>, vector<16xi32>
          %parallel_loop3A_185 = arith.addi %mul3A_35, %parallel_loop3A_184 : vector<16xi32>
          tpu.vector_store_idx %arg8[%parallel_loop3A_185], %broadcast_in_dim3A_38 {add = true} : memref<8192xf32, #tpu.memory_space<vmem>>[vector<16xi32>], vector<16xf32>,
        } {sc.loop_unroll_factor = 8 : i64, sc.parallel_access}
        %parallel_loop3A_150 = arith.constant 0 : i32
        %parallel_loop3A_151 = arith.constant 32 : i32
        %parallel_loop3A_152 = arith.constant 1 : i32
        scf.for %parallel_loop3A_166 = %parallel_loop3A_150 to %parallel_loop3A_151 step %parallel_loop3A_152  : i32 {
          %parallel_loop3A_167 = arith.constant 16 : i32
          %parallel_loop3A_168 = arith.muli %parallel_loop3A_166, %parallel_loop3A_167 : i32
          %parallel_loop3A_169 = arith.index_cast %parallel_loop3A_168 : i32 to index
          %parallel_loop3A_170 = tpu.vector_load %arg8[%parallel_loop3A_169] {strides = array<i32>} : memref<8192xf32, #tpu.memory_space<vmem>>, vector<16xf32>,
          %parallel_loop3A_171 = arith.constant 16 : i32
          %parallel_loop3A_172 = arith.muli %parallel_loop3A_166, %parallel_loop3A_171 : i32
          %parallel_loop3A_173 = arith.constant 512 : i32
          %parallel_loop3A_174 = arith.addi %parallel_loop3A_173, %parallel_loop3A_172 : i32
          %parallel_loop3A_175 = arith.index_cast %parallel_loop3A_174 : i32 to index
          %parallel_loop3A_176 = tpu.vector_load %arg8[%parallel_loop3A_175] {strides = array<i32>} : memref<8192xf32, #tpu.memory_space<vmem>>, vector<16xf32>,
          %parallel_loop3A_177 = arith.addf %parallel_loop3A_170, %parallel_loop3A_176 : vector<16xf32>
          %parallel_loop3A_178 = arith.constant 16 : i32
          %parallel_loop3A_179 = arith.muli %parallel_loop3A_166, %parallel_loop3A_178 : i32
          %parallel_loop3A_180 = arith.constant 1024 : i32
          %parallel_loop3A_181 = arith.addi %parallel_loop3A_180, %parallel_loop3A_179 : i32
          %parallel_loop3A_182 = arith.index_cast %parallel_loop3A_181 : i32 to index
          %parallel_loop3A_183 = tpu.vector_load %arg8[%parallel_loop3A_182] {strides = array<i32>} : memref<8192xf32, #tpu.memory_space<vmem>>, vector<16xf32>,
          %parallel_loop3A_184 = arith.addf %parallel_loop3A_177, %parallel_loop3A_183 : vector<16xf32>
          %parallel_loop3A_185 = arith.constant 16 : i32
          %parallel_loop3A_186 = arith.muli %parallel_loop3A_166, %parallel_loop3A_185 : i32
          %parallel_loop3A_187 = arith.constant 1536 : i32
          %parallel_loop3A_188 = arith.addi %parallel_loop3A_187, %parallel_loop3A_186 : i32
          %parallel_loop3A_189 = arith.index_cast %parallel_loop3A_188 : i32 to index
          %parallel_loop3A_190 = tpu.vector_load %arg8[%parallel_loop3A_189] {strides = array<i32>} : memref<8192xf32, #tpu.memory_space<vmem>>, vector<16xf32>,
          %parallel_loop3A_191 = arith.addf %parallel_loop3A_184, %parallel_loop3A_190 : vector<16xf32>
          %parallel_loop3A_192 = arith.constant 16 : i32
          %parallel_loop3A_193 = arith.muli %parallel_loop3A_166, %parallel_loop3A_192 : i32
          %parallel_loop3A_194 = arith.constant 2048 : i32
          %parallel_loop3A_195 = arith.addi %parallel_loop3A_194, %parallel_loop3A_193 : i32
          %parallel_loop3A_196 = arith.index_cast %parallel_loop3A_195 : i32 to index
          %parallel_loop3A_197 = tpu.vector_load %arg8[%parallel_loop3A_196] {strides = array<i32>} : memref<8192xf32, #tpu.memory_space<vmem>>, vector<16xf32>,
          %parallel_loop3A_198 = arith.addf %parallel_loop3A_191, %parallel_loop3A_197 : vector<16xf32>
          %parallel_loop3A_199 = arith.constant 16 : i32
          %parallel_loop3A_200 = arith.muli %parallel_loop3A_166, %parallel_loop3A_199 : i32
          %parallel_loop3A_201 = arith.constant 2560 : i32
          %parallel_loop3A_202 = arith.addi %parallel_loop3A_201, %parallel_loop3A_200 : i32
          %parallel_loop3A_203 = arith.index_cast %parallel_loop3A_202 : i32 to index
          %parallel_loop3A_204 = tpu.vector_load %arg8[%parallel_loop3A_203] {strides = array<i32>} : memref<8192xf32, #tpu.memory_space<vmem>>, vector<16xf32>,
          %parallel_loop3A_205 = arith.addf %parallel_loop3A_198, %parallel_loop3A_204 : vector<16xf32>
          %parallel_loop3A_206 = arith.constant 16 : i32
          %parallel_loop3A_207 = arith.muli %parallel_loop3A_166, %parallel_loop3A_206 : i32
          %parallel_loop3A_208 = arith.constant 3072 : i32
          %parallel_loop3A_209 = arith.addi %parallel_loop3A_208, %parallel_loop3A_207 : i32
          %parallel_loop3A_210 = arith.index_cast %parallel_loop3A_209 : i32 to index
          %parallel_loop3A_211 = tpu.vector_load %arg8[%parallel_loop3A_210] {strides = array<i32>} : memref<8192xf32, #tpu.memory_space<vmem>>, vector<16xf32>,
          %parallel_loop3A_212 = arith.addf %parallel_loop3A_205, %parallel_loop3A_211 : vector<16xf32>
          %parallel_loop3A_213 = arith.constant 16 : i32
          %parallel_loop3A_214 = arith.muli %parallel_loop3A_166, %parallel_loop3A_213 : i32
          %parallel_loop3A_215 = arith.constant 3584 : i32
          %parallel_loop3A_216 = arith.addi %parallel_loop3A_215, %parallel_loop3A_214 : i32
          %parallel_loop3A_217 = arith.index_cast %parallel_loop3A_216 : i32 to index
          %parallel_loop3A_218 = tpu.vector_load %arg8[%parallel_loop3A_217] {strides = array<i32>} : memref<8192xf32, #tpu.memory_space<vmem>>, vector<16xf32>,
          %parallel_loop3A_219 = arith.addf %parallel_loop3A_212, %parallel_loop3A_218 : vector<16xf32>
          %parallel_loop3A_220 = arith.constant 16 : i32
          %parallel_loop3A_221 = arith.muli %parallel_loop3A_166, %parallel_loop3A_220 : i32
          %parallel_loop3A_222 = arith.constant 4096 : i32
          %parallel_loop3A_223 = arith.addi %parallel_loop3A_222, %parallel_loop3A_221 : i32
          %parallel_loop3A_224 = arith.index_cast %parallel_loop3A_223 : i32 to index
          %parallel_loop3A_225 = tpu.vector_load %arg8[%parallel_loop3A_224] {strides = array<i32>} : memref<8192xf32, #tpu.memory_space<vmem>>, vector<16xf32>,
          %parallel_loop3A_226 = arith.addf %parallel_loop3A_219, %parallel_loop3A_225 : vector<16xf32>
          %parallel_loop3A_227 = arith.constant 16 : i32
          %parallel_loop3A_228 = arith.muli %parallel_loop3A_166, %parallel_loop3A_227 : i32
          %parallel_loop3A_229 = arith.constant 4608 : i32
          %parallel_loop3A_230 = arith.addi %parallel_loop3A_229, %parallel_loop3A_228 : i32
          %parallel_loop3A_231 = arith.index_cast %parallel_loop3A_230 : i32 to index
          %parallel_loop3A_232 = tpu.vector_load %arg8[%parallel_loop3A_231] {strides = array<i32>} : memref<8192xf32, #tpu.memory_space<vmem>>, vector<16xf32>,
          %parallel_loop3A_233 = arith.addf %parallel_loop3A_226, %parallel_loop3A_232 : vector<16xf32>
          %parallel_loop3A_234 = arith.constant 16 : i32
          %parallel_loop3A_235 = arith.muli %parallel_loop3A_166, %parallel_loop3A_234 : i32
          %parallel_loop3A_236 = arith.constant 5120 : i32
          %parallel_loop3A_237 = arith.addi %parallel_loop3A_236, %parallel_loop3A_235 : i32
          %parallel_loop3A_238 = arith.index_cast %parallel_loop3A_237 : i32 to index
          %parallel_loop3A_239 = tpu.vector_load %arg8[%parallel_loop3A_238] {strides = array<i32>} : memref<8192xf32, #tpu.memory_space<vmem>>, vector<16xf32>,
          %parallel_loop3A_240 = arith.addf %parallel_loop3A_233, %parallel_loop3A_239 : vector<16xf32>
          %parallel_loop3A_241 = arith.constant 16 : i32
          %parallel_loop3A_242 = arith.muli %parallel_loop3A_166, %parallel_loop3A_241 : i32
          %parallel_loop3A_243 = arith.constant 5632 : i32
          %parallel_loop3A_244 = arith.addi %parallel_loop3A_243, %parallel_loop3A_242 : i32
          %parallel_loop3A_245 = arith.index_cast %parallel_loop3A_244 : i32 to index
          %parallel_loop3A_246 = tpu.vector_load %arg8[%parallel_loop3A_245] {strides = array<i32>} : memref<8192xf32, #tpu.memory_space<vmem>>, vector<16xf32>,
          %parallel_loop3A_247 = arith.addf %parallel_loop3A_240, %parallel_loop3A_246 : vector<16xf32>
          %parallel_loop3A_248 = arith.constant 16 : i32
          %parallel_loop3A_249 = arith.muli %parallel_loop3A_166, %parallel_loop3A_248 : i32
          %parallel_loop3A_250 = arith.constant 6144 : i32
          %parallel_loop3A_251 = arith.addi %parallel_loop3A_250, %parallel_loop3A_249 : i32
          %parallel_loop3A_252 = arith.index_cast %parallel_loop3A_251 : i32 to index
          %parallel_loop3A_253 = tpu.vector_load %arg8[%parallel_loop3A_252] {strides = array<i32>} : memref<8192xf32, #tpu.memory_space<vmem>>, vector<16xf32>,
          %parallel_loop3A_254 = arith.addf %parallel_loop3A_247, %parallel_loop3A_253 : vector<16xf32>
          %parallel_loop3A_255 = arith.constant 16 : i32
          %parallel_loop3A_256 = arith.muli %parallel_loop3A_166, %parallel_loop3A_255 : i32
          %parallel_loop3A_257 = arith.constant 6656 : i32
          %parallel_loop3A_258 = arith.addi %parallel_loop3A_257, %parallel_loop3A_256 : i32
          %parallel_loop3A_259 = arith.index_cast %parallel_loop3A_258 : i32 to index
          %parallel_loop3A_260 = tpu.vector_load %arg8[%parallel_loop3A_259] {strides = array<i32>} : memref<8192xf32, #tpu.memory_space<vmem>>, vector<16xf32>,
          %parallel_loop3A_261 = arith.addf %parallel_loop3A_254, %parallel_loop3A_260 : vector<16xf32>
          %parallel_loop3A_262 = arith.constant 16 : i32
          %parallel_loop3A_263 = arith.muli %parallel_loop3A_166, %parallel_loop3A_262 : i32
          %parallel_loop3A_264 = arith.constant 7168 : i32
          %parallel_loop3A_265 = arith.addi %parallel_loop3A_264, %parallel_loop3A_263 : i32
          %parallel_loop3A_266 = arith.index_cast %parallel_loop3A_265 : i32 to index
          %parallel_loop3A_267 = tpu.vector_load %arg8[%parallel_loop3A_266] {strides = array<i32>} : memref<8192xf32, #tpu.memory_space<vmem>>, vector<16xf32>,
          %parallel_loop3A_268 = arith.addf %parallel_loop3A_261, %parallel_loop3A_267 : vector<16xf32>
          %parallel_loop3A_269 = arith.constant 16 : i32
          %parallel_loop3A_270 = arith.muli %parallel_loop3A_166, %parallel_loop3A_269 : i32
          %parallel_loop3A_271 = arith.constant 7680 : i32
          %parallel_loop3A_272 = arith.addi %parallel_loop3A_271, %parallel_loop3A_270 : i32
          %parallel_loop3A_273 = arith.index_cast %parallel_loop3A_272 : i32 to index
          %parallel_loop3A_274 = tpu.vector_load %arg8[%parallel_loop3A_273] {strides = array<i32>} : memref<8192xf32, #tpu.memory_space<vmem>>, vector<16xf32>,
          %parallel_loop3A_275 = arith.addf %parallel_loop3A_268, %parallel_loop3A_274 : vector<16xf32>
          %parallel_loop3A_276 = arith.constant 16 : i32
          %parallel_loop3A_277 = arith.muli %parallel_loop3A_166, %parallel_loop3A_276 : i32
          %parallel_loop3A_278 = arith.constant 1 : i32
          %parallel_loop3A_279 = arith.index_cast %parallel_loop3A_278 : i32 to index
          %parallel_loop3A_280 = arith.index_cast %parallel_loop3A_277 : i32 to index
          %parallel_loop3A_281 = tpu.vector_load %arg7[%parallel_loop3A_279, %parallel_loop3A_280] {strides = array<i32>} : memref<2x512xf32, #tpu.memory_space<vmem>>, vector<16xf32>,
          tpu.vector_store %arg7[%parallel_loop3A_279, %parallel_loop3A_280], %parallel_loop3A_275 {strides = array<i32>} : memref<2x512xf32, #tpu.memory_space<vmem>>, vector<16xf32>,
        } {sc.loop_unroll_factor = 4 : i64, sc.parallel_access}
        %dma_start3A_153 = arith.constant 1 : i32
        %dma_start3A_154 = arith.constant 0 : i32
        %dma_start3A_155 = tpu.memref_slice %arg7[%dma_start3A_153, %dma_start3A_154] : memref<2x512xf32, #tpu.memory_space<vmem>> -> memref<1x512xf32, #tpu.memory_space<vmem>>
        %dma_start3A_156 = tpu.memref_squeeze %dma_start3A_155 : memref<1x512xf32, #tpu.memory_space<vmem>> -> memref<512xf32, #tpu.memory_space<vmem>>
        %dma_start3A_157 = arith.constant 0 : i32
        %dma_start3A_158 = tpu.memref_slice %arg4[%add3A_125, %add3A, %dma_start3A_157] : memref<19x32x512xf32, #tpu.memory_space<hbm>> -> memref<1x1x512xf32, #tpu.memory_space<hbm>>
        %dma_start3A_159 = tpu.memref_squeeze %dma_start3A_158 : memref<1x1x512xf32, #tpu.memory_space<hbm>> -> memref<512xf32, #tpu.memory_space<hbm>>
        %dma_start3A_160 = arith.constant 0 : i32
        %dma_start3A_161 = tpu.memref_slice %arg4[%add3A_125, %add3A, %dma_start3A_160] : memref<19x32x512xf32, #tpu.memory_space<hbm>> -> memref<1x1x512xf32, #tpu.memory_space<hbm>>
        %dma_start3A_162 = tpu.memref_squeeze %dma_start3A_161 : memref<1x1x512xf32, #tpu.memory_space<hbm>> -> memref<512xf32, #tpu.memory_space<hbm>>
        %dma_start3A_163 = arith.constant 0 : i32
        %dma_start3A_164 = tpu.memref_slice %arg7[%dma_start3A_153, %dma_start3A_163] : memref<2x512xf32, #tpu.memory_space<vmem>> -> memref<1x512xf32, #tpu.memory_space<vmem>>
        %dma_start3A_165 = tpu.memref_squeeze %dma_start3A_164 : memref<1x512xf32, #tpu.memory_space<vmem>> -> memref<512xf32, #tpu.memory_space<vmem>>
        tpu.enqueue_dma source(%dma_start3A_165 : memref<512xf32, #tpu.memory_space<vmem>>) target(%dma_start3A_162 : memref<512xf32, #tpu.memory_space<hbm>>) target_semaphore(%arg12 : memref<!tpu.dma_semaphore, #tpu.memory_space<semaphore_mem>>)
      } else {
      }
      %scan3A_123 = arith.constant 0 : i32
      scf.yield %scan3A_123 : i32
    }
    %scan3A_57 = arith.constant 10 : i32
    %dma_wait3A = arith.constant 0 : i32
    %dma_wait3A_58 = arith.constant 0 : i32
    %dma_wait3A_59 = arith.constant 0 : i32
    %dma_wait3A_60 = tpu.memref_slice %arg7[%dma_wait3A, %dma_wait3A_59] : memref<2x512xf32, #tpu.memory_space<vmem>> -> memref<1x512xf32, #tpu.memory_space<vmem>>
    %dma_wait3A_61 = tpu.memref_squeeze %dma_wait3A_60 : memref<1x512xf32, #tpu.memory_space<vmem>> -> memref<512xf32, #tpu.memory_space<vmem>>
    %dma_wait3A_62 = arith.constant 0 : i32
    %dma_wait3A_63 = tpu.memref_slice %arg4[%dma_wait3A_58, %add3A, %dma_wait3A_62] : memref<19x32x512xf32, #tpu.memory_space<hbm>> -> memref<1x1x512xf32, #tpu.memory_space<hbm>>
    %dma_wait3A_64 = tpu.memref_squeeze %dma_wait3A_63 : memref<1x1x512xf32, #tpu.memory_space<hbm>> -> memref<512xf32, #tpu.memory_space<hbm>>
    %dma_wait3A_65 = arith.constant 0 : i32
    %dma_wait3A_66 = tpu.memref_slice %arg4[%dma_wait3A_58, %add3A, %dma_wait3A_65] : memref<19x32x512xf32, #tpu.memory_space<hbm>> -> memref<1x1x512xf32, #tpu.memory_space<hbm>>
    %dma_wait3A_67 = tpu.memref_squeeze %dma_wait3A_66 : memref<1x1x512xf32, #tpu.memory_space<hbm>> -> memref<512xf32, #tpu.memory_space<hbm>>
    %dma_wait3A_68 = arith.constant 0 : i32
    %dma_wait3A_69 = tpu.memref_slice %arg7[%dma_wait3A, %dma_wait3A_68] : memref<2x512xf32, #tpu.memory_space<vmem>> -> memref<1x512xf32, #tpu.memory_space<vmem>>
    %dma_wait3A_70 = tpu.memref_squeeze %dma_wait3A_69 : memref<1x512xf32, #tpu.memory_space<vmem>> -> memref<512xf32, #tpu.memory_space<vmem>>
    tpu.wait_dma2 semaphore(%arg11 : memref<!tpu.dma_semaphore, #tpu.memory_space<semaphore_mem>>) src(%dma_wait3A_70 : memref<512xf32, #tpu.memory_space<vmem>>) dst(%dma_wait3A_67 : memref<512xf32, #tpu.memory_space<hbm>>)
    return
  }
}

#map = affine_map<(d0, d1) -> (0, 0, 0)>
#map1 = affine_map<(d0, d1) -> (0)>
module attributes {stable_mosaic.version = 14 : i64} {
  func.func @_loss_body(%arg0: i32, %arg1: i32, %arg2: memref<19x32x512xf32, #tpu.memory_space<hbm>>, %arg3: memref<16xf32, #tpu.memory_space<hbm>>, %arg4: memref<512xf32, #tpu.memory_space<vmem>>, %arg5: memref<2x8x512xf32, #tpu.memory_space<vmem>>, %arg6: memref<16xf32, #tpu.memory_space<vmem>>, %arg7: memref<19x16xf32, #tpu.memory_space<vmem_shared>>, %arg8: memref<!tpu.dma_semaphore, #tpu.memory_space<semaphore_mem>>, %arg9: memref<!tpu.dma_semaphore, #tpu.memory_space<semaphore_mem>>) attributes {dimension_semantics = [#tpu.dimension_semantics<core_parallel>, #tpu.dimension_semantics<subcore_parallel>], iteration_bounds = array<i64: 2, 16>, scalar_prefetch = 0 : i64, scratch_operands = 6 : i64, tpu.core_type = #tpu.core_type<sc_vector_subcore>, window_params = [{transform_indices = #map}, {transform_indices = #map1}]} {
    %iota3A = tpu.iota {dimensions = array<i32: 0>} : vector<16xi32>
    %broadcast_in_dim3A = arith.constant 0.000000e+00 : f32
    %broadcast_in_dim3A_0 = vector.broadcast %broadcast_in_dim3A : f32 to vector<16xf32>
    %broadcast_in_dim3A_1 = arith.constant 1.000000e+00 : f32
    %broadcast_in_dim3A_2 = vector.broadcast %broadcast_in_dim3A_1 : f32 to vector<16xf32>
    %dma_start3A = arith.constant 0 : i32
    %dma_start3A_3 = arith.constant 0 : i32
    %dma_start3A_4 = arith.constant 0 : i32
    %dma_start3A_5 = tpu.memref_slice %arg5[%dma_start3A, %dma_start3A_3, %dma_start3A_4] : memref<2x8x512xf32, #tpu.memory_space<vmem>> -> memref<1x8x512xf32, #tpu.memory_space<vmem>>
    %dma_start3A_6 = tpu.memref_squeeze %dma_start3A_5 : memref<1x8x512xf32, #tpu.memory_space<vmem>> -> memref<8x512xf32, #tpu.memory_space<vmem>>
    %dma_start3A_7 = arith.constant 0 : i32
    %dma_start3A_8 = arith.constant 0 : i32
    %dma_start3A_9 = tpu.memref_slice %arg2[%arg1, %dma_start3A_7, %dma_start3A_8] : memref<19x32x512xf32, #tpu.memory_space<hbm>> -> memref<1x8x512xf32, #tpu.memory_space<hbm>>
    %dma_start3A_10 = tpu.memref_squeeze %dma_start3A_9 : memref<1x8x512xf32, #tpu.memory_space<hbm>> -> memref<8x512xf32, #tpu.memory_space<hbm>>
    %dma_start3A_11 = arith.constant 0 : i32
    %dma_start3A_12 = arith.constant 0 : i32
    %dma_start3A_13 = tpu.memref_slice %arg5[%dma_start3A, %dma_start3A_11, %dma_start3A_12] : memref<2x8x512xf32, #tpu.memory_space<vmem>> -> memref<1x8x512xf32, #tpu.memory_space<vmem>>
    %dma_start3A_14 = tpu.memref_squeeze %dma_start3A_13 : memref<1x8x512xf32, #tpu.memory_space<vmem>> -> memref<8x512xf32, #tpu.memory_space<vmem>>
    %dma_start3A_15 = arith.constant 0 : i32
    %dma_start3A_16 = arith.constant 0 : i32
    %dma_start3A_17 = tpu.memref_slice %arg2[%arg1, %dma_start3A_15, %dma_start3A_16] : memref<19x32x512xf32, #tpu.memory_space<hbm>> -> memref<1x8x512xf32, #tpu.memory_space<hbm>>
    %dma_start3A_18 = tpu.memref_squeeze %dma_start3A_17 : memref<1x8x512xf32, #tpu.memory_space<hbm>> -> memref<8x512xf32, #tpu.memory_space<hbm>>
    tpu.enqueue_dma source(%dma_start3A_18 : memref<8x512xf32, #tpu.memory_space<hbm>>) target(%dma_start3A_14 : memref<8x512xf32, #tpu.memory_space<vmem>>) target_semaphore(%arg8 : memref<!tpu.dma_semaphore, #tpu.memory_space<semaphore_mem>>)
    %dma_start3A_19 = arith.constant 1 : i32
    %dma_start3A_20 = arith.constant 0 : i32
    %dma_start3A_21 = arith.constant 0 : i32
    %dma_start3A_22 = tpu.memref_slice %arg5[%dma_start3A_19, %dma_start3A_20, %dma_start3A_21] : memref<2x8x512xf32, #tpu.memory_space<vmem>> -> memref<1x8x512xf32, #tpu.memory_space<vmem>>
    %dma_start3A_23 = tpu.memref_squeeze %dma_start3A_22 : memref<1x8x512xf32, #tpu.memory_space<vmem>> -> memref<8x512xf32, #tpu.memory_space<vmem>>
    %dma_start3A_24 = arith.constant 8 : i32
    %dma_start3A_25 = arith.constant 0 : i32
    %dma_start3A_26 = tpu.memref_slice %arg2[%arg1, %dma_start3A_24, %dma_start3A_25] : memref<19x32x512xf32, #tpu.memory_space<hbm>> -> memref<1x8x512xf32, #tpu.memory_space<hbm>>
    %dma_start3A_27 = tpu.memref_squeeze %dma_start3A_26 : memref<1x8x512xf32, #tpu.memory_space<hbm>> -> memref<8x512xf32, #tpu.memory_space<hbm>>
    %dma_start3A_28 = arith.constant 0 : i32
    %dma_start3A_29 = arith.constant 0 : i32
    %dma_start3A_30 = tpu.memref_slice %arg5[%dma_start3A_19, %dma_start3A_28, %dma_start3A_29] : memref<2x8x512xf32, #tpu.memory_space<vmem>> -> memref<1x8x512xf32, #tpu.memory_space<vmem>>
    %dma_start3A_31 = tpu.memref_squeeze %dma_start3A_30 : memref<1x8x512xf32, #tpu.memory_space<vmem>> -> memref<8x512xf32, #tpu.memory_space<vmem>>
    %dma_start3A_32 = arith.constant 8 : i32
    %dma_start3A_33 = arith.constant 0 : i32
    %dma_start3A_34 = tpu.memref_slice %arg2[%arg1, %dma_start3A_32, %dma_start3A_33] : memref<19x32x512xf32, #tpu.memory_space<hbm>> -> memref<1x8x512xf32, #tpu.memory_space<hbm>>
    %dma_start3A_35 = tpu.memref_squeeze %dma_start3A_34 : memref<1x8x512xf32, #tpu.memory_space<hbm>> -> memref<8x512xf32, #tpu.memory_space<hbm>>
    tpu.enqueue_dma source(%dma_start3A_35 : memref<8x512xf32, #tpu.memory_space<hbm>>) target(%dma_start3A_31 : memref<8x512xf32, #tpu.memory_space<vmem>>) target_semaphore(%arg9 : memref<!tpu.dma_semaphore, #tpu.memory_space<semaphore_mem>>)
    %dma_wait3A = arith.constant 0 : i32
    %dma_wait3A_36 = arith.constant 0 : i32
    %dma_wait3A_37 = arith.constant 0 : i32
    %dma_wait3A_38 = tpu.memref_slice %arg5[%dma_wait3A, %dma_wait3A_36, %dma_wait3A_37] : memref<2x8x512xf32, #tpu.memory_space<vmem>> -> memref<1x8x512xf32, #tpu.memory_space<vmem>>
    %dma_wait3A_39 = tpu.memref_squeeze %dma_wait3A_38 : memref<1x8x512xf32, #tpu.memory_space<vmem>> -> memref<8x512xf32, #tpu.memory_space<vmem>>
    %dma_wait3A_40 = arith.constant 0 : i32
    %dma_wait3A_41 = arith.constant 0 : i32
    %dma_wait3A_42 = tpu.memref_slice %arg2[%arg1, %dma_wait3A_40, %dma_wait3A_41] : memref<19x32x512xf32, #tpu.memory_space<hbm>> -> memref<1x8x512xf32, #tpu.memory_space<hbm>>
    %dma_wait3A_43 = tpu.memref_squeeze %dma_wait3A_42 : memref<1x8x512xf32, #tpu.memory_space<hbm>> -> memref<8x512xf32, #tpu.memory_space<hbm>>
    %dma_wait3A_44 = arith.constant 0 : i32
    %dma_wait3A_45 = arith.constant 0 : i32
    %dma_wait3A_46 = tpu.memref_slice %arg5[%dma_wait3A, %dma_wait3A_44, %dma_wait3A_45] : memref<2x8x512xf32, #tpu.memory_space<vmem>> -> memref<1x8x512xf32, #tpu.memory_space<vmem>>
    %dma_wait3A_47 = tpu.memref_squeeze %dma_wait3A_46 : memref<1x8x512xf32, #tpu.memory_space<vmem>> -> memref<8x512xf32, #tpu.memory_space<vmem>>
    %dma_wait3A_48 = arith.constant 0 : i32
    %dma_wait3A_49 = arith.constant 0 : i32
    %dma_wait3A_50 = tpu.memref_slice %arg2[%arg1, %dma_wait3A_48, %dma_wait3A_49] : memref<19x32x512xf32, #tpu.memory_space<hbm>> -> memref<1x8x512xf32, #tpu.memory_space<hbm>>
    %dma_wait3A_51 = tpu.memref_squeeze %dma_wait3A_50 : memref<1x8x512xf32, #tpu.memory_space<hbm>> -> memref<8x512xf32, #tpu.memory_space<hbm>>
    tpu.wait_dma2 semaphore(%arg8 : memref<!tpu.dma_semaphore, #tpu.memory_space<semaphore_mem>>) src(%dma_wait3A_51 : memref<8x512xf32, #tpu.memory_space<hbm>>) dst(%dma_wait3A_47 : memref<8x512xf32, #tpu.memory_space<vmem>>)
    %parallel_loop3A = arith.constant 0 : i32
    %parallel_loop3A_52 = arith.constant 32 : i32
    %parallel_loop3A_53 = arith.constant 1 : i32
    scf.for %parallel_loop3A_192 = %parallel_loop3A to %parallel_loop3A_52 step %parallel_loop3A_53  : i32 {
      %parallel_loop3A_193 = arith.constant 16 : i32
      %parallel_loop3A_194 = arith.muli %parallel_loop3A_192, %parallel_loop3A_193 : i32
      %parallel_loop3A_195 = arith.constant 0 : i32
      %parallel_loop3A_196 = arith.constant 0 : i32
      %parallel_loop3A_197 = arith.index_cast %parallel_loop3A_195 : i32 to index
      %parallel_loop3A_198 = arith.index_cast %parallel_loop3A_196 : i32 to index
      %parallel_loop3A_199 = arith.index_cast %parallel_loop3A_194 : i32 to index
      %parallel_loop3A_200 = tpu.vector_load %arg5[%parallel_loop3A_197, %parallel_loop3A_198, %parallel_loop3A_199] {strides = array<i32>} : memref<2x8x512xf32, #tpu.memory_space<vmem>>, vector<16xf32>,
      %parallel_loop3A_201 = arith.constant 0 : i32
      %parallel_loop3A_202 = arith.constant 1 : i32
      %parallel_loop3A_203 = arith.index_cast %parallel_loop3A_201 : i32 to index
      %parallel_loop3A_204 = arith.index_cast %parallel_loop3A_202 : i32 to index
      %parallel_loop3A_205 = arith.index_cast %parallel_loop3A_194 : i32 to index
      %parallel_loop3A_206 = tpu.vector_load %arg5[%parallel_loop3A_203, %parallel_loop3A_204, %parallel_loop3A_205] {strides = array<i32>} : memref<2x8x512xf32, #tpu.memory_space<vmem>>, vector<16xf32>,
      %parallel_loop3A_207 = arith.addf %parallel_loop3A_200, %parallel_loop3A_206 : vector<16xf32>
      %parallel_loop3A_208 = arith.constant 0 : i32
      %parallel_loop3A_209 = arith.constant 2 : i32
      %parallel_loop3A_210 = arith.index_cast %parallel_loop3A_208 : i32 to index
      %parallel_loop3A_211 = arith.index_cast %parallel_loop3A_209 : i32 to index
      %parallel_loop3A_212 = arith.index_cast %parallel_loop3A_194 : i32 to index
      %parallel_loop3A_213 = tpu.vector_load %arg5[%parallel_loop3A_210, %parallel_loop3A_211, %parallel_loop3A_212] {strides = array<i32>} : memref<2x8x512xf32, #tpu.memory_space<vmem>>, vector<16xf32>,
      %parallel_loop3A_214 = arith.addf %parallel_loop3A_207, %parallel_loop3A_213 : vector<16xf32>
      %parallel_loop3A_215 = arith.constant 0 : i32
      %parallel_loop3A_216 = arith.constant 3 : i32
      %parallel_loop3A_217 = arith.index_cast %parallel_loop3A_215 : i32 to index
      %parallel_loop3A_218 = arith.index_cast %parallel_loop3A_216 : i32 to index
      %parallel_loop3A_219 = arith.index_cast %parallel_loop3A_194 : i32 to index
      %parallel_loop3A_220 = tpu.vector_load %arg5[%parallel_loop3A_217, %parallel_loop3A_218, %parallel_loop3A_219] {strides = array<i32>} : memref<2x8x512xf32, #tpu.memory_space<vmem>>, vector<16xf32>,
      %parallel_loop3A_221 = arith.addf %parallel_loop3A_214, %parallel_loop3A_220 : vector<16xf32>
      %parallel_loop3A_222 = arith.constant 0 : i32
      %parallel_loop3A_223 = arith.constant 4 : i32
      %parallel_loop3A_224 = arith.index_cast %parallel_loop3A_222 : i32 to index
      %parallel_loop3A_225 = arith.index_cast %parallel_loop3A_223 : i32 to index
      %parallel_loop3A_226 = arith.index_cast %parallel_loop3A_194 : i32 to index
      %parallel_loop3A_227 = tpu.vector_load %arg5[%parallel_loop3A_224, %parallel_loop3A_225, %parallel_loop3A_226] {strides = array<i32>} : memref<2x8x512xf32, #tpu.memory_space<vmem>>, vector<16xf32>,
      %parallel_loop3A_228 = arith.addf %parallel_loop3A_221, %parallel_loop3A_227 : vector<16xf32>
      %parallel_loop3A_229 = arith.constant 0 : i32
      %parallel_loop3A_230 = arith.constant 5 : i32
      %parallel_loop3A_231 = arith.index_cast %parallel_loop3A_229 : i32 to index
      %parallel_loop3A_232 = arith.index_cast %parallel_loop3A_230 : i32 to index
      %parallel_loop3A_233 = arith.index_cast %parallel_loop3A_194 : i32 to index
      %parallel_loop3A_234 = tpu.vector_load %arg5[%parallel_loop3A_231, %parallel_loop3A_232, %parallel_loop3A_233] {strides = array<i32>} : memref<2x8x512xf32, #tpu.memory_space<vmem>>, vector<16xf32>,
      %parallel_loop3A_235 = arith.addf %parallel_loop3A_228, %parallel_loop3A_234 : vector<16xf32>
      %parallel_loop3A_236 = arith.constant 0 : i32
      %parallel_loop3A_237 = arith.constant 6 : i32
      %parallel_loop3A_238 = arith.index_cast %parallel_loop3A_236 : i32 to index
      %parallel_loop3A_239 = arith.index_cast %parallel_loop3A_237 : i32 to index
      %parallel_loop3A_240 = arith.index_cast %parallel_loop3A_194 : i32 to index
      %parallel_loop3A_241 = tpu.vector_load %arg5[%parallel_loop3A_238, %parallel_loop3A_239, %parallel_loop3A_240] {strides = array<i32>} : memref<2x8x512xf32, #tpu.memory_space<vmem>>, vector<16xf32>,
      %parallel_loop3A_242 = arith.addf %parallel_loop3A_235, %parallel_loop3A_241 : vector<16xf32>
      %parallel_loop3A_243 = arith.constant 0 : i32
      %parallel_loop3A_244 = arith.constant 7 : i32
      %parallel_loop3A_245 = arith.index_cast %parallel_loop3A_243 : i32 to index
      %parallel_loop3A_246 = arith.index_cast %parallel_loop3A_244 : i32 to index
      %parallel_loop3A_247 = arith.index_cast %parallel_loop3A_194 : i32 to index
      %parallel_loop3A_248 = tpu.vector_load %arg5[%parallel_loop3A_245, %parallel_loop3A_246, %parallel_loop3A_247] {strides = array<i32>} : memref<2x8x512xf32, #tpu.memory_space<vmem>>, vector<16xf32>,
      %parallel_loop3A_249 = arith.addf %parallel_loop3A_242, %parallel_loop3A_248 : vector<16xf32>
      %parallel_loop3A_250 = arith.index_cast %parallel_loop3A_194 : i32 to index
      %parallel_loop3A_251 = tpu.vector_load %arg4[%parallel_loop3A_250] {strides = array<i32>} : memref<512xf32, #tpu.memory_space<vmem>>, vector<16xf32>,
      tpu.vector_store %arg4[%parallel_loop3A_250], %parallel_loop3A_249 {strides = array<i32>} : memref<512xf32, #tpu.memory_space<vmem>>, vector<16xf32>,
    } {sc.loop_unroll_factor = 4 : i64, sc.parallel_access}
    %dma_start3A_54 = arith.constant 0 : i32
    %dma_start3A_55 = arith.constant 0 : i32
    %dma_start3A_56 = arith.constant 0 : i32
    %dma_start3A_57 = tpu.memref_slice %arg5[%dma_start3A_54, %dma_start3A_55, %dma_start3A_56] : memref<2x8x512xf32, #tpu.memory_space<vmem>> -> memref<1x8x512xf32, #tpu.memory_space<vmem>>
    %dma_start3A_58 = tpu.memref_squeeze %dma_start3A_57 : memref<1x8x512xf32, #tpu.memory_space<vmem>> -> memref<8x512xf32, #tpu.memory_space<vmem>>
    %dma_start3A_59 = arith.constant 16 : i32
    %dma_start3A_60 = arith.constant 0 : i32
    %dma_start3A_61 = tpu.memref_slice %arg2[%arg1, %dma_start3A_59, %dma_start3A_60] : memref<19x32x512xf32, #tpu.memory_space<hbm>> -> memref<1x8x512xf32, #tpu.memory_space<hbm>>
    %dma_start3A_62 = tpu.memref_squeeze %dma_start3A_61 : memref<1x8x512xf32, #tpu.memory_space<hbm>> -> memref<8x512xf32, #tpu.memory_space<hbm>>
    %dma_start3A_63 = arith.constant 0 : i32
    %dma_start3A_64 = arith.constant 0 : i32
    %dma_start3A_65 = tpu.memref_slice %arg5[%dma_start3A_54, %dma_start3A_63, %dma_start3A_64] : memref<2x8x512xf32, #tpu.memory_space<vmem>> -> memref<1x8x512xf32, #tpu.memory_space<vmem>>
    %dma_start3A_66 = tpu.memref_squeeze %dma_start3A_65 : memref<1x8x512xf32, #tpu.memory_space<vmem>> -> memref<8x512xf32, #tpu.memory_space<vmem>>
    %dma_start3A_67 = arith.constant 16 : i32
    %dma_start3A_68 = arith.constant 0 : i32
    %dma_start3A_69 = tpu.memref_slice %arg2[%arg1, %dma_start3A_67, %dma_start3A_68] : memref<19x32x512xf32, #tpu.memory_space<hbm>> -> memref<1x8x512xf32, #tpu.memory_space<hbm>>
    %dma_start3A_70 = tpu.memref_squeeze %dma_start3A_69 : memref<1x8x512xf32, #tpu.memory_space<hbm>> -> memref<8x512xf32, #tpu.memory_space<hbm>>
    tpu.enqueue_dma source(%dma_start3A_70 : memref<8x512xf32, #tpu.memory_space<hbm>>) target(%dma_start3A_66 : memref<8x512xf32, #tpu.memory_space<vmem>>) target_semaphore(%arg8 : memref<!tpu.dma_semaphore, #tpu.memory_space<semaphore_mem>>)
    %dma_wait3A_71 = arith.constant 1 : i32
    %dma_wait3A_72 = arith.constant 0 : i32
    %dma_wait3A_73 = arith.constant 0 : i32
    %dma_wait3A_74 = tpu.memref_slice %arg5[%dma_wait3A_71, %dma_wait3A_72, %dma_wait3A_73] : memref<2x8x512xf32, #tpu.memory_space<vmem>> -> memref<1x8x512xf32, #tpu.memory_space<vmem>>
    %dma_wait3A_75 = tpu.memref_squeeze %dma_wait3A_74 : memref<1x8x512xf32, #tpu.memory_space<vmem>> -> memref<8x512xf32, #tpu.memory_space<vmem>>
    %dma_wait3A_76 = arith.constant 0 : i32
    %dma_wait3A_77 = arith.constant 0 : i32
    %dma_wait3A_78 = tpu.memref_slice %arg2[%arg1, %dma_wait3A_76, %dma_wait3A_77] : memref<19x32x512xf32, #tpu.memory_space<hbm>> -> memref<1x8x512xf32, #tpu.memory_space<hbm>>
    %dma_wait3A_79 = tpu.memref_squeeze %dma_wait3A_78 : memref<1x8x512xf32, #tpu.memory_space<hbm>> -> memref<8x512xf32, #tpu.memory_space<hbm>>
    %dma_wait3A_80 = arith.constant 0 : i32
    %dma_wait3A_81 = arith.constant 0 : i32
    %dma_wait3A_82 = tpu.memref_slice %arg5[%dma_wait3A_71, %dma_wait3A_80, %dma_wait3A_81] : memref<2x8x512xf32, #tpu.memory_space<vmem>> -> memref<1x8x512xf32, #tpu.memory_space<vmem>>
    %dma_wait3A_83 = tpu.memref_squeeze %dma_wait3A_82 : memref<1x8x512xf32, #tpu.memory_space<vmem>> -> memref<8x512xf32, #tpu.memory_space<vmem>>
    %dma_wait3A_84 = arith.constant 0 : i32
    %dma_wait3A_85 = arith.constant 0 : i32
    %dma_wait3A_86 = tpu.memref_slice %arg2[%arg1, %dma_wait3A_84, %dma_wait3A_85] : memref<19x32x512xf32, #tpu.memory_space<hbm>> -> memref<1x8x512xf32, #tpu.memory_space<hbm>>
    %dma_wait3A_87 = tpu.memref_squeeze %dma_wait3A_86 : memref<1x8x512xf32, #tpu.memory_space<hbm>> -> memref<8x512xf32, #tpu.memory_space<hbm>>
    tpu.wait_dma2 semaphore(%arg9 : memref<!tpu.dma_semaphore, #tpu.memory_space<semaphore_mem>>) src(%dma_wait3A_87 : memref<8x512xf32, #tpu.memory_space<hbm>>) dst(%dma_wait3A_83 : memref<8x512xf32, #tpu.memory_space<vmem>>)
    %parallel_loop3A_88 = arith.constant 0 : i32
    %parallel_loop3A_89 = arith.constant 32 : i32
    %parallel_loop3A_90 = arith.constant 1 : i32
    scf.for %parallel_loop3A_192 = %parallel_loop3A_88 to %parallel_loop3A_89 step %parallel_loop3A_90  : i32 {
      %parallel_loop3A_193 = arith.constant 16 : i32
      %parallel_loop3A_194 = arith.muli %parallel_loop3A_192, %parallel_loop3A_193 : i32
      %parallel_loop3A_195 = arith.constant 1 : i32
      %parallel_loop3A_196 = arith.constant 0 : i32
      %parallel_loop3A_197 = arith.index_cast %parallel_loop3A_195 : i32 to index
      %parallel_loop3A_198 = arith.index_cast %parallel_loop3A_196 : i32 to index
      %parallel_loop3A_199 = arith.index_cast %parallel_loop3A_194 : i32 to index
      %parallel_loop3A_200 = tpu.vector_load %arg5[%parallel_loop3A_197, %parallel_loop3A_198, %parallel_loop3A_199] {strides = array<i32>} : memref<2x8x512xf32, #tpu.memory_space<vmem>>, vector<16xf32>,
      %parallel_loop3A_201 = arith.constant 1 : i32
      %parallel_loop3A_202 = arith.constant 1 : i32
      %parallel_loop3A_203 = arith.index_cast %parallel_loop3A_201 : i32 to index
      %parallel_loop3A_204 = arith.index_cast %parallel_loop3A_202 : i32 to index
      %parallel_loop3A_205 = arith.index_cast %parallel_loop3A_194 : i32 to index
      %parallel_loop3A_206 = tpu.vector_load %arg5[%parallel_loop3A_203, %parallel_loop3A_204, %parallel_loop3A_205] {strides = array<i32>} : memref<2x8x512xf32, #tpu.memory_space<vmem>>, vector<16xf32>,
      %parallel_loop3A_207 = arith.addf %parallel_loop3A_200, %parallel_loop3A_206 : vector<16xf32>
      %parallel_loop3A_208 = arith.constant 1 : i32
      %parallel_loop3A_209 = arith.constant 2 : i32
      %parallel_loop3A_210 = arith.index_cast %parallel_loop3A_208 : i32 to index
      %parallel_loop3A_211 = arith.index_cast %parallel_loop3A_209 : i32 to index
      %parallel_loop3A_212 = arith.index_cast %parallel_loop3A_194 : i32 to index
      %parallel_loop3A_213 = tpu.vector_load %arg5[%parallel_loop3A_210, %parallel_loop3A_211, %parallel_loop3A_212] {strides = array<i32>} : memref<2x8x512xf32, #tpu.memory_space<vmem>>, vector<16xf32>,
      %parallel_loop3A_214 = arith.addf %parallel_loop3A_207, %parallel_loop3A_213 : vector<16xf32>
      %parallel_loop3A_215 = arith.constant 1 : i32
      %parallel_loop3A_216 = arith.constant 3 : i32
      %parallel_loop3A_217 = arith.index_cast %parallel_loop3A_215 : i32 to index
      %parallel_loop3A_218 = arith.index_cast %parallel_loop3A_216 : i32 to index
      %parallel_loop3A_219 = arith.index_cast %parallel_loop3A_194 : i32 to index
      %parallel_loop3A_220 = tpu.vector_load %arg5[%parallel_loop3A_217, %parallel_loop3A_218, %parallel_loop3A_219] {strides = array<i32>} : memref<2x8x512xf32, #tpu.memory_space<vmem>>, vector<16xf32>,
      %parallel_loop3A_221 = arith.addf %parallel_loop3A_214, %parallel_loop3A_220 : vector<16xf32>
      %parallel_loop3A_222 = arith.constant 1 : i32
      %parallel_loop3A_223 = arith.constant 4 : i32
      %parallel_loop3A_224 = arith.index_cast %parallel_loop3A_222 : i32 to index
      %parallel_loop3A_225 = arith.index_cast %parallel_loop3A_223 : i32 to index
      %parallel_loop3A_226 = arith.index_cast %parallel_loop3A_194 : i32 to index
      %parallel_loop3A_227 = tpu.vector_load %arg5[%parallel_loop3A_224, %parallel_loop3A_225, %parallel_loop3A_226] {strides = array<i32>} : memref<2x8x512xf32, #tpu.memory_space<vmem>>, vector<16xf32>,
      %parallel_loop3A_228 = arith.addf %parallel_loop3A_221, %parallel_loop3A_227 : vector<16xf32>
      %parallel_loop3A_229 = arith.constant 1 : i32
      %parallel_loop3A_230 = arith.constant 5 : i32
      %parallel_loop3A_231 = arith.index_cast %parallel_loop3A_229 : i32 to index
      %parallel_loop3A_232 = arith.index_cast %parallel_loop3A_230 : i32 to index
      %parallel_loop3A_233 = arith.index_cast %parallel_loop3A_194 : i32 to index
      %parallel_loop3A_234 = tpu.vector_load %arg5[%parallel_loop3A_231, %parallel_loop3A_232, %parallel_loop3A_233] {strides = array<i32>} : memref<2x8x512xf32, #tpu.memory_space<vmem>>, vector<16xf32>,
      %parallel_loop3A_235 = arith.addf %parallel_loop3A_228, %parallel_loop3A_234 : vector<16xf32>
      %parallel_loop3A_236 = arith.constant 1 : i32
      %parallel_loop3A_237 = arith.constant 6 : i32
      %parallel_loop3A_238 = arith.index_cast %parallel_loop3A_236 : i32 to index
      %parallel_loop3A_239 = arith.index_cast %parallel_loop3A_237 : i32 to index
      %parallel_loop3A_240 = arith.index_cast %parallel_loop3A_194 : i32 to index
      %parallel_loop3A_241 = tpu.vector_load %arg5[%parallel_loop3A_238, %parallel_loop3A_239, %parallel_loop3A_240] {strides = array<i32>} : memref<2x8x512xf32, #tpu.memory_space<vmem>>, vector<16xf32>,
      %parallel_loop3A_242 = arith.addf %parallel_loop3A_235, %parallel_loop3A_241 : vector<16xf32>
      %parallel_loop3A_243 = arith.constant 1 : i32
      %parallel_loop3A_244 = arith.constant 7 : i32
      %parallel_loop3A_245 = arith.index_cast %parallel_loop3A_243 : i32 to index
      %parallel_loop3A_246 = arith.index_cast %parallel_loop3A_244 : i32 to index
      %parallel_loop3A_247 = arith.index_cast %parallel_loop3A_194 : i32 to index
      %parallel_loop3A_248 = tpu.vector_load %arg5[%parallel_loop3A_245, %parallel_loop3A_246, %parallel_loop3A_247] {strides = array<i32>} : memref<2x8x512xf32, #tpu.memory_space<vmem>>, vector<16xf32>,
      %parallel_loop3A_249 = arith.addf %parallel_loop3A_242, %parallel_loop3A_248 : vector<16xf32>
      %parallel_loop3A_250 = arith.index_cast %parallel_loop3A_194 : i32 to index
      %parallel_loop3A_251 = tpu.vector_load %arg4[%parallel_loop3A_250] {strides = array<i32>} : memref<512xf32, #tpu.memory_space<vmem>>, vector<16xf32>,
      %parallel_loop3A_252 = arith.addf %parallel_loop3A_251, %parallel_loop3A_249 : vector<16xf32>
      %parallel_loop3A_253 = arith.index_cast %parallel_loop3A_194 : i32 to index
      %parallel_loop3A_254 = tpu.vector_load %arg4[%parallel_loop3A_253] {strides = array<i32>} : memref<512xf32, #tpu.memory_space<vmem>>, vector<16xf32>,
      tpu.vector_store %arg4[%parallel_loop3A_253], %parallel_loop3A_252 {strides = array<i32>} : memref<512xf32, #tpu.memory_space<vmem>>, vector<16xf32>,
    } {sc.loop_unroll_factor = 4 : i64, sc.parallel_access}
    %dma_start3A_91 = arith.constant 1 : i32
    %dma_start3A_92 = arith.constant 0 : i32
    %dma_start3A_93 = arith.constant 0 : i32
    %dma_start3A_94 = tpu.memref_slice %arg5[%dma_start3A_91, %dma_start3A_92, %dma_start3A_93] : memref<2x8x512xf32, #tpu.memory_space<vmem>> -> memref<1x8x512xf32, #tpu.memory_space<vmem>>
    %dma_start3A_95 = tpu.memref_squeeze %dma_start3A_94 : memref<1x8x512xf32, #tpu.memory_space<vmem>> -> memref<8x512xf32, #tpu.memory_space<vmem>>
    %dma_start3A_96 = arith.constant 24 : i32
    %dma_start3A_97 = arith.constant 0 : i32
    %dma_start3A_98 = tpu.memref_slice %arg2[%arg1, %dma_start3A_96, %dma_start3A_97] : memref<19x32x512xf32, #tpu.memory_space<hbm>> -> memref<1x8x512xf32, #tpu.memory_space<hbm>>
    %dma_start3A_99 = tpu.memref_squeeze %dma_start3A_98 : memref<1x8x512xf32, #tpu.memory_space<hbm>> -> memref<8x512xf32, #tpu.memory_space<hbm>>
    %dma_start3A_100 = arith.constant 0 : i32
    %dma_start3A_101 = arith.constant 0 : i32
    %dma_start3A_102 = tpu.memref_slice %arg5[%dma_start3A_91, %dma_start3A_100, %dma_start3A_101] : memref<2x8x512xf32, #tpu.memory_space<vmem>> -> memref<1x8x512xf32, #tpu.memory_space<vmem>>
    %dma_start3A_103 = tpu.memref_squeeze %dma_start3A_102 : memref<1x8x512xf32, #tpu.memory_space<vmem>> -> memref<8x512xf32, #tpu.memory_space<vmem>>
    %dma_start3A_104 = arith.constant 24 : i32
    %dma_start3A_105 = arith.constant 0 : i32
    %dma_start3A_106 = tpu.memref_slice %arg2[%arg1, %dma_start3A_104, %dma_start3A_105] : memref<19x32x512xf32, #tpu.memory_space<hbm>> -> memref<1x8x512xf32, #tpu.memory_space<hbm>>
    %dma_start3A_107 = tpu.memref_squeeze %dma_start3A_106 : memref<1x8x512xf32, #tpu.memory_space<hbm>> -> memref<8x512xf32, #tpu.memory_space<hbm>>
    tpu.enqueue_dma source(%dma_start3A_107 : memref<8x512xf32, #tpu.memory_space<hbm>>) target(%dma_start3A_103 : memref<8x512xf32, #tpu.memory_space<vmem>>) target_semaphore(%arg9 : memref<!tpu.dma_semaphore, #tpu.memory_space<semaphore_mem>>)
    %dma_wait3A_108 = arith.constant 0 : i32
    %dma_wait3A_109 = arith.constant 0 : i32
    %dma_wait3A_110 = arith.constant 0 : i32
    %dma_wait3A_111 = tpu.memref_slice %arg5[%dma_wait3A_108, %dma_wait3A_109, %dma_wait3A_110] : memref<2x8x512xf32, #tpu.memory_space<vmem>> -> memref<1x8x512xf32, #tpu.memory_space<vmem>>
    %dma_wait3A_112 = tpu.memref_squeeze %dma_wait3A_111 : memref<1x8x512xf32, #tpu.memory_space<vmem>> -> memref<8x512xf32, #tpu.memory_space<vmem>>
    %dma_wait3A_113 = arith.constant 0 : i32
    %dma_wait3A_114 = arith.constant 0 : i32
    %dma_wait3A_115 = tpu.memref_slice %arg2[%arg1, %dma_wait3A_113, %dma_wait3A_114] : memref<19x32x512xf32, #tpu.memory_space<hbm>> -> memref<1x8x512xf32, #tpu.memory_space<hbm>>
    %dma_wait3A_116 = tpu.memref_squeeze %dma_wait3A_115 : memref<1x8x512xf32, #tpu.memory_space<hbm>> -> memref<8x512xf32, #tpu.memory_space<hbm>>
    %dma_wait3A_117 = arith.constant 0 : i32
    %dma_wait3A_118 = arith.constant 0 : i32
    %dma_wait3A_119 = tpu.memref_slice %arg5[%dma_wait3A_108, %dma_wait3A_117, %dma_wait3A_118] : memref<2x8x512xf32, #tpu.memory_space<vmem>> -> memref<1x8x512xf32, #tpu.memory_space<vmem>>
    %dma_wait3A_120 = tpu.memref_squeeze %dma_wait3A_119 : memref<1x8x512xf32, #tpu.memory_space<vmem>> -> memref<8x512xf32, #tpu.memory_space<vmem>>
    %dma_wait3A_121 = arith.constant 0 : i32
    %dma_wait3A_122 = arith.constant 0 : i32
    %dma_wait3A_123 = tpu.memref_slice %arg2[%arg1, %dma_wait3A_121, %dma_wait3A_122] : memref<19x32x512xf32, #tpu.memory_space<hbm>> -> memref<1x8x512xf32, #tpu.memory_space<hbm>>
    %dma_wait3A_124 = tpu.memref_squeeze %dma_wait3A_123 : memref<1x8x512xf32, #tpu.memory_space<hbm>> -> memref<8x512xf32, #tpu.memory_space<hbm>>
    tpu.wait_dma2 semaphore(%arg8 : memref<!tpu.dma_semaphore, #tpu.memory_space<semaphore_mem>>) src(%dma_wait3A_124 : memref<8x512xf32, #tpu.memory_space<hbm>>) dst(%dma_wait3A_120 : memref<8x512xf32, #tpu.memory_space<vmem>>)
    %parallel_loop3A_125 = arith.constant 0 : i32
    %parallel_loop3A_126 = arith.constant 32 : i32
    %parallel_loop3A_127 = arith.constant 1 : i32
    scf.for %parallel_loop3A_192 = %parallel_loop3A_125 to %parallel_loop3A_126 step %parallel_loop3A_127  : i32 {
      %parallel_loop3A_193 = arith.constant 16 : i32
      %parallel_loop3A_194 = arith.muli %parallel_loop3A_192, %parallel_loop3A_193 : i32
      %parallel_loop3A_195 = arith.constant 0 : i32
      %parallel_loop3A_196 = arith.constant 0 : i32
      %parallel_loop3A_197 = arith.index_cast %parallel_loop3A_195 : i32 to index
      %parallel_loop3A_198 = arith.index_cast %parallel_loop3A_196 : i32 to index
      %parallel_loop3A_199 = arith.index_cast %parallel_loop3A_194 : i32 to index
      %parallel_loop3A_200 = tpu.vector_load %arg5[%parallel_loop3A_197, %parallel_loop3A_198, %parallel_loop3A_199] {strides = array<i32>} : memref<2x8x512xf32, #tpu.memory_space<vmem>>, vector<16xf32>,
      %parallel_loop3A_201 = arith.constant 0 : i32
      %parallel_loop3A_202 = arith.constant 1 : i32
      %parallel_loop3A_203 = arith.index_cast %parallel_loop3A_201 : i32 to index
      %parallel_loop3A_204 = arith.index_cast %parallel_loop3A_202 : i32 to index
      %parallel_loop3A_205 = arith.index_cast %parallel_loop3A_194 : i32 to index
      %parallel_loop3A_206 = tpu.vector_load %arg5[%parallel_loop3A_203, %parallel_loop3A_204, %parallel_loop3A_205] {strides = array<i32>} : memref<2x8x512xf32, #tpu.memory_space<vmem>>, vector<16xf32>,
      %parallel_loop3A_207 = arith.addf %parallel_loop3A_200, %parallel_loop3A_206 : vector<16xf32>
      %parallel_loop3A_208 = arith.constant 0 : i32
      %parallel_loop3A_209 = arith.constant 2 : i32
      %parallel_loop3A_210 = arith.index_cast %parallel_loop3A_208 : i32 to index
      %parallel_loop3A_211 = arith.index_cast %parallel_loop3A_209 : i32 to index
      %parallel_loop3A_212 = arith.index_cast %parallel_loop3A_194 : i32 to index
      %parallel_loop3A_213 = tpu.vector_load %arg5[%parallel_loop3A_210, %parallel_loop3A_211, %parallel_loop3A_212] {strides = array<i32>} : memref<2x8x512xf32, #tpu.memory_space<vmem>>, vector<16xf32>,
      %parallel_loop3A_214 = arith.addf %parallel_loop3A_207, %parallel_loop3A_213 : vector<16xf32>
      %parallel_loop3A_215 = arith.constant 0 : i32
      %parallel_loop3A_216 = arith.constant 3 : i32
      %parallel_loop3A_217 = arith.index_cast %parallel_loop3A_215 : i32 to index
      %parallel_loop3A_218 = arith.index_cast %parallel_loop3A_216 : i32 to index
      %parallel_loop3A_219 = arith.index_cast %parallel_loop3A_194 : i32 to index
      %parallel_loop3A_220 = tpu.vector_load %arg5[%parallel_loop3A_217, %parallel_loop3A_218, %parallel_loop3A_219] {strides = array<i32>} : memref<2x8x512xf32, #tpu.memory_space<vmem>>, vector<16xf32>,
      %parallel_loop3A_221 = arith.addf %parallel_loop3A_214, %parallel_loop3A_220 : vector<16xf32>
      %parallel_loop3A_222 = arith.constant 0 : i32
      %parallel_loop3A_223 = arith.constant 4 : i32
      %parallel_loop3A_224 = arith.index_cast %parallel_loop3A_222 : i32 to index
      %parallel_loop3A_225 = arith.index_cast %parallel_loop3A_223 : i32 to index
      %parallel_loop3A_226 = arith.index_cast %parallel_loop3A_194 : i32 to index
      %parallel_loop3A_227 = tpu.vector_load %arg5[%parallel_loop3A_224, %parallel_loop3A_225, %parallel_loop3A_226] {strides = array<i32>} : memref<2x8x512xf32, #tpu.memory_space<vmem>>, vector<16xf32>,
      %parallel_loop3A_228 = arith.addf %parallel_loop3A_221, %parallel_loop3A_227 : vector<16xf32>
      %parallel_loop3A_229 = arith.constant 0 : i32
      %parallel_loop3A_230 = arith.constant 5 : i32
      %parallel_loop3A_231 = arith.index_cast %parallel_loop3A_229 : i32 to index
      %parallel_loop3A_232 = arith.index_cast %parallel_loop3A_230 : i32 to index
      %parallel_loop3A_233 = arith.index_cast %parallel_loop3A_194 : i32 to index
      %parallel_loop3A_234 = tpu.vector_load %arg5[%parallel_loop3A_231, %parallel_loop3A_232, %parallel_loop3A_233] {strides = array<i32>} : memref<2x8x512xf32, #tpu.memory_space<vmem>>, vector<16xf32>,
      %parallel_loop3A_235 = arith.addf %parallel_loop3A_228, %parallel_loop3A_234 : vector<16xf32>
      %parallel_loop3A_236 = arith.constant 0 : i32
      %parallel_loop3A_237 = arith.constant 6 : i32
      %parallel_loop3A_238 = arith.index_cast %parallel_loop3A_236 : i32 to index
      %parallel_loop3A_239 = arith.index_cast %parallel_loop3A_237 : i32 to index
      %parallel_loop3A_240 = arith.index_cast %parallel_loop3A_194 : i32 to index
      %parallel_loop3A_241 = tpu.vector_load %arg5[%parallel_loop3A_238, %parallel_loop3A_239, %parallel_loop3A_240] {strides = array<i32>} : memref<2x8x512xf32, #tpu.memory_space<vmem>>, vector<16xf32>,
      %parallel_loop3A_242 = arith.addf %parallel_loop3A_235, %parallel_loop3A_241 : vector<16xf32>
      %parallel_loop3A_243 = arith.constant 0 : i32
      %parallel_loop3A_244 = arith.constant 7 : i32
      %parallel_loop3A_245 = arith.index_cast %parallel_loop3A_243 : i32 to index
      %parallel_loop3A_246 = arith.index_cast %parallel_loop3A_244 : i32 to index
      %parallel_loop3A_247 = arith.index_cast %parallel_loop3A_194 : i32 to index
      %parallel_loop3A_248 = tpu.vector_load %arg5[%parallel_loop3A_245, %parallel_loop3A_246, %parallel_loop3A_247] {strides = array<i32>} : memref<2x8x512xf32, #tpu.memory_space<vmem>>, vector<16xf32>,
      %parallel_loop3A_249 = arith.addf %parallel_loop3A_242, %parallel_loop3A_248 : vector<16xf32>
      %parallel_loop3A_250 = arith.index_cast %parallel_loop3A_194 : i32 to index
      %parallel_loop3A_251 = tpu.vector_load %arg4[%parallel_loop3A_250] {strides = array<i32>} : memref<512xf32, #tpu.memory_space<vmem>>, vector<16xf32>,
      %parallel_loop3A_252 = arith.addf %parallel_loop3A_251, %parallel_loop3A_249 : vector<16xf32>
      %parallel_loop3A_253 = arith.index_cast %parallel_loop3A_194 : i32 to index
      %parallel_loop3A_254 = tpu.vector_load %arg4[%parallel_loop3A_253] {strides = array<i32>} : memref<512xf32, #tpu.memory_space<vmem>>, vector<16xf32>,
      tpu.vector_store %arg4[%parallel_loop3A_253], %parallel_loop3A_252 {strides = array<i32>} : memref<512xf32, #tpu.memory_space<vmem>>, vector<16xf32>,
    } {sc.loop_unroll_factor = 4 : i64, sc.parallel_access}
    %dma_wait3A_128 = arith.constant 1 : i32
    %dma_wait3A_129 = arith.constant 0 : i32
    %dma_wait3A_130 = arith.constant 0 : i32
    %dma_wait3A_131 = tpu.memref_slice %arg5[%dma_wait3A_128, %dma_wait3A_129, %dma_wait3A_130] : memref<2x8x512xf32, #tpu.memory_space<vmem>> -> memref<1x8x512xf32, #tpu.memory_space<vmem>>
    %dma_wait3A_132 = tpu.memref_squeeze %dma_wait3A_131 : memref<1x8x512xf32, #tpu.memory_space<vmem>> -> memref<8x512xf32, #tpu.memory_space<vmem>>
    %dma_wait3A_133 = arith.constant 0 : i32
    %dma_wait3A_134 = arith.constant 0 : i32
    %dma_wait3A_135 = tpu.memref_slice %arg2[%arg1, %dma_wait3A_133, %dma_wait3A_134] : memref<19x32x512xf32, #tpu.memory_space<hbm>> -> memref<1x8x512xf32, #tpu.memory_space<hbm>>
    %dma_wait3A_136 = tpu.memref_squeeze %dma_wait3A_135 : memref<1x8x512xf32, #tpu.memory_space<hbm>> -> memref<8x512xf32, #tpu.memory_space<hbm>>
    %dma_wait3A_137 = arith.constant 0 : i32
    %dma_wait3A_138 = arith.constant 0 : i32
    %dma_wait3A_139 = tpu.memref_slice %arg5[%dma_wait3A_128, %dma_wait3A_137, %dma_wait3A_138] : memref<2x8x512xf32, #tpu.memory_space<vmem>> -> memref<1x8x512xf32, #tpu.memory_space<vmem>>
    %dma_wait3A_140 = tpu.memref_squeeze %dma_wait3A_139 : memref<1x8x512xf32, #tpu.memory_space<vmem>> -> memref<8x512xf32, #tpu.memory_space<vmem>>
    %dma_wait3A_141 = arith.constant 0 : i32
    %dma_wait3A_142 = arith.constant 0 : i32
    %dma_wait3A_143 = tpu.memref_slice %arg2[%arg1, %dma_wait3A_141, %dma_wait3A_142] : memref<19x32x512xf32, #tpu.memory_space<hbm>> -> memref<1x8x512xf32, #tpu.memory_space<hbm>>
    %dma_wait3A_144 = tpu.memref_squeeze %dma_wait3A_143 : memref<1x8x512xf32, #tpu.memory_space<hbm>> -> memref<8x512xf32, #tpu.memory_space<hbm>>
    tpu.wait_dma2 semaphore(%arg9 : memref<!tpu.dma_semaphore, #tpu.memory_space<semaphore_mem>>) src(%dma_wait3A_144 : memref<8x512xf32, #tpu.memory_space<hbm>>) dst(%dma_wait3A_140 : memref<8x512xf32, #tpu.memory_space<vmem>>)
    %parallel_loop3A_145 = arith.constant 0 : i32
    %parallel_loop3A_146 = arith.constant 32 : i32
    %parallel_loop3A_147 = arith.constant 1 : i32
    scf.for %parallel_loop3A_192 = %parallel_loop3A_145 to %parallel_loop3A_146 step %parallel_loop3A_147  : i32 {
      %parallel_loop3A_193 = arith.constant 16 : i32
      %parallel_loop3A_194 = arith.muli %parallel_loop3A_192, %parallel_loop3A_193 : i32
      %parallel_loop3A_195 = arith.constant 1 : i32
      %parallel_loop3A_196 = arith.constant 0 : i32
      %parallel_loop3A_197 = arith.index_cast %parallel_loop3A_195 : i32 to index
      %parallel_loop3A_198 = arith.index_cast %parallel_loop3A_196 : i32 to index
      %parallel_loop3A_199 = arith.index_cast %parallel_loop3A_194 : i32 to index
      %parallel_loop3A_200 = tpu.vector_load %arg5[%parallel_loop3A_197, %parallel_loop3A_198, %parallel_loop3A_199] {strides = array<i32>} : memref<2x8x512xf32, #tpu.memory_space<vmem>>, vector<16xf32>,
      %parallel_loop3A_201 = arith.constant 1 : i32
      %parallel_loop3A_202 = arith.constant 1 : i32
      %parallel_loop3A_203 = arith.index_cast %parallel_loop3A_201 : i32 to index
      %parallel_loop3A_204 = arith.index_cast %parallel_loop3A_202 : i32 to index
      %parallel_loop3A_205 = arith.index_cast %parallel_loop3A_194 : i32 to index
      %parallel_loop3A_206 = tpu.vector_load %arg5[%parallel_loop3A_203, %parallel_loop3A_204, %parallel_loop3A_205] {strides = array<i32>} : memref<2x8x512xf32, #tpu.memory_space<vmem>>, vector<16xf32>,
      %parallel_loop3A_207 = arith.addf %parallel_loop3A_200, %parallel_loop3A_206 : vector<16xf32>
      %parallel_loop3A_208 = arith.constant 1 : i32
      %parallel_loop3A_209 = arith.constant 2 : i32
      %parallel_loop3A_210 = arith.index_cast %parallel_loop3A_208 : i32 to index
      %parallel_loop3A_211 = arith.index_cast %parallel_loop3A_209 : i32 to index
      %parallel_loop3A_212 = arith.index_cast %parallel_loop3A_194 : i32 to index
      %parallel_loop3A_213 = tpu.vector_load %arg5[%parallel_loop3A_210, %parallel_loop3A_211, %parallel_loop3A_212] {strides = array<i32>} : memref<2x8x512xf32, #tpu.memory_space<vmem>>, vector<16xf32>,
      %parallel_loop3A_214 = arith.addf %parallel_loop3A_207, %parallel_loop3A_213 : vector<16xf32>
      %parallel_loop3A_215 = arith.constant 1 : i32
      %parallel_loop3A_216 = arith.constant 3 : i32
      %parallel_loop3A_217 = arith.index_cast %parallel_loop3A_215 : i32 to index
      %parallel_loop3A_218 = arith.index_cast %parallel_loop3A_216 : i32 to index
      %parallel_loop3A_219 = arith.index_cast %parallel_loop3A_194 : i32 to index
      %parallel_loop3A_220 = tpu.vector_load %arg5[%parallel_loop3A_217, %parallel_loop3A_218, %parallel_loop3A_219] {strides = array<i32>} : memref<2x8x512xf32, #tpu.memory_space<vmem>>, vector<16xf32>,
      %parallel_loop3A_221 = arith.addf %parallel_loop3A_214, %parallel_loop3A_220 : vector<16xf32>
      %parallel_loop3A_222 = arith.constant 1 : i32
      %parallel_loop3A_223 = arith.constant 4 : i32
      %parallel_loop3A_224 = arith.index_cast %parallel_loop3A_222 : i32 to index
      %parallel_loop3A_225 = arith.index_cast %parallel_loop3A_223 : i32 to index
      %parallel_loop3A_226 = arith.index_cast %parallel_loop3A_194 : i32 to index
      %parallel_loop3A_227 = tpu.vector_load %arg5[%parallel_loop3A_224, %parallel_loop3A_225, %parallel_loop3A_226] {strides = array<i32>} : memref<2x8x512xf32, #tpu.memory_space<vmem>>, vector<16xf32>,
      %parallel_loop3A_228 = arith.addf %parallel_loop3A_221, %parallel_loop3A_227 : vector<16xf32>
      %parallel_loop3A_229 = arith.constant 1 : i32
      %parallel_loop3A_230 = arith.constant 5 : i32
      %parallel_loop3A_231 = arith.index_cast %parallel_loop3A_229 : i32 to index
      %parallel_loop3A_232 = arith.index_cast %parallel_loop3A_230 : i32 to index
      %parallel_loop3A_233 = arith.index_cast %parallel_loop3A_194 : i32 to index
      %parallel_loop3A_234 = tpu.vector_load %arg5[%parallel_loop3A_231, %parallel_loop3A_232, %parallel_loop3A_233] {strides = array<i32>} : memref<2x8x512xf32, #tpu.memory_space<vmem>>, vector<16xf32>,
      %parallel_loop3A_235 = arith.addf %parallel_loop3A_228, %parallel_loop3A_234 : vector<16xf32>
      %parallel_loop3A_236 = arith.constant 1 : i32
      %parallel_loop3A_237 = arith.constant 6 : i32
      %parallel_loop3A_238 = arith.index_cast %parallel_loop3A_236 : i32 to index
      %parallel_loop3A_239 = arith.index_cast %parallel_loop3A_237 : i32 to index
      %parallel_loop3A_240 = arith.index_cast %parallel_loop3A_194 : i32 to index
      %parallel_loop3A_241 = tpu.vector_load %arg5[%parallel_loop3A_238, %parallel_loop3A_239, %parallel_loop3A_240] {strides = array<i32>} : memref<2x8x512xf32, #tpu.memory_space<vmem>>, vector<16xf32>,
      %parallel_loop3A_242 = arith.addf %parallel_loop3A_235, %parallel_loop3A_241 : vector<16xf32>
      %parallel_loop3A_243 = arith.constant 1 : i32
      %parallel_loop3A_244 = arith.constant 7 : i32
      %parallel_loop3A_245 = arith.index_cast %parallel_loop3A_243 : i32 to index
      %parallel_loop3A_246 = arith.index_cast %parallel_loop3A_244 : i32 to index
      %parallel_loop3A_247 = arith.index_cast %parallel_loop3A_194 : i32 to index
      %parallel_loop3A_248 = tpu.vector_load %arg5[%parallel_loop3A_245, %parallel_loop3A_246, %parallel_loop3A_247] {strides = array<i32>} : memref<2x8x512xf32, #tpu.memory_space<vmem>>, vector<16xf32>,
      %parallel_loop3A_249 = arith.addf %parallel_loop3A_242, %parallel_loop3A_248 : vector<16xf32>
      %parallel_loop3A_250 = arith.index_cast %parallel_loop3A_194 : i32 to index
      %parallel_loop3A_251 = tpu.vector_load %arg4[%parallel_loop3A_250] {strides = array<i32>} : memref<512xf32, #tpu.memory_space<vmem>>, vector<16xf32>,
      %parallel_loop3A_252 = arith.addf %parallel_loop3A_251, %parallel_loop3A_249 : vector<16xf32>
      %parallel_loop3A_253 = arith.index_cast %parallel_loop3A_194 : i32 to index
      %parallel_loop3A_254 = tpu.vector_load %arg4[%parallel_loop3A_253] {strides = array<i32>} : memref<512xf32, #tpu.memory_space<vmem>>, vector<16xf32>,
      tpu.vector_store %arg4[%parallel_loop3A_253], %parallel_loop3A_252 {strides = array<i32>} : memref<512xf32, #tpu.memory_space<vmem>>, vector<16xf32>,
    } {sc.loop_unroll_factor = 4 : i64, sc.parallel_access}
    %scan3A = arith.constant 0 : i32
    %scan3A_148 = arith.constant 16 : i32
    %scan3A_149 = arith.addi %scan3A, %scan3A_148 : i32
    %scan3A_150 = arith.constant 4 : i32
    %scan3A_151:2 = scf.for %scan3A_192 = %scan3A to %scan3A_149 step %scan3A_150 iter_args(%scan3A_193 = %broadcast_in_dim3A_0, %scan3A_194 = %broadcast_in_dim3A_0) -> (vector<16xf32>, vector<16xf32>)  : i32 {
      %mul3A = arith.constant 16 : i32
      %mul3A_195 = arith.muli %scan3A_192, %mul3A : i32
      %get3A = arith.index_cast %mul3A_195 : i32 to index
      %get3A_196 = tpu.vector_load %arg4[%get3A] {strides = array<i32>} : memref<512xf32, #tpu.memory_space<vmem>>, vector<16xf32>,
      %add3A_197 = arith.addf %scan3A_193, %get3A_196 : vector<16xf32>
      %mul3A_198 = arith.constant 16 : i32
      %mul3A_199 = arith.muli %scan3A_192, %mul3A_198 : i32
      %add3A_200 = arith.constant 256 : i32
      %add3A_201 = arith.addi %add3A_200, %mul3A_199 : i32
      %get3A_202 = arith.index_cast %add3A_201 : i32 to index
      %get3A_203 = tpu.vector_load %arg4[%get3A_202] {strides = array<i32>} : memref<512xf32, #tpu.memory_space<vmem>>, vector<16xf32>,
      %add3A_204 = arith.addf %scan3A_194, %get3A_203 : vector<16xf32>
      %scan3A_205 = arith.constant 1 : i32
      %scan3A_206 = arith.addi %scan3A_192, %scan3A_205 : i32
      %mul3A_207 = arith.constant 16 : i32
      %mul3A_208 = arith.muli %scan3A_206, %mul3A_207 : i32
      %get3A_209 = arith.index_cast %mul3A_208 : i32 to index
      %get3A_210 = tpu.vector_load %arg4[%get3A_209] {strides = array<i32>} : memref<512xf32, #tpu.memory_space<vmem>>, vector<16xf32>,
      %add3A_211 = arith.addf %add3A_197, %get3A_210 : vector<16xf32>
      %mul3A_212 = arith.constant 16 : i32
      %mul3A_213 = arith.muli %scan3A_206, %mul3A_212 : i32
      %add3A_214 = arith.constant 256 : i32
      %add3A_215 = arith.addi %add3A_214, %mul3A_213 : i32
      %get3A_216 = arith.index_cast %add3A_215 : i32 to index
      %get3A_217 = tpu.vector_load %arg4[%get3A_216] {strides = array<i32>} : memref<512xf32, #tpu.memory_space<vmem>>, vector<16xf32>,
      %add3A_218 = arith.addf %add3A_204, %get3A_217 : vector<16xf32>
      %scan3A_219 = arith.constant 2 : i32
      %scan3A_220 = arith.addi %scan3A_192, %scan3A_219 : i32
      %mul3A_221 = arith.constant 16 : i32
      %mul3A_222 = arith.muli %scan3A_220, %mul3A_221 : i32
      %get3A_223 = arith.index_cast %mul3A_222 : i32 to index
      %get3A_224 = tpu.vector_load %arg4[%get3A_223] {strides = array<i32>} : memref<512xf32, #tpu.memory_space<vmem>>, vector<16xf32>,
      %add3A_225 = arith.addf %add3A_211, %get3A_224 : vector<16xf32>
      %mul3A_226 = arith.constant 16 : i32
      %mul3A_227 = arith.muli %scan3A_220, %mul3A_226 : i32
      %add3A_228 = arith.constant 256 : i32
      %add3A_229 = arith.addi %add3A_228, %mul3A_227 : i32
      %get3A_230 = arith.index_cast %add3A_229 : i32 to index
      %get3A_231 = tpu.vector_load %arg4[%get3A_230] {strides = array<i32>} : memref<512xf32, #tpu.memory_space<vmem>>, vector<16xf32>,
      %add3A_232 = arith.addf %add3A_218, %get3A_231 : vector<16xf32>
      %scan3A_233 = arith.constant 3 : i32
      %scan3A_234 = arith.addi %scan3A_192, %scan3A_233 : i32
      %mul3A_235 = arith.constant 16 : i32
      %mul3A_236 = arith.muli %scan3A_234, %mul3A_235 : i32
      %get3A_237 = arith.index_cast %mul3A_236 : i32 to index
      %get3A_238 = tpu.vector_load %arg4[%get3A_237] {strides = array<i32>} : memref<512xf32, #tpu.memory_space<vmem>>, vector<16xf32>,
      %add3A_239 = arith.addf %add3A_225, %get3A_238 : vector<16xf32>
      %mul3A_240 = arith.constant 16 : i32
      %mul3A_241 = arith.muli %scan3A_234, %mul3A_240 : i32
      %add3A_242 = arith.constant 256 : i32
      %add3A_243 = arith.addi %add3A_242, %mul3A_241 : i32
      %get3A_244 = arith.index_cast %add3A_243 : i32 to index
      %get3A_245 = tpu.vector_load %arg4[%get3A_244] {strides = array<i32>} : memref<512xf32, #tpu.memory_space<vmem>>, vector<16xf32>,
      %add3A_246 = arith.addf %add3A_232, %get3A_245 : vector<16xf32>
      scf.yield %add3A_239, %add3A_246 : vector<16xf32>, vector<16xf32>
    }
    %scan3A_152 = arith.constant 16 : i32
    %reduce_sum3A = arith.constant true
    %reduce_sum3A_153 = vector.broadcast %reduce_sum3A : i1 to vector<16xi1>
    %reduce_sum3A_154 = tpu.scan <sum>, %scan3A_151#0 masked %reduce_sum3A_153 : vector<16xf32>, vector<16xi1> -> vector<16xf32>
    %reduce_sum3A_155 = vector.extract %reduce_sum3A_154[15] : f32 from vector<16xf32>
    %reduce_sum3A_156 = arith.constant true
    %reduce_sum3A_157 = vector.broadcast %reduce_sum3A_156 : i1 to vector<16xi1>
    %reduce_sum3A_158 = tpu.scan <sum>, %scan3A_151#1 masked %reduce_sum3A_157 : vector<16xf32>, vector<16xi1> -> vector<16xf32>
    %reduce_sum3A_159 = vector.extract %reduce_sum3A_158[15] : f32 from vector<16xf32>
    %scan3A_160 = arith.constant 0 : i32
    %scan3A_161 = arith.constant 16 : i32
    %scan3A_162 = arith.addi %scan3A_160, %scan3A_161 : i32
    %scan3A_163 = arith.constant 2 : i32
    %scan3A_164:3 = scf.for %scan3A_192 = %scan3A_160 to %scan3A_162 step %scan3A_163 iter_args(%scan3A_193 = %broadcast_in_dim3A_0, %scan3A_194 = %broadcast_in_dim3A_0, %scan3A_195 = %broadcast_in_dim3A_0) -> (vector<16xf32>, vector<16xf32>, vector<16xf32>)  : i32 {
      %mul3A = arith.constant 16 : i32
      %mul3A_196 = arith.muli %scan3A_192, %mul3A : i32
      %get3A = arith.index_cast %mul3A_196 : i32 to index
      %get3A_197 = tpu.vector_load %arg4[%get3A] {strides = array<i32>} : memref<512xf32, #tpu.memory_space<vmem>>, vector<16xf32>,
      %mul3A_198 = arith.constant 16 : i32
      %mul3A_199 = arith.muli %scan3A_192, %mul3A_198 : i32
      %add3A_200 = arith.constant 256 : i32
      %add3A_201 = arith.addi %add3A_200, %mul3A_199 : i32
      %get3A_202 = arith.index_cast %add3A_201 : i32 to index
      %get3A_203 = tpu.vector_load %arg4[%get3A_202] {strides = array<i32>} : memref<512xf32, #tpu.memory_space<vmem>>, vector<16xf32>,
      %broadcast_in_dim3A_204 = arith.constant true
      %broadcast_in_dim3A_205 = vector.broadcast %broadcast_in_dim3A_204 : i1 to vector<16xi1>
      %masked_cumsum3A = tpu.scan <sum>, %get3A_197 masked %broadcast_in_dim3A_205 : vector<16xf32>, vector<16xi1> -> vector<16xf32>
      %add3A_206 = arith.addf %masked_cumsum3A, %scan3A_193 : vector<16xf32>
      %broadcast_in_dim3A_207 = arith.constant true
      %broadcast_in_dim3A_208 = vector.broadcast %broadcast_in_dim3A_207 : i1 to vector<16xi1>
      %masked_cumsum3A_209 = tpu.scan <sum>, %get3A_203 masked %broadcast_in_dim3A_208 : vector<16xf32>, vector<16xi1> -> vector<16xf32>
      %add3A_210 = arith.addf %masked_cumsum3A_209, %scan3A_194 : vector<16xf32>
      %sub3A = vector.broadcast %reduce_sum3A_155 : f32 to vector<16xf32>
      %sub3A_211 = arith.subf %sub3A, %add3A_206 : vector<16xf32>
      %add3A_212 = vector.broadcast %reduce_sum3A_159 : f32 to vector<16xf32>
      %add3A_213 = arith.addf %add3A_212, %sub3A_211 : vector<16xf32>
      %add3A_214 = arith.addf %add3A_213, %get3A_197 : vector<16xf32>
      %max3A = arith.constant 1.000000e+00 : f32
      %max3A_215 = vector.broadcast %max3A : f32 to vector<16xf32>
      %max3A_216 = arith.maximumf %add3A_213, %max3A_215 : vector<16xf32>
      %div3A = arith.constant 1.000000e+00 : f32
      %div3A_217 = vector.broadcast %div3A : f32 to vector<16xf32>
      %div3A_218 = arith.divf %div3A_217, %max3A_216 : vector<16xf32>
      %max3A_219 = arith.constant 1.000000e+00 : f32
      %max3A_220 = vector.broadcast %max3A_219 : f32 to vector<16xf32>
      %max3A_221 = arith.maximumf %add3A_214, %max3A_220 : vector<16xf32>
      %div3A_222 = arith.constant 1.000000e+00 : f32
      %div3A_223 = vector.broadcast %div3A_222 : f32 to vector<16xf32>
      %div3A_224 = arith.divf %div3A_223, %max3A_221 : vector<16xf32>
      %broadcast_in_dim3A_225 = arith.constant 0 : i32
      %broadcast_in_dim3A_226 = vector.broadcast %broadcast_in_dim3A_225 : i32 to vector<16xi32>
      %add3A_227 = vector.broadcast %scan3A_192 : i32 to vector<16xi32>
      %add3A_228 = arith.addi %broadcast_in_dim3A_226, %add3A_227 : vector<16xi32>
      %mul3A_229 = arith.constant 16 : i32
      %mul3A_230 = vector.broadcast %mul3A_229 : i32 to vector<16xi32>
      %mul3A_231 = arith.muli %add3A_228, %mul3A_230 : vector<16xi32>
      %add3A_232 = arith.addi %mul3A_231, %iota3A : vector<16xi32>
      %convert_element_type3A_233 = arith.sitofp %add3A_232 : vector<16xi32> to vector<16xf32>
      %add3A_234 = arith.constant 5.000000e-01 : f32
      %add3A_235 = vector.broadcast %add3A_234 : f32 to vector<16xf32>
      %add3A_236 = arith.addf %convert_element_type3A_233, %add3A_235 : vector<16xf32>
      %mul3A_237 = arith.constant 3.906250e-03 : f32
      %mul3A_238 = vector.broadcast %mul3A_237 : f32 to vector<16xf32>
      %mul3A_239 = arith.mulf %add3A_236, %mul3A_238 : vector<16xf32>
      %mul3A_240 = arith.mulf %get3A_203, %div3A_218 : vector<16xf32>
      %sub3A_241 = arith.subf %add3A_210, %get3A_203 : vector<16xf32>
      %sub3A_242 = arith.subf %div3A_218, %div3A_224 : vector<16xf32>
      %mul3A_243 = arith.mulf %sub3A_241, %sub3A_242 : vector<16xf32>
      %add3A_244 = arith.addf %mul3A_240, %mul3A_243 : vector<16xf32>
      %mul3A_245 = arith.mulf %mul3A_239, %add3A_244 : vector<16xf32>
      %reduce_sum3A_246 = arith.constant true
      %reduce_sum3A_247 = vector.broadcast %reduce_sum3A_246 : i1 to vector<16xi1>
      %reduce_sum3A_248 = tpu.scan <sum>, %get3A_197 masked %reduce_sum3A_247 : vector<16xf32>, vector<16xi1> -> vector<16xf32>
      %reduce_sum3A_249 = vector.extract %reduce_sum3A_248[15] : f32 from vector<16xf32>
      %add3A_250 = vector.broadcast %reduce_sum3A_249 : f32 to vector<16xf32>
      %add3A_251 = arith.addf %scan3A_193, %add3A_250 : vector<16xf32>
      %reduce_sum3A_252 = arith.constant true
      %reduce_sum3A_253 = vector.broadcast %reduce_sum3A_252 : i1 to vector<16xi1>
      %reduce_sum3A_254 = tpu.scan <sum>, %get3A_203 masked %reduce_sum3A_253 : vector<16xf32>, vector<16xi1> -> vector<16xf32>
      %reduce_sum3A_255 = vector.extract %reduce_sum3A_254[15] : f32 from vector<16xf32>
      %add3A_256 = vector.broadcast %reduce_sum3A_255 : f32 to vector<16xf32>
      %add3A_257 = arith.addf %scan3A_194, %add3A_256 : vector<16xf32>
      %add3A_258 = arith.addf %scan3A_195, %mul3A_245 : vector<16xf32>
      %scan3A_259 = arith.constant 1 : i32
      %scan3A_260 = arith.addi %scan3A_192, %scan3A_259 : i32
      %mul3A_261 = arith.constant 16 : i32
      %mul3A_262 = arith.muli %scan3A_260, %mul3A_261 : i32
      %get3A_263 = arith.index_cast %mul3A_262 : i32 to index
      %get3A_264 = tpu.vector_load %arg4[%get3A_263] {strides = array<i32>} : memref<512xf32, #tpu.memory_space<vmem>>, vector<16xf32>,
      %mul3A_265 = arith.constant 16 : i32
      %mul3A_266 = arith.muli %scan3A_260, %mul3A_265 : i32
      %add3A_267 = arith.constant 256 : i32
      %add3A_268 = arith.addi %add3A_267, %mul3A_266 : i32
      %get3A_269 = arith.index_cast %add3A_268 : i32 to index
      %get3A_270 = tpu.vector_load %arg4[%get3A_269] {strides = array<i32>} : memref<512xf32, #tpu.memory_space<vmem>>, vector<16xf32>,
      %broadcast_in_dim3A_271 = arith.constant true
      %broadcast_in_dim3A_272 = vector.broadcast %broadcast_in_dim3A_271 : i1 to vector<16xi1>
      %masked_cumsum3A_273 = tpu.scan <sum>, %get3A_264 masked %broadcast_in_dim3A_272 : vector<16xf32>, vector<16xi1> -> vector<16xf32>
      %add3A_274 = arith.addf %masked_cumsum3A_273, %add3A_251 : vector<16xf32>
      %broadcast_in_dim3A_275 = arith.constant true
      %broadcast_in_dim3A_276 = vector.broadcast %broadcast_in_dim3A_275 : i1 to vector<16xi1>
      %masked_cumsum3A_277 = tpu.scan <sum>, %get3A_270 masked %broadcast_in_dim3A_276 : vector<16xf32>, vector<16xi1> -> vector<16xf32>
      %add3A_278 = arith.addf %masked_cumsum3A_277, %add3A_257 : vector<16xf32>
      %sub3A_279 = vector.broadcast %reduce_sum3A_155 : f32 to vector<16xf32>
      %sub3A_280 = arith.subf %sub3A_279, %add3A_274 : vector<16xf32>
      %add3A_281 = vector.broadcast %reduce_sum3A_159 : f32 to vector<16xf32>
      %add3A_282 = arith.addf %add3A_281, %sub3A_280 : vector<16xf32>
      %add3A_283 = arith.addf %add3A_282, %get3A_264 : vector<16xf32>
      %max3A_284 = arith.constant 1.000000e+00 : f32
      %max3A_285 = vector.broadcast %max3A_284 : f32 to vector<16xf32>
      %max3A_286 = arith.maximumf %add3A_282, %max3A_285 : vector<16xf32>
      %div3A_287 = arith.constant 1.000000e+00 : f32
      %div3A_288 = vector.broadcast %div3A_287 : f32 to vector<16xf32>
      %div3A_289 = arith.divf %div3A_288, %max3A_286 : vector<16xf32>
      %max3A_290 = arith.constant 1.000000e+00 : f32
      %max3A_291 = vector.broadcast %max3A_290 : f32 to vector<16xf32>
      %max3A_292 = arith.maximumf %add3A_283, %max3A_291 : vector<16xf32>
      %div3A_293 = arith.constant 1.000000e+00 : f32
      %div3A_294 = vector.broadcast %div3A_293 : f32 to vector<16xf32>
      %div3A_295 = arith.divf %div3A_294, %max3A_292 : vector<16xf32>
      %broadcast_in_dim3A_296 = arith.constant 0 : i32
      %broadcast_in_dim3A_297 = vector.broadcast %broadcast_in_dim3A_296 : i32 to vector<16xi32>
      %add3A_298 = vector.broadcast %scan3A_260 : i32 to vector<16xi32>
      %add3A_299 = arith.addi %broadcast_in_dim3A_297, %add3A_298 : vector<16xi32>
      %mul3A_300 = arith.constant 16 : i32
      %mul3A_301 = vector.broadcast %mul3A_300 : i32 to vector<16xi32>
      %mul3A_302 = arith.muli %add3A_299, %mul3A_301 : vector<16xi32>
      %add3A_303 = arith.addi %mul3A_302, %iota3A : vector<16xi32>
      %convert_element_type3A_304 = arith.sitofp %add3A_303 : vector<16xi32> to vector<16xf32>
      %add3A_305 = arith.constant 5.000000e-01 : f32
      %add3A_306 = vector.broadcast %add3A_305 : f32 to vector<16xf32>
      %add3A_307 = arith.addf %convert_element_type3A_304, %add3A_306 : vector<16xf32>
      %mul3A_308 = arith.constant 3.906250e-03 : f32
      %mul3A_309 = vector.broadcast %mul3A_308 : f32 to vector<16xf32>
      %mul3A_310 = arith.mulf %add3A_307, %mul3A_309 : vector<16xf32>
      %mul3A_311 = arith.mulf %get3A_270, %div3A_289 : vector<16xf32>
      %sub3A_312 = arith.subf %add3A_278, %get3A_270 : vector<16xf32>
      %sub3A_313 = arith.subf %div3A_289, %div3A_295 : vector<16xf32>
      %mul3A_314 = arith.mulf %sub3A_312, %sub3A_313 : vector<16xf32>
      %add3A_315 = arith.addf %mul3A_311, %mul3A_314 : vector<16xf32>
      %mul3A_316 = arith.mulf %mul3A_310, %add3A_315 : vector<16xf32>
      %reduce_sum3A_317 = arith.constant true
      %reduce_sum3A_318 = vector.broadcast %reduce_sum3A_317 : i1 to vector<16xi1>
      %reduce_sum3A_319 = tpu.scan <sum>, %get3A_264 masked %reduce_sum3A_318 : vector<16xf32>, vector<16xi1> -> vector<16xf32>
      %reduce_sum3A_320 = vector.extract %reduce_sum3A_319[15] : f32 from vector<16xf32>
      %add3A_321 = vector.broadcast %reduce_sum3A_320 : f32 to vector<16xf32>
      %add3A_322 = arith.addf %add3A_251, %add3A_321 : vector<16xf32>
      %reduce_sum3A_323 = arith.constant true
      %reduce_sum3A_324 = vector.broadcast %reduce_sum3A_323 : i1 to vector<16xi1>
      %reduce_sum3A_325 = tpu.scan <sum>, %get3A_270 masked %reduce_sum3A_324 : vector<16xf32>, vector<16xi1> -> vector<16xf32>
      %reduce_sum3A_326 = vector.extract %reduce_sum3A_325[15] : f32 from vector<16xf32>
      %add3A_327 = vector.broadcast %reduce_sum3A_326 : f32 to vector<16xf32>
      %add3A_328 = arith.addf %add3A_257, %add3A_327 : vector<16xf32>
      %add3A_329 = arith.addf %add3A_258, %mul3A_316 : vector<16xf32>
      scf.yield %add3A_322, %add3A_328, %add3A_329 : vector<16xf32>, vector<16xf32>, vector<16xf32>
    }
    %scan3A_165 = arith.constant 16 : i32
    %reduce_sum3A_166 = arith.constant true
    %reduce_sum3A_167 = vector.broadcast %reduce_sum3A_166 : i1 to vector<16xi1>
    %reduce_sum3A_168 = tpu.scan <sum>, %scan3A_164#2 masked %reduce_sum3A_167 : vector<16xf32>, vector<16xi1> -> vector<16xf32>
    %reduce_sum3A_169 = vector.extract %reduce_sum3A_168[15] : f32 from vector<16xf32>
    %add3A = vector.broadcast %reduce_sum3A_159 : f32 to vector<16xf32>
    %add3A_170 = arith.addf %broadcast_in_dim3A_0, %add3A : vector<16xf32>
    %gt3A = arith.constant 0.000000e+00 : f32
    %gt3A_171 = vector.broadcast %gt3A : f32 to vector<16xf32>
    %gt3A_172 = arith.cmpf ogt, %add3A_170, %gt3A_171 : vector<16xf32>
    %select_n3A = arith.select %gt3A_172, %broadcast_in_dim3A_2, %broadcast_in_dim3A_0 : vector<16xi1>, vector<16xf32>
    %eq3A = arith.constant 0 : i32
    %eq3A_173 = vector.broadcast %eq3A : i32 to vector<16xi32>
    %eq3A_174 = arith.cmpi eq, %iota3A, %eq3A_173 : vector<16xi32>
    %add3A_175 = vector.broadcast %reduce_sum3A_169 : f32 to vector<16xf32>
    %add3A_176 = arith.addf %broadcast_in_dim3A_0, %add3A_175 : vector<16xf32>
    %eq3A_177 = arith.constant 1 : i32
    %eq3A_178 = vector.broadcast %eq3A_177 : i32 to vector<16xi32>
    %eq3A_179 = arith.cmpi eq, %iota3A, %eq3A_178 : vector<16xi32>
    %select_n3A_180 = arith.select %eq3A_179, %select_n3A, %broadcast_in_dim3A_0 : vector<16xi1>, vector<16xf32>
    %select_n3A_181 = arith.select %eq3A_174, %add3A_176, %select_n3A_180 : vector<16xi1>, vector<16xf32>
    %swap3A = arith.constant 0 : index
    %swap3A_182 = tpu.vector_load %arg6[%swap3A] {strides = array<i32>} : memref<16xf32, #tpu.memory_space<vmem>>, vector<16xf32>,
    tpu.vector_store %arg6[%swap3A], %select_n3A_181 {strides = array<i32>} : memref<16xf32, #tpu.memory_space<vmem>>, vector<16xf32>,
    "tpu.region"() ({
      %run_scoped3A = tpu.sem_alloc : memref<!tpu.dma_semaphore, #tpu.memory_space<semaphore_mem>>
      %dma_start3A_192 = arith.constant 0 : i32
      %dma_start3A_193 = tpu.memref_slice %arg7[%arg1, %dma_start3A_192] : memref<19x16xf32, #tpu.memory_space<vmem_shared>> -> memref<1x16xf32, #tpu.memory_space<vmem_shared>>
      %dma_start3A_194 = tpu.memref_squeeze %dma_start3A_193 : memref<1x16xf32, #tpu.memory_space<vmem_shared>> -> memref<16xf32, #tpu.memory_space<vmem_shared>>
      %dma_start3A_195 = arith.constant 0 : i32
      %dma_start3A_196 = tpu.memref_slice %arg7[%arg1, %dma_start3A_195] : memref<19x16xf32, #tpu.memory_space<vmem_shared>> -> memref<1x16xf32, #tpu.memory_space<vmem_shared>>
      %dma_start3A_197 = tpu.memref_squeeze %dma_start3A_196 : memref<1x16xf32, #tpu.memory_space<vmem_shared>> -> memref<16xf32, #tpu.memory_space<vmem_shared>>
      tpu.enqueue_dma source(%arg6 : memref<16xf32, #tpu.memory_space<vmem>>) target(%dma_start3A_197 : memref<16xf32, #tpu.memory_space<vmem_shared>>) target_semaphore(%run_scoped3A : memref<!tpu.dma_semaphore, #tpu.memory_space<semaphore_mem>>)
      %dma_wait3A_198 = arith.constant 0 : i32
      %dma_wait3A_199 = tpu.memref_slice %arg7[%arg1, %dma_wait3A_198] : memref<19x16xf32, #tpu.memory_space<vmem_shared>> -> memref<1x16xf32, #tpu.memory_space<vmem_shared>>
      %dma_wait3A_200 = tpu.memref_squeeze %dma_wait3A_199 : memref<1x16xf32, #tpu.memory_space<vmem_shared>> -> memref<16xf32, #tpu.memory_space<vmem_shared>>
      %dma_wait3A_201 = arith.constant 0 : i32
      %dma_wait3A_202 = tpu.memref_slice %arg7[%arg1, %dma_wait3A_201] : memref<19x16xf32, #tpu.memory_space<vmem_shared>> -> memref<1x16xf32, #tpu.memory_space<vmem_shared>>
      %dma_wait3A_203 = tpu.memref_squeeze %dma_wait3A_202 : memref<1x16xf32, #tpu.memory_space<vmem_shared>> -> memref<16xf32, #tpu.memory_space<vmem_shared>>
      tpu.wait_dma2 semaphore(%run_scoped3A : memref<!tpu.dma_semaphore, #tpu.memory_space<semaphore_mem>>) src(%arg6 : memref<16xf32, #tpu.memory_space<vmem>>) dst(%dma_wait3A_203 : memref<16xf32, #tpu.memory_space<vmem_shared>>)
      tpu.yield
    }) : () -> ()
    %lt3A = arith.constant 3 : i32
    %lt3A_183 = arith.cmpi slt, %arg1, %lt3A : i32
    %convert_element_type3A = arith.extui %lt3A_183 : i1 to i32
    %cond3A = arith.constant 0 : i32
    %cond3A_184 = arith.cmpi ne, %convert_element_type3A, %cond3A : i32
    scf.if %cond3A_184 {
      %add3A_192 = arith.constant 16 : i32
      %add3A_193 = arith.addi %arg1, %add3A_192 : i32
      %dma_start3A_194 = arith.constant 0 : i32
      %dma_start3A_195 = arith.constant 0 : i32
      %dma_start3A_196 = arith.constant 0 : i32
      %dma_start3A_197 = tpu.memref_slice %arg5[%dma_start3A_194, %dma_start3A_195, %dma_start3A_196] : memref<2x8x512xf32, #tpu.memory_space<vmem>> -> memref<1x8x512xf32, #tpu.memory_space<vmem>>
      %dma_start3A_198 = tpu.memref_squeeze %dma_start3A_197 : memref<1x8x512xf32, #tpu.memory_space<vmem>> -> memref<8x512xf32, #tpu.memory_space<vmem>>
      %dma_start3A_199 = arith.constant 0 : i32
      %dma_start3A_200 = arith.constant 0 : i32
      %dma_start3A_201 = tpu.memref_slice %arg2[%add3A_193, %dma_start3A_199, %dma_start3A_200] : memref<19x32x512xf32, #tpu.memory_space<hbm>> -> memref<1x8x512xf32, #tpu.memory_space<hbm>>
      %dma_start3A_202 = tpu.memref_squeeze %dma_start3A_201 : memref<1x8x512xf32, #tpu.memory_space<hbm>> -> memref<8x512xf32, #tpu.memory_space<hbm>>
      %dma_start3A_203 = arith.constant 0 : i32
      %dma_start3A_204 = arith.constant 0 : i32
      %dma_start3A_205 = tpu.memref_slice %arg5[%dma_start3A_194, %dma_start3A_203, %dma_start3A_204] : memref<2x8x512xf32, #tpu.memory_space<vmem>> -> memref<1x8x512xf32, #tpu.memory_space<vmem>>
      %dma_start3A_206 = tpu.memref_squeeze %dma_start3A_205 : memref<1x8x512xf32, #tpu.memory_space<vmem>> -> memref<8x512xf32, #tpu.memory_space<vmem>>
      %dma_start3A_207 = arith.constant 0 : i32
      %dma_start3A_208 = arith.constant 0 : i32
      %dma_start3A_209 = tpu.memref_slice %arg2[%add3A_193, %dma_start3A_207, %dma_start3A_208] : memref<19x32x512xf32, #tpu.memory_space<hbm>> -> memref<1x8x512xf32, #tpu.memory_space<hbm>>
      %dma_start3A_210 = tpu.memref_squeeze %dma_start3A_209 : memref<1x8x512xf32, #tpu.memory_space<hbm>> -> memref<8x512xf32, #tpu.memory_space<hbm>>
      tpu.enqueue_dma source(%dma_start3A_210 : memref<8x512xf32, #tpu.memory_space<hbm>>) target(%dma_start3A_206 : memref<8x512xf32, #tpu.memory_space<vmem>>) target_semaphore(%arg8 : memref<!tpu.dma_semaphore, #tpu.memory_space<semaphore_mem>>)
      %dma_start3A_211 = arith.constant 1 : i32
      %dma_start3A_212 = arith.constant 0 : i32
      %dma_start3A_213 = arith.constant 0 : i32
      %dma_start3A_214 = tpu.memref_slice %arg5[%dma_start3A_211, %dma_start3A_212, %dma_start3A_213] : memref<2x8x512xf32, #tpu.memory_space<vmem>> -> memref<1x8x512xf32, #tpu.memory_space<vmem>>
      %dma_start3A_215 = tpu.memref_squeeze %dma_start3A_214 : memref<1x8x512xf32, #tpu.memory_space<vmem>> -> memref<8x512xf32, #tpu.memory_space<vmem>>
      %dma_start3A_216 = arith.constant 8 : i32
      %dma_start3A_217 = arith.constant 0 : i32
      %dma_start3A_218 = tpu.memref_slice %arg2[%add3A_193, %dma_start3A_216, %dma_start3A_217] : memref<19x32x512xf32, #tpu.memory_space<hbm>> -> memref<1x8x512xf32, #tpu.memory_space<hbm>>
      %dma_start3A_219 = tpu.memref_squeeze %dma_start3A_218 : memref<1x8x512xf32, #tpu.memory_space<hbm>> -> memref<8x512xf32, #tpu.memory_space<hbm>>
      %dma_start3A_220 = arith.constant 0 : i32
      %dma_start3A_221 = arith.constant 0 : i32
      %dma_start3A_222 = tpu.memref_slice %arg5[%dma_start3A_211, %dma_start3A_220, %dma_start3A_221] : memref<2x8x512xf32, #tpu.memory_space<vmem>> -> memref<1x8x512xf32, #tpu.memory_space<vmem>>
      %dma_start3A_223 = tpu.memref_squeeze %dma_start3A_222 : memref<1x8x512xf32, #tpu.memory_space<vmem>> -> memref<8x512xf32, #tpu.memory_space<vmem>>
      %dma_start3A_224 = arith.constant 8 : i32
      %dma_start3A_225 = arith.constant 0 : i32
      %dma_start3A_226 = tpu.memref_slice %arg2[%add3A_193, %dma_start3A_224, %dma_start3A_225] : memref<19x32x512xf32, #tpu.memory_space<hbm>> -> memref<1x8x512xf32, #tpu.memory_space<hbm>>
      %dma_start3A_227 = tpu.memref_squeeze %dma_start3A_226 : memref<1x8x512xf32, #tpu.memory_space<hbm>> -> memref<8x512xf32, #tpu.memory_space<hbm>>
      tpu.enqueue_dma source(%dma_start3A_227 : memref<8x512xf32, #tpu.memory_space<hbm>>) target(%dma_start3A_223 : memref<8x512xf32, #tpu.memory_space<vmem>>) target_semaphore(%arg9 : memref<!tpu.dma_semaphore, #tpu.memory_space<semaphore_mem>>)
      %dma_wait3A_228 = arith.constant 0 : i32
      %dma_wait3A_229 = arith.constant 0 : i32
      %dma_wait3A_230 = arith.constant 0 : i32
      %dma_wait3A_231 = tpu.memref_slice %arg5[%dma_wait3A_228, %dma_wait3A_229, %dma_wait3A_230] : memref<2x8x512xf32, #tpu.memory_space<vmem>> -> memref<1x8x512xf32, #tpu.memory_space<vmem>>
      %dma_wait3A_232 = tpu.memref_squeeze %dma_wait3A_231 : memref<1x8x512xf32, #tpu.memory_space<vmem>> -> memref<8x512xf32, #tpu.memory_space<vmem>>
      %dma_wait3A_233 = arith.constant 0 : i32
      %dma_wait3A_234 = arith.constant 0 : i32
      %dma_wait3A_235 = tpu.memref_slice %arg2[%add3A_193, %dma_wait3A_233, %dma_wait3A_234] : memref<19x32x512xf32, #tpu.memory_space<hbm>> -> memref<1x8x512xf32, #tpu.memory_space<hbm>>
      %dma_wait3A_236 = tpu.memref_squeeze %dma_wait3A_235 : memref<1x8x512xf32, #tpu.memory_space<hbm>> -> memref<8x512xf32, #tpu.memory_space<hbm>>
      %dma_wait3A_237 = arith.constant 0 : i32
      %dma_wait3A_238 = arith.constant 0 : i32
      %dma_wait3A_239 = tpu.memref_slice %arg5[%dma_wait3A_228, %dma_wait3A_237, %dma_wait3A_238] : memref<2x8x512xf32, #tpu.memory_space<vmem>> -> memref<1x8x512xf32, #tpu.memory_space<vmem>>
      %dma_wait3A_240 = tpu.memref_squeeze %dma_wait3A_239 : memref<1x8x512xf32, #tpu.memory_space<vmem>> -> memref<8x512xf32, #tpu.memory_space<vmem>>
      %dma_wait3A_241 = arith.constant 0 : i32
      %dma_wait3A_242 = arith.constant 0 : i32
      %dma_wait3A_243 = tpu.memref_slice %arg2[%add3A_193, %dma_wait3A_241, %dma_wait3A_242] : memref<19x32x512xf32, #tpu.memory_space<hbm>> -> memref<1x8x512xf32, #tpu.memory_space<hbm>>
      %dma_wait3A_244 = tpu.memref_squeeze %dma_wait3A_243 : memref<1x8x512xf32, #tpu.memory_space<hbm>> -> memref<8x512xf32, #tpu.memory_space<hbm>>
      tpu.wait_dma2 semaphore(%arg8 : memref<!tpu.dma_semaphore, #tpu.memory_space<semaphore_mem>>) src(%dma_wait3A_244 : memref<8x512xf32, #tpu.memory_space<hbm>>) dst(%dma_wait3A_240 : memref<8x512xf32, #tpu.memory_space<vmem>>)
      %parallel_loop3A_245 = arith.constant 0 : i32
      %parallel_loop3A_246 = arith.constant 32 : i32
      %parallel_loop3A_247 = arith.constant 1 : i32
      scf.for %parallel_loop3A_384 = %parallel_loop3A_245 to %parallel_loop3A_246 step %parallel_loop3A_247  : i32 {
        %parallel_loop3A_385 = arith.constant 16 : i32
        %parallel_loop3A_386 = arith.muli %parallel_loop3A_384, %parallel_loop3A_385 : i32
        %parallel_loop3A_387 = arith.constant 0 : i32
        %parallel_loop3A_388 = arith.constant 0 : i32
        %parallel_loop3A_389 = arith.index_cast %parallel_loop3A_387 : i32 to index
        %parallel_loop3A_390 = arith.index_cast %parallel_loop3A_388 : i32 to index
        %parallel_loop3A_391 = arith.index_cast %parallel_loop3A_386 : i32 to index
        %parallel_loop3A_392 = tpu.vector_load %arg5[%parallel_loop3A_389, %parallel_loop3A_390, %parallel_loop3A_391] {strides = array<i32>} : memref<2x8x512xf32, #tpu.memory_space<vmem>>, vector<16xf32>,
        %parallel_loop3A_393 = arith.constant 0 : i32
        %parallel_loop3A_394 = arith.constant 1 : i32
        %parallel_loop3A_395 = arith.index_cast %parallel_loop3A_393 : i32 to index
        %parallel_loop3A_396 = arith.index_cast %parallel_loop3A_394 : i32 to index
        %parallel_loop3A_397 = arith.index_cast %parallel_loop3A_386 : i32 to index
        %parallel_loop3A_398 = tpu.vector_load %arg5[%parallel_loop3A_395, %parallel_loop3A_396, %parallel_loop3A_397] {strides = array<i32>} : memref<2x8x512xf32, #tpu.memory_space<vmem>>, vector<16xf32>,
        %parallel_loop3A_399 = arith.addf %parallel_loop3A_392, %parallel_loop3A_398 : vector<16xf32>
        %parallel_loop3A_400 = arith.constant 0 : i32
        %parallel_loop3A_401 = arith.constant 2 : i32
        %parallel_loop3A_402 = arith.index_cast %parallel_loop3A_400 : i32 to index
        %parallel_loop3A_403 = arith.index_cast %parallel_loop3A_401 : i32 to index
        %parallel_loop3A_404 = arith.index_cast %parallel_loop3A_386 : i32 to index
        %parallel_loop3A_405 = tpu.vector_load %arg5[%parallel_loop3A_402, %parallel_loop3A_403, %parallel_loop3A_404] {strides = array<i32>} : memref<2x8x512xf32, #tpu.memory_space<vmem>>, vector<16xf32>,
        %parallel_loop3A_406 = arith.addf %parallel_loop3A_399, %parallel_loop3A_405 : vector<16xf32>
        %parallel_loop3A_407 = arith.constant 0 : i32
        %parallel_loop3A_408 = arith.constant 3 : i32
        %parallel_loop3A_409 = arith.index_cast %parallel_loop3A_407 : i32 to index
        %parallel_loop3A_410 = arith.index_cast %parallel_loop3A_408 : i32 to index
        %parallel_loop3A_411 = arith.index_cast %parallel_loop3A_386 : i32 to index
        %parallel_loop3A_412 = tpu.vector_load %arg5[%parallel_loop3A_409, %parallel_loop3A_410, %parallel_loop3A_411] {strides = array<i32>} : memref<2x8x512xf32, #tpu.memory_space<vmem>>, vector<16xf32>,
        %parallel_loop3A_413 = arith.addf %parallel_loop3A_406, %parallel_loop3A_412 : vector<16xf32>
        %parallel_loop3A_414 = arith.constant 0 : i32
        %parallel_loop3A_415 = arith.constant 4 : i32
        %parallel_loop3A_416 = arith.index_cast %parallel_loop3A_414 : i32 to index
        %parallel_loop3A_417 = arith.index_cast %parallel_loop3A_415 : i32 to index
        %parallel_loop3A_418 = arith.index_cast %parallel_loop3A_386 : i32 to index
        %parallel_loop3A_419 = tpu.vector_load %arg5[%parallel_loop3A_416, %parallel_loop3A_417, %parallel_loop3A_418] {strides = array<i32>} : memref<2x8x512xf32, #tpu.memory_space<vmem>>, vector<16xf32>,
        %parallel_loop3A_420 = arith.addf %parallel_loop3A_413, %parallel_loop3A_419 : vector<16xf32>
        %parallel_loop3A_421 = arith.constant 0 : i32
        %parallel_loop3A_422 = arith.constant 5 : i32
        %parallel_loop3A_423 = arith.index_cast %parallel_loop3A_421 : i32 to index
        %parallel_loop3A_424 = arith.index_cast %parallel_loop3A_422 : i32 to index
        %parallel_loop3A_425 = arith.index_cast %parallel_loop3A_386 : i32 to index
        %parallel_loop3A_426 = tpu.vector_load %arg5[%parallel_loop3A_423, %parallel_loop3A_424, %parallel_loop3A_425] {strides = array<i32>} : memref<2x8x512xf32, #tpu.memory_space<vmem>>, vector<16xf32>,
        %parallel_loop3A_427 = arith.addf %parallel_loop3A_420, %parallel_loop3A_426 : vector<16xf32>
        %parallel_loop3A_428 = arith.constant 0 : i32
        %parallel_loop3A_429 = arith.constant 6 : i32
        %parallel_loop3A_430 = arith.index_cast %parallel_loop3A_428 : i32 to index
        %parallel_loop3A_431 = arith.index_cast %parallel_loop3A_429 : i32 to index
        %parallel_loop3A_432 = arith.index_cast %parallel_loop3A_386 : i32 to index
        %parallel_loop3A_433 = tpu.vector_load %arg5[%parallel_loop3A_430, %parallel_loop3A_431, %parallel_loop3A_432] {strides = array<i32>} : memref<2x8x512xf32, #tpu.memory_space<vmem>>, vector<16xf32>,
        %parallel_loop3A_434 = arith.addf %parallel_loop3A_427, %parallel_loop3A_433 : vector<16xf32>
        %parallel_loop3A_435 = arith.constant 0 : i32
        %parallel_loop3A_436 = arith.constant 7 : i32
        %parallel_loop3A_437 = arith.index_cast %parallel_loop3A_435 : i32 to index
        %parallel_loop3A_438 = arith.index_cast %parallel_loop3A_436 : i32 to index
        %parallel_loop3A_439 = arith.index_cast %parallel_loop3A_386 : i32 to index
        %parallel_loop3A_440 = tpu.vector_load %arg5[%parallel_loop3A_437, %parallel_loop3A_438, %parallel_loop3A_439] {strides = array<i32>} : memref<2x8x512xf32, #tpu.memory_space<vmem>>, vector<16xf32>,
        %parallel_loop3A_441 = arith.addf %parallel_loop3A_434, %parallel_loop3A_440 : vector<16xf32>
        %parallel_loop3A_442 = arith.index_cast %parallel_loop3A_386 : i32 to index
        %parallel_loop3A_443 = tpu.vector_load %arg4[%parallel_loop3A_442] {strides = array<i32>} : memref<512xf32, #tpu.memory_space<vmem>>, vector<16xf32>,
        tpu.vector_store %arg4[%parallel_loop3A_442], %parallel_loop3A_441 {strides = array<i32>} : memref<512xf32, #tpu.memory_space<vmem>>, vector<16xf32>,
      } {sc.loop_unroll_factor = 4 : i64, sc.parallel_access}
      %dma_start3A_248 = arith.constant 0 : i32
      %dma_start3A_249 = arith.constant 0 : i32
      %dma_start3A_250 = arith.constant 0 : i32
      %dma_start3A_251 = tpu.memref_slice %arg5[%dma_start3A_248, %dma_start3A_249, %dma_start3A_250] : memref<2x8x512xf32, #tpu.memory_space<vmem>> -> memref<1x8x512xf32, #tpu.memory_space<vmem>>
      %dma_start3A_252 = tpu.memref_squeeze %dma_start3A_251 : memref<1x8x512xf32, #tpu.memory_space<vmem>> -> memref<8x512xf32, #tpu.memory_space<vmem>>
      %dma_start3A_253 = arith.constant 16 : i32
      %dma_start3A_254 = arith.constant 0 : i32
      %dma_start3A_255 = tpu.memref_slice %arg2[%add3A_193, %dma_start3A_253, %dma_start3A_254] : memref<19x32x512xf32, #tpu.memory_space<hbm>> -> memref<1x8x512xf32, #tpu.memory_space<hbm>>
      %dma_start3A_256 = tpu.memref_squeeze %dma_start3A_255 : memref<1x8x512xf32, #tpu.memory_space<hbm>> -> memref<8x512xf32, #tpu.memory_space<hbm>>
      %dma_start3A_257 = arith.constant 0 : i32
      %dma_start3A_258 = arith.constant 0 : i32
      %dma_start3A_259 = tpu.memref_slice %arg5[%dma_start3A_248, %dma_start3A_257, %dma_start3A_258] : memref<2x8x512xf32, #tpu.memory_space<vmem>> -> memref<1x8x512xf32, #tpu.memory_space<vmem>>
      %dma_start3A_260 = tpu.memref_squeeze %dma_start3A_259 : memref<1x8x512xf32, #tpu.memory_space<vmem>> -> memref<8x512xf32, #tpu.memory_space<vmem>>
      %dma_start3A_261 = arith.constant 16 : i32
      %dma_start3A_262 = arith.constant 0 : i32
      %dma_start3A_263 = tpu.memref_slice %arg2[%add3A_193, %dma_start3A_261, %dma_start3A_262] : memref<19x32x512xf32, #tpu.memory_space<hbm>> -> memref<1x8x512xf32, #tpu.memory_space<hbm>>
      %dma_start3A_264 = tpu.memref_squeeze %dma_start3A_263 : memref<1x8x512xf32, #tpu.memory_space<hbm>> -> memref<8x512xf32, #tpu.memory_space<hbm>>
      tpu.enqueue_dma source(%dma_start3A_264 : memref<8x512xf32, #tpu.memory_space<hbm>>) target(%dma_start3A_260 : memref<8x512xf32, #tpu.memory_space<vmem>>) target_semaphore(%arg8 : memref<!tpu.dma_semaphore, #tpu.memory_space<semaphore_mem>>)
      %dma_wait3A_265 = arith.constant 1 : i32
      %dma_wait3A_266 = arith.constant 0 : i32
      %dma_wait3A_267 = arith.constant 0 : i32
      %dma_wait3A_268 = tpu.memref_slice %arg5[%dma_wait3A_265, %dma_wait3A_266, %dma_wait3A_267] : memref<2x8x512xf32, #tpu.memory_space<vmem>> -> memref<1x8x512xf32, #tpu.memory_space<vmem>>
      %dma_wait3A_269 = tpu.memref_squeeze %dma_wait3A_268 : memref<1x8x512xf32, #tpu.memory_space<vmem>> -> memref<8x512xf32, #tpu.memory_space<vmem>>
      %dma_wait3A_270 = arith.constant 0 : i32
      %dma_wait3A_271 = arith.constant 0 : i32
      %dma_wait3A_272 = tpu.memref_slice %arg2[%add3A_193, %dma_wait3A_270, %dma_wait3A_271] : memref<19x32x512xf32, #tpu.memory_space<hbm>> -> memref<1x8x512xf32, #tpu.memory_space<hbm>>
      %dma_wait3A_273 = tpu.memref_squeeze %dma_wait3A_272 : memref<1x8x512xf32, #tpu.memory_space<hbm>> -> memref<8x512xf32, #tpu.memory_space<hbm>>
      %dma_wait3A_274 = arith.constant 0 : i32
      %dma_wait3A_275 = arith.constant 0 : i32
      %dma_wait3A_276 = tpu.memref_slice %arg5[%dma_wait3A_265, %dma_wait3A_274, %dma_wait3A_275] : memref<2x8x512xf32, #tpu.memory_space<vmem>> -> memref<1x8x512xf32, #tpu.memory_space<vmem>>
      %dma_wait3A_277 = tpu.memref_squeeze %dma_wait3A_276 : memref<1x8x512xf32, #tpu.memory_space<vmem>> -> memref<8x512xf32, #tpu.memory_space<vmem>>
      %dma_wait3A_278 = arith.constant 0 : i32
      %dma_wait3A_279 = arith.constant 0 : i32
      %dma_wait3A_280 = tpu.memref_slice %arg2[%add3A_193, %dma_wait3A_278, %dma_wait3A_279] : memref<19x32x512xf32, #tpu.memory_space<hbm>> -> memref<1x8x512xf32, #tpu.memory_space<hbm>>
      %dma_wait3A_281 = tpu.memref_squeeze %dma_wait3A_280 : memref<1x8x512xf32, #tpu.memory_space<hbm>> -> memref<8x512xf32, #tpu.memory_space<hbm>>
      tpu.wait_dma2 semaphore(%arg9 : memref<!tpu.dma_semaphore, #tpu.memory_space<semaphore_mem>>) src(%dma_wait3A_281 : memref<8x512xf32, #tpu.memory_space<hbm>>) dst(%dma_wait3A_277 : memref<8x512xf32, #tpu.memory_space<vmem>>)
      %parallel_loop3A_282 = arith.constant 0 : i32
      %parallel_loop3A_283 = arith.constant 32 : i32
      %parallel_loop3A_284 = arith.constant 1 : i32
      scf.for %parallel_loop3A_384 = %parallel_loop3A_282 to %parallel_loop3A_283 step %parallel_loop3A_284  : i32 {
        %parallel_loop3A_385 = arith.constant 16 : i32
        %parallel_loop3A_386 = arith.muli %parallel_loop3A_384, %parallel_loop3A_385 : i32
        %parallel_loop3A_387 = arith.constant 1 : i32
        %parallel_loop3A_388 = arith.constant 0 : i32
        %parallel_loop3A_389 = arith.index_cast %parallel_loop3A_387 : i32 to index
        %parallel_loop3A_390 = arith.index_cast %parallel_loop3A_388 : i32 to index
        %parallel_loop3A_391 = arith.index_cast %parallel_loop3A_386 : i32 to index
        %parallel_loop3A_392 = tpu.vector_load %arg5[%parallel_loop3A_389, %parallel_loop3A_390, %parallel_loop3A_391] {strides = array<i32>} : memref<2x8x512xf32, #tpu.memory_space<vmem>>, vector<16xf32>,
        %parallel_loop3A_393 = arith.constant 1 : i32
        %parallel_loop3A_394 = arith.constant 1 : i32
        %parallel_loop3A_395 = arith.index_cast %parallel_loop3A_393 : i32 to index
        %parallel_loop3A_396 = arith.index_cast %parallel_loop3A_394 : i32 to index
        %parallel_loop3A_397 = arith.index_cast %parallel_loop3A_386 : i32 to index
        %parallel_loop3A_398 = tpu.vector_load %arg5[%parallel_loop3A_395, %parallel_loop3A_396, %parallel_loop3A_397] {strides = array<i32>} : memref<2x8x512xf32, #tpu.memory_space<vmem>>, vector<16xf32>,
        %parallel_loop3A_399 = arith.addf %parallel_loop3A_392, %parallel_loop3A_398 : vector<16xf32>
        %parallel_loop3A_400 = arith.constant 1 : i32
        %parallel_loop3A_401 = arith.constant 2 : i32
        %parallel_loop3A_402 = arith.index_cast %parallel_loop3A_400 : i32 to index
        %parallel_loop3A_403 = arith.index_cast %parallel_loop3A_401 : i32 to index
        %parallel_loop3A_404 = arith.index_cast %parallel_loop3A_386 : i32 to index
        %parallel_loop3A_405 = tpu.vector_load %arg5[%parallel_loop3A_402, %parallel_loop3A_403, %parallel_loop3A_404] {strides = array<i32>} : memref<2x8x512xf32, #tpu.memory_space<vmem>>, vector<16xf32>,
        %parallel_loop3A_406 = arith.addf %parallel_loop3A_399, %parallel_loop3A_405 : vector<16xf32>
        %parallel_loop3A_407 = arith.constant 1 : i32
        %parallel_loop3A_408 = arith.constant 3 : i32
        %parallel_loop3A_409 = arith.index_cast %parallel_loop3A_407 : i32 to index
        %parallel_loop3A_410 = arith.index_cast %parallel_loop3A_408 : i32 to index
        %parallel_loop3A_411 = arith.index_cast %parallel_loop3A_386 : i32 to index
        %parallel_loop3A_412 = tpu.vector_load %arg5[%parallel_loop3A_409, %parallel_loop3A_410, %parallel_loop3A_411] {strides = array<i32>} : memref<2x8x512xf32, #tpu.memory_space<vmem>>, vector<16xf32>,
        %parallel_loop3A_413 = arith.addf %parallel_loop3A_406, %parallel_loop3A_412 : vector<16xf32>
        %parallel_loop3A_414 = arith.constant 1 : i32
        %parallel_loop3A_415 = arith.constant 4 : i32
        %parallel_loop3A_416 = arith.index_cast %parallel_loop3A_414 : i32 to index
        %parallel_loop3A_417 = arith.index_cast %parallel_loop3A_415 : i32 to index
        %parallel_loop3A_418 = arith.index_cast %parallel_loop3A_386 : i32 to index
        %parallel_loop3A_419 = tpu.vector_load %arg5[%parallel_loop3A_416, %parallel_loop3A_417, %parallel_loop3A_418] {strides = array<i32>} : memref<2x8x512xf32, #tpu.memory_space<vmem>>, vector<16xf32>,
        %parallel_loop3A_420 = arith.addf %parallel_loop3A_413, %parallel_loop3A_419 : vector<16xf32>
        %parallel_loop3A_421 = arith.constant 1 : i32
        %parallel_loop3A_422 = arith.constant 5 : i32
        %parallel_loop3A_423 = arith.index_cast %parallel_loop3A_421 : i32 to index
        %parallel_loop3A_424 = arith.index_cast %parallel_loop3A_422 : i32 to index
        %parallel_loop3A_425 = arith.index_cast %parallel_loop3A_386 : i32 to index
        %parallel_loop3A_426 = tpu.vector_load %arg5[%parallel_loop3A_423, %parallel_loop3A_424, %parallel_loop3A_425] {strides = array<i32>} : memref<2x8x512xf32, #tpu.memory_space<vmem>>, vector<16xf32>,
        %parallel_loop3A_427 = arith.addf %parallel_loop3A_420, %parallel_loop3A_426 : vector<16xf32>
        %parallel_loop3A_428 = arith.constant 1 : i32
        %parallel_loop3A_429 = arith.constant 6 : i32
        %parallel_loop3A_430 = arith.index_cast %parallel_loop3A_428 : i32 to index
        %parallel_loop3A_431 = arith.index_cast %parallel_loop3A_429 : i32 to index
        %parallel_loop3A_432 = arith.index_cast %parallel_loop3A_386 : i32 to index
        %parallel_loop3A_433 = tpu.vector_load %arg5[%parallel_loop3A_430, %parallel_loop3A_431, %parallel_loop3A_432] {strides = array<i32>} : memref<2x8x512xf32, #tpu.memory_space<vmem>>, vector<16xf32>,
        %parallel_loop3A_434 = arith.addf %parallel_loop3A_427, %parallel_loop3A_433 : vector<16xf32>
        %parallel_loop3A_435 = arith.constant 1 : i32
        %parallel_loop3A_436 = arith.constant 7 : i32
        %parallel_loop3A_437 = arith.index_cast %parallel_loop3A_435 : i32 to index
        %parallel_loop3A_438 = arith.index_cast %parallel_loop3A_436 : i32 to index
        %parallel_loop3A_439 = arith.index_cast %parallel_loop3A_386 : i32 to index
        %parallel_loop3A_440 = tpu.vector_load %arg5[%parallel_loop3A_437, %parallel_loop3A_438, %parallel_loop3A_439] {strides = array<i32>} : memref<2x8x512xf32, #tpu.memory_space<vmem>>, vector<16xf32>,
        %parallel_loop3A_441 = arith.addf %parallel_loop3A_434, %parallel_loop3A_440 : vector<16xf32>
        %parallel_loop3A_442 = arith.index_cast %parallel_loop3A_386 : i32 to index
        %parallel_loop3A_443 = tpu.vector_load %arg4[%parallel_loop3A_442] {strides = array<i32>} : memref<512xf32, #tpu.memory_space<vmem>>, vector<16xf32>,
        %parallel_loop3A_444 = arith.addf %parallel_loop3A_443, %parallel_loop3A_441 : vector<16xf32>
        %parallel_loop3A_445 = arith.index_cast %parallel_loop3A_386 : i32 to index
        %parallel_loop3A_446 = tpu.vector_load %arg4[%parallel_loop3A_445] {strides = array<i32>} : memref<512xf32, #tpu.memory_space<vmem>>, vector<16xf32>,
        tpu.vector_store %arg4[%parallel_loop3A_445], %parallel_loop3A_444 {strides = array<i32>} : memref<512xf32, #tpu.memory_space<vmem>>, vector<16xf32>,
      } {sc.loop_unroll_factor = 4 : i64, sc.parallel_access}
      %dma_start3A_285 = arith.constant 1 : i32
      %dma_start3A_286 = arith.constant 0 : i32
      %dma_start3A_287 = arith.constant 0 : i32
      %dma_start3A_288 = tpu.memref_slice %arg5[%dma_start3A_285, %dma_start3A_286, %dma_start3A_287] : memref<2x8x512xf32, #tpu.memory_space<vmem>> -> memref<1x8x512xf32, #tpu.memory_space<vmem>>
      %dma_start3A_289 = tpu.memref_squeeze %dma_start3A_288 : memref<1x8x512xf32, #tpu.memory_space<vmem>> -> memref<8x512xf32, #tpu.memory_space<vmem>>
      %dma_start3A_290 = arith.constant 24 : i32
      %dma_start3A_291 = arith.constant 0 : i32
      %dma_start3A_292 = tpu.memref_slice %arg2[%add3A_193, %dma_start3A_290, %dma_start3A_291] : memref<19x32x512xf32, #tpu.memory_space<hbm>> -> memref<1x8x512xf32, #tpu.memory_space<hbm>>
      %dma_start3A_293 = tpu.memref_squeeze %dma_start3A_292 : memref<1x8x512xf32, #tpu.memory_space<hbm>> -> memref<8x512xf32, #tpu.memory_space<hbm>>
      %dma_start3A_294 = arith.constant 0 : i32
      %dma_start3A_295 = arith.constant 0 : i32
      %dma_start3A_296 = tpu.memref_slice %arg5[%dma_start3A_285, %dma_start3A_294, %dma_start3A_295] : memref<2x8x512xf32, #tpu.memory_space<vmem>> -> memref<1x8x512xf32, #tpu.memory_space<vmem>>
      %dma_start3A_297 = tpu.memref_squeeze %dma_start3A_296 : memref<1x8x512xf32, #tpu.memory_space<vmem>> -> memref<8x512xf32, #tpu.memory_space<vmem>>
      %dma_start3A_298 = arith.constant 24 : i32
      %dma_start3A_299 = arith.constant 0 : i32
      %dma_start3A_300 = tpu.memref_slice %arg2[%add3A_193, %dma_start3A_298, %dma_start3A_299] : memref<19x32x512xf32, #tpu.memory_space<hbm>> -> memref<1x8x512xf32, #tpu.memory_space<hbm>>
      %dma_start3A_301 = tpu.memref_squeeze %dma_start3A_300 : memref<1x8x512xf32, #tpu.memory_space<hbm>> -> memref<8x512xf32, #tpu.memory_space<hbm>>
      tpu.enqueue_dma source(%dma_start3A_301 : memref<8x512xf32, #tpu.memory_space<hbm>>) target(%dma_start3A_297 : memref<8x512xf32, #tpu.memory_space<vmem>>) target_semaphore(%arg9 : memref<!tpu.dma_semaphore, #tpu.memory_space<semaphore_mem>>)
      %dma_wait3A_302 = arith.constant 0 : i32
      %dma_wait3A_303 = arith.constant 0 : i32
      %dma_wait3A_304 = arith.constant 0 : i32
      %dma_wait3A_305 = tpu.memref_slice %arg5[%dma_wait3A_302, %dma_wait3A_303, %dma_wait3A_304] : memref<2x8x512xf32, #tpu.memory_space<vmem>> -> memref<1x8x512xf32, #tpu.memory_space<vmem>>
      %dma_wait3A_306 = tpu.memref_squeeze %dma_wait3A_305 : memref<1x8x512xf32, #tpu.memory_space<vmem>> -> memref<8x512xf32, #tpu.memory_space<vmem>>
      %dma_wait3A_307 = arith.constant 0 : i32
      %dma_wait3A_308 = arith.constant 0 : i32
      %dma_wait3A_309 = tpu.memref_slice %arg2[%add3A_193, %dma_wait3A_307, %dma_wait3A_308] : memref<19x32x512xf32, #tpu.memory_space<hbm>> -> memref<1x8x512xf32, #tpu.memory_space<hbm>>
      %dma_wait3A_310 = tpu.memref_squeeze %dma_wait3A_309 : memref<1x8x512xf32, #tpu.memory_space<hbm>> -> memref<8x512xf32, #tpu.memory_space<hbm>>
      %dma_wait3A_311 = arith.constant 0 : i32
      %dma_wait3A_312 = arith.constant 0 : i32
      %dma_wait3A_313 = tpu.memref_slice %arg5[%dma_wait3A_302, %dma_wait3A_311, %dma_wait3A_312] : memref<2x8x512xf32, #tpu.memory_space<vmem>> -> memref<1x8x512xf32, #tpu.memory_space<vmem>>
      %dma_wait3A_314 = tpu.memref_squeeze %dma_wait3A_313 : memref<1x8x512xf32, #tpu.memory_space<vmem>> -> memref<8x512xf32, #tpu.memory_space<vmem>>
      %dma_wait3A_315 = arith.constant 0 : i32
      %dma_wait3A_316 = arith.constant 0 : i32
      %dma_wait3A_317 = tpu.memref_slice %arg2[%add3A_193, %dma_wait3A_315, %dma_wait3A_316] : memref<19x32x512xf32, #tpu.memory_space<hbm>> -> memref<1x8x512xf32, #tpu.memory_space<hbm>>
      %dma_wait3A_318 = tpu.memref_squeeze %dma_wait3A_317 : memref<1x8x512xf32, #tpu.memory_space<hbm>> -> memref<8x512xf32, #tpu.memory_space<hbm>>
      tpu.wait_dma2 semaphore(%arg8 : memref<!tpu.dma_semaphore, #tpu.memory_space<semaphore_mem>>) src(%dma_wait3A_318 : memref<8x512xf32, #tpu.memory_space<hbm>>) dst(%dma_wait3A_314 : memref<8x512xf32, #tpu.memory_space<vmem>>)
      %parallel_loop3A_319 = arith.constant 0 : i32
      %parallel_loop3A_320 = arith.constant 32 : i32
      %parallel_loop3A_321 = arith.constant 1 : i32
      scf.for %parallel_loop3A_384 = %parallel_loop3A_319 to %parallel_loop3A_320 step %parallel_loop3A_321  : i32 {
        %parallel_loop3A_385 = arith.constant 16 : i32
        %parallel_loop3A_386 = arith.muli %parallel_loop3A_384, %parallel_loop3A_385 : i32
        %parallel_loop3A_387 = arith.constant 0 : i32
        %parallel_loop3A_388 = arith.constant 0 : i32
        %parallel_loop3A_389 = arith.index_cast %parallel_loop3A_387 : i32 to index
        %parallel_loop3A_390 = arith.index_cast %parallel_loop3A_388 : i32 to index
        %parallel_loop3A_391 = arith.index_cast %parallel_loop3A_386 : i32 to index
        %parallel_loop3A_392 = tpu.vector_load %arg5[%parallel_loop3A_389, %parallel_loop3A_390, %parallel_loop3A_391] {strides = array<i32>} : memref<2x8x512xf32, #tpu.memory_space<vmem>>, vector<16xf32>,
        %parallel_loop3A_393 = arith.constant 0 : i32
        %parallel_loop3A_394 = arith.constant 1 : i32
        %parallel_loop3A_395 = arith.index_cast %parallel_loop3A_393 : i32 to index
        %parallel_loop3A_396 = arith.index_cast %parallel_loop3A_394 : i32 to index
        %parallel_loop3A_397 = arith.index_cast %parallel_loop3A_386 : i32 to index
        %parallel_loop3A_398 = tpu.vector_load %arg5[%parallel_loop3A_395, %parallel_loop3A_396, %parallel_loop3A_397] {strides = array<i32>} : memref<2x8x512xf32, #tpu.memory_space<vmem>>, vector<16xf32>,
        %parallel_loop3A_399 = arith.addf %parallel_loop3A_392, %parallel_loop3A_398 : vector<16xf32>
        %parallel_loop3A_400 = arith.constant 0 : i32
        %parallel_loop3A_401 = arith.constant 2 : i32
        %parallel_loop3A_402 = arith.index_cast %parallel_loop3A_400 : i32 to index
        %parallel_loop3A_403 = arith.index_cast %parallel_loop3A_401 : i32 to index
        %parallel_loop3A_404 = arith.index_cast %parallel_loop3A_386 : i32 to index
        %parallel_loop3A_405 = tpu.vector_load %arg5[%parallel_loop3A_402, %parallel_loop3A_403, %parallel_loop3A_404] {strides = array<i32>} : memref<2x8x512xf32, #tpu.memory_space<vmem>>, vector<16xf32>,
        %parallel_loop3A_406 = arith.addf %parallel_loop3A_399, %parallel_loop3A_405 : vector<16xf32>
        %parallel_loop3A_407 = arith.constant 0 : i32
        %parallel_loop3A_408 = arith.constant 3 : i32
        %parallel_loop3A_409 = arith.index_cast %parallel_loop3A_407 : i32 to index
        %parallel_loop3A_410 = arith.index_cast %parallel_loop3A_408 : i32 to index
        %parallel_loop3A_411 = arith.index_cast %parallel_loop3A_386 : i32 to index
        %parallel_loop3A_412 = tpu.vector_load %arg5[%parallel_loop3A_409, %parallel_loop3A_410, %parallel_loop3A_411] {strides = array<i32>} : memref<2x8x512xf32, #tpu.memory_space<vmem>>, vector<16xf32>,
        %parallel_loop3A_413 = arith.addf %parallel_loop3A_406, %parallel_loop3A_412 : vector<16xf32>
        %parallel_loop3A_414 = arith.constant 0 : i32
        %parallel_loop3A_415 = arith.constant 4 : i32
        %parallel_loop3A_416 = arith.index_cast %parallel_loop3A_414 : i32 to index
        %parallel_loop3A_417 = arith.index_cast %parallel_loop3A_415 : i32 to index
        %parallel_loop3A_418 = arith.index_cast %parallel_loop3A_386 : i32 to index
        %parallel_loop3A_419 = tpu.vector_load %arg5[%parallel_loop3A_416, %parallel_loop3A_417, %parallel_loop3A_418] {strides = array<i32>} : memref<2x8x512xf32, #tpu.memory_space<vmem>>, vector<16xf32>,
        %parallel_loop3A_420 = arith.addf %parallel_loop3A_413, %parallel_loop3A_419 : vector<16xf32>
        %parallel_loop3A_421 = arith.constant 0 : i32
        %parallel_loop3A_422 = arith.constant 5 : i32
        %parallel_loop3A_423 = arith.index_cast %parallel_loop3A_421 : i32 to index
        %parallel_loop3A_424 = arith.index_cast %parallel_loop3A_422 : i32 to index
        %parallel_loop3A_425 = arith.index_cast %parallel_loop3A_386 : i32 to index
        %parallel_loop3A_426 = tpu.vector_load %arg5[%parallel_loop3A_423, %parallel_loop3A_424, %parallel_loop3A_425] {strides = array<i32>} : memref<2x8x512xf32, #tpu.memory_space<vmem>>, vector<16xf32>,
        %parallel_loop3A_427 = arith.addf %parallel_loop3A_420, %parallel_loop3A_426 : vector<16xf32>
        %parallel_loop3A_428 = arith.constant 0 : i32
        %parallel_loop3A_429 = arith.constant 6 : i32
        %parallel_loop3A_430 = arith.index_cast %parallel_loop3A_428 : i32 to index
        %parallel_loop3A_431 = arith.index_cast %parallel_loop3A_429 : i32 to index
        %parallel_loop3A_432 = arith.index_cast %parallel_loop3A_386 : i32 to index
        %parallel_loop3A_433 = tpu.vector_load %arg5[%parallel_loop3A_430, %parallel_loop3A_431, %parallel_loop3A_432] {strides = array<i32>} : memref<2x8x512xf32, #tpu.memory_space<vmem>>, vector<16xf32>,
        %parallel_loop3A_434 = arith.addf %parallel_loop3A_427, %parallel_loop3A_433 : vector<16xf32>
        %parallel_loop3A_435 = arith.constant 0 : i32
        %parallel_loop3A_436 = arith.constant 7 : i32
        %parallel_loop3A_437 = arith.index_cast %parallel_loop3A_435 : i32 to index
        %parallel_loop3A_438 = arith.index_cast %parallel_loop3A_436 : i32 to index
        %parallel_loop3A_439 = arith.index_cast %parallel_loop3A_386 : i32 to index
        %parallel_loop3A_440 = tpu.vector_load %arg5[%parallel_loop3A_437, %parallel_loop3A_438, %parallel_loop3A_439] {strides = array<i32>} : memref<2x8x512xf32, #tpu.memory_space<vmem>>, vector<16xf32>,
        %parallel_loop3A_441 = arith.addf %parallel_loop3A_434, %parallel_loop3A_440 : vector<16xf32>
        %parallel_loop3A_442 = arith.index_cast %parallel_loop3A_386 : i32 to index
        %parallel_loop3A_443 = tpu.vector_load %arg4[%parallel_loop3A_442] {strides = array<i32>} : memref<512xf32, #tpu.memory_space<vmem>>, vector<16xf32>,
        %parallel_loop3A_444 = arith.addf %parallel_loop3A_443, %parallel_loop3A_441 : vector<16xf32>
        %parallel_loop3A_445 = arith.index_cast %parallel_loop3A_386 : i32 to index
        %parallel_loop3A_446 = tpu.vector_load %arg4[%parallel_loop3A_445] {strides = array<i32>} : memref<512xf32, #tpu.memory_space<vmem>>, vector<16xf32>,
        tpu.vector_store %arg4[%parallel_loop3A_445], %parallel_loop3A_444 {strides = array<i32>} : memref<512xf32, #tpu.memory_space<vmem>>, vector<16xf32>,
      } {sc.loop_unroll_factor = 4 : i64, sc.parallel_access}
      %dma_wait3A_322 = arith.constant 1 : i32
      %dma_wait3A_323 = arith.constant 0 : i32
      %dma_wait3A_324 = arith.constant 0 : i32
      %dma_wait3A_325 = tpu.memref_slice %arg5[%dma_wait3A_322, %dma_wait3A_323, %dma_wait3A_324] : memref<2x8x512xf32, #tpu.memory_space<vmem>> -> memref<1x8x512xf32, #tpu.memory_space<vmem>>
      %dma_wait3A_326 = tpu.memref_squeeze %dma_wait3A_325 : memref<1x8x512xf32, #tpu.memory_space<vmem>> -> memref<8x512xf32, #tpu.memory_space<vmem>>
      %dma_wait3A_327 = arith.constant 0 : i32
      %dma_wait3A_328 = arith.constant 0 : i32
      %dma_wait3A_329 = tpu.memref_slice %arg2[%add3A_193, %dma_wait3A_327, %dma_wait3A_328] : memref<19x32x512xf32, #tpu.memory_space<hbm>> -> memref<1x8x512xf32, #tpu.memory_space<hbm>>
      %dma_wait3A_330 = tpu.memref_squeeze %dma_wait3A_329 : memref<1x8x512xf32, #tpu.memory_space<hbm>> -> memref<8x512xf32, #tpu.memory_space<hbm>>
      %dma_wait3A_331 = arith.constant 0 : i32
      %dma_wait3A_332 = arith.constant 0 : i32
      %dma_wait3A_333 = tpu.memref_slice %arg5[%dma_wait3A_322, %dma_wait3A_331, %dma_wait3A_332] : memref<2x8x512xf32, #tpu.memory_space<vmem>> -> memref<1x8x512xf32, #tpu.memory_space<vmem>>
      %dma_wait3A_334 = tpu.memref_squeeze %dma_wait3A_333 : memref<1x8x512xf32, #tpu.memory_space<vmem>> -> memref<8x512xf32, #tpu.memory_space<vmem>>
      %dma_wait3A_335 = arith.constant 0 : i32
      %dma_wait3A_336 = arith.constant 0 : i32
      %dma_wait3A_337 = tpu.memref_slice %arg2[%add3A_193, %dma_wait3A_335, %dma_wait3A_336] : memref<19x32x512xf32, #tpu.memory_space<hbm>> -> memref<1x8x512xf32, #tpu.memory_space<hbm>>
      %dma_wait3A_338 = tpu.memref_squeeze %dma_wait3A_337 : memref<1x8x512xf32, #tpu.memory_space<hbm>> -> memref<8x512xf32, #tpu.memory_space<hbm>>
      tpu.wait_dma2 semaphore(%arg9 : memref<!tpu.dma_semaphore, #tpu.memory_space<semaphore_mem>>) src(%dma_wait3A_338 : memref<8x512xf32, #tpu.memory_space<hbm>>) dst(%dma_wait3A_334 : memref<8x512xf32, #tpu.memory_space<vmem>>)
      %parallel_loop3A_339 = arith.constant 0 : i32
      %parallel_loop3A_340 = arith.constant 32 : i32
      %parallel_loop3A_341 = arith.constant 1 : i32
      scf.for %parallel_loop3A_384 = %parallel_loop3A_339 to %parallel_loop3A_340 step %parallel_loop3A_341  : i32 {
        %parallel_loop3A_385 = arith.constant 16 : i32
        %parallel_loop3A_386 = arith.muli %parallel_loop3A_384, %parallel_loop3A_385 : i32
        %parallel_loop3A_387 = arith.constant 1 : i32
        %parallel_loop3A_388 = arith.constant 0 : i32
        %parallel_loop3A_389 = arith.index_cast %parallel_loop3A_387 : i32 to index
        %parallel_loop3A_390 = arith.index_cast %parallel_loop3A_388 : i32 to index
        %parallel_loop3A_391 = arith.index_cast %parallel_loop3A_386 : i32 to index
        %parallel_loop3A_392 = tpu.vector_load %arg5[%parallel_loop3A_389, %parallel_loop3A_390, %parallel_loop3A_391] {strides = array<i32>} : memref<2x8x512xf32, #tpu.memory_space<vmem>>, vector<16xf32>,
        %parallel_loop3A_393 = arith.constant 1 : i32
        %parallel_loop3A_394 = arith.constant 1 : i32
        %parallel_loop3A_395 = arith.index_cast %parallel_loop3A_393 : i32 to index
        %parallel_loop3A_396 = arith.index_cast %parallel_loop3A_394 : i32 to index
        %parallel_loop3A_397 = arith.index_cast %parallel_loop3A_386 : i32 to index
        %parallel_loop3A_398 = tpu.vector_load %arg5[%parallel_loop3A_395, %parallel_loop3A_396, %parallel_loop3A_397] {strides = array<i32>} : memref<2x8x512xf32, #tpu.memory_space<vmem>>, vector<16xf32>,
        %parallel_loop3A_399 = arith.addf %parallel_loop3A_392, %parallel_loop3A_398 : vector<16xf32>
        %parallel_loop3A_400 = arith.constant 1 : i32
        %parallel_loop3A_401 = arith.constant 2 : i32
        %parallel_loop3A_402 = arith.index_cast %parallel_loop3A_400 : i32 to index
        %parallel_loop3A_403 = arith.index_cast %parallel_loop3A_401 : i32 to index
        %parallel_loop3A_404 = arith.index_cast %parallel_loop3A_386 : i32 to index
        %parallel_loop3A_405 = tpu.vector_load %arg5[%parallel_loop3A_402, %parallel_loop3A_403, %parallel_loop3A_404] {strides = array<i32>} : memref<2x8x512xf32, #tpu.memory_space<vmem>>, vector<16xf32>,
        %parallel_loop3A_406 = arith.addf %parallel_loop3A_399, %parallel_loop3A_405 : vector<16xf32>
        %parallel_loop3A_407 = arith.constant 1 : i32
        %parallel_loop3A_408 = arith.constant 3 : i32
        %parallel_loop3A_409 = arith.index_cast %parallel_loop3A_407 : i32 to index
        %parallel_loop3A_410 = arith.index_cast %parallel_loop3A_408 : i32 to index
        %parallel_loop3A_411 = arith.index_cast %parallel_loop3A_386 : i32 to index
        %parallel_loop3A_412 = tpu.vector_load %arg5[%parallel_loop3A_409, %parallel_loop3A_410, %parallel_loop3A_411] {strides = array<i32>} : memref<2x8x512xf32, #tpu.memory_space<vmem>>, vector<16xf32>,
        %parallel_loop3A_413 = arith.addf %parallel_loop3A_406, %parallel_loop3A_412 : vector<16xf32>
        %parallel_loop3A_414 = arith.constant 1 : i32
        %parallel_loop3A_415 = arith.constant 4 : i32
        %parallel_loop3A_416 = arith.index_cast %parallel_loop3A_414 : i32 to index
        %parallel_loop3A_417 = arith.index_cast %parallel_loop3A_415 : i32 to index
        %parallel_loop3A_418 = arith.index_cast %parallel_loop3A_386 : i32 to index
        %parallel_loop3A_419 = tpu.vector_load %arg5[%parallel_loop3A_416, %parallel_loop3A_417, %parallel_loop3A_418] {strides = array<i32>} : memref<2x8x512xf32, #tpu.memory_space<vmem>>, vector<16xf32>,
        %parallel_loop3A_420 = arith.addf %parallel_loop3A_413, %parallel_loop3A_419 : vector<16xf32>
        %parallel_loop3A_421 = arith.constant 1 : i32
        %parallel_loop3A_422 = arith.constant 5 : i32
        %parallel_loop3A_423 = arith.index_cast %parallel_loop3A_421 : i32 to index
        %parallel_loop3A_424 = arith.index_cast %parallel_loop3A_422 : i32 to index
        %parallel_loop3A_425 = arith.index_cast %parallel_loop3A_386 : i32 to index
        %parallel_loop3A_426 = tpu.vector_load %arg5[%parallel_loop3A_423, %parallel_loop3A_424, %parallel_loop3A_425] {strides = array<i32>} : memref<2x8x512xf32, #tpu.memory_space<vmem>>, vector<16xf32>,
        %parallel_loop3A_427 = arith.addf %parallel_loop3A_420, %parallel_loop3A_426 : vector<16xf32>
        %parallel_loop3A_428 = arith.constant 1 : i32
        %parallel_loop3A_429 = arith.constant 6 : i32
        %parallel_loop3A_430 = arith.index_cast %parallel_loop3A_428 : i32 to index
        %parallel_loop3A_431 = arith.index_cast %parallel_loop3A_429 : i32 to index
        %parallel_loop3A_432 = arith.index_cast %parallel_loop3A_386 : i32 to index
        %parallel_loop3A_433 = tpu.vector_load %arg5[%parallel_loop3A_430, %parallel_loop3A_431, %parallel_loop3A_432] {strides = array<i32>} : memref<2x8x512xf32, #tpu.memory_space<vmem>>, vector<16xf32>,
        %parallel_loop3A_434 = arith.addf %parallel_loop3A_427, %parallel_loop3A_433 : vector<16xf32>
        %parallel_loop3A_435 = arith.constant 1 : i32
        %parallel_loop3A_436 = arith.constant 7 : i32
        %parallel_loop3A_437 = arith.index_cast %parallel_loop3A_435 : i32 to index
        %parallel_loop3A_438 = arith.index_cast %parallel_loop3A_436 : i32 to index
        %parallel_loop3A_439 = arith.index_cast %parallel_loop3A_386 : i32 to index
        %parallel_loop3A_440 = tpu.vector_load %arg5[%parallel_loop3A_437, %parallel_loop3A_438, %parallel_loop3A_439] {strides = array<i32>} : memref<2x8x512xf32, #tpu.memory_space<vmem>>, vector<16xf32>,
        %parallel_loop3A_441 = arith.addf %parallel_loop3A_434, %parallel_loop3A_440 : vector<16xf32>
        %parallel_loop3A_442 = arith.index_cast %parallel_loop3A_386 : i32 to index
        %parallel_loop3A_443 = tpu.vector_load %arg4[%parallel_loop3A_442] {strides = array<i32>} : memref<512xf32, #tpu.memory_space<vmem>>, vector<16xf32>,
        %parallel_loop3A_444 = arith.addf %parallel_loop3A_443, %parallel_loop3A_441 : vector<16xf32>
        %parallel_loop3A_445 = arith.index_cast %parallel_loop3A_386 : i32 to index
        %parallel_loop3A_446 = tpu.vector_load %arg4[%parallel_loop3A_445] {strides = array<i32>} : memref<512xf32, #tpu.memory_space<vmem>>, vector<16xf32>,
        tpu.vector_store %arg4[%parallel_loop3A_445], %parallel_loop3A_444 {strides = array<i32>} : memref<512xf32, #tpu.memory_space<vmem>>, vector<16xf32>,
      } {sc.loop_unroll_factor = 4 : i64, sc.parallel_access}
      %scan3A_342 = arith.constant 0 : i32
      %scan3A_343 = arith.constant 16 : i32
      %scan3A_344 = arith.addi %scan3A_342, %scan3A_343 : i32
      %scan3A_345 = arith.constant 4 : i32
      %scan3A_346:2 = scf.for %scan3A_384 = %scan3A_342 to %scan3A_344 step %scan3A_345 iter_args(%scan3A_385 = %broadcast_in_dim3A_0, %scan3A_386 = %broadcast_in_dim3A_0) -> (vector<16xf32>, vector<16xf32>)  : i32 {
        %mul3A = arith.constant 16 : i32
        %mul3A_387 = arith.muli %scan3A_384, %mul3A : i32
        %get3A = arith.index_cast %mul3A_387 : i32 to index
        %get3A_388 = tpu.vector_load %arg4[%get3A] {strides = array<i32>} : memref<512xf32, #tpu.memory_space<vmem>>, vector<16xf32>,
        %add3A_389 = arith.addf %scan3A_385, %get3A_388 : vector<16xf32>
        %mul3A_390 = arith.constant 16 : i32
        %mul3A_391 = arith.muli %scan3A_384, %mul3A_390 : i32
        %add3A_392 = arith.constant 256 : i32
        %add3A_393 = arith.addi %add3A_392, %mul3A_391 : i32
        %get3A_394 = arith.index_cast %add3A_393 : i32 to index
        %get3A_395 = tpu.vector_load %arg4[%get3A_394] {strides = array<i32>} : memref<512xf32, #tpu.memory_space<vmem>>, vector<16xf32>,
        %add3A_396 = arith.addf %scan3A_386, %get3A_395 : vector<16xf32>
        %scan3A_397 = arith.constant 1 : i32
        %scan3A_398 = arith.addi %scan3A_384, %scan3A_397 : i32
        %mul3A_399 = arith.constant 16 : i32
        %mul3A_400 = arith.muli %scan3A_398, %mul3A_399 : i32
        %get3A_401 = arith.index_cast %mul3A_400 : i32 to index
        %get3A_402 = tpu.vector_load %arg4[%get3A_401] {strides = array<i32>} : memref<512xf32, #tpu.memory_space<vmem>>, vector<16xf32>,
        %add3A_403 = arith.addf %add3A_389, %get3A_402 : vector<16xf32>
        %mul3A_404 = arith.constant 16 : i32
        %mul3A_405 = arith.muli %scan3A_398, %mul3A_404 : i32
        %add3A_406 = arith.constant 256 : i32
        %add3A_407 = arith.addi %add3A_406, %mul3A_405 : i32
        %get3A_408 = arith.index_cast %add3A_407 : i32 to index
        %get3A_409 = tpu.vector_load %arg4[%get3A_408] {strides = array<i32>} : memref<512xf32, #tpu.memory_space<vmem>>, vector<16xf32>,
        %add3A_410 = arith.addf %add3A_396, %get3A_409 : vector<16xf32>
        %scan3A_411 = arith.constant 2 : i32
        %scan3A_412 = arith.addi %scan3A_384, %scan3A_411 : i32
        %mul3A_413 = arith.constant 16 : i32
        %mul3A_414 = arith.muli %scan3A_412, %mul3A_413 : i32
        %get3A_415 = arith.index_cast %mul3A_414 : i32 to index
        %get3A_416 = tpu.vector_load %arg4[%get3A_415] {strides = array<i32>} : memref<512xf32, #tpu.memory_space<vmem>>, vector<16xf32>,
        %add3A_417 = arith.addf %add3A_403, %get3A_416 : vector<16xf32>
        %mul3A_418 = arith.constant 16 : i32
        %mul3A_419 = arith.muli %scan3A_412, %mul3A_418 : i32
        %add3A_420 = arith.constant 256 : i32
        %add3A_421 = arith.addi %add3A_420, %mul3A_419 : i32
        %get3A_422 = arith.index_cast %add3A_421 : i32 to index
        %get3A_423 = tpu.vector_load %arg4[%get3A_422] {strides = array<i32>} : memref<512xf32, #tpu.memory_space<vmem>>, vector<16xf32>,
        %add3A_424 = arith.addf %add3A_410, %get3A_423 : vector<16xf32>
        %scan3A_425 = arith.constant 3 : i32
        %scan3A_426 = arith.addi %scan3A_384, %scan3A_425 : i32
        %mul3A_427 = arith.constant 16 : i32
        %mul3A_428 = arith.muli %scan3A_426, %mul3A_427 : i32
        %get3A_429 = arith.index_cast %mul3A_428 : i32 to index
        %get3A_430 = tpu.vector_load %arg4[%get3A_429] {strides = array<i32>} : memref<512xf32, #tpu.memory_space<vmem>>, vector<16xf32>,
        %add3A_431 = arith.addf %add3A_417, %get3A_430 : vector<16xf32>
        %mul3A_432 = arith.constant 16 : i32
        %mul3A_433 = arith.muli %scan3A_426, %mul3A_432 : i32
        %add3A_434 = arith.constant 256 : i32
        %add3A_435 = arith.addi %add3A_434, %mul3A_433 : i32
        %get3A_436 = arith.index_cast %add3A_435 : i32 to index
        %get3A_437 = tpu.vector_load %arg4[%get3A_436] {strides = array<i32>} : memref<512xf32, #tpu.memory_space<vmem>>, vector<16xf32>,
        %add3A_438 = arith.addf %add3A_424, %get3A_437 : vector<16xf32>
        scf.yield %add3A_431, %add3A_438 : vector<16xf32>, vector<16xf32>
      }
      %scan3A_347 = arith.constant 16 : i32
      %reduce_sum3A_348 = arith.constant true
      %reduce_sum3A_349 = vector.broadcast %reduce_sum3A_348 : i1 to vector<16xi1>
      %reduce_sum3A_350 = tpu.scan <sum>, %scan3A_346#0 masked %reduce_sum3A_349 : vector<16xf32>, vector<16xi1> -> vector<16xf32>
      %reduce_sum3A_351 = vector.extract %reduce_sum3A_350[15] : f32 from vector<16xf32>
      %reduce_sum3A_352 = arith.constant true
      %reduce_sum3A_353 = vector.broadcast %reduce_sum3A_352 : i1 to vector<16xi1>
      %reduce_sum3A_354 = tpu.scan <sum>, %scan3A_346#1 masked %reduce_sum3A_353 : vector<16xf32>, vector<16xi1> -> vector<16xf32>
      %reduce_sum3A_355 = vector.extract %reduce_sum3A_354[15] : f32 from vector<16xf32>
      %scan3A_356 = arith.constant 0 : i32
      %scan3A_357 = arith.constant 16 : i32
      %scan3A_358 = arith.addi %scan3A_356, %scan3A_357 : i32
      %scan3A_359 = arith.constant 2 : i32
      %scan3A_360:3 = scf.for %scan3A_384 = %scan3A_356 to %scan3A_358 step %scan3A_359 iter_args(%scan3A_385 = %broadcast_in_dim3A_0, %scan3A_386 = %broadcast_in_dim3A_0, %scan3A_387 = %broadcast_in_dim3A_0) -> (vector<16xf32>, vector<16xf32>, vector<16xf32>)  : i32 {
        %mul3A = arith.constant 16 : i32
        %mul3A_388 = arith.muli %scan3A_384, %mul3A : i32
        %get3A = arith.index_cast %mul3A_388 : i32 to index
        %get3A_389 = tpu.vector_load %arg4[%get3A] {strides = array<i32>} : memref<512xf32, #tpu.memory_space<vmem>>, vector<16xf32>,
        %mul3A_390 = arith.constant 16 : i32
        %mul3A_391 = arith.muli %scan3A_384, %mul3A_390 : i32
        %add3A_392 = arith.constant 256 : i32
        %add3A_393 = arith.addi %add3A_392, %mul3A_391 : i32
        %get3A_394 = arith.index_cast %add3A_393 : i32 to index
        %get3A_395 = tpu.vector_load %arg4[%get3A_394] {strides = array<i32>} : memref<512xf32, #tpu.memory_space<vmem>>, vector<16xf32>,
        %broadcast_in_dim3A_396 = arith.constant true
        %broadcast_in_dim3A_397 = vector.broadcast %broadcast_in_dim3A_396 : i1 to vector<16xi1>
        %masked_cumsum3A = tpu.scan <sum>, %get3A_389 masked %broadcast_in_dim3A_397 : vector<16xf32>, vector<16xi1> -> vector<16xf32>
        %add3A_398 = arith.addf %masked_cumsum3A, %scan3A_385 : vector<16xf32>
        %broadcast_in_dim3A_399 = arith.constant true
        %broadcast_in_dim3A_400 = vector.broadcast %broadcast_in_dim3A_399 : i1 to vector<16xi1>
        %masked_cumsum3A_401 = tpu.scan <sum>, %get3A_395 masked %broadcast_in_dim3A_400 : vector<16xf32>, vector<16xi1> -> vector<16xf32>
        %add3A_402 = arith.addf %masked_cumsum3A_401, %scan3A_386 : vector<16xf32>
        %sub3A = vector.broadcast %reduce_sum3A_351 : f32 to vector<16xf32>
        %sub3A_403 = arith.subf %sub3A, %add3A_398 : vector<16xf32>
        %add3A_404 = vector.broadcast %reduce_sum3A_355 : f32 to vector<16xf32>
        %add3A_405 = arith.addf %add3A_404, %sub3A_403 : vector<16xf32>
        %add3A_406 = arith.addf %add3A_405, %get3A_389 : vector<16xf32>
        %max3A = arith.constant 1.000000e+00 : f32
        %max3A_407 = vector.broadcast %max3A : f32 to vector<16xf32>
        %max3A_408 = arith.maximumf %add3A_405, %max3A_407 : vector<16xf32>
        %div3A = arith.constant 1.000000e+00 : f32
        %div3A_409 = vector.broadcast %div3A : f32 to vector<16xf32>
        %div3A_410 = arith.divf %div3A_409, %max3A_408 : vector<16xf32>
        %max3A_411 = arith.constant 1.000000e+00 : f32
        %max3A_412 = vector.broadcast %max3A_411 : f32 to vector<16xf32>
        %max3A_413 = arith.maximumf %add3A_406, %max3A_412 : vector<16xf32>
        %div3A_414 = arith.constant 1.000000e+00 : f32
        %div3A_415 = vector.broadcast %div3A_414 : f32 to vector<16xf32>
        %div3A_416 = arith.divf %div3A_415, %max3A_413 : vector<16xf32>
        %broadcast_in_dim3A_417 = arith.constant 0 : i32
        %broadcast_in_dim3A_418 = vector.broadcast %broadcast_in_dim3A_417 : i32 to vector<16xi32>
        %add3A_419 = vector.broadcast %scan3A_384 : i32 to vector<16xi32>
        %add3A_420 = arith.addi %broadcast_in_dim3A_418, %add3A_419 : vector<16xi32>
        %mul3A_421 = arith.constant 16 : i32
        %mul3A_422 = vector.broadcast %mul3A_421 : i32 to vector<16xi32>
        %mul3A_423 = arith.muli %add3A_420, %mul3A_422 : vector<16xi32>
        %add3A_424 = arith.addi %mul3A_423, %iota3A : vector<16xi32>
        %convert_element_type3A_425 = arith.sitofp %add3A_424 : vector<16xi32> to vector<16xf32>
        %add3A_426 = arith.constant 5.000000e-01 : f32
        %add3A_427 = vector.broadcast %add3A_426 : f32 to vector<16xf32>
        %add3A_428 = arith.addf %convert_element_type3A_425, %add3A_427 : vector<16xf32>
        %mul3A_429 = arith.constant 3.906250e-03 : f32
        %mul3A_430 = vector.broadcast %mul3A_429 : f32 to vector<16xf32>
        %mul3A_431 = arith.mulf %add3A_428, %mul3A_430 : vector<16xf32>
        %mul3A_432 = arith.mulf %get3A_395, %div3A_410 : vector<16xf32>
        %sub3A_433 = arith.subf %add3A_402, %get3A_395 : vector<16xf32>
        %sub3A_434 = arith.subf %div3A_410, %div3A_416 : vector<16xf32>
        %mul3A_435 = arith.mulf %sub3A_433, %sub3A_434 : vector<16xf32>
        %add3A_436 = arith.addf %mul3A_432, %mul3A_435 : vector<16xf32>
        %mul3A_437 = arith.mulf %mul3A_431, %add3A_436 : vector<16xf32>
        %reduce_sum3A_438 = arith.constant true
        %reduce_sum3A_439 = vector.broadcast %reduce_sum3A_438 : i1 to vector<16xi1>
        %reduce_sum3A_440 = tpu.scan <sum>, %get3A_389 masked %reduce_sum3A_439 : vector<16xf32>, vector<16xi1> -> vector<16xf32>
        %reduce_sum3A_441 = vector.extract %reduce_sum3A_440[15] : f32 from vector<16xf32>
        %add3A_442 = vector.broadcast %reduce_sum3A_441 : f32 to vector<16xf32>
        %add3A_443 = arith.addf %scan3A_385, %add3A_442 : vector<16xf32>
        %reduce_sum3A_444 = arith.constant true
        %reduce_sum3A_445 = vector.broadcast %reduce_sum3A_444 : i1 to vector<16xi1>
        %reduce_sum3A_446 = tpu.scan <sum>, %get3A_395 masked %reduce_sum3A_445 : vector<16xf32>, vector<16xi1> -> vector<16xf32>
        %reduce_sum3A_447 = vector.extract %reduce_sum3A_446[15] : f32 from vector<16xf32>
        %add3A_448 = vector.broadcast %reduce_sum3A_447 : f32 to vector<16xf32>
        %add3A_449 = arith.addf %scan3A_386, %add3A_448 : vector<16xf32>
        %add3A_450 = arith.addf %scan3A_387, %mul3A_437 : vector<16xf32>
        %scan3A_451 = arith.constant 1 : i32
        %scan3A_452 = arith.addi %scan3A_384, %scan3A_451 : i32
        %mul3A_453 = arith.constant 16 : i32
        %mul3A_454 = arith.muli %scan3A_452, %mul3A_453 : i32
        %get3A_455 = arith.index_cast %mul3A_454 : i32 to index
        %get3A_456 = tpu.vector_load %arg4[%get3A_455] {strides = array<i32>} : memref<512xf32, #tpu.memory_space<vmem>>, vector<16xf32>,
        %mul3A_457 = arith.constant 16 : i32
        %mul3A_458 = arith.muli %scan3A_452, %mul3A_457 : i32
        %add3A_459 = arith.constant 256 : i32
        %add3A_460 = arith.addi %add3A_459, %mul3A_458 : i32
        %get3A_461 = arith.index_cast %add3A_460 : i32 to index
        %get3A_462 = tpu.vector_load %arg4[%get3A_461] {strides = array<i32>} : memref<512xf32, #tpu.memory_space<vmem>>, vector<16xf32>,
        %broadcast_in_dim3A_463 = arith.constant true
        %broadcast_in_dim3A_464 = vector.broadcast %broadcast_in_dim3A_463 : i1 to vector<16xi1>
        %masked_cumsum3A_465 = tpu.scan <sum>, %get3A_456 masked %broadcast_in_dim3A_464 : vector<16xf32>, vector<16xi1> -> vector<16xf32>
        %add3A_466 = arith.addf %masked_cumsum3A_465, %add3A_443 : vector<16xf32>
        %broadcast_in_dim3A_467 = arith.constant true
        %broadcast_in_dim3A_468 = vector.broadcast %broadcast_in_dim3A_467 : i1 to vector<16xi1>
        %masked_cumsum3A_469 = tpu.scan <sum>, %get3A_462 masked %broadcast_in_dim3A_468 : vector<16xf32>, vector<16xi1> -> vector<16xf32>
        %add3A_470 = arith.addf %masked_cumsum3A_469, %add3A_449 : vector<16xf32>
        %sub3A_471 = vector.broadcast %reduce_sum3A_351 : f32 to vector<16xf32>
        %sub3A_472 = arith.subf %sub3A_471, %add3A_466 : vector<16xf32>
        %add3A_473 = vector.broadcast %reduce_sum3A_355 : f32 to vector<16xf32>
        %add3A_474 = arith.addf %add3A_473, %sub3A_472 : vector<16xf32>
        %add3A_475 = arith.addf %add3A_474, %get3A_456 : vector<16xf32>
        %max3A_476 = arith.constant 1.000000e+00 : f32
        %max3A_477 = vector.broadcast %max3A_476 : f32 to vector<16xf32>
        %max3A_478 = arith.maximumf %add3A_474, %max3A_477 : vector<16xf32>
        %div3A_479 = arith.constant 1.000000e+00 : f32
        %div3A_480 = vector.broadcast %div3A_479 : f32 to vector<16xf32>
        %div3A_481 = arith.divf %div3A_480, %max3A_478 : vector<16xf32>
        %max3A_482 = arith.constant 1.000000e+00 : f32
        %max3A_483 = vector.broadcast %max3A_482 : f32 to vector<16xf32>
        %max3A_484 = arith.maximumf %add3A_475, %max3A_483 : vector<16xf32>
        %div3A_485 = arith.constant 1.000000e+00 : f32
        %div3A_486 = vector.broadcast %div3A_485 : f32 to vector<16xf32>
        %div3A_487 = arith.divf %div3A_486, %max3A_484 : vector<16xf32>
        %broadcast_in_dim3A_488 = arith.constant 0 : i32
        %broadcast_in_dim3A_489 = vector.broadcast %broadcast_in_dim3A_488 : i32 to vector<16xi32>
        %add3A_490 = vector.broadcast %scan3A_452 : i32 to vector<16xi32>
        %add3A_491 = arith.addi %broadcast_in_dim3A_489, %add3A_490 : vector<16xi32>
        %mul3A_492 = arith.constant 16 : i32
        %mul3A_493 = vector.broadcast %mul3A_492 : i32 to vector<16xi32>
        %mul3A_494 = arith.muli %add3A_491, %mul3A_493 : vector<16xi32>
        %add3A_495 = arith.addi %mul3A_494, %iota3A : vector<16xi32>
        %convert_element_type3A_496 = arith.sitofp %add3A_495 : vector<16xi32> to vector<16xf32>
        %add3A_497 = arith.constant 5.000000e-01 : f32
        %add3A_498 = vector.broadcast %add3A_497 : f32 to vector<16xf32>
        %add3A_499 = arith.addf %convert_element_type3A_496, %add3A_498 : vector<16xf32>
        %mul3A_500 = arith.constant 3.906250e-03 : f32
        %mul3A_501 = vector.broadcast %mul3A_500 : f32 to vector<16xf32>
        %mul3A_502 = arith.mulf %add3A_499, %mul3A_501 : vector<16xf32>
        %mul3A_503 = arith.mulf %get3A_462, %div3A_481 : vector<16xf32>
        %sub3A_504 = arith.subf %add3A_470, %get3A_462 : vector<16xf32>
        %sub3A_505 = arith.subf %div3A_481, %div3A_487 : vector<16xf32>
        %mul3A_506 = arith.mulf %sub3A_504, %sub3A_505 : vector<16xf32>
        %add3A_507 = arith.addf %mul3A_503, %mul3A_506 : vector<16xf32>
        %mul3A_508 = arith.mulf %mul3A_502, %add3A_507 : vector<16xf32>
        %reduce_sum3A_509 = arith.constant true
        %reduce_sum3A_510 = vector.broadcast %reduce_sum3A_509 : i1 to vector<16xi1>
        %reduce_sum3A_511 = tpu.scan <sum>, %get3A_456 masked %reduce_sum3A_510 : vector<16xf32>, vector<16xi1> -> vector<16xf32>
        %reduce_sum3A_512 = vector.extract %reduce_sum3A_511[15] : f32 from vector<16xf32>
        %add3A_513 = vector.broadcast %reduce_sum3A_512 : f32 to vector<16xf32>
        %add3A_514 = arith.addf %add3A_443, %add3A_513 : vector<16xf32>
        %reduce_sum3A_515 = arith.constant true
        %reduce_sum3A_516 = vector.broadcast %reduce_sum3A_515 : i1 to vector<16xi1>
        %reduce_sum3A_517 = tpu.scan <sum>, %get3A_462 masked %reduce_sum3A_516 : vector<16xf32>, vector<16xi1> -> vector<16xf32>
        %reduce_sum3A_518 = vector.extract %reduce_sum3A_517[15] : f32 from vector<16xf32>
        %add3A_519 = vector.broadcast %reduce_sum3A_518 : f32 to vector<16xf32>
        %add3A_520 = arith.addf %add3A_449, %add3A_519 : vector<16xf32>
        %add3A_521 = arith.addf %add3A_450, %mul3A_508 : vector<16xf32>
        scf.yield %add3A_514, %add3A_520, %add3A_521 : vector<16xf32>, vector<16xf32>, vector<16xf32>
      }
      %scan3A_361 = arith.constant 16 : i32
      %reduce_sum3A_362 = arith.constant true
      %reduce_sum3A_363 = vector.broadcast %reduce_sum3A_362 : i1 to vector<16xi1>
      %reduce_sum3A_364 = tpu.scan <sum>, %scan3A_360#2 masked %reduce_sum3A_363 : vector<16xf32>, vector<16xi1> -> vector<16xf32>
      %reduce_sum3A_365 = vector.extract %reduce_sum3A_364[15] : f32 from vector<16xf32>
      %add3A_366 = vector.broadcast %reduce_sum3A_355 : f32 to vector<16xf32>
      %add3A_367 = arith.addf %broadcast_in_dim3A_0, %add3A_366 : vector<16xf32>
      %gt3A_368 = arith.constant 0.000000e+00 : f32
      %gt3A_369 = vector.broadcast %gt3A_368 : f32 to vector<16xf32>
      %gt3A_370 = arith.cmpf ogt, %add3A_367, %gt3A_369 : vector<16xf32>
      %select_n3A_371 = arith.select %gt3A_370, %broadcast_in_dim3A_2, %broadcast_in_dim3A_0 : vector<16xi1>, vector<16xf32>
      %eq3A_372 = arith.constant 0 : i32
      %eq3A_373 = vector.broadcast %eq3A_372 : i32 to vector<16xi32>
      %eq3A_374 = arith.cmpi eq, %iota3A, %eq3A_373 : vector<16xi32>
      %add3A_375 = vector.broadcast %reduce_sum3A_365 : f32 to vector<16xf32>
      %add3A_376 = arith.addf %broadcast_in_dim3A_0, %add3A_375 : vector<16xf32>
      %eq3A_377 = arith.constant 1 : i32
      %eq3A_378 = vector.broadcast %eq3A_377 : i32 to vector<16xi32>
      %eq3A_379 = arith.cmpi eq, %iota3A, %eq3A_378 : vector<16xi32>
      %select_n3A_380 = arith.select %eq3A_379, %select_n3A_371, %broadcast_in_dim3A_0 : vector<16xi1>, vector<16xf32>
      %select_n3A_381 = arith.select %eq3A_374, %add3A_376, %select_n3A_380 : vector<16xi1>, vector<16xf32>
      %swap3A_382 = arith.constant 0 : index
      %swap3A_383 = tpu.vector_load %arg6[%swap3A_382] {strides = array<i32>} : memref<16xf32, #tpu.memory_space<vmem>>, vector<16xf32>,
      tpu.vector_store %arg6[%swap3A_382], %select_n3A_381 {strides = array<i32>} : memref<16xf32, #tpu.memory_space<vmem>>, vector<16xf32>,
      "tpu.region"() ({
        %run_scoped3A = tpu.sem_alloc : memref<!tpu.dma_semaphore, #tpu.memory_space<semaphore_mem>>
        %dma_start3A_384 = arith.constant 0 : i32
        %dma_start3A_385 = tpu.memref_slice %arg7[%add3A_193, %dma_start3A_384] : memref<19x16xf32, #tpu.memory_space<vmem_shared>> -> memref<1x16xf32, #tpu.memory_space<vmem_shared>>
        %dma_start3A_386 = tpu.memref_squeeze %dma_start3A_385 : memref<1x16xf32, #tpu.memory_space<vmem_shared>> -> memref<16xf32, #tpu.memory_space<vmem_shared>>
        %dma_start3A_387 = arith.constant 0 : i32
        %dma_start3A_388 = tpu.memref_slice %arg7[%add3A_193, %dma_start3A_387] : memref<19x16xf32, #tpu.memory_space<vmem_shared>> -> memref<1x16xf32, #tpu.memory_space<vmem_shared>>
        %dma_start3A_389 = tpu.memref_squeeze %dma_start3A_388 : memref<1x16xf32, #tpu.memory_space<vmem_shared>> -> memref<16xf32, #tpu.memory_space<vmem_shared>>
        tpu.enqueue_dma source(%arg6 : memref<16xf32, #tpu.memory_space<vmem>>) target(%dma_start3A_389 : memref<16xf32, #tpu.memory_space<vmem_shared>>) target_semaphore(%run_scoped3A : memref<!tpu.dma_semaphore, #tpu.memory_space<semaphore_mem>>)
        %dma_wait3A_390 = arith.constant 0 : i32
        %dma_wait3A_391 = tpu.memref_slice %arg7[%add3A_193, %dma_wait3A_390] : memref<19x16xf32, #tpu.memory_space<vmem_shared>> -> memref<1x16xf32, #tpu.memory_space<vmem_shared>>
        %dma_wait3A_392 = tpu.memref_squeeze %dma_wait3A_391 : memref<1x16xf32, #tpu.memory_space<vmem_shared>> -> memref<16xf32, #tpu.memory_space<vmem_shared>>
        %dma_wait3A_393 = arith.constant 0 : i32
        %dma_wait3A_394 = tpu.memref_slice %arg7[%add3A_193, %dma_wait3A_393] : memref<19x16xf32, #tpu.memory_space<vmem_shared>> -> memref<1x16xf32, #tpu.memory_space<vmem_shared>>
        %dma_wait3A_395 = tpu.memref_squeeze %dma_wait3A_394 : memref<1x16xf32, #tpu.memory_space<vmem_shared>> -> memref<16xf32, #tpu.memory_space<vmem_shared>>
        tpu.wait_dma2 semaphore(%run_scoped3A : memref<!tpu.dma_semaphore, #tpu.memory_space<semaphore_mem>>) src(%arg6 : memref<16xf32, #tpu.memory_space<vmem>>) dst(%dma_wait3A_395 : memref<16xf32, #tpu.memory_space<vmem_shared>>)
        tpu.yield
      }) : () -> ()
    } else {
    }
    %barrier3A = arith.constant 0 : index
    tpu.barrier barrier_id(%barrier3A)
    %eq3A_185 = arith.constant 0 : i32
    %eq3A_186 = arith.cmpi eq, %arg0, %eq3A_185 : i32
    %eq3A_187 = arith.constant 0 : i32
    %eq3A_188 = arith.cmpi eq, %arg1, %eq3A_187 : i32
    %and3A = arith.andi %eq3A_186, %eq3A_188 : i1
    %convert_element_type3A_189 = arith.extui %and3A : i1 to i32
    %cond3A_190 = arith.constant 0 : i32
    %cond3A_191 = arith.cmpi ne, %convert_element_type3A_189, %cond3A_190 : i32
    scf.if %cond3A_191 {
      %scan3A_192 = arith.constant 0 : i32
      %scan3A_193 = arith.constant 19 : i32
      %scan3A_194 = arith.addi %scan3A_192, %scan3A_193 : i32
      %scan3A_195 = arith.constant 1 : i32
      %scan3A_196 = scf.for %scan3A_220 = %scan3A_192 to %scan3A_194 step %scan3A_195 iter_args(%scan3A_221 = %broadcast_in_dim3A_0) -> (vector<16xf32>)  : i32 {
        "tpu.region"() ({
          %run_scoped3A = tpu.sem_alloc : memref<!tpu.dma_semaphore, #tpu.memory_space<semaphore_mem>>
          %dma_start3A_224 = arith.constant 0 : i32
          %dma_start3A_225 = tpu.memref_slice %arg7[%scan3A_220, %dma_start3A_224] : memref<19x16xf32, #tpu.memory_space<vmem_shared>> -> memref<1x16xf32, #tpu.memory_space<vmem_shared>>
          %dma_start3A_226 = tpu.memref_squeeze %dma_start3A_225 : memref<1x16xf32, #tpu.memory_space<vmem_shared>> -> memref<16xf32, #tpu.memory_space<vmem_shared>>
          %dma_start3A_227 = arith.constant 0 : i32
          %dma_start3A_228 = tpu.memref_slice %arg7[%scan3A_220, %dma_start3A_227] : memref<19x16xf32, #tpu.memory_space<vmem_shared>> -> memref<1x16xf32, #tpu.memory_space<vmem_shared>>
          %dma_start3A_229 = tpu.memref_squeeze %dma_start3A_228 : memref<1x16xf32, #tpu.memory_space<vmem_shared>> -> memref<16xf32, #tpu.memory_space<vmem_shared>>
          tpu.enqueue_dma source(%dma_start3A_229 : memref<16xf32, #tpu.memory_space<vmem_shared>>) target(%arg6 : memref<16xf32, #tpu.memory_space<vmem>>) target_semaphore(%run_scoped3A : memref<!tpu.dma_semaphore, #tpu.memory_space<semaphore_mem>>)
          %dma_wait3A_230 = arith.constant 0 : i32
          %dma_wait3A_231 = tpu.memref_slice %arg7[%scan3A_220, %dma_wait3A_230] : memref<19x16xf32, #tpu.memory_space<vmem_shared>> -> memref<1x16xf32, #tpu.memory_space<vmem_shared>>
          %dma_wait3A_232 = tpu.memref_squeeze %dma_wait3A_231 : memref<1x16xf32, #tpu.memory_space<vmem_shared>> -> memref<16xf32, #tpu.memory_space<vmem_shared>>
          %dma_wait3A_233 = arith.constant 0 : i32
          %dma_wait3A_234 = tpu.memref_slice %arg7[%scan3A_220, %dma_wait3A_233] : memref<19x16xf32, #tpu.memory_space<vmem_shared>> -> memref<1x16xf32, #tpu.memory_space<vmem_shared>>
          %dma_wait3A_235 = tpu.memref_squeeze %dma_wait3A_234 : memref<1x16xf32, #tpu.memory_space<vmem_shared>> -> memref<16xf32, #tpu.memory_space<vmem_shared>>
          tpu.wait_dma2 semaphore(%run_scoped3A : memref<!tpu.dma_semaphore, #tpu.memory_space<semaphore_mem>>) src(%dma_wait3A_235 : memref<16xf32, #tpu.memory_space<vmem_shared>>) dst(%arg6 : memref<16xf32, #tpu.memory_space<vmem>>)
          tpu.yield
        }) : () -> ()
        %get3A = arith.constant 0 : index
        %get3A_222 = tpu.vector_load %arg6[%get3A] {strides = array<i32>} : memref<16xf32, #tpu.memory_space<vmem>>, vector<16xf32>,
        %add3A_223 = arith.addf %scan3A_221, %get3A_222 : vector<16xf32>
        scf.yield %add3A_223 : vector<16xf32>
      }
      %scan3A_197 = arith.constant 19 : i32
      %eq3A_198 = arith.constant 0 : i32
      %eq3A_199 = vector.broadcast %eq3A_198 : i32 to vector<16xi32>
      %eq3A_200 = arith.cmpi eq, %iota3A, %eq3A_199 : vector<16xi32>
      %select_n3A_201 = arith.select %eq3A_200, %scan3A_196, %broadcast_in_dim3A_0 : vector<16xi1>, vector<16xf32>
      %reduce_sum3A_202 = arith.constant true
      %reduce_sum3A_203 = vector.broadcast %reduce_sum3A_202 : i1 to vector<16xi1>
      %reduce_sum3A_204 = tpu.scan <sum>, %select_n3A_201 masked %reduce_sum3A_203 : vector<16xf32>, vector<16xi1> -> vector<16xf32>
      %reduce_sum3A_205 = vector.extract %reduce_sum3A_204[15] : f32 from vector<16xf32>
      %eq3A_206 = arith.constant 1 : i32
      %eq3A_207 = vector.broadcast %eq3A_206 : i32 to vector<16xi32>
      %eq3A_208 = arith.cmpi eq, %iota3A, %eq3A_207 : vector<16xi32>
      %select_n3A_209 = arith.select %eq3A_208, %scan3A_196, %broadcast_in_dim3A_0 : vector<16xi1>, vector<16xf32>
      %reduce_sum3A_210 = arith.constant true
      %reduce_sum3A_211 = vector.broadcast %reduce_sum3A_210 : i1 to vector<16xi1>
      %reduce_sum3A_212 = tpu.scan <sum>, %select_n3A_209 masked %reduce_sum3A_211 : vector<16xf32>, vector<16xi1> -> vector<16xf32>
      %reduce_sum3A_213 = vector.extract %reduce_sum3A_212[15] : f32 from vector<16xf32>
      %add3A_214 = vector.broadcast %reduce_sum3A_205 : f32 to vector<16xf32>
      %add3A_215 = arith.addf %broadcast_in_dim3A_0, %add3A_214 : vector<16xf32>
      %add3A_216 = vector.broadcast %reduce_sum3A_213 : f32 to vector<16xf32>
      %add3A_217 = arith.addf %broadcast_in_dim3A_0, %add3A_216 : vector<16xf32>
      %div3A = arith.divf %add3A_215, %add3A_217 : vector<16xf32>
      %swap3A_218 = arith.constant 0 : index
      %swap3A_219 = tpu.vector_load %arg6[%swap3A_218] {strides = array<i32>} : memref<16xf32, #tpu.memory_space<vmem>>, vector<16xf32>,
      tpu.vector_store %arg6[%swap3A_218], %div3A {strides = array<i32>} : memref<16xf32, #tpu.memory_space<vmem>>, vector<16xf32>,
      "tpu.region"() ({
        %run_scoped3A = tpu.sem_alloc : memref<!tpu.dma_semaphore, #tpu.memory_space<semaphore_mem>>
        tpu.enqueue_dma source(%arg6 : memref<16xf32, #tpu.memory_space<vmem>>) target(%arg3 : memref<16xf32, #tpu.memory_space<hbm>>) target_semaphore(%run_scoped3A : memref<!tpu.dma_semaphore, #tpu.memory_space<semaphore_mem>>)
        tpu.wait_dma2 semaphore(%run_scoped3A : memref<!tpu.dma_semaphore, #tpu.memory_space<semaphore_mem>>) src(%arg6 : memref<16xf32, #tpu.memory_space<vmem>>) dst(%arg3 : memref<16xf32, #tpu.memory_space<hbm>>)
        tpu.yield
      }) : () -> ()
    } else {
    }
    return
  }
}

</mosaic_0001>

<sc_bundles>
// kernel: kernel.4.cloned.1.call-start
scs
__scs_entry_jumppad:
0x0: {  	(pc) =	sbr.rel $0x88, $3  }
0x1: {  	(tag) =	ssettag $0x0;
	lr =	simm.s32 $0x1  }
0x2: {  	[smem:$0x3F9F] =	sst lr;
	_ =	strace $0xD0000000  }
0x3: {  	_ = 	snop  }
0x4: {  	_ = 	snop  }
0x5: {  	_ = 	snop  }
0x6: {  	_ = 	snop  }
0x7: {  	_ = 	snop  }
__scs_overlays_trampoline_lowered:
0x8: {  	[smem:$0x3FAE] =	sst s0  }
0x9: {  	[smem:$0x3FAF] =	sst s1  }
0xa: {  	[smem:$0x3FB0] =	sst s2  }
0xb: {  	[smem:$0x3FB1] =	sst s3  }
0xc: {  	[smem:$0x3FB2] =	sst s4  }
0xd: {  	[smem:$0x3FB3] =	sst s5  }
0xe: {  	[smem:$0x3FB4] =	sst s6  }
0xf: {  	[smem:$0x3FB5] =	sst s7  }
0x10: {  	[smem:$0x3FB6] =	sst s8  }
0x11: {  	[smem:$0x3FB7] =	sst s9;
	s0 =	simm.s32 @!p0 $0x0  }
0x12: {  	s1 =	sld [smem:$0x3F9D];
	s0 =	simm.s32 @p0 $0x1  }
0x13: {  	[smem:$0x3FB8] =	sst s0;
	s0 =	simm.s32 @!p1 $0x0  }
0x14: {  	s2 =	sld [smem:$0x3F9C];
	s0 =	simm.s32 @p1 $0x1  }
0x15: {  	[smem:$0x3FB9] =	sst s0;
	s0 =	simm.s32 @!p2 $0x0  }
0x16: {  	s3 =	sld [smem:$0x3FDB];
	s0 =	simm.s32 @p2 $0x1  }
0x17: {  	s4 =	simm.s32 $0x1BF5;
	[smem:$0x3FBB] =	sst s0  }
0x18: {  	s0 =	sld [smem:$0x3F9E];
	_ =	swait.ge [sflag:s4], $0x0  }
0x19: {  	s7 =	sld [smem:$0x3F9F]  }
0x1a: {  	s8 =	sadd.s32 $0xFFFFE003, lr  }
0x1b: {  	s9 =	sadd.s32 $0xFFFFFEF7, lr;
	s5 =	simm.s32 $0xFFFFFFFF;
	p2 =	slt.u32 s8, $0xFFFFF086  }
0x1c: {  	p1 =	slt.u32 s9, $0xF7A;
	s5 =	simm.s32 @!p2 $0x0  }
0x1d: {  	s5 =	simm.s32 @p1 $0x1;
	p0 =	seq.s32 s7, s2  }
0x1e: {  	s7 =	smul.u32 @!p0 $0xF7A, s2;
	p2 =	seq.s32 @!p0 s5, $0x0  }
0x1f: {  	s9 =	smul.u32 $0xF7A, s1;
	s8 =	simm.s32 @!p0 $0x1BF5;
	p2 =	por !p2, p0  }
0x20: {  	[sflag:s8] =	ssyncset.s32 @!p0 $0xFFFFF086;
	s6 =	sadd.s32 @!p0 s3, s7;
	s7 =	simm.s32 @!p0 $0x108  }
0x21: {  	s3 =	sadd.s32 s3, s9;
	s6 =	sadd.s32 @!p0 $0x88, s6;
	s7 =	simm.s32 @p2 $0x1082  }
0x22: {  	[simem:s7], [sflag:s8] =	dma.local @!p0 [hbm:s6], $0xF7A  }
0x23: {  	s9 =	sor.u32 $0xD0000000, s2;
	s6 =	simm.s32 $0x108;
	_ =	swait.ge @!p0 [sflag:s8], $0x0  }
0x24: {  	s3 =	sadd.s32 $0x88, s3;
	s6 =	simm.s32 @!p1 $0x1082;
	[sflag:s4] =	ssyncset.s32 $0xFFFFF086  }
0x25: {  	[simem:s6], [sflag:s4] =	dma.local [hbm:s3], $0xF7A  }
0x26: {  	[smem:$0x3F9F] =	sst s1;
	(tag) =	ssettag s2;
	_ =	strace s9  }
0x27: {  	s1 =	sld [smem:$0x3FAF]  }
0x28: {  	s2 =	sld [smem:$0x3FB0]  }
0x29: {  	s4 =	sld [smem:$0x3FB2]  }
0x2a: {  	p0 =	seq.s32 s5, $0x0;
	s5 =	sld [smem:$0x3FB3]  }
0x2b: {  	s6 =	sld [smem:$0x3FB4]  }
0x2c: {  	s7 =	sld [smem:$0x3FB5]  }
0x2d: {  	s3 =	simm.s32 $0x108;
	s8 =	sld [smem:$0x3FB6]  }
0x2e: {  	s3 =	simm.s32 @!p0 $0x1082;
	s9 =	sld [smem:$0x3FB7]  }
0x2f: {  	lr =	sadd.s32 s0, s3;
	s0 =	sld [smem:$0x3FAE]  }
0x30: {  	s3 =	sld [smem:$0x3FB1]  }
0x31: {  	[smem:$0x3FBA] =	sst s10  }
0x32: {  	s10 =	sld [smem:$0x3FB8];
	_ =	sdelay $0x3  }
0x33: {  	p0 =	seq.s32 s10, $0x1;
	s10 =	sld [smem:$0x3FBA];
	_ =	sdelay $0x3  }
0x34: {  	[smem:$0x3FBA] =	sst s10  }
0x35: {  	s10 =	sld [smem:$0x3FB9];
	_ =	sdelay $0x3  }
0x36: {  	p1 =	seq.s32 s10, $0x1;
	s10 =	sld [smem:$0x3FBA];
	_ =	sdelay $0x3  }
0x37: {  	[smem:$0x3FBA] =	sst s10  }
0x38: {  	s10 =	sld [smem:$0x3FBB]  }
0x39: {  	_ = 	snop;
	(pc) =	sbr.ind lr, $3  }
0x3a: {  	_ = 	snop  }
0x3b: {  	_ = 	snop  }
0x3c: {  	p2 =	seq.s32 s10, $0x1;
	s10 =	sld [smem:$0x3FBA]  }
0x3d: {  	_ =	shalt  }
0x3e: {  	_ =	shalt  }
0x3f: {  	_ =	shalt  }
0x40: {  	_ =	shalt  }
0x41: {  	_ =	shalt  }
0x42: {  	_ =	shalt  }
0x43: {  	_ =	shalt  }
0x44: {  	_ =	shalt  }
0x45: {  	_ =	shalt  }
0x46: {  	_ =	shalt  }
0x47: {  	_ =	shalt  }
0x48: {  	_ =	shalt  }
0x49: {  	_ =	shalt  }
0x4a: {  	_ =	shalt  }
0x4b: {  	_ =	shalt  }
0x4c: {  	_ =	shalt  }
0x4d: {  	_ =	shalt  }
0x4e: {  	_ =	shalt  }
0x4f: {  	_ =	shalt  }
0x50: {  	_ =	shalt  }
0x51: {  	_ =	shalt  }
0x52: {  	_ =	shalt  }
0x53: {  	_ =	shalt  }
0x54: {  	_ =	shalt  }
0x55: {  	_ =	shalt  }
0x56: {  	_ =	shalt  }
0x57: {  	_ =	shalt  }
0x58: {  	_ =	shalt  }
0x59: {  	_ =	shalt  }
0x5a: {  	_ =	shalt  }
0x5b: {  	_ =	shalt  }
0x5c: {  	_ =	shalt  }
0x5d: {  	_ =	shalt  }
0x5e: {  	_ =	shalt  }
0x5f: {  	_ =	shalt  }
0x60: {  	_ =	shalt  }
0x61: {  	_ =	shalt  }
0x62: {  	_ =	shalt  }
0x63: {  	_ =	shalt  }
0x64: {  	_ =	shalt  }
0x65: {  	_ =	shalt  }
0x66: {  	_ =	shalt  }
0x67: {  	_ =	shalt  }
0x68: {  	_ =	shalt  }
0x69: {  	_ =	shalt  }
0x6a: {  	_ =	shalt  }
0x6b: {  	_ =	shalt  }
0x6c: {  	_ =	shalt  }
0x6d: {  	_ =	shalt  }
0x6e: {  	_ =	shalt  }
0x6f: {  	_ =	shalt  }
0x70: {  	_ =	shalt  }
0x71: {  	_ =	shalt  }
0x72: {  	_ =	shalt  }
0x73: {  	_ =	shalt  }
0x74: {  	_ =	shalt  }
0x75: {  	_ =	shalt  }
0x76: {  	_ =	shalt  }
0x77: {  	_ =	shalt  }
0x78: {  	_ =	shalt  }
0x79: {  	_ =	shalt  }
0x7a: {  	_ =	shalt  }
0x7b: {  	_ =	shalt  }
0x7c: {  	_ =	shalt  }
0x7d: {  	_ =	shalt  }
0x7e: {  	_ =	shalt  }
0x7f: {  	_ =	shalt  }
0x80: {  	_ =	shalt  }
0x81: {  	_ =	shalt  }
0x82: {  	_ =	shalt  }
0x83: {  	_ =	shalt  }
0x84: {  	_ =	shalt  }
0x85: {  	_ =	shalt  }
0x86: {  	_ =	shalt  }
0x87: {  	_ =	shalt  }
.Lfunc_end0:
.L_simem_size_0:
called_computation_lowered:
.L_overlay_start_0:
0x88: {  	s2 =	sld [smem:$0x3FD9]  }
0x89: {  	s3 =	sld [smem:$0x3FFE];
	_ =	sdelay $0x1  }
0x8a: {  	s1 =	srdreg.scid  }
0x8b: {  	s0 =	sand.u32 $0x1, s1  }
0x8c: {  	s16 =	sshll.u32 s0, $0xA;
	s2 =	sadd.s32 s3, s2  }
0x8d: {  	s2 =	sadd.s32 s2, s16  }
0x8e: {  	[smem:$0x3FC6] =	sst s2  }
0x8f: {  	_ = 	snop  }
0x90: {  	(tm) =	ssettm $0x1  }
0x91: {  	s17 =	sld [smem:$0x3FFB];
	_ =	sdelay $0x3  }
0x92: {  	_ =	strace s17  }
0x93: {  	s2 =	sld [smem:$0x3FFC];
	_ =	sdelay $0x3  }
0x94: {  	_ =	strace s2  }
0x95: {  	s2 =	sld [smem:$0x3FFD];
	_ =	sdelay $0x3  }
0x96: {  	_ =	strace s2  }
0x97: {  	_ =	strace $0x8FFFFFFF  }
0x98: {  	s18 =	sld [smem:$0x3FDB];
	_ =	sdelay $0x1  }
0x99: {  	s19 =	simm.s32 $_scs_section_size  }
0x9a: {  	s4 =	simm.s32 $_size__tile_overlayer_lowered;
	s5 =	simm.s32 $_tile_overlayer_lowered  }
0x9b: {  	s22 =	simm.s32 $0x1BFF;
	s21 =	sshll.u32 s5, $0x1;
	s2 =	sadd.s32 s19, s18  }
0x9c: {  	s6 =	simm.s32 $0x0;
	s20 =	sshll.u32 s4, $0x1;
	s4 =	sadd.s32 s21, s2  }
0x9d: {  	[timem:s6], [sflag:s22] =	dma.local [hbm:s4], s20  }
0x9e: {  	_ =	swait.ge [sflag:s22], s20  }
0x9f: {  	s3 =	ssub.s32 $0x0, s20;
	[sflag:s22] =	ssyncset.done $0x0  }
0xa0: {  	[sflag:s22] =	ssyncadd.s32 s3;
	_ =	sdelay $0x1  }
0xa1: {  	s23 =	simm.s32 $0x1B8B  }
0xa2: {  	_ =	swait.ge [sflag:s23], $0x1  }
0xa3: {  	[sflag:s23] =	ssyncset.done $0x0  }
0xa4: {  	s25 =	simm.s32 $0x1B8E;
	s24 =	sld [smem:$0x3FFE];
	[sflag:s23] =	ssyncadd.s32 $0xFFFFFFFF  }
0xa5: {  	s26 =	simm.s32 $execute0_lowered;
	[smem:$0x3FD2] =	sst s25  }
0xa6: {  	s4 =	sshll.u32 s26, $0x1;
	_ =	strace $0x80000046;
	[dreg:$0x1] =	wrdreg $0xFFFFFFFF  }
0xa7: {  	s28 =	simm.s32 $_size_execute0_lowered;
	s2 =	sadd.s32 s2, s4;
	[dreg:$0x0] =	wrdreg $0x0  }
0xa8: {  	s4 =	sshll.u32 s28, $0x1;
	[dreg:$0x2] =	wrdreg s2  }
0xa9: {  	[dreg:$0x3] =	wrdreg s4  }
0xaa: {  	[dreg:$0x4] =	wrdreg $0xC0  }
0xab: {  	_ =	task [dreg:s6], $0x5FFFF  }
0xac: {  	[dreg:$0x1] =	wrdreg $0xFFFFFFFF  }
0xad: {  	[dreg:$0x0] =	wrdreg $0x60  }
0xae: {  	[dreg:$0x2] =	wrdreg s24  }
0xaf: {  	[dreg:$0x3] =	wrdreg $0x9  }
0xb0: {  	_ =	task.clear_ibuf [dreg:s6], $0x4FFFF;
	_ =	strace $0x90000046  }
0xb1: {  	s29 =	simm.s32 $0x9;
	_ =	strace $0x80000048  }
0xb2: {  	_ =	swait.ge [sflag:s29], $0x1  }
0xb3: {  	[sflag:s29] =	ssyncadd.s32 $0xFFFFFFFF  }
0xb4: {  	_ =	strace $0x90000048  }
0xb5: {  	_ =	sfence  }
0xb6: {  	s30 =	sld [smem:$0x0];
	_ =	sdelay $0x2  }
0xb7: {  	s31 =	sshll.u32 s1, $0xD;
	s1 =	sshrl.u32 s1, $0x2  }
0xb8: {  	s3 =	sand.u32 $0x4000, s31;
	s1 =	sadd.s32 s1, s30  }
0xb9: {  	s0 =	sor.u32 s3, s0;
	s1 =	sshll.u32 s1, $0x11  }
0xba: {  	s0 =	sor.u32 s1, s0  }
0xbb: {  	s0 =	sadd.s32 $0x8F2B, s0  }
0xbc: {  	[sflag:s0] =	ssyncadd.remote.s32 $0x1  }
0xbd: {  	_ =	sfence.sel $0xFFFF  }
0xbe: {  	[dreg:$0x0] =	wrdreg $0xFFFFFFFF;
	(pc) =	sbr.abs _section_cstart, $3  }
0xbf: {  	[dreg:$0x1] =	wrdreg $0xFFFFFFFF  }
0xc0: {  	_ =	task.clear_ibuf [dreg:s6], $0x2FFFF;
	_ =	strace $0x9FFFFFFF  }
0xc1: {  	(tm) =	ssettm $0x7FFFFFFF  }
tec
execute0_lowered:
.L_overlay_start_1:
0x0: {  	(tag) =	ssettag $0x1  }
0x1: {  	s0 =	rddreg [dreg:$0x0];
	s2 =	simm.s32 $0x0  }
0x2: {  	s10 =	stileid.u32;
	s4 =	srdreg.scid;
	s14 =	simm.s32 $0x1  }
0x3: {  	s15 =	simm.s32 $0x18400;
	s16 =	simm.s32 $0x18000;
	s17 =	simm.s32 $0x18100  }
0x4: {  	s18 =	simm.s32 $0x18200;
	s19 =	simm.s32 $0x18300;
	s20 =	simm.s32 $0x2  }
0x5: {  	s23 =	simm.s32 $0x18280;
	[smem:$0x7FF] =	sst s2;
	s3 =	sadd.s32 $0x20800, s0  }
0x6: {  	s1 =	sshrl.u32 s10, $0x2;
	s6 =	sand.u32 $0x1, s4;
	s4 =	sadd.s32 $0x320800, s0  }
0x7: {  	s7 =	sshll.u32 s10, $0x1;
	s31 =	sshll.u32 s10, $0xA;
	_ =	strace $0x80000047  }
0x8: {  	s5 =	sshll.u32 s1, $0x4;
	s24 =	sor.u32 s6, s7;
	s25 =	ssub.s32 $0x2, s6  }
0x9: {  	s8 =	sadd.s32 s5, s0;
	s26 =	sand.u32 $0x7, s24;
	s5 =	smul.u32 $0x600000, s1  }
0xa: {  	s28 =	sshrl.u32 s25, $0x1;
	s0 =	sshll.u32 s24, $0x7;
	s24 =	simm.s32 $0x18380  }
.Ltmp0:
0xb: {  	s9 =	sshll.u32 s26, $0xE;
	s6 =	sshll.u32 s26, $0x12;
	(pc) =	sbr.rel .LBB2_1-.Ltmp0, $4  }
0xc: {  	s1 =	ssub.s32 s25, s28;
	s0 =	sor.u32 s0, s31;
	s29 =	sadd.s32 s9, s8  }
0xd: {  	s30 =	sor.u32 s5, s6;
	s1 =	smax.u32 s1, $0x1;
	s10 =	sand.u32 $0x3380, s0  }
0xe: {  	v1 =	vlaneseq.u32;
	s8 =	sshrl.u32 s30, $0x3;
	s7 =	sadd.s32 $0x800, s29;
	[dreg:$0x3] =	wrdreg s1  }
0xf: {  	v0 =	vimm.f32 $0.0e+00;
	v2 =	vimm.f32 $1.000000000e+00;
	v1 =	vmul.u32 $0x200, v1;
	[dreg:$0x2] =	wrdreg s7;
	s8 =	sadd.s32 s3, s8;
	s7 =	simm.s32 $0x0  }
.LBB2_24:
0x10: {  	s1 =	simm.s32 $0x3  }
0x11: {  	_ =	swait.ge [sflag:s1], $0x200  }
0x12: {  	s7 =	rddreg [dreg:$0x4]  }
0x13: {  	s0 =	rddreg [dreg:$0x3];
	s7 =	sadd.s32 $0x1, s7  }
0x14: {  	p0 =	sne.s32 s7, s0  }
.Ltmp1:
0x15: {  	_ = 	snop;
	(pc) =	sbr.rel @!p0 .LBB2_25-.Ltmp1, $3  }
0x16: {  	_ =	sdelay $0x1  }
0x17: {  	[sflag:s1] =	ssyncset.done $0x0  }
0x18: {  	[sflag:s1] =	ssyncadd.s32 $0xFFFFFE00  }
.LBB2_1:
0x19: {  	[dreg:$0x4] =	wrdreg s7  }
0x1a: {  	s0 =	rddreg [dreg:$0x2]  }
0x1b: {  	s1 =	simm.s32 $0x80;
	s29 =	simm.s32 $0x200;
	s30 =	simm.s32 $0x5  }
0x1c: {  	[tilespmem:s2], [sflag:$0x5] =	stream.strided.gather [hbm4b:s0+s1], $0x8000, s29, s1, $0x38;
	[tilespmem:$0x1A400] =	vst v63  }
0x1d: {  	_ =	swait.ge [sflag:s30], $0x8000  }
0x1e: {  	s31 =	sadd.s32 $0x0, s8;
	[sflag:s30] =	ssyncset.done $0x0  }
0x1f: {  	s0 =	simm.s32 $0x8000;
	s1 =	simm.s32 $0x80;
	[sflag:s30] =	ssyncadd.s32 $0xFFFF8000  }
0x20: {  	[tilespmem:s0], [sflag:$0x1] =	stream.linear.gather [hbm4b:s31+s2], $0x80, $0x38;
	[tilespmem:$0x1A400] =	vst v63  }
.LBB2_2:
0x21: {  	p0 =	sne.s32 s1, $0x7F80  }
.Ltmp2:
0x22: {  	_ = 	snop;
	(pc) =	sbr.rel @p0 .LBB2_2-.Ltmp2, $4  }
0x23: {  	_ = 	snop  }
0x24: {  	s7 =	sadd.s32 s1, s8;
	s0 =	sadd.s32 $0x100, s0  }
0x25: {  	s28 =	simm.s32 $0x0;
	s1 =	sadd.s32 $0x80, s1  }
0x26: {  	[tilespmem:s0], [sflag:$0x1] =	stream.linear.gather [hbm4b:s7+s28], $0x80, $0x38;
	[tilespmem:$0x1A400] =	vst v63  }
.Ltmp3:
0x27: {  	_ = 	snop;
	(pc) =	sbr.rel .LBB2_3-.Ltmp3, $1  }
0x28: {  	_ =	sdelay $0x3  }
.LBB2_23:
0x29: {  	s28 =	sadd.s32 $0x1, s28  }
0x2a: {  	p0 =	sne.s32 s28, $0xA  }
.Ltmp4:
0x2b: {  	_ = 	snop;
	(pc) =	sbr.rel @!p0 .LBB2_24-.Ltmp4, $1  }
0x2c: {  	_ =	sdelay $0x3  }
.LBB2_3:
0x2d: {  	p0 =	seq.s32 s28, $0x0  }
0x2e: {  	s0 =	simm.s32 @!p0 $0x3  }
0x2f: {  	_ =	swait.ge @!p0 [sflag:s0], $0x200  }
0x30: {  	[sflag:s0] =	ssyncset.done @!p0 $0x0  }
0x31: {  	[sflag:s0] =	ssyncadd.s32 @!p0 $0xFFFFFE00;
	s0 =	simm.s32 @!p0 $0x4  }
0x32: {  	_ =	swait.ge @!p0 [sflag:s0], $0x200  }
0x33: {  	[sflag:s0] =	ssyncset.done @!p0 $0x0  }
0x34: {  	[sflag:s0] =	ssyncadd.s32 @!p0 $0xFFFFFE00;
	s0 =	simm.s32 $0x18440  }
0x35: {  	[tilespmem:s0+$0xFFFFFFC0] =	vst v0  }
0x36: {  	[tilespmem:s0+$0x30] =	vst v0  }
0x37: {  	[tilespmem:s0+$0x20] =	vst v0  }
0x38: {  	[tilespmem:s0+$0x10] =	vst v0  }
0x39: {  	[tilespmem:s0+$0x0] =	vst v0  }
0x3a: {  	[tilespmem:s0+$0xFFFFFFF0] =	vst v0  }
0x3b: {  	s1 =	simm.s32 $0x0;
	[tilespmem:s0+$0xFFFFFFE0] =	vst v0  }
.LBB2_4:
0x3c: {  	s1 =	sadd.s32 $0x8, s1;
	[tilespmem:s0+$0xFFFFFFD0] =	vst v0;
	s0 =	sadd.s32 $0x80, s0  }
0x3d: {  	[tilespmem:s0+$0xFFFFFFC0] =	vst v0;
	p0 =	slt.u32 s1, $0x1F8  }
0x3e: {  	[tilespmem:s0+$0x30] =	vst v0  }
.Ltmp5:
0x3f: {  	[tilespmem:s0+$0x20] =	vst v0;
	(pc) =	sbr.rel @p0 .LBB2_4-.Ltmp5, $4  }
0x40: {  	[tilespmem:s0+$0x10] =	vst v0  }
0x41: {  	[tilespmem:s0+$0x0] =	vst v0  }
0x42: {  	[tilespmem:s0+$0xFFFFFFF0] =	vst v0  }
0x43: {  	[tilespmem:s0+$0xFFFFFFE0] =	vst v0  }
0x44: {  	s29 =	sshllo.u32 s28, $0x1  }
0x45: {  	p0 =	sgt.u32 s29, $0x12  }
.Ltmp6:
0x46: {  	_ = 	snop;
	(pc) =	sbr.rel @p0 .LBB2_9-.Ltmp6, $2  }
0x47: {  	_ =	sdelay $0x2  }
0x48: {  	[tilespmem:s0+$0xFFFFFFD0] =	vst v0  }
0x49: {  	s0 =	sshll.u32 s28, $0x13  }
0x4a: {  	s1 =	sshll.u32 s29, $0x7;
	s0 =	sand.u32 $0x600000, s0  }
0x4b: {  	s1 =	sand.u32 $0x380, s1;
	s0 =	sadd.s32 s5, s0  }
0x4c: {  	s0 =	sor.u32 s0, s1  }
0x4d: {  	s0 =	sor.u32 s6, s0  }
0x4e: {  	s0 =	sshrl.u32 s0, $0x3  }
0x4f: {  	s7 =	simm.s32 $0x80;
	s0 =	sadd.s32 s3, s0  }
0x50: {  	s9 =	simm.s32 $0x8180;
	s1 =	simm.s32 $0x8080;
	s11 =	sadd.s32 $0x0, s0  }
.LBB2_7:
0x51: {  	[tilespmem:s1], [sflag:$0x2] =	stream.linear.gather [hbm4b:s11+s2], $0x80, $0x38;
	[tilespmem:$0x1A400] =	vst v63  }
0x52: {  	s11 =	smov.u32 s7;
	s1 =	smov.u32 s9;
	p1 =	sne.s32 s7, $0x7F80  }
.Ltmp7:
0x53: {  	s7 =	sadd.s32 $0x80, s7;
	(pc) =	sbr.rel @p1 .LBB2_7-.Ltmp7, $2  }
0x54: {  	_ =	sdelay $0x2  }
0x55: {  	s9 =	sadd.s32 $0x100, s9;
	s11 =	sadd.s32 s11, s0  }
0x56: {  	[tilespmem:s1], [sflag:$0x2] =	stream.linear.gather [hbm4b:s11+s2], $0x80, $0x38;
	[tilespmem:$0x1A400] =	vst v63  }
.LBB2_9:
0x57: {  	_ =	swait.ge [sflag:s14], $0x8000  }
0x58: {  	[sflag:s14] =	ssyncset.done $0x0  }
0x59: {  	s7 =	simm.s32 $0x40;
	[sflag:s14] =	ssyncadd.s32 $0xFFFF8000  }
0x5a: {  	s0 =	simm.s32 $0x8040;
	v4 =	vld [tilespmem:s7+$0x10]  }
0x5b: {  	v5 =	vld [tilespmem:s0+$0x30]  }
0x5c: {  	v7 =	vld [tilespmem:s0+$0xFFFFFFD0]  }
0x5d: {  	v8 =	vld [tilespmem:s0+$0x0]  }
0x5e: {  	v9 =	vld [tilespmem:s7+$0xFFFFFFF0]  }
0x5f: {  	v10 =	vld [tilespmem:s7+$0xFFFFFFE0]  }
0x60: {  	v11 =	vld [tilespmem:s0+$0xFFFFFFF0]  }
0x61: {  	v6 =	vld [tilespmem:s7+$0x30]  }
0x62: {  	s30 =	sshll.u32 s28, $0x1;
	v12 =	vld [tilespmem:s0+$0x20]  }
0x63: {  	v3 =	vmov s30;
	v14 =	vld [tilespmem:s0+$0x10];
	v5 =	vmul.f32 $2.560000000e+02, v5;
	v7 =	vmul.f32 $2.560000000e+02, v7  }
0x64: {  	vm2 =	veq.s32 v4, v3;
	v4 =	vmul.f32 $2.560000000e+02, v8;
	vm1 =	veq.s32 v9, v3  }
0x65: {  	v13 =	vld [tilespmem:s7+$0xFFFFFFD0];
	vm0 =	veq.s32 v10, v3;
	v10 =	vmul.f32 $2.560000000e+02, v11;
	v5 =	vtrunc.f32 v5  }
0x66: {  	vm3 =	veq.s32 v6, v3;
	v6 =	vld [tilespmem:s0+$0xFFFFFFC0];
	v7 =	vtrunc.f32 v7;
	v9 =	vcvt.f32.s32 v5  }
0x67: {  	v16 =	vmul.f32 $2.560000000e+02, v12;
	v7 =	vcvt.f32.s32 v7;
	v5 =	vld [tilespmem:s7+$0x20]  }
0x68: {  	v14 =	vmul.f32 $2.560000000e+02, v14;
	v4 =	vtrunc.f32 v4;
	v11 =	vsub.s32 $0x1FF, v9  }
0x69: {  	v8 =	vld [tilespmem:s0+$0xFFFFFFE0];
	v12 =	vtrunc.f32 v10;
	v15 =	vsub.s32 $0x1FF, v7;
	v11 =	vsel vm3, v11, v9  }
0x6a: {  	s1 =	simm.s32 $0x0;
	s9 =	simm.s32 $0xC0;
	v10 =	vld [tilespmem:s7+$0xFFFFFFC0];
	vm3 =	veq.s32 v13, v3;
	v9 =	vcvt.f32.s32 v4;
	v13 =	vtrunc.f32 v16  }
0x6b: {  	s31 =	simm.s32 $0x19410;
	s0 =	simm.s32 $0x30;
	v4 =	vadd.s32 v1, v11;
	v11 =	vld [tilespmem:s7+$0x0];
	v7 =	vsel vm3, v15, v7;
	v13 =	vcvt.f32.s32 v13;
	s7 =	simm.s32 $0x8140  }
.LBB2_10:
0x6c: {  	v15 =	vld [tilespmem:s9+$0x10];
	s1 =	sadd.s32 $0x8, s1;
	v6 =	vmul.f32 $2.560000000e+02, v6;
	v12 =	vcvt.f32.s32 v12;
	vm3 =	veq.s32 v5, v3  }
0x6d: {  	v16 =	vsub.s32 $0x1FF, v9;
	v5 =	vld [tilespmem:s9+$0x20];
	p1 =	slt.u32 s1, $0x7F8;
	v14 =	vtrunc.f32 v14;
	v17 =	vsub.s32 $0x1FF, v13  }
0x6e: {  	v18 =	vld [tilespmem:s9+$0xFFFFFFD0];
	v19 =	vsub.s32 $0x1FF, v12;
	v14 =	vcvt.f32.s32 v14;
	v13 =	vsel vm3, v17, v13  }
0x6f: {  	v8 =	vmul.f32 $2.560000000e+02, v8;
	v17 =	vld [tilespmem:s9+$0x30];
	v12 =	vsel vm1, v19, v12;
	v13 =	vadd.s32 v1, v13  }
0x70: {  	vm1 =	veq.s32 v11, v3;
	v19 =	vld [tilespmem:s9+$0xFFFFFFE0];
	v12 =	vadd.s32 v1, v12;
	v11 =	vsub.s32 $0x1FF, v14  }
0x71: {  	v6 =	vtrunc.f32 v6;
	v8 =	vtrunc.f32 v8;
	v20 =	vld [tilespmem:s9+$0xFFFFFFF0];
	v11 =	vsel vm2, v11, v14  }
0x72: {  	v21 =	vcvt.f32.s32 v6;
	v8 =	vcvt.f32.s32 v8;
	v14 =	vld [tilespmem:s7+$0x0];
	v11 =	vadd.s32 v1, v11  }
0x73: {  	v9 =	vsel vm1, v16, v9;
	v6 =	vld [tilespmem:s7+$0xFFFFFFC0]  }
0x74: {  	vm1 =	veq.s32 v10, v3;
	v10 =	vsub.s32 $0x1FF, v21;
	v22 =	vsub.s32 $0x1FF, v8;
	v16 =	vld [tilespmem:s7+$0x30]  }
0x75: {  	v9 =	vadd.s32 v1, v9;
	v10 =	vsel vm1, v10, v21;
	v8 =	vsel vm0, v22, v8;
	v23 =	vld [tilespmem:s7+$0x20]  }
0x76: {  	v10 =	vadd.s32 v1, v10;
	v22 =	vadd.s32 v1, v8;
	v21 =	vld [tilespmem:s7+$0xFFFFFFD0]  }
0x77: {  	[tilespmem:v11+s15+$0x0] =	vst.idx.add.f32.msk $0xffff, v2  }
0x78: {  	v7 =	vadd.s32 v1, v7;
	v8 =	vld [tilespmem:s7+$0xFFFFFFE0]  }
0x79: {  	vm2 =	veq.s32 v15, v3;
	v11 =	vld [tilespmem:s7+$0xFFFFFFF0];
	v15 =	vmul.f32 $2.560000000e+02, v16  }
0x7a: {  	[tilespmem:v9+s15+$0x0] =	vst.idx.add.f32.msk $0xffff, v2  }
0x7b: {  	vm1 =	veq.s32 v20, v3;
	v14 =	vmul.f32 $2.560000000e+02, v14;
	v9 =	vmul.f32 $2.560000000e+02, v21;
	[tilespmem:v13+s15+$0x0] =	vst.idx.add.f32.msk $0xffff, v2  }
0x7c: {  	v15 =	vtrunc.f32 v15;
	v13 =	vld [tilespmem:s7+$0x10]  }
0x7d: {  	vm0 =	veq.s32 v19, v3;
	v15 =	vcvt.f32.s32 v15;
	v9 =	vtrunc.f32 v9;
	[tilespmem:v7+s15+$0x0] =	vst.idx.add.f32.msk $0xffff, v2  }
0x7e: {  	v7 =	vcvt.f32.s32 v9;
	v9 =	vtrunc.f32 v14;
	[tilespmem:v4+s15+$0x0] =	vst.idx.add.f32.msk $0xffff, v2  }
.Ltmp8:
0x7f: {  	vm3 =	veq.s32 v17, v3;
	v11 =	vmul.f32 $2.560000000e+02, v11;
	v4 =	vsub.s32 $0x1FF, v15;
	[tilespmem:v22+s15+$0x0] =	vst.idx.add.f32.msk $0xffff, v2;
	(pc) =	sbr.rel @p1 .LBB2_10-.Ltmp8, $4  }
0x80: {  	v16 =	vmul.f32 $2.560000000e+02, v23;
	v4 =	vsel vm3, v4, v15;
	v14 =	vsub.s32 $0x1FF, v7;
	[tilespmem:v10+s15+$0x0] =	vst.idx.add.f32.msk $0xffff, v2  }
0x81: {  	vm3 =	veq.s32 v18, v3;
	v9 =	vcvt.f32.s32 v9;
	v4 =	vadd.s32 v1, v4;
	[tilespmem:v12+s15+$0x0] =	vst.idx.add.f32.msk $0xffff, v2  }
0x82: {  	v15 =	vtrunc.f32 v16;
	v7 =	vsel vm3, v14, v7;
	v12 =	vtrunc.f32 v11;
	v11 =	vld [tilespmem:s9+$0x0]  }
0x83: {  	s7 =	sadd.s32 $0x100, s7;
	v14 =	vmul.f32 $2.560000000e+02, v13;
	v13 =	vcvt.f32.s32 v15;
	v10 =	vld [tilespmem:s9+$0xFFFFFFC0];
	s9 =	sadd.s32 $0x80, s9  }
0x84: {  	v6 =	vmul.f32 $2.560000000e+02, v6  }
0x85: {  	vm3 =	veq.s32 v5, v3;
	v5 =	vsub.s32 $0x1FF, v9;
	v8 =	vmul.f32 $2.560000000e+02, v8  }
0x86: {  	v12 =	vcvt.f32.s32 v12;
	v14 =	vtrunc.f32 v14;
	v15 =	vsub.s32 $0x1FF, v13  }
0x87: {  	v7 =	vadd.s32 v1, v7;
	v14 =	vcvt.f32.s32 v14;
	v13 =	vsel vm3, v15, v13  }
0x88: {  	v8 =	vtrunc.f32 v8;
	v6 =	vtrunc.f32 v6;
	vm14 =	veq.s32 v11, v3  }
0x89: {  	v8 =	vcvt.f32.s32 v8;
	v6 =	vcvt.f32.s32 v6;
	v5 =	vsel vm14, v5, v9  }
0x8a: {  	v16 =	vsub.s32 $0x1FF, v14;
	v9 =	vadd.s32 v1, v13;
	v5 =	vadd.s32 v1, v5  }
0x8b: {  	vm15 =	veq.s32 v10, v3;
	v11 =	vsel vm2, v16, v14;
	v46 =	vsub.s32 $0x1FF, v8  }
0x8c: {  	v3 =	vsub.s32 $0x1FF, v6;
	v11 =	vadd.s32 v1, v11;
	v8 =	vsel vm0, v46, v8  }
0x8d: {  	[tilespmem:v4+s15+$0x0] =	vst.idx.add.f32.msk $0xffff, v2;
	v10 =	vsub.s32 $0x1FF, v12;
	v3 =	vsel vm15, v3, v6;
	v6 =	vadd.s32 v1, v8  }
0x8e: {  	[tilespmem:v7+s15+$0x0] =	vst.idx.add.f32.msk $0xffff, v2;
	v8 =	vsel vm1, v10, v12;
	v3 =	vadd.s32 v1, v3  }
0x8f: {  	[tilespmem:v5+s15+$0x0] =	vst.idx.add.f32.msk $0xffff, v2;
	v5 =	vadd.s32 v1, v8  }
0x90: {  	[tilespmem:v9+s15+$0x0] =	vst.idx.add.f32.msk $0xffff, v2  }
0x91: {  	[tilespmem:v11+s15+$0x0] =	vst.idx.add.f32.msk $0xffff, v2  }
0x92: {  	[tilespmem:v6+s15+$0x0] =	vst.idx.add.f32.msk $0xffff, v2  }
0x93: {  	[tilespmem:v3+s15+$0x0] =	vst.idx.add.f32.msk $0xffff, v2  }
0x94: {  	s7 =	simm.s32 $0x0;
	[tilespmem:v5+s15+$0x0] =	vst.idx.add.f32.msk $0xffff, v2  }
0x95: {  	s1 =	sand.u32 $0x1C0, s7;
	v3 =	vld [tilespmem:s31+$0xFFFFEFF0]  }
0x96: {  	v4 =	vld [tilespmem:s1+$0x18600]  }
0x97: {  	v5 =	vld [tilespmem:s31+$0xFFFFF000]  }
0x98: {  	v6 =	vld [tilespmem:s1+$0x18800]  }
0x99: {  	v7 =	vld [tilespmem:s31+$0xFFFFF200]  }
0x9a: {  	v8 =	vld [tilespmem:s1+$0x18A00]  }
0x9b: {  	v9 =	vld [tilespmem:s31+$0xFFFFF010]  }
0x9c: {  	v10 =	vld [tilespmem:s1+$0x18C00]  }
0x9d: {  	v11 =	vld [tilespmem:s31+$0xFFFFF210]  }
0x9e: {  	v47 =	vld [tilespmem:s1+$0x18E00]  }
0x9f: {  	v48 =	vld [tilespmem:s31+$0xFFFFF020]  }
0xa0: {  	v49 =	vld [tilespmem:s1+$0x19000]  }
0xa1: {  	v50 =	vld [tilespmem:s31+$0xFFFFF220]  }
0xa2: {  	v51 =	vld [tilespmem:s1+$0x19200]  }
0xa3: {  	v17 =	vld [tilespmem:s31+$0xFFFFF400]  }
0xa4: {  	v18 =	vld [tilespmem:s1+$0x19400]  }
0xa5: {  	v19 =	vld [tilespmem:s31+$0xFFFFF410]  }
0xa6: {  	v20 =	vld [tilespmem:s1+$0x19600]  }
0xa7: {  	v21 =	vld [tilespmem:s31+$0xFFFFF420]  }
0xa8: {  	v22 =	vld [tilespmem:s1+$0x19800]  }
0xa9: {  	v23 =	vld [tilespmem:s31+$0xFFFFF600]  }
0xaa: {  	v24 =	vld [tilespmem:s1+$0x19A00]  }
0xab: {  	v25 =	vld [tilespmem:s31+$0xFFFFF610]  }
0xac: {  	v26 =	vld [tilespmem:s1+$0x19C00]  }
0xad: {  	v27 =	vld [tilespmem:s31+$0xFFFFF620]  }
0xae: {  	v28 =	vld [tilespmem:s1+$0x19E00]  }
0xaf: {  	v29 =	vld [tilespmem:s31+$0xFFFFF800]  }
0xb0: {  	v30 =	vld [tilespmem:s1+$0x1A000]  }
0xb1: {  	v31 =	vld [tilespmem:s31+$0xFFFFF810]  }
0xb2: {  	v32 =	vld [tilespmem:s1+$0x1A200]  }
0xb3: {  	v33 =	vld [tilespmem:s31+$0xFFFFF820]  }
0xb4: {  	v34 =	vld [tilespmem:s31+$0xFFFFFA10];
	v3 =	vadd.f32 v4, v3  }
0xb5: {  	v35 =	vld [tilespmem:s31+$0xFFFFFC00]  }
0xb6: {  	v36 =	vld [tilespmem:s31+$0xFFFFFC20];
	v3 =	vadd.f32 v6, v3  }
0xb7: {  	v52 =	vld [tilespmem:s31+$0xFFFFFE20]  }
0xb8: {  	v53 =	vld [tilespmem:s31+$0x0];
	v3 =	vadd.f32 v8, v3  }
0xb9: {  	v54 =	vld [tilespmem:s31+$0x10]  }
0xba: {  	v55 =	vld [tilespmem:s31+$0x20];
	v5 =	vadd.f32 v7, v5;
	v3 =	vadd.f32 v10, v3  }
0xbb: {  	v56 =	vld [tilespmem:s31+$0x200];
	v9 =	vadd.f32 v11, v9;
	v10 =	vadd.f32 v50, v48  }
0xbc: {  	v57 =	vld [tilespmem:s31+$0x210];
	v5 =	vadd.f32 v17, v5;
	v3 =	vadd.f32 v47, v3  }
0xbd: {  	v4 =	vld [tilespmem:s31+$0xFFFFFA00];
	v9 =	vadd.f32 v19, v9;
	v10 =	vadd.f32 v21, v10  }
0xbe: {  	v6 =	vld [tilespmem:s31+$0xFFFFFA20];
	v5 =	vadd.f32 v23, v5;
	v3 =	vadd.f32 v49, v3  }
0xbf: {  	v58 =	vld [tilespmem:s31+$0x410];
	v9 =	vadd.f32 v25, v9;
	v10 =	vadd.f32 v27, v10  }
0xc0: {  	v8 =	vld [tilespmem:s31+$0xFFFFFC10];
	v5 =	vadd.f32 v29, v5;
	v3 =	vadd.f32 v51, v3  }
0xc1: {  	v7 =	vld [tilespmem:s31+$0xFFFFFE00];
	v9 =	vadd.f32 v31, v9;
	v10 =	vadd.f32 v33, v10  }
0xc2: {  	v11 =	vld [tilespmem:s31+$0xFFFFFE10];
	v4 =	vadd.f32 v4, v5;
	v3 =	vadd.f32 v18, v3  }
0xc3: {  	v59 =	vld [tilespmem:s31+$0x620];
	v9 =	vadd.f32 v34, v9;
	v6 =	vadd.f32 v6, v10  }
0xc4: {  	v60 =	vld [tilespmem:s31+$0x800];
	v4 =	vadd.f32 v35, v4;
	v3 =	vadd.f32 v20, v3  }
0xc5: {  	v61 =	vld [tilespmem:s31+$0x810];
	v8 =	vadd.f32 v8, v9;
	v6 =	vadd.f32 v36, v6  }
0xc6: {  	v5 =	vld [tilespmem:s31+$0x220];
	v4 =	vadd.f32 v7, v4;
	v3 =	vadd.f32 v22, v3  }
0xc7: {  	v8 =	vadd.f32 v11, v8;
	v10 =	vld [tilespmem:s31+$0x400];
	v6 =	vadd.f32 v52, v6  }
0xc8: {  	v9 =	vld [tilespmem:s31+$0x420];
	v4 =	vadd.f32 v53, v4;
	v3 =	vadd.f32 v24, v3  }
0xc9: {  	v7 =	vld [tilespmem:s31+$0x600];
	v8 =	vadd.f32 v54, v8;
	v6 =	vadd.f32 v55, v6  }
0xca: {  	v11 =	vld [tilespmem:s31+$0x610];
	v4 =	vadd.f32 v56, v4;
	v3 =	vadd.f32 v26, v3  }
0xcb: {  	v62 =	vld [tilespmem:s31+$0xA10];
	v8 =	vadd.f32 v57, v8;
	v5 =	vadd.f32 v5, v6  }
0xcc: {  	v4 =	vadd.f32 v10, v4;
	v6 =	vld [tilespmem:s31+$0x820];
	v3 =	vadd.f32 v28, v3  }
0xcd: {  	v8 =	vadd.f32 v58, v8;
	v10 =	vld [tilespmem:s31+$0xA00];
	v5 =	vadd.f32 v9, v5  }
0xce: {  	v63 =	vld [tilespmem:s31+$0xA20];
	v4 =	vadd.f32 v7, v4;
	v9 =	vadd.f32 v30, v3  }
0xcf: {  	s11 =	simm.s32 $0x0;
	s9 =	simm.s32 $0x10;
	s1 =	simm.s32 $0x0;
	v7 =	vadd.f32 v11, v8;
	v5 =	vadd.f32 v59, v5;
	v3 =	vld [tilespmem:s31+$0xC00]  }
0xd0: {  	s12 =	simm.s32 $0x20;
	s0 =	sand.u32 $0x70, s0;
	s13 =	sand.u32 $0x300, s1;
	v8 =	vadd.f32 v32, v9;
	v9 =	vadd.f32 v60, v4;
	v4 =	vld [tilespmem:s31+$0xC10]  }
0xd1: {  	s9 =	sand.u32 $0x50, s9;
	s7 =	sand.u32 $0x40, s7;
	s13 =	sor.u32 $0x18000, s13;
	v7 =	vadd.f32 v61, v7;
	v11 =	vadd.f32 v6, v5;
	v5 =	vld [tilespmem:s31+$0xC20]  }
0xd2: {  	s12 =	sand.u32 $0x60, s12;
	s21 =	sor.u32 s7, s13;
	s9 =	sor.u32 s9, s13;
	v6 =	vld [tilespmem:s31+$0xE00];
	v9 =	vadd.f32 v10, v9  }
0xd3: {  	s7 =	sor.u32 s12, s13;
	s12 =	sor.u32 s0, s13;
	s0 =	simm.s32 $0x70;
	[tilespmem:s21+$0x0] =	vst v8;
	v10 =	vadd.f32 v62, v7;
	v7 =	vld [tilespmem:s31+$0xE10];
	v8 =	vadd.f32 v63, v11  }
.LBB2_12:
0xd4: {  	s13 =	sadd.s32 $0xFFFFFFD0, s0;
	s11 =	sadd.s32 $0x4, s11;
	v3 =	vadd.f32 v3, v9;
	v9 =	vld [tilespmem:s31+$0xE20];
	s31 =	sadd.s32 $0x40, s31  }
0xd5: {  	s21 =	sadd.s32 $0xFFFFFFE0, s0;
	v11 =	vld [tilespmem:s31+$0xFFFFEFF0];
	s22 =	sand.u32 $0x1C0, s13;
	p1 =	slt.u32 s11, $0x1C;
	v4 =	vadd.f32 v4, v10  }
0xd6: {  	s25 =	sand.u32 $0x70, s0;
	s26 =	sand.u32 $0x50, s21;
	s21 =	sadd.s32 $0xFFFFFFF0, s0;
	v10 =	vld [tilespmem:s22+$0x18600];
	v5 =	vadd.f32 v5, v8  }
0xd7: {  	s21 =	sand.u32 $0x60, s21;
	v8 =	vld [tilespmem:s31+$0xFFFFF000];
	v3 =	vadd.f32 v6, v3  }
0xd8: {  	v6 =	vld [tilespmem:s22+$0x18800];
	v4 =	vadd.f32 v7, v4  }
0xd9: {  	v7 =	vld [tilespmem:s31+$0xFFFFF200];
	[tilespmem:s9+$0x0] =	vst v3;
	v3 =	vadd.f32 v9, v5  }
0xda: {  	v5 =	vld [tilespmem:s22+$0x18A00];
	[tilespmem:s7+$0x0] =	vst v4  }
0xdb: {  	v4 =	vadd.f32 v10, v11;
	v9 =	vld [tilespmem:s31+$0xFFFFF010];
	[tilespmem:s12+$0x0] =	vst v3  }
0xdc: {  	v3 =	vld [tilespmem:s22+$0x18C00]  }
0xdd: {  	v4 =	vadd.f32 v6, v4;
	v6 =	vld [tilespmem:s31+$0xFFFFF210]  }
0xde: {  	v10 =	vld [tilespmem:s22+$0x18E00];
	v7 =	vadd.f32 v7, v8  }
0xdf: {  	v4 =	vadd.f32 v5, v4;
	v5 =	vld [tilespmem:s31+$0xFFFFF020]  }
0xe0: {  	v8 =	vld [tilespmem:s22+$0x19000]  }
0xe1: {  	v3 =	vadd.f32 v3, v4;
	v4 =	vld [tilespmem:s31+$0xFFFFF220]  }
0xe2: {  	v11 =	vld [tilespmem:s22+$0x19200];
	v6 =	vadd.f32 v6, v9  }
0xe3: {  	v3 =	vadd.f32 v10, v3;
	v9 =	vld [tilespmem:s31+$0xFFFFF400]  }
0xe4: {  	v10 =	vld [tilespmem:s22+$0x19400]  }
0xe5: {  	v3 =	vadd.f32 v8, v3;
	v8 =	vld [tilespmem:s31+$0xFFFFF410]  }
0xe6: {  	v12 =	vld [tilespmem:s22+$0x19600];
	v4 =	vadd.f32 v4, v5  }
0xe7: {  	v3 =	vadd.f32 v11, v3;
	v5 =	vld [tilespmem:s31+$0xFFFFF420]  }
0xe8: {  	v11 =	vld [tilespmem:s22+$0x19800];
	v7 =	vadd.f32 v9, v7  }
0xe9: {  	v3 =	vadd.f32 v10, v3;
	v9 =	vld [tilespmem:s31+$0xFFFFF600]  }
0xea: {  	v10 =	vld [tilespmem:s22+$0x19A00];
	v6 =	vadd.f32 v8, v6  }
0xeb: {  	v3 =	vadd.f32 v12, v3;
	v8 =	vld [tilespmem:s31+$0xFFFFF610]  }
0xec: {  	v12 =	vld [tilespmem:s22+$0x19C00];
	v4 =	vadd.f32 v5, v4  }
0xed: {  	v3 =	vadd.f32 v11, v3;
	v5 =	vld [tilespmem:s31+$0xFFFFF620]  }
0xee: {  	v11 =	vld [tilespmem:s22+$0x19E00];
	v7 =	vadd.f32 v9, v7  }
0xef: {  	v3 =	vadd.f32 v10, v3;
	v9 =	vld [tilespmem:s31+$0xFFFFF800]  }
0xf0: {  	v10 =	vld [tilespmem:s22+$0x1A000];
	v6 =	vadd.f32 v8, v6  }
0xf1: {  	v3 =	vadd.f32 v12, v3;
	v8 =	vld [tilespmem:s31+$0xFFFFF810]  }
0xf2: {  	v12 =	vld [tilespmem:s22+$0x1A200];
	v4 =	vadd.f32 v5, v4  }
0xf3: {  	v3 =	vadd.f32 v11, v3;
	v5 =	vld [tilespmem:s31+$0xFFFFF820]  }
0xf4: {  	v7 =	vadd.f32 v9, v7;
	v9 =	vld [tilespmem:s31+$0xFFFFFA00]  }
0xf5: {  	s1 =	sadd.s32 $0x80, s1;
	v3 =	vadd.f32 v10, v3;
	v10 =	vld [tilespmem:s31+$0xFFFFFA10]  }
0xf6: {  	s7 =	sand.u32 $0x300, s1;
	v6 =	vadd.f32 v8, v6;
	v8 =	vld [tilespmem:s31+$0xFFFFFA20]  }
0xf7: {  	s9 =	sand.u32 $0x40, s13;
	s12 =	sor.u32 $0x18000, s7;
	v3 =	vadd.f32 v12, v3;
	v11 =	vld [tilespmem:s31+$0xFFFFFC00]  }
0xf8: {  	s13 =	sor.u32 s9, s12;
	s9 =	sor.u32 s26, s12;
	s7 =	sor.u32 s21, s12;
	v12 =	vld [tilespmem:s31+$0xFFFFFC10];
	v4 =	vadd.f32 v5, v4  }
0xf9: {  	s12 =	sor.u32 s25, s12;
	[tilespmem:s13+$0x0] =	vst v3;
	v3 =	vadd.f32 v9, v7;
	v5 =	vld [tilespmem:s31+$0xFFFFFC20]  }
0xfa: {  	v7 =	vld [tilespmem:s31+$0xFFFFFE00];
	v6 =	vadd.f32 v10, v6  }
0xfb: {  	v9 =	vld [tilespmem:s31+$0xFFFFFE10];
	v4 =	vadd.f32 v8, v4  }
0xfc: {  	v3 =	vadd.f32 v11, v3;
	v8 =	vld [tilespmem:s31+$0xFFFFFE20]  }
0xfd: {  	v10 =	vld [tilespmem:s31+$0x0];
	v6 =	vadd.f32 v12, v6  }
0xfe: {  	v11 =	vld [tilespmem:s31+$0x10];
	v4 =	vadd.f32 v5, v4  }
0xff: {  	v3 =	vadd.f32 v7, v3;
	v5 =	vld [tilespmem:s31+$0x20]  }
0x100: {  	v7 =	vld [tilespmem:s31+$0x200];
	v6 =	vadd.f32 v9, v6  }
0x101: {  	v9 =	vld [tilespmem:s31+$0x210];
	v4 =	vadd.f32 v8, v4  }
0x102: {  	v3 =	vadd.f32 v10, v3;
	v8 =	vld [tilespmem:s31+$0x220]  }
0x103: {  	v10 =	vld [tilespmem:s31+$0x400];
	v6 =	vadd.f32 v11, v6  }
0x104: {  	v11 =	vld [tilespmem:s31+$0x410];
	v4 =	vadd.f32 v5, v4  }
0x105: {  	v3 =	vadd.f32 v7, v3;
	v5 =	vld [tilespmem:s31+$0x420]  }
0x106: {  	v7 =	vld [tilespmem:s31+$0x600];
	v6 =	vadd.f32 v9, v6  }
0x107: {  	v9 =	vld [tilespmem:s31+$0x610];
	v4 =	vadd.f32 v8, v4  }
0x108: {  	v3 =	vadd.f32 v10, v3;
	v8 =	vld [tilespmem:s31+$0x620]  }
0x109: {  	v10 =	vld [tilespmem:s31+$0x800];
	v6 =	vadd.f32 v11, v6  }
0x10a: {  	v11 =	vld [tilespmem:s31+$0x810];
	v4 =	vadd.f32 v5, v4  }
0x10b: {  	v3 =	vadd.f32 v7, v3;
	v5 =	vld [tilespmem:s31+$0x820]  }
0x10c: {  	v7 =	vld [tilespmem:s31+$0xA00];
	v6 =	vadd.f32 v9, v6  }
0x10d: {  	v12 =	vld [tilespmem:s31+$0xA10];
	v8 =	vadd.f32 v8, v4  }
0x10e: {  	v9 =	vadd.f32 v10, v3;
	v13 =	vld [tilespmem:s31+$0xA20]  }
.Ltmp9:
0x10f: {  	v3 =	vld [tilespmem:s31+$0xC00];
	v10 =	vadd.f32 v11, v6;
	(pc) =	sbr.rel @p1 .LBB2_12-.Ltmp9, $4  }
0x110: {  	v4 =	vld [tilespmem:s31+$0xC10];
	v8 =	vadd.f32 v5, v8  }
0x111: {  	v9 =	vadd.f32 v7, v9;
	v5 =	vld [tilespmem:s31+$0xC20]  }
0x112: {  	v6 =	vld [tilespmem:s31+$0xE00];
	v10 =	vadd.f32 v12, v10  }
0x113: {  	s0 =	sadd.s32 $0x40, s0;
	v7 =	vld [tilespmem:s31+$0xE10];
	v8 =	vadd.f32 v13, v8  }
0x114: {  	v11 =	vld [tilespmem:s31+$0xE20]  }
0x115: {  	v3 =	vadd.f32 v3, v9  }
0x116: {  	v4 =	vadd.f32 v4, v10  }
0x117: {  	v5 =	vadd.f32 v5, v8;
	v3 =	vadd.f32 v6, v3  }
0x118: {  	s0 =	sshll.u32 s28, $0xF;
	v4 =	vadd.f32 v7, v4  }
0x119: {  	s0 =	sor.u32 s10, s0;
	[tilespmem:s9+$0x0] =	vst v3;
	v3 =	vadd.f32 v11, v5  }
0x11a: {  	s0 =	sshrl.u32 s0, $0x3;
	[tilespmem:s7+$0x0] =	vst v4  }
0x11b: {  	s0 =	sadd.s32 s4, s0;
	[tilespmem:s12+$0x0] =	vst v3  }
0x11c: {  	[hbm4b:s0+s2] =	stream.linear.scatter [tilespmem:s16], [sflag:$0x3], $0x80, $0x38;
	[tilespmem:$0x1A400] =	vst v63  }
0x11d: {  	s1 =	sadd.s32 $0x80, s0  }
0x11e: {  	[hbm4b:s1+s2] =	stream.linear.scatter [tilespmem:s17], [sflag:$0x3], $0x80, $0x38;
	[tilespmem:$0x1A400] =	vst v63  }
.Ltmp10:
0x11f: {  	_ = 	snop;
	(pc) =	sbr.rel @p0 .LBB2_23-.Ltmp10, $4  }
0x120: {  	s31 =	sadd.s32 $0x100, s0  }
0x121: {  	[hbm4b:s31+s2] =	stream.linear.scatter [tilespmem:s18], [sflag:$0x3], $0x80, $0x38;
	[tilespmem:$0x1A400] =	vst v63  }
0x122: {  	s0 =	sadd.s32 $0x180, s0  }
0x123: {  	[hbm4b:s0+s2] =	stream.linear.scatter [tilespmem:s19], [sflag:$0x3], $0x80, $0x38;
	[tilespmem:$0x1A400] =	vst v63  }
0x124: {  	s0 =	simm.s32 $0x18440  }
0x125: {  	[tilespmem:s0+$0xFFFFFFC0] =	vst v0  }
0x126: {  	[tilespmem:s0+$0x30] =	vst v0  }
0x127: {  	[tilespmem:s0+$0x20] =	vst v0  }
0x128: {  	[tilespmem:s0+$0x10] =	vst v0  }
0x129: {  	[tilespmem:s0+$0x0] =	vst v0  }
0x12a: {  	[tilespmem:s0+$0xFFFFFFF0] =	vst v0  }
0x12b: {  	s1 =	simm.s32 $0x0;
	[tilespmem:s0+$0xFFFFFFE0] =	vst v0  }
.LBB2_15:
0x12c: {  	s1 =	sadd.s32 $0x8, s1;
	[tilespmem:s0+$0xFFFFFFD0] =	vst v0;
	s0 =	sadd.s32 $0x80, s0  }
0x12d: {  	[tilespmem:s0+$0xFFFFFFC0] =	vst v0;
	p0 =	slt.u32 s1, $0x1F8  }
0x12e: {  	[tilespmem:s0+$0x30] =	vst v0  }
.Ltmp11:
0x12f: {  	[tilespmem:s0+$0x20] =	vst v0;
	(pc) =	sbr.rel @p0 .LBB2_15-.Ltmp11, $4  }
0x130: {  	[tilespmem:s0+$0x10] =	vst v0  }
0x131: {  	[tilespmem:s0+$0x0] =	vst v0  }
0x132: {  	[tilespmem:s0+$0xFFFFFFF0] =	vst v0  }
0x133: {  	[tilespmem:s0+$0xFFFFFFE0] =	vst v0  }
0x134: {  	s1 =	sadd.s32 $0x2, s30  }
0x135: {  	s7 =	sshll.u32 s1, $0x12  }
0x136: {  	s1 =	sshll.u32 s1, $0x7;
	s7 =	sand.u32 $0xE00000, s7  }
0x137: {  	s1 =	sand.u32 $0x300, s1;
	s7 =	sadd.s32 s5, s7  }
0x138: {  	s1 =	sor.u32 s1, s7  }
0x139: {  	s1 =	sor.u32 s6, s1  }
0x13a: {  	s1 =	sshrl.u32 s1, $0x3  }
0x13b: {  	[tilespmem:s0+$0xFFFFFFD0] =	vst v0;
	s0 =	simm.s32 $0x80;
	s1 =	sadd.s32 s3, s1  }
0x13c: {  	s9 =	simm.s32 $0x8100;
	s7 =	simm.s32 $0x8000;
	s11 =	sadd.s32 $0x0, s1  }
.LBB2_17:
0x13d: {  	[tilespmem:s7], [sflag:$0x1] =	stream.linear.gather [hbm4b:s11+s2], $0x80, $0x38;
	[tilespmem:$0x1A400] =	vst v63  }
0x13e: {  	s11 =	smov.u32 s0;
	s7 =	smov.u32 s9;
	p0 =	sne.s32 s0, $0x7F80  }
.Ltmp12:
0x13f: {  	s0 =	sadd.s32 $0x80, s0;
	(pc) =	sbr.rel @p0 .LBB2_17-.Ltmp12, $2  }
0x140: {  	_ =	sdelay $0x2  }
0x141: {  	s9 =	sadd.s32 $0x100, s9;
	s11 =	sadd.s32 s11, s1  }
0x142: {  	[tilespmem:s7], [sflag:$0x1] =	stream.linear.gather [hbm4b:s11+s2], $0x80, $0x38;
	[tilespmem:$0x1A400] =	vst v63  }
0x143: {  	_ =	swait.ge [sflag:s20], $0x8000  }
0x144: {  	[sflag:s20] =	ssyncset.done $0x0  }
0x145: {  	s0 =	simm.s32 $0x80F0;
	[sflag:s20] =	ssyncadd.s32 $0xFFFF8000  }
0x146: {  	s1 =	simm.s32 $0x40;
	v3 =	vld [tilespmem:s0+$0xFFFFFFB0]  }
0x147: {  	v4 =	vld [tilespmem:s1+$0xFFFFFFE0]  }
0x148: {  	v5 =	vld [tilespmem:s0+$0xFFFFFF90]  }
0x149: {  	v6 =	vld [tilespmem:s1+$0xFFFFFFF0]  }
0x14a: {  	v7 =	vld [tilespmem:s0+$0xFFFFFFD0]  }
0x14b: {  	v9 =	vld [tilespmem:s0+$0x0]  }
0x14c: {  	v12 =	vld [tilespmem:s0+$0xFFFFFFC0]  }
0x14d: {  	v14 =	vld [tilespmem:s0+$0xFFFFFFF0]  }
0x14e: {  	v10 =	vld [tilespmem:s1+$0xFFFFFFC0]  }
0x14f: {  	v8 =	vld [tilespmem:s0+$0xFFFFFFE0];
	v5 =	vmul.f32 $2.560000000e+02, v5  }
0x150: {  	v11 =	vmul.f32 $2.560000000e+02, v3;
	v7 =	vmul.f32 $2.560000000e+02, v7  }
0x151: {  	v3 =	vmov s29;
	v12 =	vmul.f32 $2.560000000e+02, v12;
	v13 =	vtrunc.f32 v5  }
0x152: {  	v16 =	vld [tilespmem:s0+$0xFFFFFFA0];
	v14 =	vmul.f32 $2.560000000e+02, v14;
	vm1 =	veq.s32 v4, v3;
	v13 =	vcvt.f32.s32 v13  }
0x153: {  	vm0 =	veq.s32 v6, v3;
	v4 =	vmul.f32 $2.560000000e+02, v9;
	vm2 =	veq.s32 v10, v3  }
0x154: {  	v15 =	vld [tilespmem:s1+$0x30];
	v11 =	vtrunc.f32 v11;
	v5 =	vmul.f32 $2.560000000e+02, v8;
	v6 =	vsub.s32 $0x1FF, v13  }
0x155: {  	v9 =	vld [tilespmem:s1+$0x0];
	v8 =	vcvt.f32.s32 v11;
	v11 =	vtrunc.f32 v4;
	v6 =	vsel vm2, v6, v13  }
0x156: {  	v10 =	vld [tilespmem:s1+$0xFFFFFFD0];
	v13 =	vtrunc.f32 v7;
	v4 =	vadd.s32 v1, v6;
	v6 =	vcvt.f32.s32 v11  }
0x157: {  	p0 =	por $0x0, $0x0;
	s7 =	simm.s32 $0x81F0;
	v16 =	vmul.f32 $2.560000000e+02, v16;
	v7 =	vld [tilespmem:s1+$0x10];
	v11 =	vcvt.f32.s32 v13  }
0x158: {  	s9 =	simm.s32 $0xC0;
	s30 =	simm.s32 $0x20;
	s0 =	simm.s32 $0x0;
	v18 =	vtrunc.f32 v12;
	v12 =	vld [tilespmem:s1+$0x20];
	v17 =	vsub.s32 $0x1FF, v8;
	v13 =	vsub.s32 $0x1FF, v6  }
.LBB2_19:
0x159: {  	v19 =	vld [tilespmem:s7+$0xFFFFFFB0];
	s0 =	sadd.s32 $0x8, s0;
	v8 =	vsel vm1, v17, v8;
	v17 =	vsub.s32 $0x1FF, v11;
	v5 =	vtrunc.f32 v5  }
0x15a: {  	v18 =	vcvt.f32.s32 v18;
	vm1 =	veq.s32 v9, v3;
	v20 =	vld [tilespmem:s7+$0xFFFFFFA0];
	p1 =	slt.u32 s0, $0x7F8;
	v5 =	vcvt.f32.s32 v5  }
0x15b: {  	vm2 =	veq.s32 v10, v3;
	v10 =	vtrunc.f32 v16;
	v11 =	vsel vm1, v17, v11;
	v9 =	vld [tilespmem:s9+$0xFFFFFFE0]  }
0x15c: {  	v8 =	vadd.s32 v1, v8;
	v10 =	vcvt.f32.s32 v10;
	vm1 =	veq.s32 v7, v3;
	v16 =	vld [tilespmem:s9+$0xFFFFFFF0]  }
0x15d: {  	v14 =	vtrunc.f32 v14;
	v17 =	vsub.s32 $0x1FF, v18;
	vm3 =	veq.s32 v15, v3;
	v7 =	vld [tilespmem:s7+$0xFFFFFFD0]  }
0x15e: {  	vm4 =	veq.s32 v12, v3;
	v12 =	vcvt.f32.s32 v14;
	[tilespmem:v4+s15+$0x0] =	vst.idx.add.f32.msk $0xffff, v2;
	v4 =	vsub.s32 $0x1FF, v10  }
0x15f: {  	v6 =	vsel vm3, v13, v6;
	v14 =	vld [tilespmem:s9+$0xFFFFFFC0];
	v4 =	vsel vm2, v4, v10;
	v10 =	vsel vm0, v17, v18  }
0x160: {  	v15 =	vsub.s32 $0x1FF, v5;
	v6 =	vadd.s32 v1, v6;
	v17 =	vsub.s32 $0x1FF, v12;
	v13 =	vld [tilespmem:s7+$0xFFFFFFC0]  }
0x161: {  	v5 =	vsel vm1, v15, v5;
	v4 =	vadd.s32 v1, v4;
	v12 =	vsel vm4, v17, v12;
	v18 =	vld [tilespmem:s7+$0xFFFFFFF0]  }
0x162: {  	v5 =	vadd.s32 v1, v5;
	v12 =	vadd.s32 v1, v12;
	v15 =	vld [tilespmem:s7+$0xFFFFFF90]  }
0x163: {  	v10 =	vadd.s32 v1, v10;
	v17 =	vld [tilespmem:s7+$0x0]  }
0x164: {  	v11 =	vadd.s32 v1, v11;
	v21 =	vld [tilespmem:s7+$0xFFFFFFE0]  }
0x165: {  	v19 =	vmul.f32 $2.560000000e+02, v19;
	[tilespmem:v6+s15+$0x0] =	vst.idx.add.f32.msk $0xffff, v2  }
0x166: {  	[tilespmem:v8+s15+$0x0] =	vst.idx.add.f32.msk $0xffff, v2  }
0x167: {  	v6 =	vmul.f32 $2.560000000e+02, v15;
	[tilespmem:v5+s15+$0x0] =	vst.idx.add.f32.msk $0xffff, v2  }
0x168: {  	v8 =	vtrunc.f32 v19;
	[tilespmem:v12+s15+$0x0] =	vst.idx.add.f32.msk $0xffff, v2  }
0x169: {  	v6 =	vtrunc.f32 v6;
	v5 =	vmul.f32 $2.560000000e+02, v21;
	[tilespmem:v11+s15+$0x0] =	vst.idx.add.f32.msk $0xffff, v2  }
0x16a: {  	vm1 =	veq.s32 v9, v3;
	v6 =	vcvt.f32.s32 v6;
	[tilespmem:v10+s15+$0x0] =	vst.idx.add.f32.msk $0xffff, v2  }
0x16b: {  	vm0 =	veq.s32 v16, v3;
	v8 =	vcvt.f32.s32 v8;
	v11 =	vmul.f32 $2.560000000e+02, v17;
	[tilespmem:v4+s15+$0x0] =	vst.idx.add.f32.msk $0xffff, v2  }
.Ltmp13:
0x16c: {  	v7 =	vmul.f32 $2.560000000e+02, v7;
	vm2 =	veq.s32 v14, v3;
	v4 =	vsub.s32 $0x1FF, v6;
	v9 =	vld [tilespmem:s9+$0x0];
	(pc) =	sbr.rel @p1 .LBB2_19-.Ltmp13, $4  }
0x16d: {  	v12 =	vmul.f32 $2.560000000e+02, v13;
	v4 =	vsel vm2, v4, v6;
	v10 =	vld [tilespmem:s9+$0xFFFFFFD0];
	v6 =	vtrunc.f32 v11  }
0x16e: {  	v11 =	vtrunc.f32 v7;
	v4 =	vadd.s32 v1, v4;
	v7 =	vld [tilespmem:s9+$0x10];
	v6 =	vcvt.f32.s32 v6  }
0x16f: {  	s1 =	simm.s32 $0x19410;
	v14 =	vmul.f32 $2.560000000e+02, v18;
	v17 =	vsub.s32 $0x1FF, v8;
	v11 =	vcvt.f32.s32 v11;
	v15 =	vld [tilespmem:s9+$0x30]  }
0x170: {  	v16 =	vmul.f32 $2.560000000e+02, v20;
	s7 =	sadd.s32 $0x100, s7;
	v18 =	vtrunc.f32 v12;
	v12 =	vld [tilespmem:s9+$0x20];
	v13 =	vsub.s32 $0x1FF, v6;
	s9 =	sadd.s32 $0x80, s9  }
0x171: {  	v8 =	vsel vm1, v17, v8  }
0x172: {  	v43 =	vsub.s32 $0x1FF, v11;
	v5 =	vtrunc.f32 v5;
	v18 =	vcvt.f32.s32 v18  }
0x173: {  	vm14 =	veq.s32 v9, v3;
	v5 =	vcvt.f32.s32 v5;
	vm2 =	veq.s32 v10, v3  }
0x174: {  	v9 =	vtrunc.f32 v16;
	v10 =	vtrunc.f32 v14;
	v8 =	vadd.s32 v1, v8  }
0x175: {  	v10 =	vcvt.f32.s32 v10;
	vm15 =	veq.s32 v7, v3;
	vm3 =	veq.s32 v15, v3  }
0x176: {  	v7 =	vsub.s32 $0x1FF, v5;
	v6 =	vsel vm3, v13, v6;
	vm4 =	veq.s32 v12, v3  }
0x177: {  	v3 =	vsub.s32 $0x1FF, v10;
	v5 =	vsel vm15, v7, v5;
	v6 =	vadd.s32 v1, v6  }
0x178: {  	v7 =	vcvt.f32.s32 v9;
	v9 =	vsel vm14, v43, v11;
	v5 =	vadd.s32 v1, v5  }
0x179: {  	v3 =	vsel vm4, v3, v10;
	v10 =	vsub.s32 $0x1FF, v18;
	v9 =	vadd.s32 v1, v9  }
0x17a: {  	[tilespmem:v4+s15+$0x0] =	vst.idx.add.f32.msk $0xffff, v2;
	v3 =	vadd.s32 v1, v3;
	v4 =	vsub.s32 $0x1FF, v7;
	v10 =	vsel vm0, v10, v18  }
0x17b: {  	[tilespmem:v8+s15+$0x0] =	vst.idx.add.f32.msk $0xffff, v2;
	v4 =	vsel vm2, v4, v7;
	v7 =	vadd.s32 v1, v10  }
0x17c: {  	v4 =	vadd.s32 v1, v4;
	[tilespmem:v6+s15+$0x0] =	vst.idx.add.f32.msk $0xffff, v2  }
0x17d: {  	[tilespmem:v5+s15+$0x0] =	vst.idx.add.f32.msk $0xffff, v2  }
0x17e: {  	[tilespmem:v9+s15+$0x0] =	vst.idx.add.f32.msk $0xffff, v2  }
0x17f: {  	[tilespmem:v3+s15+$0x0] =	vst.idx.add.f32.msk $0xffff, v2  }
0x180: {  	[tilespmem:v7+s15+$0x0] =	vst.idx.add.f32.msk $0xffff, v2  }
0x181: {  	s0 =	simm.s32 $0x0;
	[tilespmem:v4+s15+$0x0] =	vst.idx.add.f32.msk $0xffff, v2  }
0x182: {  	s0 =	sand.u32 $0x1C0, s0;
	v3 =	vld [tilespmem:s1+$0xFFFFEFF0]  }
0x183: {  	v4 =	vld [tilespmem:s0+$0x18600]  }
0x184: {  	v5 =	vld [tilespmem:s1+$0xFFFFF000]  }
0x185: {  	v6 =	vld [tilespmem:s0+$0x18800]  }
0x186: {  	v7 =	vld [tilespmem:s1+$0xFFFFF200]  }
0x187: {  	v8 =	vld [tilespmem:s0+$0x18A00]  }
0x188: {  	v9 =	vld [tilespmem:s1+$0xFFFFF010]  }
0x189: {  	v10 =	vld [tilespmem:s0+$0x18C00]  }
0x18a: {  	v11 =	vld [tilespmem:s1+$0xFFFFF210]  }
0x18b: {  	v12 =	vld [tilespmem:s0+$0x18E00]  }
0x18c: {  	v13 =	vld [tilespmem:s1+$0xFFFFF020]  }
0x18d: {  	v14 =	vld [tilespmem:s0+$0x19000]  }
0x18e: {  	v15 =	vld [tilespmem:s1+$0xFFFFF220]  }
0x18f: {  	v16 =	vld [tilespmem:s0+$0x19200]  }
0x190: {  	v17 =	vld [tilespmem:s1+$0xFFFFF400]  }
0x191: {  	v20 =	vld [tilespmem:s0+$0x19400]  }
0x192: {  	v19 =	vld [tilespmem:s1+$0xFFFFF410]  }
0x193: {  	v22 =	vld [tilespmem:s0+$0x19600]  }
0x194: {  	v44 =	vld [tilespmem:s0+$0x19C00]  }
0x195: {  	v21 =	vld [tilespmem:s1+$0xFFFFF420]  }
0x196: {  	v24 =	vld [tilespmem:s0+$0x19800]  }
0x197: {  	v23 =	vld [tilespmem:s1+$0xFFFFF600]  }
0x198: {  	v32 =	vld [tilespmem:s0+$0x19A00]  }
0x199: {  	v25 =	vld [tilespmem:s1+$0xFFFFF610];
	[tilespmem:$0x1FF90] =	vst v44  }
0x19a: {  	v18 =	vld [tilespmem:s0+$0x19E00];
	_ =	sdelay $0x4  }
0x19b: {  	v27 =	vld [tilespmem:s1+$0xFFFFF620];
	[tilespmem:$0x1FFA0] =	vst v18  }
0x19c: {  	v18 =	vld [tilespmem:s0+$0x1A000];
	_ =	sdelay $0x4  }
0x19d: {  	v29 =	vld [tilespmem:s1+$0xFFFFF800];
	[tilespmem:$0x1FFB0] =	vst v18  }
0x19e: {  	v18 =	vld [tilespmem:s0+$0x1A200];
	_ =	sdelay $0x4  }
0x19f: {  	v31 =	vld [tilespmem:s1+$0xFFFFF810];
	[tilespmem:$0x1FFC0] =	vst v18  }
0x1a0: {  	v33 =	vld [tilespmem:s1+$0xFFFFF820]  }
0x1a1: {  	v34 =	vld [tilespmem:s1+$0xFFFFFA00]  }
0x1a2: {  	v35 =	vld [tilespmem:s1+$0xFFFFFA10]  }
0x1a3: {  	v36 =	vld [tilespmem:s1+$0xFFFFFA20]  }
0x1a4: {  	v37 =	vld [tilespmem:s1+$0xFFFFFC00]  }
0x1a5: {  	v38 =	vld [tilespmem:s1+$0xFFFFFC10]  }
0x1a6: {  	v39 =	vld [tilespmem:s1+$0xFFFFFC20]  }
0x1a7: {  	v40 =	vld [tilespmem:s1+$0xFFFFFE00]  }
0x1a8: {  	v41 =	vld [tilespmem:s1+$0xFFFFFE10]  }
0x1a9: {  	v42 =	vld [tilespmem:s1+$0xFFFFFE20]  }
0x1aa: {  	v43 =	vld [tilespmem:s1+$0x0]  }
0x1ab: {  	v44 =	vld [tilespmem:s1+$0x10]  }
0x1ac: {  	v45 =	vld [tilespmem:s1+$0x20]  }
0x1ad: {  	v46 =	vld [tilespmem:s1+$0x200]  }
0x1ae: {  	v47 =	vld [tilespmem:s1+$0x210]  }
0x1af: {  	v48 =	vld [tilespmem:s1+$0x220]  }
0x1b0: {  	v49 =	vld [tilespmem:s1+$0x400]  }
0x1b1: {  	v50 =	vld [tilespmem:s1+$0x410]  }
0x1b2: {  	v51 =	vld [tilespmem:s1+$0x420]  }
0x1b3: {  	v3 =	vadd.f32 v4, v3;
	v52 =	vld [tilespmem:s1+$0x600]  }
0x1b4: {  	v53 =	vld [tilespmem:s1+$0x610]  }
0x1b5: {  	v3 =	vadd.f32 v6, v3;
	v54 =	vld [tilespmem:s1+$0x620]  }
0x1b6: {  	v55 =	vld [tilespmem:s1+$0x800]  }
0x1b7: {  	v3 =	vadd.f32 v8, v3;
	v56 =	vld [tilespmem:s1+$0x810]  }
0x1b8: {  	v57 =	vld [tilespmem:s1+$0x820]  }
0x1b9: {  	v3 =	vadd.f32 v10, v3;
	v10 =	vadd.f32 v15, v13;
	v58 =	vld [tilespmem:s1+$0xA00]  }
0x1ba: {  	v18 =	vld [tilespmem:s1+$0xE00]  }
0x1bb: {  	v10 =	vadd.f32 v21, v10;
	v59 =	vld [tilespmem:s1+$0xA10]  }
0x1bc: {  	v60 =	vld [tilespmem:s1+$0xA20]  }
0x1bd: {  	v10 =	vadd.f32 v27, v10;
	v61 =	vld [tilespmem:s1+$0xC00]  }
0x1be: {  	v62 =	vld [tilespmem:s1+$0xC10]  }
0x1bf: {  	v63 =	vld [tilespmem:s1+$0xC20];
	[tilespmem:$0x1FFD0] =	vst v18;
	v10 =	vadd.f32 v33, v10  }
0x1c0: {  	v18 =	vld [tilespmem:s1+$0xE10]  }
0x1c1: {  	v10 =	vadd.f32 v36, v10;
	_ =	sdelay $0x1  }
0x1c2: {  	v10 =	vadd.f32 v39, v10;
	_ =	sdelay $0x1  }
0x1c3: {  	[tilespmem:$0x1FFE0] =	vst v18;
	v10 =	vadd.f32 v42, v10  }
0x1c4: {  	v18 =	vld [tilespmem:s1+$0xE20]  }
0x1c5: {  	v10 =	vadd.f32 v45, v10;
	_ =	sdelay $0x1  }
0x1c6: {  	v45 =	vld [tilespmem:$0x1FF90];
	v10 =	vadd.f32 v48, v10  }
0x1c7: {  	v48 =	vld [tilespmem:$0x1FFA0]  }
0x1c8: {  	s21 =	simm.s32 $0x40;
	s31 =	simm.s32 $0x19450;
	[tilespmem:$0x1FFF0] =	vst v18;
	v10 =	vadd.f32 v51, v10;
	v51 =	vld [tilespmem:$0x1FFB0]  }
0x1c9: {  	s0 =	sand.u32 $0x1C0, s21;
	v18 =	vld [tilespmem:s31+$0xFFFFEFF0]  }
0x1ca: {  	v4 =	vld [tilespmem:s0+$0x18600]  }
0x1cb: {  	v30 =	vld [tilespmem:s31+$0xFFFFF000]  }
0x1cc: {  	v6 =	vld [tilespmem:s0+$0x18800]  }
0x1cd: {  	v26 =	vld [tilespmem:s31+$0xFFFFF200]  }
0x1ce: {  	v8 =	vld [tilespmem:s0+$0x18A00]  }
0x1cf: {  	v28 =	vld [tilespmem:s31+$0xFFFFF010]  }
0x1d0: {  	v5 =	vadd.f32 v7, v5;
	v7 =	vld [tilespmem:s0+$0x18C00]  }
0x1d1: {  	v9 =	vadd.f32 v11, v9;
	v11 =	vld [tilespmem:s31+$0xFFFFF210]  }
0x1d2: {  	v3 =	vadd.f32 v12, v3;
	v12 =	vld [tilespmem:s0+$0x18E00]  }
0x1d3: {  	v9 =	vadd.f32 v19, v9;
	v13 =	vld [tilespmem:s31+$0xFFFFF020]  }
0x1d4: {  	v3 =	vadd.f32 v14, v3;
	v14 =	vld [tilespmem:s0+$0x19000]  }
0x1d5: {  	v5 =	vadd.f32 v17, v5;
	v9 =	vadd.f32 v25, v9;
	v15 =	vld [tilespmem:s31+$0xFFFFF220]  }
0x1d6: {  	v3 =	vadd.f32 v16, v3;
	v16 =	vld [tilespmem:s0+$0x19200]  }
0x1d7: {  	v5 =	vadd.f32 v23, v5;
	v9 =	vadd.f32 v31, v9;
	v17 =	vld [tilespmem:s31+$0xFFFFF400]  }
0x1d8: {  	v3 =	vadd.f32 v20, v3;
	v19 =	vld [tilespmem:s0+$0x19400]  }
0x1d9: {  	v5 =	vadd.f32 v29, v5;
	v9 =	vadd.f32 v35, v9;
	v20 =	vld [tilespmem:s31+$0xFFFFF410]  }
0x1da: {  	v3 =	vadd.f32 v22, v3;
	v21 =	vld [tilespmem:s0+$0x19600]  }
0x1db: {  	v5 =	vadd.f32 v34, v5;
	v9 =	vadd.f32 v38, v9;
	v22 =	vld [tilespmem:s31+$0xFFFFF420]  }
0x1dc: {  	v3 =	vadd.f32 v24, v3;
	v23 =	vld [tilespmem:s0+$0x19800]  }
0x1dd: {  	v5 =	vadd.f32 v37, v5;
	v9 =	vadd.f32 v41, v9;
	v24 =	vld [tilespmem:s31+$0xFFFFF600]  }
0x1de: {  	v25 =	vld [tilespmem:s0+$0x19A00]  }
0x1df: {  	v5 =	vadd.f32 v40, v5;
	v9 =	vadd.f32 v44, v9;
	v27 =	vld [tilespmem:s31+$0xFFFFF610]  }
0x1e0: {  	v29 =	vld [tilespmem:s0+$0x19C00]  }
0x1e1: {  	v5 =	vadd.f32 v43, v5;
	v9 =	vadd.f32 v47, v9;
	v31 =	vld [tilespmem:s31+$0xFFFFF620]  }
0x1e2: {  	v3 =	vadd.f32 v32, v3;
	v32 =	vld [tilespmem:s0+$0x19E00]  }
0x1e3: {  	v5 =	vadd.f32 v46, v5;
	v9 =	vadd.f32 v50, v9;
	v50 =	vld [tilespmem:s31+$0xFFFFF800]  }
0x1e4: {  	v34 =	vld [tilespmem:s0+$0x1A000]  }
0x1e5: {  	v5 =	vadd.f32 v49, v5;
	v9 =	vadd.f32 v53, v9;
	v53 =	vld [tilespmem:s31+$0xFFFFF810]  }
0x1e6: {  	v36 =	vld [tilespmem:s0+$0x1A200]  }
0x1e7: {  	v5 =	vadd.f32 v52, v5;
	v43 =	vld [tilespmem:s31+$0xFFFFFE10]  }
0x1e8: {  	v3 =	vadd.f32 v45, v3;
	v45 =	vld [tilespmem:s31+$0xFFFFFE20];
	v10 =	vadd.f32 v54, v10  }
0x1e9: {  	v46 =	vld [tilespmem:s31+$0x0];
	v5 =	vadd.f32 v55, v5;
	v9 =	vadd.f32 v56, v9  }
0x1ea: {  	v47 =	vld [tilespmem:s31+$0x10];
	v3 =	vadd.f32 v48, v3;
	v10 =	vadd.f32 v57, v10  }
0x1eb: {  	v49 =	vld [tilespmem:s31+$0x200];
	v5 =	vadd.f32 v58, v5;
	v9 =	vadd.f32 v59, v9  }
0x1ec: {  	v54 =	vld [tilespmem:$0x1FFC0];
	v3 =	vadd.f32 v51, v3;
	v4 =	vadd.f32 v4, v18  }
0x1ed: {  	v52 =	vld [tilespmem:s31+$0x400];
	v10 =	vadd.f32 v60, v10;
	v5 =	vadd.f32 v61, v5  }
0x1ee: {  	v56 =	vld [tilespmem:s31+$0xFFFFF820];
	v9 =	vadd.f32 v62, v9;
	v4 =	vadd.f32 v6, v4  }
0x1ef: {  	v55 =	vld [tilespmem:s31+$0x610];
	v26 =	vadd.f32 v26, v30;
	v11 =	vadd.f32 v11, v28  }
0x1f0: {  	v60 =	vld [tilespmem:$0x1FFD0];
	v13 =	vadd.f32 v15, v13;
	v4 =	vadd.f32 v8, v4  }
0x1f1: {  	v61 =	vld [tilespmem:$0x1FFE0];
	v3 =	vadd.f32 v54, v3;
	v10 =	vadd.f32 v63, v10  }
0x1f2: {  	v62 =	vld [tilespmem:$0x1FFF0];
	v11 =	vadd.f32 v20, v11;
	v4 =	vadd.f32 v7, v4  }
0x1f3: {  	v57 =	vld [tilespmem:s31+$0xFFFFFA00];
	v44 =	vadd.f32 v17, v26;
	v13 =	vadd.f32 v22, v13  }
0x1f4: {  	v58 =	vld [tilespmem:s31+$0xFFFFFA10];
	v11 =	vadd.f32 v27, v11;
	v4 =	vadd.f32 v12, v4  }
0x1f5: {  	v59 =	vld [tilespmem:s31+$0xFFFFFC00];
	v13 =	vadd.f32 v31, v13;
	v5 =	vadd.f32 v60, v5  }
0x1f6: {  	v6 =	vld [tilespmem:s31+$0xFFFFFA20];
	v12 =	vadd.f32 v24, v44;
	v4 =	vadd.f32 v14, v4  }
0x1f7: {  	v63 =	vld [tilespmem:s31+$0xFFFFFC20];
	v9 =	vadd.f32 v61, v9;
	v10 =	vadd.f32 v62, v10  }
0x1f8: {  	v8 =	vld [tilespmem:s31+$0xFFFFFC10];
	v12 =	vadd.f32 v50, v12;
	v4 =	vadd.f32 v16, v4  }
0x1f9: {  	v7 =	vld [tilespmem:s31+$0xFFFFFE00];
	v11 =	vadd.f32 v53, v11;
	v13 =	vadd.f32 v56, v13  }
0x1fa: {  	v48 =	vld [tilespmem:s31+$0x20];
	v12 =	vadd.f32 v57, v12;
	v4 =	vadd.f32 v19, v4  }
0x1fb: {  	v51 =	vld [tilespmem:s31+$0x220];
	v11 =	vadd.f32 v58, v11;
	v6 =	vadd.f32 v6, v13  }
0x1fc: {  	v54 =	vld [tilespmem:s31+$0x600];
	v12 =	vadd.f32 v59, v12;
	v4 =	vadd.f32 v21, v4  }
0x1fd: {  	v60 =	vld [tilespmem:s31+$0xA00];
	v8 =	vadd.f32 v8, v11;
	v6 =	vadd.f32 v63, v6  }
0x1fe: {  	v50 =	vld [tilespmem:s31+$0x210];
	v7 =	vadd.f32 v7, v12;
	v4 =	vadd.f32 v23, v4  }
0x1ff: {  	v53 =	vld [tilespmem:s31+$0x410];
	v8 =	vadd.f32 v43, v8;
	v6 =	vadd.f32 v45, v6  }
0x200: {  	s1 =	simm.s32 $0x1;
	v11 =	vld [tilespmem:s31+$0x420];
	v7 =	vadd.f32 v46, v7;
	v4 =	vadd.f32 v25, v4  }
0x201: {  	s21 =	simm.s32 $0x1;
	s1 =	simm.s32 @!p0 $0x0;
	p0 =	por !p0, !p0;
	v56 =	vld [tilespmem:s31+$0x620];
	v8 =	vadd.f32 v47, v8;
	v6 =	vadd.f32 v48, v6  }
0x202: {  	s1 =	sshll.u32 s1, $0x6;
	s21 =	simm.s32 @!p0 $0x0;
	s0 =	simm.s32 $0x0;
	v58 =	vld [tilespmem:s31+$0x810];
	v7 =	vadd.f32 v49, v7;
	v4 =	vadd.f32 v29, v4  }
0x203: {  	s1 =	sadd.s32 $0x0, s1;
	s21 =	sshll.u32 s21, $0x6;
	s7 =	sand.u32 $0x7, s0;
	v57 =	vld [tilespmem:s31+$0x800];
	v8 =	vadd.f32 v50, v8;
	v6 =	vadd.f32 v51, v6  }
0x204: {  	s9 =	sor.u32 $0x80, s1;
	s11 =	sand.u32 $0x3, s0;
	s7 =	sshll.u32 s7, $0x4;
	v59 =	vld [tilespmem:s31+$0x820];
	v7 =	vadd.f32 v52, v7;
	v4 =	vadd.f32 v32, v4  }
0x205: {  	s1 =	simm.s32 $0x4;
	s13 =	sshll.u32 s11, $0x5;
	s7 =	sadd.s32 $0x0, s7;
	v61 =	vld [tilespmem:s31+$0xA20];
	v8 =	vadd.f32 v53, v8;
	v6 =	vadd.f32 v11, v6  }
0x206: {  	s11 =	simm.s32 $0x4;
	s25 =	sadd.s32 $0x20, s13;
	s22 =	sadd.s32 $0x10, s7;
	v11 =	vld [tilespmem:s31+$0xA10];
	v7 =	vadd.f32 v54, v7;
	v4 =	vadd.f32 v34, v4  }
0x207: {  	s26 =	sand.u32 $0x7, s11;
	s7 =	sadd.s32 $0x30, s7;
	s12 =	sor.u32 $0x80, s22;
	[tilespmem:s9+$0x18000] =	vst v3;
	v3 =	vld [tilespmem:s31+$0xC00];
	v8 =	vadd.f32 v55, v8;
	v6 =	vadd.f32 v56, v6  }
0x208: {  	s13 =	sshll.u32 s26, $0x4;
	s22 =	sadd.s32 $0x80, s21;
	s9 =	sor.u32 $0x80, s25;
	[tilespmem:s12+$0x18000] =	vst v5;
	v7 =	vadd.f32 v57, v7;
	v62 =	vadd.f32 v36, v4;
	v4 =	vld [tilespmem:s31+$0xC10]  }
0x209: {  	s7 =	sor.u32 $0x80, s7;
	s25 =	sor.u32 $0x80, s22;
	[tilespmem:s9+$0x18000] =	vst v9;
	s9 =	sadd.s32 $0x80, s13;
	v5 =	vld [tilespmem:s31+$0xC20];
	v8 =	vadd.f32 v58, v8;
	v63 =	vadd.f32 v59, v6  }
0x20a: {  	s12 =	simm.s32 $0x80;
	[tilespmem:s7+$0x18000] =	vst v10;
	s26 =	sadd.s32 $0x10, s9;
	s9 =	sadd.s32 $0x30, s9;
	v6 =	vld [tilespmem:s31+$0xE00];
	v9 =	vadd.f32 v60, v7  }
0x20b: {  	s7 =	simm.s32 $0xB0;
	s13 =	sor.u32 $0x80, s26;
	s9 =	sor.u32 $0x80, s9;
	v10 =	vadd.f32 v11, v8;
	v8 =	vadd.f32 v61, v63;
	v7 =	vld [tilespmem:s31+$0xE10];
	[tilespmem:s25+$0x18000] =	vst v62  }
.LBB2_21:
0x20c: {  	s21 =	sadd.s32 $0xFFFFFFD0, s7;
	s1 =	sadd.s32 $0x4, s1;
	v3 =	vadd.f32 v3, v9;
	v9 =	vld [tilespmem:s31+$0xE20];
	s31 =	sadd.s32 $0x40, s31  }
0x20d: {  	s0 =	sadd.s32 $0x2, s0;
	v11 =	vld [tilespmem:s31+$0xFFFFEFF0];
	s21 =	sand.u32 $0x1C0, s21;
	p1 =	slt.u32 s1, $0x1C;
	v4 =	vadd.f32 v4, v10  }
0x20e: {  	s22 =	sand.u32 $0x3, s0;
	v10 =	vld [tilespmem:s21+$0x18600];
	v5 =	vadd.f32 v5, v8  }
0x20f: {  	s30 =	sadd.s32 $0x80, s30;
	s22 =	sshll.u32 s22, $0x5;
	v8 =	vld [tilespmem:s31+$0xFFFFF000];
	v3 =	vadd.f32 v6, v3  }
0x210: {  	s22 =	sadd.s32 s22, s30;
	v6 =	vld [tilespmem:s21+$0x18800];
	v4 =	vadd.f32 v7, v4  }
0x211: {  	v7 =	vld [tilespmem:s31+$0xFFFFF200];
	[tilespmem:s13+$0x18000] =	vst v3;
	s13 =	sor.u32 $0x80, s22;
	v3 =	vadd.f32 v9, v5  }
0x212: {  	v5 =	vld [tilespmem:s21+$0x18A00];
	[tilespmem:s13+$0x18000] =	vst v4  }
0x213: {  	v4 =	vadd.f32 v10, v11;
	v9 =	vld [tilespmem:s31+$0xFFFFF010];
	[tilespmem:s9+$0x18000] =	vst v3  }
0x214: {  	v3 =	vld [tilespmem:s21+$0x18C00]  }
0x215: {  	v4 =	vadd.f32 v6, v4;
	v6 =	vld [tilespmem:s31+$0xFFFFF210]  }
0x216: {  	v10 =	vld [tilespmem:s21+$0x18E00];
	v7 =	vadd.f32 v7, v8  }
0x217: {  	v4 =	vadd.f32 v5, v4;
	v5 =	vld [tilespmem:s31+$0xFFFFF020]  }
0x218: {  	v8 =	vld [tilespmem:s21+$0x19000]  }
0x219: {  	v3 =	vadd.f32 v3, v4;
	v4 =	vld [tilespmem:s31+$0xFFFFF220]  }
0x21a: {  	v11 =	vld [tilespmem:s21+$0x19200];
	v6 =	vadd.f32 v6, v9  }
0x21b: {  	v3 =	vadd.f32 v10, v3;
	v9 =	vld [tilespmem:s31+$0xFFFFF400]  }
0x21c: {  	v10 =	vld [tilespmem:s21+$0x19400]  }
0x21d: {  	v3 =	vadd.f32 v8, v3;
	v8 =	vld [tilespmem:s31+$0xFFFFF410]  }
0x21e: {  	v12 =	vld [tilespmem:s21+$0x19600];
	v4 =	vadd.f32 v4, v5  }
0x21f: {  	v3 =	vadd.f32 v11, v3;
	v5 =	vld [tilespmem:s31+$0xFFFFF420]  }
0x220: {  	v11 =	vld [tilespmem:s21+$0x19800];
	v7 =	vadd.f32 v9, v7  }
0x221: {  	v3 =	vadd.f32 v10, v3;
	v9 =	vld [tilespmem:s31+$0xFFFFF600]  }
0x222: {  	v10 =	vld [tilespmem:s21+$0x19A00];
	v6 =	vadd.f32 v8, v6  }
0x223: {  	v3 =	vadd.f32 v12, v3;
	v8 =	vld [tilespmem:s31+$0xFFFFF610]  }
0x224: {  	v12 =	vld [tilespmem:s21+$0x19C00];
	v4 =	vadd.f32 v5, v4  }
0x225: {  	v3 =	vadd.f32 v11, v3;
	v5 =	vld [tilespmem:s31+$0xFFFFF620]  }
0x226: {  	v11 =	vld [tilespmem:s21+$0x19E00];
	v7 =	vadd.f32 v9, v7  }
0x227: {  	v3 =	vadd.f32 v10, v3;
	v9 =	vld [tilespmem:s31+$0xFFFFF800]  }
0x228: {  	v10 =	vld [tilespmem:s21+$0x1A000];
	v6 =	vadd.f32 v8, v6  }
0x229: {  	v3 =	vadd.f32 v12, v3;
	v8 =	vld [tilespmem:s31+$0xFFFFF810]  }
0x22a: {  	v12 =	vld [tilespmem:s21+$0x1A200];
	v4 =	vadd.f32 v5, v4  }
0x22b: {  	v3 =	vadd.f32 v11, v3;
	v5 =	vld [tilespmem:s31+$0xFFFFF820]  }
0x22c: {  	s11 =	sadd.s32 $0x4, s11;
	p0 =	por !p0, !p0;
	s13 =	simm.s32 $0x1;
	v7 =	vadd.f32 v9, v7;
	v9 =	vld [tilespmem:s31+$0xFFFFFA00]  }
0x22d: {  	s9 =	sand.u32 $0x7, s11;
	s13 =	simm.s32 @!p0 $0x0;
	v3 =	vadd.f32 v10, v3;
	v10 =	vld [tilespmem:s31+$0xFFFFFA10]  }
0x22e: {  	s12 =	sadd.s32 $0x80, s12;
	s9 =	sshll.u32 s9, $0x4;
	s13 =	sshll.u32 s13, $0x6;
	v6 =	vadd.f32 v8, v6;
	v8 =	vld [tilespmem:s31+$0xFFFFFA20]  }
0x22f: {  	s9 =	sadd.s32 s9, s12;
	s13 =	sadd.s32 s13, s12;
	v3 =	vadd.f32 v12, v3;
	v11 =	vld [tilespmem:s31+$0xFFFFFC00]  }
0x230: {  	s13 =	sor.u32 $0x80, s13;
	s21 =	sadd.s32 $0x10, s9;
	s9 =	sadd.s32 $0x30, s9;
	v12 =	vld [tilespmem:s31+$0xFFFFFC10];
	v4 =	vadd.f32 v5, v4  }
0x231: {  	s9 =	sor.u32 $0x80, s9;
	[tilespmem:s13+$0x18000] =	vst v3;
	v3 =	vadd.f32 v9, v7;
	s13 =	sor.u32 $0x80, s21;
	v5 =	vld [tilespmem:s31+$0xFFFFFC20]  }
0x232: {  	v7 =	vld [tilespmem:s31+$0xFFFFFE00];
	v6 =	vadd.f32 v10, v6  }
0x233: {  	v9 =	vld [tilespmem:s31+$0xFFFFFE10];
	v4 =	vadd.f32 v8, v4  }
0x234: {  	v3 =	vadd.f32 v11, v3;
	v8 =	vld [tilespmem:s31+$0xFFFFFE20]  }
0x235: {  	v10 =	vld [tilespmem:s31+$0x0];
	v6 =	vadd.f32 v12, v6  }
0x236: {  	v11 =	vld [tilespmem:s31+$0x10];
	v4 =	vadd.f32 v5, v4  }
0x237: {  	v3 =	vadd.f32 v7, v3;
	v5 =	vld [tilespmem:s31+$0x20]  }
0x238: {  	v7 =	vld [tilespmem:s31+$0x200];
	v6 =	vadd.f32 v9, v6  }
0x239: {  	v9 =	vld [tilespmem:s31+$0x210];
	v4 =	vadd.f32 v8, v4  }
0x23a: {  	v3 =	vadd.f32 v10, v3;
	v8 =	vld [tilespmem:s31+$0x220]  }
0x23b: {  	v10 =	vld [tilespmem:s31+$0x400];
	v6 =	vadd.f32 v11, v6  }
0x23c: {  	v11 =	vld [tilespmem:s31+$0x410];
	v4 =	vadd.f32 v5, v4  }
0x23d: {  	v3 =	vadd.f32 v7, v3;
	v5 =	vld [tilespmem:s31+$0x420]  }
0x23e: {  	v7 =	vld [tilespmem:s31+$0x600];
	v6 =	vadd.f32 v9, v6  }
0x23f: {  	v9 =	vld [tilespmem:s31+$0x610];
	v4 =	vadd.f32 v8, v4  }
0x240: {  	v3 =	vadd.f32 v10, v3;
	v8 =	vld [tilespmem:s31+$0x620]  }
0x241: {  	v10 =	vld [tilespmem:s31+$0x800];
	v6 =	vadd.f32 v11, v6  }
0x242: {  	v11 =	vld [tilespmem:s31+$0x810];
	v4 =	vadd.f32 v5, v4  }
0x243: {  	v3 =	vadd.f32 v7, v3;
	v5 =	vld [tilespmem:s31+$0x820]  }
0x244: {  	v7 =	vld [tilespmem:s31+$0xA00];
	v6 =	vadd.f32 v9, v6  }
0x245: {  	v12 =	vld [tilespmem:s31+$0xA10];
	v8 =	vadd.f32 v8, v4  }
0x246: {  	v9 =	vadd.f32 v10, v3;
	v13 =	vld [tilespmem:s31+$0xA20]  }
.Ltmp14:
0x247: {  	v3 =	vld [tilespmem:s31+$0xC00];
	v10 =	vadd.f32 v11, v6;
	(pc) =	sbr.rel @p1 .LBB2_21-.Ltmp14, $4  }
0x248: {  	v4 =	vld [tilespmem:s31+$0xC10];
	v8 =	vadd.f32 v5, v8  }
0x249: {  	v9 =	vadd.f32 v7, v9;
	v5 =	vld [tilespmem:s31+$0xC20]  }
0x24a: {  	v6 =	vld [tilespmem:s31+$0xE00];
	v10 =	vadd.f32 v12, v10  }
0x24b: {  	s7 =	sadd.s32 $0x40, s7;
	v7 =	vld [tilespmem:s31+$0xE10];
	v8 =	vadd.f32 v13, v8  }
0x24c: {  	v11 =	vld [tilespmem:s31+$0xE20]  }
0x24d: {  	v3 =	vadd.f32 v3, v9;
	s0 =	sadd.s32 $0x2, s0  }
0x24e: {  	v4 =	vadd.f32 v4, v10;
	s0 =	sand.u32 $0x3, s0  }
0x24f: {  	s1 =	sadd.s32 $0x80, s30;
	v5 =	vadd.f32 v5, v8;
	s0 =	sshll.u32 s0, $0x5;
	v3 =	vadd.f32 v6, v3  }
0x250: {  	s25 =	sshll.u32 s29, $0xE;
	s0 =	sadd.s32 s0, s1;
	v4 =	vadd.f32 v7, v4  }
0x251: {  	s1 =	sor.u32 s10, s25;
	s0 =	sor.u32 $0x80, s0;
	[tilespmem:s13+$0x18000] =	vst v3;
	v3 =	vadd.f32 v11, v5  }
0x252: {  	s26 =	sshrl.u32 s1, $0x3;
	[tilespmem:s0+$0x18000] =	vst v4  }
0x253: {  	s29 =	simm.s32 $0x18080;
	s0 =	sadd.s32 s4, s26;
	[tilespmem:s9+$0x18000] =	vst v3  }
0x254: {  	[hbm4b:s0+s2] =	stream.linear.scatter [tilespmem:s29], [sflag:$0x4], $0x80, $0x38;
	[tilespmem:$0x1A400] =	vst v63  }
0x255: {  	s7 =	simm.s32 $0x18180;
	s30 =	sadd.s32 $0x80, s0  }
0x256: {  	[hbm4b:s30+s2] =	stream.linear.scatter [tilespmem:s7], [sflag:$0x4], $0x80, $0x38;
	[tilespmem:$0x1A400] =	vst v63  }
.Ltmp15:
0x257: {  	_ = 	snop;
	(pc) =	sbr.rel .LBB2_23-.Ltmp15, $4  }
0x258: {  	s31 =	sadd.s32 $0x100, s0  }
0x259: {  	[hbm4b:s31+s2] =	stream.linear.scatter [tilespmem:s23], [sflag:$0x4], $0x80, $0x38;
	[tilespmem:$0x1A400] =	vst v63  }
0x25a: {  	s0 =	sadd.s32 $0x180, s0  }
0x25b: {  	[hbm4b:s0+s2] =	stream.linear.scatter [tilespmem:s24], [sflag:$0x4], $0x80, $0x38;
	[tilespmem:$0x1A400] =	vst v63  }
.LBB2_25:
0x25c: {  	_ =	sfence.sel $0x180000  }
0x25d: {  	[bflag:$0x0] =	sbarrier.arrive $0xFFFF  }
0x25e: {  	_ =	strace $0x90000047  }
0x25f: {  	s0 =	stileid.u32;
	[bflag:$0x2] =	sbarrier.arrive $0xFFFF  }
0x260: {  	p0 =	sne.s32 s0, $0x0;
	s0 =	rddreg [dreg:$0x1]  }
0x261: {  	s0 =	sadd.s32 @!p0 $0x100000, s0  }
0x262: {  	[sflag:s0] =	ssyncadd.tile.s32 @!p0 $0x1;
	_ =	shalt  }
.Lfunc_end2:
_tile_overlayer_lowered:
.L_overlay_start_2:
0x263: {  	(tag) =	ssettag $0x2  }
0x264: {  	s0 =	rddreg [dreg:$0x0];
	s2 =	stileid.u32  }
0x265: {  	s1 =	rddreg [dreg:$0x1];
	p0 =	sne.s32 s2, $0x0  }
0x266: {  	s3 =	rddreg [dreg:$0x2];
	[bflag:$0x3] =	sbarrier.arrive $0xFFFF;
	s2 =	simm.s32 @!p0 $0x1C05  }
0x267: {  	[timem:s3], [sflag:s2] =	dma.local @!p0 [hbm:s0], s1  }
0x268: {  	s0 =	simm.s32 @!p0 $0x5  }
0x269: {  	_ =	swait.ge @!p0 [sflag:s0], s1  }
0x26a: {  	s1 =	ssub.s32 @!p0 $0x0, s1;
	[sflag:s0] =	ssyncset.done @!p0 $0x0  }
0x26b: {  	[sflag:s0] =	ssyncadd.s32 @!p0 s1  }
0x26c: {  	[bflag:$0x3] =	sbarrier.arrive $0xFFFF  }
0x26d: {  	_ =	shalt  }

// kernel: kernel.7.cloned.1.call-start
scs
__scs_entry_jumppad:
0x0: {  	(pc) =	sbr.rel $0x88, $3  }
0x1: {  	(tag) =	ssettag $0x0;
	lr =	simm.s32 $0x1  }
0x2: {  	[smem:$0x3F9F] =	sst lr;
	_ =	strace $0xD0000000  }
0x3: {  	_ = 	snop  }
0x4: {  	_ = 	snop  }
0x5: {  	_ = 	snop  }
0x6: {  	_ = 	snop  }
0x7: {  	_ = 	snop  }
__scs_overlays_trampoline_lowered:
0x8: {  	[smem:$0x3FAE] =	sst s0  }
0x9: {  	[smem:$0x3FAF] =	sst s1  }
0xa: {  	[smem:$0x3FB0] =	sst s2  }
0xb: {  	[smem:$0x3FB1] =	sst s3  }
0xc: {  	[smem:$0x3FB2] =	sst s4  }
0xd: {  	[smem:$0x3FB3] =	sst s5  }
0xe: {  	[smem:$0x3FB4] =	sst s6  }
0xf: {  	[smem:$0x3FB5] =	sst s7  }
0x10: {  	[smem:$0x3FB6] =	sst s8  }
0x11: {  	[smem:$0x3FB7] =	sst s9;
	s0 =	simm.s32 @!p0 $0x0  }
0x12: {  	s1 =	sld [smem:$0x3F9D];
	s0 =	simm.s32 @p0 $0x1  }
0x13: {  	[smem:$0x3FB8] =	sst s0;
	s0 =	simm.s32 @!p1 $0x0  }
0x14: {  	s2 =	sld [smem:$0x3F9C];
	s0 =	simm.s32 @p1 $0x1  }
0x15: {  	[smem:$0x3FB9] =	sst s0;
	s0 =	simm.s32 @!p2 $0x0  }
0x16: {  	s3 =	sld [smem:$0x3FDB];
	s0 =	simm.s32 @p2 $0x1  }
0x17: {  	s4 =	simm.s32 $0x1BF5;
	[smem:$0x3FBB] =	sst s0  }
0x18: {  	s0 =	sld [smem:$0x3F9E];
	_ =	swait.ge [sflag:s4], $0x0  }
0x19: {  	s7 =	sld [smem:$0x3F9F]  }
0x1a: {  	s8 =	sadd.s32 $0xFFFFE003, lr  }
0x1b: {  	s9 =	sadd.s32 $0xFFFFFEF7, lr;
	s5 =	simm.s32 $0xFFFFFFFF;
	p2 =	slt.u32 s8, $0xFFFFF086  }
0x1c: {  	p1 =	slt.u32 s9, $0xF7A;
	s5 =	simm.s32 @!p2 $0x0  }
0x1d: {  	s5 =	simm.s32 @p1 $0x1;
	p0 =	seq.s32 s7, s2  }
0x1e: {  	s7 =	smul.u32 @!p0 $0xF7A, s2;
	p2 =	seq.s32 @!p0 s5, $0x0  }
0x1f: {  	s9 =	smul.u32 $0xF7A, s1;
	s8 =	simm.s32 @!p0 $0x1BF5;
	p2 =	por !p2, p0  }
0x20: {  	[sflag:s8] =	ssyncset.s32 @!p0 $0xFFFFF086;
	s6 =	sadd.s32 @!p0 s3, s7;
	s7 =	simm.s32 @!p0 $0x108  }
0x21: {  	s3 =	sadd.s32 s3, s9;
	s6 =	sadd.s32 @!p0 $0x88, s6;
	s7 =	simm.s32 @p2 $0x1082  }
0x22: {  	[simem:s7], [sflag:s8] =	dma.local @!p0 [hbm:s6], $0xF7A  }
0x23: {  	s9 =	sor.u32 $0xD0000000, s2;
	s6 =	simm.s32 $0x108;
	_ =	swait.ge @!p0 [sflag:s8], $0x0  }
0x24: {  	s3 =	sadd.s32 $0x88, s3;
	s6 =	simm.s32 @!p1 $0x1082;
	[sflag:s4] =	ssyncset.s32 $0xFFFFF086  }
0x25: {  	[simem:s6], [sflag:s4] =	dma.local [hbm:s3], $0xF7A  }
0x26: {  	[smem:$0x3F9F] =	sst s1;
	(tag) =	ssettag s2;
	_ =	strace s9  }
0x27: {  	s1 =	sld [smem:$0x3FAF]  }
0x28: {  	s2 =	sld [smem:$0x3FB0]  }
0x29: {  	s4 =	sld [smem:$0x3FB2]  }
0x2a: {  	p0 =	seq.s32 s5, $0x0;
	s5 =	sld [smem:$0x3FB3]  }
0x2b: {  	s6 =	sld [smem:$0x3FB4]  }
0x2c: {  	s7 =	sld [smem:$0x3FB5]  }
0x2d: {  	s3 =	simm.s32 $0x108;
	s8 =	sld [smem:$0x3FB6]  }
0x2e: {  	s3 =	simm.s32 @!p0 $0x1082;
	s9 =	sld [smem:$0x3FB7]  }
0x2f: {  	lr =	sadd.s32 s0, s3;
	s0 =	sld [smem:$0x3FAE]  }
0x30: {  	s3 =	sld [smem:$0x3FB1]  }
0x31: {  	[smem:$0x3FBA] =	sst s10  }
0x32: {  	s10 =	sld [smem:$0x3FB8];
	_ =	sdelay $0x3  }
0x33: {  	p0 =	seq.s32 s10, $0x1;
	s10 =	sld [smem:$0x3FBA];
	_ =	sdelay $0x3  }
0x34: {  	[smem:$0x3FBA] =	sst s10  }
0x35: {  	s10 =	sld [smem:$0x3FB9];
	_ =	sdelay $0x3  }
0x36: {  	p1 =	seq.s32 s10, $0x1;
	s10 =	sld [smem:$0x3FBA];
	_ =	sdelay $0x3  }
0x37: {  	[smem:$0x3FBA] =	sst s10  }
0x38: {  	s10 =	sld [smem:$0x3FBB]  }
0x39: {  	_ = 	snop;
	(pc) =	sbr.ind lr, $3  }
0x3a: {  	_ = 	snop  }
0x3b: {  	_ = 	snop  }
0x3c: {  	p2 =	seq.s32 s10, $0x1;
	s10 =	sld [smem:$0x3FBA]  }
0x3d: {  	_ =	shalt  }
0x3e: {  	_ =	shalt  }
0x3f: {  	_ =	shalt  }
0x40: {  	_ =	shalt  }
0x41: {  	_ =	shalt  }
0x42: {  	_ =	shalt  }
0x43: {  	_ =	shalt  }
0x44: {  	_ =	shalt  }
0x45: {  	_ =	shalt  }
0x46: {  	_ =	shalt  }
0x47: {  	_ =	shalt  }
0x48: {  	_ =	shalt  }
0x49: {  	_ =	shalt  }
0x4a: {  	_ =	shalt  }
0x4b: {  	_ =	shalt  }
0x4c: {  	_ =	shalt  }
0x4d: {  	_ =	shalt  }
0x4e: {  	_ =	shalt  }
0x4f: {  	_ =	shalt  }
0x50: {  	_ =	shalt  }
0x51: {  	_ =	shalt  }
0x52: {  	_ =	shalt  }
0x53: {  	_ =	shalt  }
0x54: {  	_ =	shalt  }
0x55: {  	_ =	shalt  }
0x56: {  	_ =	shalt  }
0x57: {  	_ =	shalt  }
0x58: {  	_ =	shalt  }
0x59: {  	_ =	shalt  }
0x5a: {  	_ =	shalt  }
0x5b: {  	_ =	shalt  }
0x5c: {  	_ =	shalt  }
0x5d: {  	_ =	shalt  }
0x5e: {  	_ =	shalt  }
0x5f: {  	_ =	shalt  }
0x60: {  	_ =	shalt  }
0x61: {  	_ =	shalt  }
0x62: {  	_ =	shalt  }
0x63: {  	_ =	shalt  }
0x64: {  	_ =	shalt  }
0x65: {  	_ =	shalt  }
0x66: {  	_ =	shalt  }
0x67: {  	_ =	shalt  }
0x68: {  	_ =	shalt  }
0x69: {  	_ =	shalt  }
0x6a: {  	_ =	shalt  }
0x6b: {  	_ =	shalt  }
0x6c: {  	_ =	shalt  }
0x6d: {  	_ =	shalt  }
0x6e: {  	_ =	shalt  }
0x6f: {  	_ =	shalt  }
0x70: {  	_ =	shalt  }
0x71: {  	_ =	shalt  }
0x72: {  	_ =	shalt  }
0x73: {  	_ =	shalt  }
0x74: {  	_ =	shalt  }
0x75: {  	_ =	shalt  }
0x76: {  	_ =	shalt  }
0x77: {  	_ =	shalt  }
0x78: {  	_ =	shalt  }
0x79: {  	_ =	shalt  }
0x7a: {  	_ =	shalt  }
0x7b: {  	_ =	shalt  }
0x7c: {  	_ =	shalt  }
0x7d: {  	_ =	shalt  }
0x7e: {  	_ =	shalt  }
0x7f: {  	_ =	shalt  }
0x80: {  	_ =	shalt  }
0x81: {  	_ =	shalt  }
0x82: {  	_ =	shalt  }
0x83: {  	_ =	shalt  }
0x84: {  	_ =	shalt  }
0x85: {  	_ =	shalt  }
0x86: {  	_ =	shalt  }
0x87: {  	_ =	shalt  }
.Lfunc_end0:
.L_simem_size_0:
called_computation.1_lowered:
.L_overlay_start_0:
0x88: {  	s2 =	sld [smem:$0x3FD9]  }
0x89: {  	s3 =	sld [smem:$0x3FFE];
	_ =	sdelay $0x1  }
0x8a: {  	s1 =	srdreg.scid  }
0x8b: {  	s0 =	sand.u32 $0x1, s1  }
0x8c: {  	s17 =	sshll.u32 s0, $0xA;
	s2 =	sadd.s32 s3, s2  }
0x8d: {  	s2 =	sadd.s32 s2, s17  }
0x8e: {  	[smem:$0x3FC6] =	sst s2  }
0x8f: {  	_ = 	snop  }
0x90: {  	s2 =	sld [smem:$0x3FD0];
	(tm) =	ssettm $0x1  }
0x91: {  	s18 =	sld [smem:$0x3FFB];
	_ =	sdelay $0x3  }
0x92: {  	_ =	strace s18  }
0x93: {  	s3 =	sld [smem:$0x3FFC];
	_ =	sdelay $0x3  }
0x94: {  	_ =	strace s3  }
0x95: {  	s3 =	sld [smem:$0x3FFD];
	_ =	sdelay $0x3  }
0x96: {  	_ =	strace s3  }
0x97: {  	_ =	strace $0x8FFFFFFF  }
0x98: {  	s19 =	sld [smem:$0x3FDB];
	_ =	sdelay $0x1  }
0x99: {  	s4 =	simm.s32 $_scs_section_size  }
0x9a: {  	s5 =	simm.s32 $_size__tile_overlayer_lowered;
	s6 =	simm.s32 $_tile_overlayer_lowered  }
0x9b: {  	s22 =	simm.s32 $0x1BFF;
	s21 =	sshll.u32 s6, $0x1;
	s3 =	sadd.s32 s4, s19  }
0x9c: {  	s7 =	simm.s32 $0x0;
	s20 =	sshll.u32 s5, $0x1;
	s5 =	sadd.s32 s21, s3  }
0x9d: {  	[timem:s7], [sflag:s22] =	dma.local [hbm:s5], s20  }
0x9e: {  	_ =	swait.ge [sflag:s22], s20  }
0x9f: {  	s4 =	ssub.s32 $0x0, s20;
	[sflag:s22] =	ssyncset.done $0x0  }
0xa0: {  	[sflag:s22] =	ssyncadd.s32 s4;
	_ =	sdelay $0x1  }
0xa1: {  	s23 =	simm.s32 $0x1B8B  }
0xa2: {  	_ =	swait.ge [sflag:s23], $0x1  }
0xa3: {  	[sflag:s23] =	ssyncset.done $0x0  }
0xa4: {  	s25 =	simm.s32 $0x1B8E;
	s24 =	sld [smem:$0x3FFE];
	[sflag:s23] =	ssyncadd.s32 $0xFFFFFFFF  }
0xa5: {  	s26 =	simm.s32 $execute0_lowered;
	[smem:$0x3FD2] =	sst s25  }
0xa6: {  	s5 =	sshll.u32 s26, $0x1;
	_ =	strace $0x80000049;
	[dreg:$0x1] =	wrdreg $0xFFFFFFFF  }
0xa7: {  	s28 =	simm.s32 $_size_execute0_lowered;
	s3 =	sadd.s32 s3, s5;
	[dreg:$0x0] =	wrdreg $0x0  }
0xa8: {  	s5 =	sshll.u32 s28, $0x1;
	[dreg:$0x2] =	wrdreg s3  }
0xa9: {  	[dreg:$0x3] =	wrdreg s5  }
0xaa: {  	[dreg:$0x4] =	wrdreg $0xC0  }
0xab: {  	_ =	task [dreg:s7], $0x5FFFF  }
0xac: {  	[dreg:$0x1] =	wrdreg $0xFFFFFFFF  }
0xad: {  	[dreg:$0x0] =	wrdreg $0x60  }
0xae: {  	[dreg:$0x2] =	wrdreg s24  }
0xaf: {  	[dreg:$0x3] =	wrdreg s2  }
0xb0: {  	[dreg:$0x4] =	wrdreg $0x22800  }
0xb1: {  	[dreg:$0x5] =	wrdreg $0x9  }
0xb2: {  	_ =	task.clear_ibuf [dreg:s7], $0x6FFFF;
	_ =	strace $0x90000049  }
0xb3: {  	s29 =	simm.s32 $0x9;
	_ =	strace $0x8000004B  }
0xb4: {  	_ =	swait.ge [sflag:s29], $0x1  }
0xb5: {  	[sflag:s29] =	ssyncadd.s32 $0xFFFFFFFF  }
0xb6: {  	_ =	strace $0x9000004B  }
0xb7: {  	_ =	sfence  }
0xb8: {  	s30 =	sld [smem:$0x0];
	_ =	sdelay $0x2  }
0xb9: {  	s31 =	sshll.u32 s1, $0xD;
	s1 =	sshrl.u32 s1, $0x2  }
0xba: {  	s3 =	sand.u32 $0x4000, s31;
	s1 =	sadd.s32 s1, s30  }
0xbb: {  	s0 =	sor.u32 s3, s0;
	s1 =	sshll.u32 s1, $0x11  }
0xbc: {  	s0 =	sor.u32 s1, s0  }
0xbd: {  	s0 =	sadd.s32 $0x8F2B, s0  }
0xbe: {  	[sflag:s0] =	ssyncadd.remote.s32 $0x1  }
0xbf: {  	_ =	sfence.sel $0xFFFF  }
0xc0: {  	[dreg:$0x0] =	wrdreg $0xFFFFFFFF;
	(pc) =	sbr.abs _section_cstart, $3  }
0xc1: {  	[dreg:$0x1] =	wrdreg $0xFFFFFFFF  }
0xc2: {  	_ =	task.clear_ibuf [dreg:s7], $0x2FFFF;
	_ =	strace $0x9FFFFFFF  }
0xc3: {  	(tm) =	ssettm $0x7FFFFFFF  }
tec
execute0_lowered:
.L_overlay_start_1:
0x0: {  	(tag) =	ssettag $0x1  }
0x1: {  	s0 =	rddreg [dreg:$0x0]  }
0x2: {  	s2 =	rddreg [dreg:$0x2];
	s3 =	simm.s32 $0x0;
	s1 =	srdreg.scid  }
0x3: {  	s20 =	stileid.u32;
	[smem:$0x7FF] =	sst s3;
	s5 =	sadd.s32 $0x320800, s0  }
0x4: {  	s1 =	sand.u32 $0x1, s1;
	s21 =	sshll.u32 s20, $0xB;
	s7 =	sadd.s32 $0x320A00, s0  }
0x5: {  	s23 =	sadd.s32 $0x320C00, s0;
	s0 =	sadd.s32 $0x320E00, s0;
	s24 =	sor.u32 $0x10, s20  }
0x6: {  	s25 =	sshll.u32 s20, $0x7;
	p0 =	sgt.u32 s20, $0x2;
	s8 =	sadd.s32 s5, s21  }
0x7: {  	_ =	strace $0x8000004A;
	s22 =	sadd.s32 s21, s7;
	[dreg:$0x4] =	wrdreg s8  }
0x8: {  	s9 =	sadd.s32 s21, s23;
	s10 =	sshll.u32 s24, $0xB;
	[dreg:$0x5] =	wrdreg s22  }
0x9: {  	s4 =	ssub.s32 $0x2, s1;
	[dreg:$0x6] =	wrdreg s9;
	s5 =	sadd.s32 s5, s10  }
0xa: {  	s29 =	sshll.u32 s24, $0x7;
	s26 =	sadd.s32 s10, s7;
	[dreg:$0x9] =	wrdreg s5  }
0xb: {  	s6 =	sshrl.u32 s4, $0x1;
	s28 =	sadd.s32 s10, s23;
	[dreg:$0xa] =	wrdreg s26  }
0xc: {  	s4 =	ssub.s32 s4, s6;
	s6 =	sadd.s32 s21, s0;
	[dreg:$0xb] =	wrdreg s28  }
.Ltmp0:
0xd: {  	s0 =	sadd.s32 s10, s0;
	[dreg:$0x7] =	wrdreg s6;
	(pc) =	sbr.rel .LBB2_1-.Ltmp0, $4  }
0xe: {  	s30 =	sor.u32 s20, s1;
	s6 =	sadd.s32 s25, s2;
	[dreg:$0xc] =	wrdreg s0  }
0xf: {  	v0 =	vlaneseq.u32;
	s1 =	simm.s32 $0x0;
	s0 =	sadd.s32 s29, s2;
	[dreg:$0x8] =	wrdreg s6  }
0x10: {  	v1 =	vimm.s32 $0x0;
	v2 =	vimm.f32 $0.0e+00;
	vm0 =	vcmask $0x3F08;
	s8 =	simm.s32 $0x200;
	s31 =	smax.u32 s4, $0x1;
	[dreg:$0xd] =	wrdreg s0  }
0x11: {  	vm1 =	vcmask $0x3F04;
	vm2 =	vmmov $0x1;
	vm3 =	vcmask $0x308;
	p1 =	sne.s32 s30, $0x0;
	s21 =	simm.s32 $0x3;
	[dreg:$0xe] =	wrdreg s31  }
.LBB2_26:
0x12: {  	v4 =	vld [tilespmem:$0x2200];
	_ =	sdelay $0x4  }
0x13: {  	v3 =	vadd.f32 v4, v3;
	_ =	sdelay $0x1  }
0x14: {  	v4 =	vnsel vm2, $0x0, v3  }
0x15: {  	v3 =	vsel vm3, $0x0, v3;
	(xrf2) =	vadd.scan.msk.f32 $0xffff, v4  }
0x16: {  	(xrf2) =	vadd.scan.msk.f32 $0xffff, v3;
	_ =	sdelay $0x8  }
0x17: {  	v3, _, _ =	vpop (xrf2)  }
0x18: {  	v63, _, _ =	vpop (xrf2)  }
0x19: {  	v4 =	vadd.f32 $0.0e+00, v63;
	_ =	sdelay $0x1  }
0x1a: {  	v4 =	vbroadcast v4, $0xF;
	_ =	sdelay $0x1  }
0x1b: {  	(erf) = vrcp.f32 v4;
	_ =	sdelay $0x5  }
0x1c: {  	v3 =	vadd.f32 $0.0e+00, v3;
	_ =	sdelay $0x1  }
0x1d: {  	v3 =	vbroadcast v3, $0xF  }
0x1e: {  	v4 =	vpop (erf)  }
0x1f: {  	v3 =	vmul.f32 v4, v3;
	_ =	sdelay $0x1  }
0x20: {  	s0 =	rddreg [dreg:$0x1];
	s1 =	simm.s32 $0x0;
	[tilespmem:$0x2200] =	vst v3  }
0x21: {  	[hbm4b:s0+s1] =	stream.linear.scatter [tilespmem:s3], [sflag:$0x3], $0x80, $0x38;
	[tilespmem:$0x2298] =	vst v63  }
0x22: {  	_ =	swait.ge [sflag:s21], $0x80  }
0x23: {  	[sflag:s21] =	ssyncset.done $0x0  }
0x24: {  	s1 =	rddreg [dreg:$0xf];
	[sflag:s21] =	ssyncadd.s32 $0xFFFFFF80  }
.LBB2_27:
0x25: {  	s1 =	sadd.s32 $0x1, s1;
	s0 =	rddreg [dreg:$0xe]  }
0x26: {  	p2 =	sne.s32 s1, s0  }
.Ltmp1:
0x27: {  	_ = 	snop;
	(pc) =	sbr.rel @!p2 .LBB2_28-.Ltmp1, $1  }
0x28: {  	_ =	sdelay $0x3  }
.LBB2_1:
0x29: {  	[dreg:$0xf] =	wrdreg s1  }
0x2a: {  	s2 =	simm.s32 $0x0;
	s0 =	rddreg [dreg:$0x4]  }
0x2b: {  	[tilespmem:s8], [sflag:$0x1] =	stream.linear.gather [hbm4b:s0+s2], $0x1000, $0x38;
	[tilespmem:$0x2298] =	vst v63  }
0x2c: {  	s6 =	rddreg [dreg:$0x5];
	s7 =	simm.s32 $0x1200;
	s3 =	simm.s32 $0x1  }
0x2d: {  	[tilespmem:s7], [sflag:$0x2] =	stream.linear.gather [hbm4b:s6+s2], $0x1000, $0x38;
	[tilespmem:$0x2298] =	vst v63  }
0x2e: {  	s9 =	sand.u32 $0x40, s2;
	s10 =	sand.u32 $0xC00, s2;
	_ =	swait.ge [sflag:s3], $0x1000  }
0x2f: {  	s1 =	sor.u32 $0x200, s10;
	s28 =	sor.u32 $0x30, s9;
	[sflag:s3] =	ssyncset.done $0x0  }
0x30: {  	s4 =	sor.u32 s28, s1;
	[sflag:s3] =	ssyncadd.s32 $0xFFFFF000  }
0x31: {  	v3 =	vld [tilespmem:s4+$0x0]  }
0x32: {  	s5 =	sor.u32 s9, s1;
	v4 =	vld [tilespmem:s4+$0x80]  }
0x33: {  	v5 =	vld [tilespmem:s5+$0x0]  }
0x34: {  	v6 =	vld [tilespmem:s4+$0x100]  }
0x35: {  	s26 =	sor.u32 $0x10, s9;
	v7 =	vld [tilespmem:s5+$0x80]  }
0x36: {  	s6 =	sor.u32 s26, s1;
	v8 =	vld [tilespmem:s4+$0x180]  }
0x37: {  	v9 =	vld [tilespmem:s6+$0x0]  }
0x38: {  	v10 =	vld [tilespmem:s4+$0x200]  }
0x39: {  	s29 =	sor.u32 $0x20, s9;
	v11 =	vld [tilespmem:s6+$0x80]  }
0x3a: {  	s1 =	sor.u32 s29, s1;
	v12 =	vld [tilespmem:s4+$0x280]  }
0x3b: {  	v13 =	vld [tilespmem:s1+$0x0]  }
0x3c: {  	v14 =	vld [tilespmem:s4+$0x300]  }
0x3d: {  	v15 =	vld [tilespmem:s1+$0x80]  }
0x3e: {  	v16 =	vld [tilespmem:s4+$0x380]  }
0x3f: {  	v17 =	vld [tilespmem:s5+$0x100]  }
0x40: {  	v18 =	vld [tilespmem:s6+$0x100]  }
0x41: {  	v19 =	vld [tilespmem:s1+$0x100]  }
0x42: {  	v20 =	vld [tilespmem:s5+$0x180]  }
0x43: {  	v21 =	vld [tilespmem:s6+$0x180]  }
0x44: {  	v22 =	vld [tilespmem:s1+$0x180]  }
0x45: {  	v23 =	vld [tilespmem:s5+$0x200]  }
0x46: {  	v24 =	vld [tilespmem:s6+$0x200]  }
0x47: {  	v25 =	vld [tilespmem:s1+$0x200]  }
0x48: {  	v26 =	vld [tilespmem:s5+$0x280]  }
0x49: {  	v27 =	vld [tilespmem:s6+$0x280]  }
0x4a: {  	v28 =	vld [tilespmem:s1+$0x280]  }
0x4b: {  	v29 =	vld [tilespmem:s5+$0x300]  }
0x4c: {  	s11 =	simm.s32 $0x200;
	s12 =	simm.s32 $0x40;
	v30 =	vld [tilespmem:s6+$0x300]  }
0x4d: {  	s7 =	sand.u32 $0x40, s12;
	v31 =	vld [tilespmem:s1+$0x300];
	s4 =	sand.u32 $0xC00, s11  }
0x4e: {  	s14 =	sor.u32 $0x30, s7;
	v32 =	vld [tilespmem:s5+$0x380];
	s13 =	sor.u32 $0x200, s4  }
0x4f: {  	v33 =	vld [tilespmem:s6+$0x380];
	s15 =	sor.u32 s14, s13  }
0x50: {  	s23 =	sor.u32 s7, s13;
	v34 =	vld [tilespmem:s15+$0x0]  }
0x51: {  	s16 =	sor.u32 $0x10, s7;
	v35 =	vld [tilespmem:s23+$0x0]  }
0x52: {  	s10 =	sor.u32 $0x20, s7;
	s24 =	sor.u32 s16, s13;
	v36 =	vld [tilespmem:s23+$0x80]  }
0x53: {  	s25 =	sor.u32 s10, s13;
	v51 =	vld [tilespmem:s24+$0x80];
	v3 =	vadd.f32 v4, v3  }
0x54: {  	v53 =	vld [tilespmem:s25+$0x0]  }
0x55: {  	v55 =	vld [tilespmem:s25+$0x80];
	v3 =	vadd.f32 v6, v3  }
0x56: {  	v52 =	vld [tilespmem:s15+$0x280];
	v5 =	vadd.f32 v7, v5  }
0x57: {  	v7 =	vld [tilespmem:s24+$0x0];
	v9 =	vadd.f32 v11, v9;
	v3 =	vadd.f32 v8, v3  }
0x58: {  	v54 =	vld [tilespmem:s15+$0x300];
	v50 =	vadd.f32 v15, v13;
	v5 =	vadd.f32 v17, v5  }
0x59: {  	v6 =	vld [tilespmem:s15+$0x80];
	v9 =	vadd.f32 v18, v9;
	v3 =	vadd.f32 v10, v3  }
0x5a: {  	v56 =	vld [tilespmem:s15+$0x380];
	v62 =	vadd.f32 v55, v53;
	v5 =	vadd.f32 v20, v5  }
0x5b: {  	v8 =	vld [tilespmem:s15+$0x100];
	v3 =	vadd.f32 v12, v3;
	v12 =	vadd.f32 v19, v50  }
0x5c: {  	v57 =	vld [tilespmem:s23+$0x100];
	v9 =	vadd.f32 v21, v9;
	v7 =	vadd.f32 v51, v7  }
0x5d: {  	v10 =	vld [tilespmem:s15+$0x180];
	v5 =	vadd.f32 v23, v5;
	v12 =	vadd.f32 v22, v12  }
0x5e: {  	v58 =	vld [tilespmem:s25+$0x100];
	v9 =	vadd.f32 v24, v9;
	v6 =	vadd.f32 v6, v34  }
0x5f: {  	v11 =	vld [tilespmem:s15+$0x200];
	v5 =	vadd.f32 v26, v5;
	v12 =	vadd.f32 v25, v12  }
0x60: {  	v4 =	vld [tilespmem:s1+$0x380];
	v9 =	vadd.f32 v27, v9;
	v6 =	vadd.f32 v8, v6  }
0x61: {  	v59 =	vld [tilespmem:s24+$0x180];
	v3 =	vadd.f32 v14, v3;
	v12 =	vadd.f32 v28, v12  }
0x62: {  	v60 =	vld [tilespmem:s23+$0x200];
	v5 =	vadd.f32 v29, v5;
	v6 =	vadd.f32 v10, v6  }
0x63: {  	v8 =	vld [tilespmem:s24+$0x100];
	v9 =	vadd.f32 v30, v9;
	v12 =	vadd.f32 v31, v12  }
0x64: {  	v14 =	vadd.f32 v58, v62;
	v10 =	vld [tilespmem:s23+$0x180];
	v6 =	vadd.f32 v11, v6  }
0x65: {  	v61 =	vld [tilespmem:s24+$0x200];
	v12 =	vadd.f32 v4, v12;
	v4 =	vadd.f32 v36, v35  }
0x66: {  	v3 =	vadd.f32 v16, v3;
	v11 =	vld [tilespmem:s25+$0x180];
	v6 =	vadd.f32 v52, v6  }
0x67: {  	s17 =	sand.u32 $0x180, s2;
	v63 =	vld [tilespmem:s25+$0x200];
	v5 =	vadd.f32 v32, v5;
	v4 =	vadd.f32 v57, v4  }
0x68: {  	s18 =	sor.u32 s28, s17;
	v7 =	vadd.f32 v8, v7;
	v8 =	vld [tilespmem:s23+$0x280];
	v6 =	vadd.f32 v54, v6  }
0x69: {  	v9 =	vadd.f32 v33, v9;
	[tilespmem:s18+$0x0] =	vst v3;
	v3 =	vld [tilespmem:s24+$0x280];
	v10 =	vadd.f32 v10, v4  }
0x6a: {  	s19 =	sor.u32 s26, s17;
	[tilespmem:s2+$0x0] =	vst v5;
	v16 =	vadd.f32 v56, v6;
	v6 =	vadd.f32 v59, v7;
	v4 =	vld [tilespmem:s25+$0x280]  }
0x6b: {  	s30 =	simm.s32 $0x80;
	s20 =	sand.u32 $0x180, s12;
	s5 =	sor.u32 s29, s17;
	[tilespmem:s19+$0x0] =	vst v9;
	v5 =	vld [tilespmem:s23+$0x300];
	v7 =	vadd.f32 v11, v14;
	v11 =	vadd.f32 v60, v10  }
0x6c: {  	s26 =	simm.s32 $0x4;
	s28 =	simm.s32 $0x0;
	s22 =	sor.u32 s14, s20;
	[tilespmem:s5+$0x0] =	vst v12;
	v10 =	vadd.f32 v61, v6;
	v6 =	vld [tilespmem:s24+$0x300]  }
0x6d: {  	s0 =	sor.u32 s16, s20;
	s31 =	sor.u32 s10, s20;
	s29 =	simm.s32 $0x400;
	[tilespmem:s22+$0x0] =	vst v16;
	v9 =	vadd.f32 v63, v7;
	v7 =	vld [tilespmem:s25+$0x300];
	v8 =	vadd.f32 v8, v11  }
.LBB2_2:
0x6e: {  	s5 =	sand.u32 $0x40, s30;
	s1 =	sand.u32 $0xC00, s29;
	v11 =	vld [tilespmem:s23+$0x380];
	v3 =	vadd.f32 v3, v10  }
0x6f: {  	s26 =	sadd.s32 $0x4, s26;
	s6 =	sor.u32 $0x200, s1;
	s1 =	sor.u32 $0x30, s5;
	v10 =	vld [tilespmem:s24+$0x380];
	v4 =	vadd.f32 v4, v9  }
0x70: {  	s4 =	sor.u32 $0x10, s5;
	p2 =	slt.u32 s26, $0x1C;
	s7 =	sor.u32 s1, s6;
	v5 =	vadd.f32 v5, v8;
	v8 =	vld [tilespmem:s25+$0x380]  }
0x71: {  	s23 =	sor.u32 s5, s6;
	s24 =	sor.u32 s4, s6;
	s5 =	sor.u32 $0x20, s5;
	v9 =	vld [tilespmem:s7+$0x0];
	v3 =	vadd.f32 v6, v3  }
0x72: {  	s25 =	sor.u32 s5, s6;
	v6 =	vld [tilespmem:s7+$0x80];
	v4 =	vadd.f32 v7, v4  }
0x73: {  	v7 =	vld [tilespmem:s23+$0x0];
	v5 =	vadd.f32 v11, v5  }
0x74: {  	s28 =	sadd.s32 $0x40, s28;
	v11 =	vld [tilespmem:s7+$0x100];
	v3 =	vadd.f32 v10, v3  }
0x75: {  	v10 =	vld [tilespmem:s23+$0x80];
	[tilespmem:s28+$0x0] =	vst v5;
	v4 =	vadd.f32 v8, v4  }
0x76: {  	v5 =	vld [tilespmem:s7+$0x180];
	[tilespmem:s0+$0x0] =	vst v3  }
0x77: {  	v3 =	vld [tilespmem:s24+$0x0];
	v6 =	vadd.f32 v6, v9;
	[tilespmem:s31+$0x0] =	vst v4  }
0x78: {  	v4 =	vld [tilespmem:s7+$0x200]  }
0x79: {  	v8 =	vld [tilespmem:s24+$0x80];
	v6 =	vadd.f32 v11, v6  }
0x7a: {  	v7 =	vadd.f32 v10, v7;
	v9 =	vld [tilespmem:s7+$0x280]  }
0x7b: {  	v10 =	vld [tilespmem:s25+$0x0];
	v5 =	vadd.f32 v5, v6  }
0x7c: {  	v6 =	vld [tilespmem:s7+$0x300]  }
0x7d: {  	v11 =	vld [tilespmem:s25+$0x80];
	v4 =	vadd.f32 v4, v5  }
0x7e: {  	v3 =	vadd.f32 v8, v3;
	v5 =	vld [tilespmem:s7+$0x380]  }
0x7f: {  	v8 =	vld [tilespmem:s23+$0x100];
	v4 =	vadd.f32 v9, v4  }
0x80: {  	v9 =	vld [tilespmem:s24+$0x100]  }
0x81: {  	v12 =	vld [tilespmem:s25+$0x100];
	v4 =	vadd.f32 v6, v4  }
0x82: {  	v6 =	vld [tilespmem:s23+$0x180];
	v10 =	vadd.f32 v11, v10  }
0x83: {  	s6 =	sand.u32 $0x180, s30;
	v11 =	vld [tilespmem:s24+$0x180];
	v4 =	vadd.f32 v5, v4  }
0x84: {  	s1 =	sor.u32 s1, s6;
	s0 =	sor.u32 s4, s6;
	s31 =	sor.u32 s5, s6;
	v5 =	vadd.f32 v8, v7;
	v7 =	vld [tilespmem:s25+$0x180]  }
0x85: {  	v8 =	vld [tilespmem:s23+$0x200];
	v3 =	vadd.f32 v9, v3;
	[tilespmem:s1+$0x0] =	vst v4  }
0x86: {  	v9 =	vld [tilespmem:s24+$0x200];
	v4 =	vadd.f32 v12, v10  }
0x87: {  	v5 =	vadd.f32 v6, v5;
	v12 =	vld [tilespmem:s25+$0x200]  }
0x88: {  	v13 =	vld [tilespmem:s23+$0x280];
	v6 =	vadd.f32 v11, v3  }
.Ltmp2:
0x89: {  	v3 =	vld [tilespmem:s24+$0x280];
	v7 =	vadd.f32 v7, v4;
	(pc) =	sbr.rel @p2 .LBB2_2-.Ltmp2, $4  }
0x8a: {  	v8 =	vadd.f32 v8, v5;
	v4 =	vld [tilespmem:s25+$0x280]  }
0x8b: {  	v5 =	vld [tilespmem:s23+$0x300];
	v10 =	vadd.f32 v9, v6  }
0x8c: {  	v6 =	vld [tilespmem:s24+$0x300];
	v9 =	vadd.f32 v12, v7  }
0x8d: {  	s29 =	sadd.s32 $0x200, s29;
	s30 =	sadd.s32 $0x40, s30;
	v8 =	vadd.f32 v13, v8;
	v7 =	vld [tilespmem:s25+$0x300]  }
0x8e: {  	v11 =	vld [tilespmem:s23+$0x380]  }
0x8f: {  	v12 =	vld [tilespmem:s24+$0x380]  }
0x90: {  	v3 =	vadd.f32 v3, v10;
	v10 =	vld [tilespmem:s25+$0x380]  }
0x91: {  	v4 =	vadd.f32 v4, v9;
	v5 =	vadd.f32 v5, v8  }
0x92: {  	v3 =	vadd.f32 v6, v3  }
0x93: {  	v4 =	vadd.f32 v7, v4;
	v5 =	vadd.f32 v11, v5  }
0x94: {  	s1 =	sadd.s32 $0x40, s28;
	v3 =	vadd.f32 v12, v3  }
0x95: {  	v4 =	vadd.f32 v10, v4;
	[tilespmem:s1+$0x0] =	vst v5  }
0x96: {  	[tilespmem:s0+$0x0] =	vst v3  }
0x97: {  	[tilespmem:s31+$0x0] =	vst v4  }
0x98: {  	s23 =	simm.s32 $0x0;
	s12 =	simm.s32 $0x2;
	s0 =	rddreg [dreg:$0x6]  }
0x99: {  	[tilespmem:s8], [sflag:$0x1] =	stream.linear.gather [hbm4b:s0+s23], $0x1000, $0x38;
	[tilespmem:$0x2298] =	vst v63  }
0x9a: {  	s5 =	sand.u32 $0xC00, s23;
	s0 =	sand.u32 $0x40, s23;
	_ =	swait.ge [sflag:s12], $0x1000  }
0x9b: {  	s6 =	sor.u32 $0x1200, s5;
	s10 =	sor.u32 $0x30, s0;
	[sflag:s12] =	ssyncset.done $0x0  }
0x9c: {  	s7 =	sor.u32 $0x1280, s5;
	s13 =	sor.u32 s10, s6;
	[sflag:s12] =	ssyncadd.s32 $0xFFFFF000  }
0x9d: {  	s14 =	sor.u32 s10, s7;
	v3 =	vld [tilespmem:s13+$0x0]  }
0x9e: {  	s15 =	sor.u32 $0x1300, s5;
	s4 =	sor.u32 s0, s6;
	v4 =	vld [tilespmem:s14+$0x0]  }
0x9f: {  	s16 =	sor.u32 s10, s15;
	v5 =	vld [tilespmem:s4+$0x0]  }
0xa0: {  	s9 =	sor.u32 $0x1380, s5;
	s17 =	sor.u32 s0, s7;
	v6 =	vld [tilespmem:s16+$0x0]  }
0xa1: {  	s1 =	sor.u32 $0x10, s0;
	s18 =	sor.u32 s10, s9;
	v7 =	vld [tilespmem:s17+$0x0]  }
0xa2: {  	s11 =	sor.u32 s1, s6;
	v8 =	vld [tilespmem:s18+$0x0]  }
0xa3: {  	s20 =	sor.u32 s1, s7;
	v9 =	vld [tilespmem:s11+$0x0]  }
0xa4: {  	s31 =	sor.u32 s0, s15;
	v11 =	vld [tilespmem:s20+$0x0]  }
0xa5: {  	s2 =	sor.u32 s1, s15;
	v17 =	vld [tilespmem:s31+$0x0]  }
0xa6: {  	s8 =	sor.u32 s1, s9;
	s12 =	sadd.s32 $0x1400, s5;
	v18 =	vld [tilespmem:s2+$0x0]  }
0xa7: {  	s19 =	sor.u32 s10, s12;
	v20 =	vld [tilespmem:s8+$0x0]  }
0xa8: {  	s13 =	sadd.s32 $0x1480, s5;
	s14 =	sor.u32 s0, s12;
	v10 =	vld [tilespmem:s19+$0x0]  }
0xa9: {  	s4 =	sor.u32 $0x20, s0;
	s22 =	sor.u32 s10, s13;
	v21 =	vld [tilespmem:s14+$0x0]  }
0xaa: {  	s11 =	sadd.s32 $0x1500, s5;
	s6 =	sor.u32 s4, s6;
	v59 =	vld [tilespmem:s22+$0x0]  }
0xab: {  	s24 =	sor.u32 s10, s11;
	v13 =	vld [tilespmem:s6+$0x0]  }
0xac: {  	s5 =	sadd.s32 $0x1580, s5;
	s25 =	sor.u32 s4, s7;
	v14 =	vld [tilespmem:s24+$0x0]  }
0xad: {  	s26 =	sor.u32 s10, s5;
	v15 =	vld [tilespmem:s25+$0x0]  }
0xae: {  	s3 =	sor.u32 s4, s15;
	v16 =	vld [tilespmem:s26+$0x0];
	v3 =	vadd.f32 v4, v3  }
0xaf: {  	s18 =	sor.u32 s1, s13;
	s19 =	sand.u32 $0x180, s23;
	v19 =	vld [tilespmem:s3+$0x0]  }
0xb0: {  	v22 =	vld [tilespmem:s18+$0x0];
	s20 =	sor.u32 s10, s19;
	v3 =	vadd.f32 v6, v3  }
0xb1: {  	s7 =	sor.u32 s0, s9;
	v60 =	vld [tilespmem:s20+$0x0]  }
0xb2: {  	s17 =	sor.u32 s0, s13;
	v4 =	vld [tilespmem:s7+$0x0];
	v3 =	vadd.f32 v8, v3  }
0xb3: {  	s9 =	sor.u32 s4, s9;
	v5 =	vadd.f32 v7, v5;
	v7 =	vld [tilespmem:s17+$0x0]  }
0xb4: {  	s15 =	sor.u32 s1, s12;
	v9 =	vadd.f32 v11, v9;
	v6 =	vld [tilespmem:s9+$0x0];
	v3 =	vadd.f32 v10, v3  }
0xb5: {  	s16 =	sor.u32 s4, s12;
	v11 =	vadd.f32 v15, v13;
	v5 =	vadd.f32 v17, v5;
	v8 =	vld [tilespmem:s15+$0x0]  }
0xb6: {  	s22 =	sor.u32 s4, s13;
	v9 =	vadd.f32 v18, v9;
	v10 =	vld [tilespmem:s16+$0x0];
	v3 =	vadd.f32 v59, v3  }
0xb7: {  	s24 =	sor.u32 s0, s11;
	v61 =	vld [tilespmem:s22+$0x0];
	v11 =	vadd.f32 v19, v11;
	v63 =	vadd.f32 v4, v5  }
0xb8: {  	s25 =	sor.u32 s1, s11;
	v62 =	vld [tilespmem:s24+$0x0];
	v9 =	vadd.f32 v20, v9;
	v3 =	vadd.f32 v14, v3  }
0xb9: {  	s26 =	sor.u32 s4, s11;
	v5 =	vld [tilespmem:s25+$0x0];
	v6 =	vadd.f32 v6, v11;
	v11 =	vadd.f32 v21, v63  }
0xba: {  	s0 =	sor.u32 s0, s5;
	v4 =	vld [tilespmem:s26+$0x0];
	v8 =	vadd.f32 v8, v9;
	v3 =	vadd.f32 v16, v3  }
0xbb: {  	s31 =	sor.u32 s1, s5;
	v7 =	vadd.f32 v7, v11;
	v9 =	vadd.f32 v10, v6;
	v6 =	vld [tilespmem:s0+$0x0]  }
0xbc: {  	s5 =	sor.u32 s4, s5;
	v11 =	vadd.f32 v22, v8;
	v8 =	vld [tilespmem:s31+$0x0];
	v12 =	vadd.f32 v3, v60  }
0xbd: {  	s30 =	simm.s32 $0x0;
	s29 =	sor.u32 s1, s19;
	s28 =	sor.u32 s4, s19;
	v10 =	vadd.f32 v61, v9;
	v9 =	vadd.f32 v62, v7;
	v7 =	vld [tilespmem:s5+$0x0]  }
0xbe: {  	s24 =	simm.s32 $0x0;
	s25 =	simm.s32 $0x200;
	s26 =	simm.s32 $0x40;
	v3 =	vld [tilespmem:s23+$0x0];
	[tilespmem:s20+$0x0] =	vst v12  }
.LBB2_4:
0xbf: {  	s4 =	sand.u32 $0x40, s26;
	s31 =	sand.u32 $0xC00, s25;
	v5 =	vadd.f32 v5, v11;
	v11 =	vld [tilespmem:s29+$0x0];
	s23 =	sadd.s32 $0x40, s23  }
0xc0: {  	s24 =	sadd.s32 $0x4, s24;
	s5 =	sor.u32 $0x1200, s31;
	s0 =	sor.u32 $0x30, s4;
	v4 =	vadd.f32 v4, v10;
	v10 =	vld [tilespmem:s28+$0x0]  }
0xc1: {  	s6 =	sor.u32 $0x1280, s31;
	p2 =	slt.u32 s24, $0x1C;
	v12 =	vld [tilespmem:s23+$0x0];
	s7 =	sor.u32 s0, s5;
	v6 =	vadd.f32 v6, v9  }
0xc2: {  	s1 =	sor.u32 $0x10, s4;
	s10 =	sor.u32 $0x20, s4;
	v9 =	vld [tilespmem:s7+$0x0];
	s7 =	sor.u32 s0, s6;
	v5 =	vadd.f32 v8, v5  }
0xc3: {  	s11 =	sor.u32 $0x1300, s31;
	s8 =	sor.u32 s4, s5;
	s9 =	sor.u32 s4, s6;
	v8 =	vld [tilespmem:s7+$0x0];
	v13 =	vadd.f32 v6, v3;
	v4 =	vadd.f32 v7, v4  }
0xc4: {  	s12 =	sor.u32 s1, s6;
	s7 =	sor.u32 s1, s5;
	v6 =	vld [tilespmem:s8+$0x0];
	s8 =	sor.u32 s0, s11;
	v5 =	vadd.f32 v5, v11  }
0xc5: {  	s14 =	sor.u32 $0x1380, s31;
	s15 =	sor.u32 s10, s5;
	s16 =	sor.u32 s10, s6;
	v7 =	vld [tilespmem:s8+$0x0];
	[tilespmem:s30+$0x0] =	vst v13;
	v4 =	vadd.f32 v4, v10  }
0xc6: {  	s17 =	sor.u32 s4, s11;
	s6 =	sor.u32 s1, s11;
	s5 =	sor.u32 s0, s14;
	v10 =	vld [tilespmem:s9+$0x0];
	[tilespmem:s29+$0x0] =	vst v5;
	v3 =	vmov v12  }
0xc7: {  	s13 =	sor.u32 s4, s14;
	s3 =	sor.u32 s10, s11;
	s9 =	sadd.s32 $0x1400, s31;
	v5 =	vld [tilespmem:s5+$0x0];
	[tilespmem:s28+$0x0] =	vst v4  }
0xc8: {  	s18 =	sor.u32 s1, s14;
	s8 =	sor.u32 s10, s14;
	s5 =	sor.u32 s0, s9;
	v4 =	vld [tilespmem:s7+$0x0];
	v8 =	vadd.f32 v8, v9  }
0xc9: {  	s14 =	sadd.s32 $0x1480, s31;
	s19 =	sor.u32 s4, s9;
	s7 =	sor.u32 s1, s9;
	v9 =	vld [tilespmem:s5+$0x0]  }
0xca: {  	s11 =	sor.u32 s4, s14;
	s9 =	sor.u32 s10, s9;
	s5 =	sor.u32 s0, s14;
	v11 =	vld [tilespmem:s12+$0x0];
	v7 =	vadd.f32 v7, v8  }
0xcb: {  	s22 =	sor.u32 s1, s14;
	s28 =	sadd.s32 $0x1500, s31;
	s14 =	sor.u32 s10, s14;
	v6 =	vadd.f32 v10, v6;
	v8 =	vld [tilespmem:s5+$0x0]  }
0xcc: {  	s12 =	sor.u32 s1, s28;
	s5 =	sor.u32 s4, s28;
	v10 =	vld [tilespmem:s15+$0x0];
	v5 =	vadd.f32 v5, v7;
	s15 =	sor.u32 s0, s28  }
0xcd: {  	s30 =	smov.u32 s23;
	s29 =	sadd.s32 $0x1580, s31;
	s31 =	sor.u32 s10, s28;
	v7 =	vld [tilespmem:s15+$0x0]  }
0xce: {  	s15 =	sor.u32 s4, s29;
	s4 =	sor.u32 s1, s29;
	v12 =	vld [tilespmem:s16+$0x0];
	v5 =	vadd.f32 v9, v5;
	s16 =	sor.u32 s0, s29  }
0xcf: {  	s2 =	sand.u32 $0x180, s26;
	s20 =	sor.u32 s10, s29;
	v4 =	vadd.f32 v11, v4;
	v9 =	vld [tilespmem:s16+$0x0]  }
0xd0: {  	s28 =	sor.u32 s10, s2;
	s29 =	sor.u32 s1, s2;
	s0 =	sor.u32 s0, s2;
	v11 =	vld [tilespmem:s17+$0x0];
	v5 =	vadd.f32 v8, v5  }
0xd1: {  	v8 =	vld [tilespmem:s0+$0x0]  }
0xd2: {  	v13 =	vld [tilespmem:s6+$0x0];
	v5 =	vadd.f32 v7, v5  }
0xd3: {  	v7 =	vadd.f32 v12, v10;
	v10 =	vld [tilespmem:s3+$0x0]  }
0xd4: {  	v12 =	vld [tilespmem:s13+$0x0];
	v5 =	vadd.f32 v9, v5  }
0xd5: {  	v6 =	vadd.f32 v11, v6;
	v9 =	vld [tilespmem:s18+$0x0]  }
0xd6: {  	v11 =	vld [tilespmem:s8+$0x0];
	v5 =	vadd.f32 v5, v8  }
0xd7: {  	v8 =	vld [tilespmem:s19+$0x0];
	v4 =	vadd.f32 v13, v4  }
0xd8: {  	v13 =	vld [tilespmem:s7+$0x0];
	v7 =	vadd.f32 v10, v7;
	[tilespmem:s0+$0x0] =	vst v5  }
0xd9: {  	v5 =	vadd.f32 v12, v6;
	v6 =	vld [tilespmem:s9+$0x0]  }
0xda: {  	v10 =	vld [tilespmem:s11+$0x0];
	v4 =	vadd.f32 v9, v4  }
0xdb: {  	v9 =	vld [tilespmem:s22+$0x0];
	v7 =	vadd.f32 v11, v7  }
0xdc: {  	v8 =	vadd.f32 v8, v5;
	v12 =	vld [tilespmem:s14+$0x0]  }
0xdd: {  	v14 =	vld [tilespmem:s5+$0x0];
	v11 =	vadd.f32 v13, v4  }
.Ltmp3:
0xde: {  	v5 =	vld [tilespmem:s12+$0x0];
	v7 =	vadd.f32 v6, v7;
	(pc) =	sbr.rel @p2 .LBB2_4-.Ltmp3, $4  }
0xdf: {  	v13 =	vadd.f32 v10, v8;
	v4 =	vld [tilespmem:s31+$0x0]  }
0xe0: {  	v6 =	vld [tilespmem:s15+$0x0];
	v11 =	vadd.f32 v9, v11  }
0xe1: {  	v8 =	vld [tilespmem:s4+$0x0];
	v10 =	vadd.f32 v12, v7  }
0xe2: {  	s25 =	sadd.s32 $0x200, s25;
	s26 =	sadd.s32 $0x40, s26;
	v9 =	vadd.f32 v14, v13;
	v7 =	vld [tilespmem:s20+$0x0]  }
0xe3: {  	v12 =	vld [tilespmem:s29+$0x0]  }
0xe4: {  	v5 =	vadd.f32 v5, v11;
	v11 =	vld [tilespmem:s28+$0x0]  }
0xe5: {  	v4 =	vadd.f32 v4, v10;
	v6 =	vadd.f32 v6, v9  }
0xe6: {  	v5 =	vadd.f32 v8, v5  }
0xe7: {  	v3 =	vadd.f32 v6, v3;
	v4 =	vadd.f32 v7, v4  }
0xe8: {  	v5 =	vadd.f32 v5, v12  }
0xe9: {  	[tilespmem:s30+$0x0] =	vst v3;
	v3 =	vadd.f32 v4, v11  }
0xea: {  	[tilespmem:s29+$0x0] =	vst v5  }
0xeb: {  	s23 =	simm.s32 $0x0;
	[tilespmem:s28+$0x0] =	vst v3  }
0xec: {  	s1 =	simm.s32 $0x1200;
	s2 =	simm.s32 $0x1;
	s0 =	rddreg [dreg:$0x7]  }
0xed: {  	[tilespmem:s1], [sflag:$0x2] =	stream.linear.gather [hbm4b:s0+s23], $0x1000, $0x38;
	[tilespmem:$0x2298] =	vst v63  }
0xee: {  	_ =	swait.ge [sflag:s2], $0x1000  }
0xef: {  	s25 =	sand.u32 $0x40, s23;
	s26 =	sand.u32 $0xC00, s23;
	[sflag:s2] =	ssyncset.done $0x0  }
0xf0: {  	s31 =	sor.u32 $0x30, s25;
	s1 =	sor.u32 $0x200, s26;
	[sflag:s2] =	ssyncadd.s32 $0xFFFFF000  }
0xf1: {  	s3 =	sor.u32 s31, s1;
	v3 =	vld [tilespmem:s23+$0x0]  }
0xf2: {  	v4 =	vld [tilespmem:s3+$0x0]  }
0xf3: {  	s4 =	sor.u32 s25, s1;
	v5 =	vld [tilespmem:s3+$0x80]  }
0xf4: {  	v6 =	vld [tilespmem:s4+$0x0]  }
0xf5: {  	v7 =	vld [tilespmem:s3+$0x100]  }
0xf6: {  	s5 =	sor.u32 $0x10, s25;
	v8 =	vld [tilespmem:s4+$0x80]  }
0xf7: {  	s6 =	sor.u32 s5, s1;
	v9 =	vld [tilespmem:s3+$0x180]  }
0xf8: {  	v10 =	vld [tilespmem:s6+$0x0]  }
0xf9: {  	v11 =	vld [tilespmem:s3+$0x200]  }
0xfa: {  	s0 =	sor.u32 $0x20, s25;
	v57 =	vld [tilespmem:s6+$0x80]  }
0xfb: {  	s1 =	sor.u32 s0, s1;
	v13 =	vld [tilespmem:s3+$0x280]  }
0xfc: {  	v14 =	vld [tilespmem:s1+$0x0]  }
0xfd: {  	v15 =	vld [tilespmem:s3+$0x300]  }
0xfe: {  	v16 =	vld [tilespmem:s1+$0x80]  }
0xff: {  	v17 =	vld [tilespmem:s3+$0x380]  }
0x100: {  	v18 =	vld [tilespmem:s4+$0x100]  }
0x101: {  	v19 =	vld [tilespmem:s6+$0x100];
	v4 =	vadd.f32 v5, v4  }
0x102: {  	v20 =	vld [tilespmem:s4+$0x180]  }
0x103: {  	v21 =	vld [tilespmem:s1+$0x180];
	v4 =	vadd.f32 v7, v4  }
0x104: {  	v22 =	vld [tilespmem:s6+$0x200]  }
0x105: {  	v59 =	vld [tilespmem:s4+$0x280];
	v4 =	vadd.f32 v9, v4  }
0x106: {  	v60 =	vld [tilespmem:s6+$0x280]  }
0x107: {  	v7 =	vld [tilespmem:s1+$0x100];
	v4 =	vadd.f32 v11, v4  }
0x108: {  	s7 =	sand.u32 $0x180, s23;
	v6 =	vadd.f32 v8, v6;
	v9 =	vld [tilespmem:s6+$0x180]  }
0x109: {  	s2 =	sor.u32 s31, s7;
	v8 =	vadd.f32 v57, v10;
	v11 =	vld [tilespmem:s4+$0x200];
	v4 =	vadd.f32 v13, v4  }
0x10a: {  	v5 =	vld [tilespmem:s2+$0x0];
	v58 =	vadd.f32 v16, v14;
	v6 =	vadd.f32 v18, v6  }
0x10b: {  	v10 =	vld [tilespmem:s1+$0x200];
	v8 =	vadd.f32 v19, v8;
	v4 =	vadd.f32 v15, v4  }
0x10c: {  	v61 =	vld [tilespmem:s1+$0x280];
	v6 =	vadd.f32 v20, v6;
	v7 =	vadd.f32 v7, v58  }
0x10d: {  	v62 =	vld [tilespmem:s4+$0x300];
	v9 =	vadd.f32 v9, v8;
	v4 =	vadd.f32 v17, v4  }
0x10e: {  	v63 =	vadd.f32 v21, v7;
	v8 =	vld [tilespmem:s6+$0x300];
	v6 =	vadd.f32 v11, v6  }
0x10f: {  	v7 =	vld [tilespmem:s1+$0x300];
	v17 =	vadd.f32 v4, v5;
	v5 =	vadd.f32 v22, v9  }
0x110: {  	v6 =	vadd.f32 v59, v6;
	v9 =	vadd.f32 v10, v63;
	v4 =	vld [tilespmem:s4+$0x380]  }
0x111: {  	s24 =	simm.s32 $0x0;
	s30 =	sor.u32 s5, s7;
	s28 =	simm.s32 $0x40;
	v11 =	vadd.f32 v60, v5;
	v5 =	vld [tilespmem:s6+$0x380]  }
0x112: {  	s26 =	simm.s32 $0x200;
	s29 =	sor.u32 s0, s7;
	s25 =	simm.s32 $0x0;
	[tilespmem:s2+$0x0] =	vst v17;
	v10 =	vadd.f32 v61, v9;
	v9 =	vadd.f32 v62, v6;
	v6 =	vld [tilespmem:s1+$0x380]  }
.LBB2_6:
0x113: {  	s2 =	sand.u32 $0x40, s28;
	s0 =	sand.u32 $0xC00, s26;
	v8 =	vadd.f32 v8, v11;
	v11 =	vld [tilespmem:s30+$0x0];
	s23 =	sadd.s32 $0x40, s23  }
0x114: {  	s24 =	sadd.s32 $0x4, s24;
	s3 =	sor.u32 $0x200, s0;
	s1 =	sor.u32 $0x30, s2;
	v7 =	vadd.f32 v7, v10;
	v10 =	vld [tilespmem:s29+$0x0]  }
0x115: {  	s5 =	sor.u32 $0x10, s2;
	p2 =	slt.u32 s24, $0x1C;
	v12 =	vld [tilespmem:s23+$0x0];
	s6 =	sor.u32 s1, s3;
	v4 =	vadd.f32 v4, v9  }
0x116: {  	s4 =	sor.u32 s2, s3;
	s0 =	sor.u32 s5, s3;
	s2 =	sor.u32 $0x20, s2;
	v9 =	vld [tilespmem:s6+$0x0];
	v5 =	vadd.f32 v5, v8  }
0x117: {  	s31 =	sor.u32 s2, s3;
	v8 =	vld [tilespmem:s6+$0x80];
	v13 =	vadd.f32 v4, v3;
	v4 =	vadd.f32 v6, v7  }
0x118: {  	v6 =	vld [tilespmem:s4+$0x0];
	v5 =	vadd.f32 v5, v11  }
0x119: {  	v7 =	vld [tilespmem:s6+$0x100];
	[tilespmem:s25+$0x0] =	vst v13;
	v4 =	vadd.f32 v4, v10;
	s25 =	smov.u32 s23  }
0x11a: {  	v10 =	vld [tilespmem:s4+$0x80];
	[tilespmem:s30+$0x0] =	vst v5;
	v3 =	vmov v12  }
0x11b: {  	v5 =	vld [tilespmem:s6+$0x180];
	[tilespmem:s29+$0x0] =	vst v4  }
0x11c: {  	v4 =	vld [tilespmem:s0+$0x0];
	v8 =	vadd.f32 v8, v9  }
0x11d: {  	v9 =	vld [tilespmem:s6+$0x200]  }
0x11e: {  	v11 =	vld [tilespmem:s0+$0x80];
	v7 =	vadd.f32 v7, v8  }
0x11f: {  	v6 =	vadd.f32 v10, v6;
	v8 =	vld [tilespmem:s6+$0x280]  }
0x120: {  	v10 =	vld [tilespmem:s31+$0x0];
	v5 =	vadd.f32 v5, v7  }
0x121: {  	v7 =	vld [tilespmem:s6+$0x300]  }
0x122: {  	v12 =	vld [tilespmem:s31+$0x80];
	v5 =	vadd.f32 v9, v5  }
0x123: {  	s3 =	sand.u32 $0x180, s28;
	v4 =	vadd.f32 v11, v4;
	v9 =	vld [tilespmem:s6+$0x380]  }
0x124: {  	s1 =	sor.u32 s1, s3;
	s30 =	sor.u32 s5, s3;
	s29 =	sor.u32 s2, s3;
	v11 =	vld [tilespmem:s4+$0x100];
	v5 =	vadd.f32 v8, v5  }
0x125: {  	v8 =	vld [tilespmem:s1+$0x0]  }
0x126: {  	v13 =	vld [tilespmem:s0+$0x100];
	v5 =	vadd.f32 v7, v5  }
0x127: {  	v7 =	vadd.f32 v12, v10;
	v10 =	vld [tilespmem:s31+$0x100]  }
0x128: {  	v12 =	vld [tilespmem:s4+$0x180];
	v5 =	vadd.f32 v9, v5  }
0x129: {  	v6 =	vadd.f32 v11, v6;
	v9 =	vld [tilespmem:s0+$0x180]  }
0x12a: {  	v11 =	vld [tilespmem:s31+$0x180];
	v5 =	vadd.f32 v5, v8  }
0x12b: {  	v8 =	vld [tilespmem:s4+$0x200];
	v4 =	vadd.f32 v13, v4  }
0x12c: {  	v13 =	vld [tilespmem:s0+$0x200];
	v7 =	vadd.f32 v10, v7;
	[tilespmem:s1+$0x0] =	vst v5  }
0x12d: {  	v5 =	vadd.f32 v12, v6;
	v6 =	vld [tilespmem:s31+$0x200]  }
0x12e: {  	v10 =	vld [tilespmem:s4+$0x280];
	v4 =	vadd.f32 v9, v4  }
0x12f: {  	v9 =	vld [tilespmem:s0+$0x280];
	v7 =	vadd.f32 v11, v7  }
0x130: {  	v5 =	vadd.f32 v8, v5;
	v12 =	vld [tilespmem:s31+$0x280]  }
0x131: {  	v14 =	vld [tilespmem:s4+$0x300];
	v11 =	vadd.f32 v13, v4  }
.Ltmp4:
0x132: {  	v8 =	vld [tilespmem:s0+$0x300];
	v6 =	vadd.f32 v6, v7;
	(pc) =	sbr.rel @p2 .LBB2_6-.Ltmp4, $4  }
0x133: {  	v13 =	vadd.f32 v10, v5;
	v7 =	vld [tilespmem:s31+$0x300]  }
0x134: {  	v4 =	vld [tilespmem:s4+$0x380];
	v11 =	vadd.f32 v9, v11  }
0x135: {  	v5 =	vld [tilespmem:s0+$0x380];
	v10 =	vadd.f32 v12, v6  }
0x136: {  	s26 =	sadd.s32 $0x200, s26;
	s28 =	sadd.s32 $0x40, s28;
	v9 =	vadd.f32 v14, v13;
	v6 =	vld [tilespmem:s31+$0x380]  }
0x137: {  	v12 =	vld [tilespmem:s30+$0x0]  }
0x138: {  	v8 =	vadd.f32 v8, v11;
	v11 =	vld [tilespmem:s29+$0x0]  }
0x139: {  	v7 =	vadd.f32 v7, v10;
	v4 =	vadd.f32 v4, v9  }
0x13a: {  	v5 =	vadd.f32 v5, v8  }
0x13b: {  	v3 =	vadd.f32 v4, v3;
	v4 =	vadd.f32 v6, v7  }
0x13c: {  	v5 =	vadd.f32 v5, v12  }
0x13d: {  	[tilespmem:s25+$0x0] =	vst v3;
	v3 =	vadd.f32 v4, v11  }
0x13e: {  	[tilespmem:s30+$0x0] =	vst v5  }
0x13f: {  	s1 =	simm.s32 $0x2;
	[tilespmem:s29+$0x0] =	vst v3  }
0x140: {  	s23 =	simm.s32 $0x0;
	_ =	swait.ge [sflag:s1], $0x1000  }
0x141: {  	s0 =	sand.u32 $0x40, s23;
	s2 =	sand.u32 $0xC00, s23;
	[sflag:s1] =	ssyncset.done $0x0  }
0x142: {  	s3 =	sor.u32 $0x1200, s2;
	s6 =	sor.u32 $0x30, s0;
	[sflag:s1] =	ssyncadd.s32 $0xFFFFF000  }
0x143: {  	s5 =	sor.u32 $0x1280, s2;
	s13 =	sor.u32 s6, s3;
	v3 =	vld [tilespmem:s23+$0x0]  }
0x144: {  	s14 =	sor.u32 s6, s5;
	v4 =	vld [tilespmem:s13+$0x0]  }
0x145: {  	s7 =	sor.u32 $0x1300, s2;
	s4 =	sor.u32 s0, s3;
	v5 =	vld [tilespmem:s14+$0x0]  }
0x146: {  	s15 =	sor.u32 s6, s7;
	v6 =	vld [tilespmem:s4+$0x0]  }
0x147: {  	s8 =	sor.u32 $0x1380, s2;
	s16 =	sor.u32 s0, s5;
	v7 =	vld [tilespmem:s15+$0x0]  }
0x148: {  	s10 =	sadd.s32 $0x1400, s2;
	s17 =	sor.u32 s6, s8;
	v8 =	vld [tilespmem:s16+$0x0]  }
0x149: {  	s11 =	sadd.s32 $0x1480, s2;
	s18 =	sor.u32 s6, s10;
	v9 =	vld [tilespmem:s17+$0x0]  }
0x14a: {  	s12 =	sadd.s32 $0x1500, s2;
	s20 =	sor.u32 s6, s11;
	v11 =	vld [tilespmem:s18+$0x0]  }
0x14b: {  	s22 =	sor.u32 s6, s12;
	v13 =	vld [tilespmem:s20+$0x0]  }
0x14c: {  	s25 =	sor.u32 s0, s7;
	s1 =	sor.u32 $0x10, s0;
	v15 =	vld [tilespmem:s22+$0x0]  }
0x14d: {  	s9 =	sor.u32 s1, s3;
	v18 =	vld [tilespmem:s25+$0x0]  }
0x14e: {  	s19 =	sor.u32 s1, s5;
	v10 =	vld [tilespmem:s9+$0x0]  }
0x14f: {  	s26 =	sor.u32 s1, s7;
	v58 =	vld [tilespmem:s19+$0x0]  }
0x150: {  	s16 =	sor.u32 s1, s10;
	v19 =	vld [tilespmem:s26+$0x0]  }
0x151: {  	s18 =	sor.u32 s0, s11;
	v22 =	vld [tilespmem:s16+$0x0]  }
0x152: {  	s4 =	sor.u32 $0x20, s0;
	s22 =	sor.u32 s0, s12;
	v60 =	vld [tilespmem:s18+$0x0]  }
0x153: {  	s3 =	sor.u32 s4, s3;
	v63 =	vld [tilespmem:s22+$0x0]  }
0x154: {  	s24 =	sor.u32 s4, s5;
	v14 =	vld [tilespmem:s3+$0x0];
	v4 =	vadd.f32 v5, v4  }
0x155: {  	s31 =	sor.u32 s4, s7;
	s7 =	sor.u32 s0, s8;
	v16 =	vld [tilespmem:s24+$0x0]  }
0x156: {  	s14 =	sor.u32 s4, s8;
	v20 =	vld [tilespmem:s7+$0x0];
	v4 =	vadd.f32 v7, v4  }
0x157: {  	s5 =	sadd.s32 $0x1580, s2;
	v21 =	vld [tilespmem:s14+$0x0]  }
0x158: {  	s2 =	sor.u32 s6, s5;
	v7 =	vld [tilespmem:s31+$0x0];
	v4 =	vadd.f32 v9, v4  }
0x159: {  	s13 =	sor.u32 s1, s8;
	v17 =	vld [tilespmem:s2+$0x0]  }
0x15a: {  	s15 =	sor.u32 s0, s10;
	v6 =	vadd.f32 v8, v6;
	v9 =	vld [tilespmem:s13+$0x0];
	v4 =	vadd.f32 v11, v4  }
0x15b: {  	s9 =	sand.u32 $0x180, s23;
	s17 =	sor.u32 s4, s10;
	v8 =	vadd.f32 v58, v10;
	v59 =	vadd.f32 v16, v14;
	v11 =	vld [tilespmem:s15+$0x0]  }
0x15c: {  	s2 =	sor.u32 s6, s9;
	v10 =	vld [tilespmem:s17+$0x0];
	v6 =	vadd.f32 v18, v6;
	v4 =	vadd.f32 v13, v4  }
0x15d: {  	s19 =	sor.u32 s1, s11;
	v5 =	vld [tilespmem:s2+$0x0];
	v8 =	vadd.f32 v19, v8;
	v7 =	vadd.f32 v7, v59  }
0x15e: {  	s20 =	sor.u32 s4, s11;
	v61 =	vld [tilespmem:s19+$0x0];
	v6 =	vadd.f32 v20, v6;
	v4 =	vadd.f32 v15, v4  }
0x15f: {  	v62 =	vld [tilespmem:s20+$0x0];
	s24 =	sor.u32 s1, s12;
	v9 =	vadd.f32 v9, v8;
	v7 =	vadd.f32 v21, v7  }
0x160: {  	s25 =	sor.u32 s4, s12;
	v8 =	vld [tilespmem:s24+$0x0];
	v11 =	vadd.f32 v11, v6;
	v4 =	vadd.f32 v17, v4  }
0x161: {  	s0 =	sor.u32 s0, s5;
	v9 =	vadd.f32 v22, v9;
	v6 =	vld [tilespmem:s25+$0x0];
	v10 =	vadd.f32 v10, v7  }
0x162: {  	s30 =	simm.s32 $0x0;
	s26 =	sor.u32 s1, s5;
	v13 =	vadd.f32 v60, v11;
	v5 =	vadd.f32 v4, v5;
	v4 =	vld [tilespmem:s0+$0x0]  }
0x163: {  	s29 =	sor.u32 s1, s9;
	s28 =	sor.u32 s4, s9;
	s31 =	sor.u32 s4, s5;
	v7 =	vld [tilespmem:s26+$0x0];
	v11 =	vadd.f32 v61, v9  }
0x164: {  	s24 =	simm.s32 $0x0;
	s25 =	simm.s32 $0x200;
	s26 =	simm.s32 $0x40;
	v10 =	vadd.f32 v62, v10;
	v9 =	vadd.f32 v63, v13;
	[tilespmem:s2+$0x0] =	vst v5;
	v5 =	vld [tilespmem:s31+$0x0]  }
.LBB2_8:
0x165: {  	s4 =	sand.u32 $0x40, s26;
	s1 =	sand.u32 $0xC00, s25;
	v8 =	vadd.f32 v8, v11;
	v11 =	vld [tilespmem:s29+$0x0];
	s23 =	sadd.s32 $0x40, s23  }
0x166: {  	s24 =	sadd.s32 $0x4, s24;
	s2 =	sor.u32 $0x1200, s1;
	s0 =	sor.u32 $0x30, s4;
	v6 =	vadd.f32 v6, v10;
	v10 =	vld [tilespmem:s28+$0x0]  }
0x167: {  	s3 =	sor.u32 $0x1280, s1;
	p2 =	slt.u32 s24, $0x1C;
	v12 =	vld [tilespmem:s23+$0x0];
	s5 =	sor.u32 s0, s2;
	v4 =	vadd.f32 v4, v9  }
0x168: {  	s10 =	sor.u32 $0x10, s4;
	s31 =	sor.u32 $0x20, s4;
	v9 =	vld [tilespmem:s5+$0x0];
	s5 =	sor.u32 s0, s3;
	v7 =	vadd.f32 v7, v8  }
0x169: {  	s8 =	sor.u32 $0x1300, s1;
	s6 =	sor.u32 s4, s2;
	s7 =	sor.u32 s4, s3;
	v8 =	vld [tilespmem:s5+$0x0];
	v13 =	vadd.f32 v4, v3;
	v4 =	vadd.f32 v5, v6  }
0x16a: {  	s12 =	sor.u32 s10, s3;
	s5 =	sor.u32 s10, s2;
	v5 =	vld [tilespmem:s6+$0x0];
	s6 =	sor.u32 s0, s8;
	v6 =	vadd.f32 v7, v11  }
0x16b: {  	s9 =	sor.u32 $0x1380, s1;
	s3 =	sor.u32 s31, s3;
	s2 =	sor.u32 s31, s2;
	v7 =	vld [tilespmem:s6+$0x0];
	[tilespmem:s30+$0x0] =	vst v13;
	v4 =	vadd.f32 v4, v10  }
0x16c: {  	s16 =	sor.u32 s4, s8;
	s6 =	sor.u32 s10, s8;
	v10 =	vld [tilespmem:s7+$0x0];
	s7 =	sor.u32 s0, s9;
	[tilespmem:s29+$0x0] =	vst v6;
	v3 =	vmov v12  }
0x16d: {  	s14 =	sadd.s32 $0x1400, s1;
	s13 =	sor.u32 s4, s9;
	s17 =	sor.u32 s31, s8;
	v6 =	vld [tilespmem:s7+$0x0];
	[tilespmem:s28+$0x0] =	vst v4  }
0x16e: {  	s18 =	sor.u32 s10, s9;
	s9 =	sor.u32 s31, s9;
	v4 =	vld [tilespmem:s5+$0x0];
	v8 =	vadd.f32 v8, v9;
	s5 =	sor.u32 s0, s14  }
0x16f: {  	s19 =	sor.u32 s4, s14;
	s8 =	sor.u32 s10, s14;
	s7 =	sadd.s32 $0x1480, s1;
	v9 =	vld [tilespmem:s5+$0x0]  }
0x170: {  	s15 =	sor.u32 s31, s14;
	s11 =	sor.u32 s4, s7;
	s5 =	sor.u32 s0, s7;
	v11 =	vld [tilespmem:s12+$0x0];
	v7 =	vadd.f32 v7, v8  }
0x171: {  	s20 =	sadd.s32 $0x1500, s1;
	s22 =	sor.u32 s10, s7;
	s14 =	sor.u32 s31, s7;
	v5 =	vadd.f32 v10, v5;
	v8 =	vld [tilespmem:s5+$0x0]  }
0x172: {  	s12 =	sor.u32 s10, s20;
	s5 =	sor.u32 s4, s20;
	v10 =	vld [tilespmem:s2+$0x0];
	v6 =	vadd.f32 v6, v7;
	s2 =	sor.u32 s0, s20  }
0x173: {  	s30 =	smov.u32 s23;
	s28 =	sadd.s32 $0x1580, s1;
	s7 =	sor.u32 s31, s20;
	v7 =	vld [tilespmem:s2+$0x0]  }
0x174: {  	s1 =	sor.u32 s10, s28;
	s2 =	sor.u32 s4, s28;
	v12 =	vld [tilespmem:s3+$0x0];
	v6 =	vadd.f32 v9, v6;
	s3 =	sor.u32 s0, s28  }
0x175: {  	s20 =	sor.u32 s31, s28;
	s4 =	sand.u32 $0x180, s26;
	v4 =	vadd.f32 v11, v4;
	v9 =	vld [tilespmem:s3+$0x0]  }
0x176: {  	s29 =	sor.u32 s10, s4;
	s28 =	sor.u32 s31, s4;
	s0 =	sor.u32 s0, s4;
	v11 =	vld [tilespmem:s16+$0x0];
	v6 =	vadd.f32 v8, v6  }
0x177: {  	v8 =	vld [tilespmem:s0+$0x0]  }
0x178: {  	v13 =	vld [tilespmem:s6+$0x0];
	v6 =	vadd.f32 v7, v6  }
0x179: {  	v7 =	vadd.f32 v12, v10;
	v10 =	vld [tilespmem:s17+$0x0]  }
0x17a: {  	v12 =	vld [tilespmem:s13+$0x0];
	v6 =	vadd.f32 v9, v6  }
0x17b: {  	v5 =	vadd.f32 v11, v5;
	v9 =	vld [tilespmem:s18+$0x0]  }
0x17c: {  	v11 =	vld [tilespmem:s9+$0x0];
	v6 =	vadd.f32 v6, v8  }
0x17d: {  	v8 =	vld [tilespmem:s19+$0x0];
	v4 =	vadd.f32 v13, v4  }
0x17e: {  	v13 =	vld [tilespmem:s8+$0x0];
	v7 =	vadd.f32 v10, v7;
	[tilespmem:s0+$0x0] =	vst v6  }
0x17f: {  	v5 =	vadd.f32 v12, v5;
	v6 =	vld [tilespmem:s15+$0x0]  }
0x180: {  	v10 =	vld [tilespmem:s11+$0x0];
	v4 =	vadd.f32 v9, v4  }
0x181: {  	v9 =	vld [tilespmem:s22+$0x0];
	v7 =	vadd.f32 v11, v7  }
0x182: {  	v5 =	vadd.f32 v8, v5;
	v12 =	vld [tilespmem:s14+$0x0]  }
0x183: {  	v14 =	vld [tilespmem:s5+$0x0];
	v11 =	vadd.f32 v13, v4  }
.Ltmp5:
0x184: {  	v8 =	vld [tilespmem:s12+$0x0];
	v13 =	vadd.f32 v6, v7;
	(pc) =	sbr.rel @p2 .LBB2_8-.Ltmp5, $4  }
0x185: {  	v5 =	vadd.f32 v10, v5;
	v6 =	vld [tilespmem:s7+$0x0]  }
0x186: {  	v4 =	vld [tilespmem:s2+$0x0];
	v11 =	vadd.f32 v9, v11  }
0x187: {  	v7 =	vld [tilespmem:s1+$0x0];
	v10 =	vadd.f32 v12, v13  }
0x188: {  	s25 =	sadd.s32 $0x200, s25;
	s26 =	sadd.s32 $0x40, s26;
	v9 =	vadd.f32 v14, v5;
	v5 =	vld [tilespmem:s20+$0x0]  }
0x189: {  	v12 =	vld [tilespmem:s29+$0x0]  }
0x18a: {  	v8 =	vadd.f32 v8, v11;
	v11 =	vld [tilespmem:s28+$0x0]  }
0x18b: {  	v6 =	vadd.f32 v6, v10;
	v4 =	vadd.f32 v4, v9  }
0x18c: {  	v7 =	vadd.f32 v7, v8  }
0x18d: {  	v3 =	vadd.f32 v4, v3;
	v4 =	vadd.f32 v5, v6  }
0x18e: {  	v5 =	vadd.f32 v7, v12  }
0x18f: {  	[tilespmem:s30+$0x0] =	vst v3;
	v3 =	vadd.f32 v4, v11  }
0x190: {  	[tilespmem:s29+$0x0] =	vst v5  }
0x191: {  	[tilespmem:s28+$0x0] =	vst v3  }
0x192: {  	v3 =	vld [tilespmem:$0x0]  }
0x193: {  	v4 =	vld [tilespmem:$0x100]  }
0x194: {  	v5 =	vld [tilespmem:$0x10]  }
0x195: {  	v6 =	vld [tilespmem:$0x110]  }
0x196: {  	v7 =	vld [tilespmem:$0x20]  }
0x197: {  	v8 =	vld [tilespmem:$0x120];
	v3 =	vadd.f32 $0.0e+00, v3  }
0x198: {  	v9 =	vld [tilespmem:$0x30];
	v4 =	vadd.f32 $0.0e+00, v4  }
0x199: {  	v3 =	vadd.f32 v5, v3;
	v5 =	vld [tilespmem:$0x130]  }
0x19a: {  	v4 =	vadd.f32 v6, v4;
	v6 =	vld [tilespmem:$0x40]  }
0x19b: {  	v3 =	vadd.f32 v7, v3;
	v7 =	vld [tilespmem:$0x140]  }
0x19c: {  	v4 =	vadd.f32 v8, v4;
	v8 =	vld [tilespmem:$0x50]  }
0x19d: {  	v3 =	vadd.f32 v9, v3;
	v9 =	vld [tilespmem:$0x150]  }
0x19e: {  	v4 =	vadd.f32 v5, v4;
	v5 =	vld [tilespmem:$0x60]  }
0x19f: {  	v3 =	vadd.f32 v6, v3;
	v6 =	vld [tilespmem:$0x160]  }
0x1a0: {  	v4 =	vadd.f32 v7, v4;
	v7 =	vld [tilespmem:$0x70]  }
0x1a1: {  	v3 =	vadd.f32 v8, v3;
	v8 =	vld [tilespmem:$0x170]  }
0x1a2: {  	v4 =	vadd.f32 v9, v4;
	v9 =	vld [tilespmem:$0x80]  }
0x1a3: {  	v3 =	vadd.f32 v5, v3;
	v5 =	vld [tilespmem:$0x180]  }
0x1a4: {  	v4 =	vadd.f32 v6, v4;
	v6 =	vld [tilespmem:$0x90]  }
0x1a5: {  	v3 =	vadd.f32 v7, v3;
	v7 =	vld [tilespmem:$0x190]  }
0x1a6: {  	v4 =	vadd.f32 v8, v4;
	v8 =	vld [tilespmem:$0xA0]  }
0x1a7: {  	v3 =	vadd.f32 v9, v3;
	v9 =	vld [tilespmem:$0x1A0]  }
0x1a8: {  	v4 =	vadd.f32 v5, v4;
	v5 =	vld [tilespmem:$0xB0]  }
0x1a9: {  	v3 =	vadd.f32 v6, v3;
	v6 =	vld [tilespmem:$0x1B0]  }
0x1aa: {  	v4 =	vadd.f32 v7, v4;
	v7 =	vld [tilespmem:$0xC0]  }
0x1ab: {  	v3 =	vadd.f32 v8, v3;
	v8 =	vld [tilespmem:$0x1C0]  }
0x1ac: {  	v4 =	vadd.f32 v9, v4;
	v9 =	vld [tilespmem:$0xD0]  }
0x1ad: {  	v3 =	vadd.f32 v5, v3;
	v5 =	vld [tilespmem:$0x1D0]  }
0x1ae: {  	v4 =	vadd.f32 v6, v4;
	v6 =	vld [tilespmem:$0xE0]  }
0x1af: {  	v3 =	vadd.f32 v7, v3;
	v7 =	vld [tilespmem:$0x1E0]  }
0x1b0: {  	v4 =	vadd.f32 v8, v4;
	v8 =	vld [tilespmem:$0xF0]  }
0x1b1: {  	v3 =	vadd.f32 v9, v3;
	v9 =	vld [tilespmem:$0x1F0]  }
0x1b2: {  	v4 =	vadd.f32 v5, v4  }
0x1b3: {  	s0 =	simm.s32 $0x10;
	v3 =	vadd.f32 v6, v3  }
0x1b4: {  	v4 =	vadd.f32 v7, v4;
	v7 =	vld [tilespmem:s0+$0xFFFFFFF0]  }
0x1b5: {  	v3 =	vadd.f32 v8, v3  }
0x1b6: {  	v4 =	vadd.f32 v9, v4  }
0x1b7: {  	(xrf2) =	vadd.scan.msk.f32 $0xffff, v3  }
0x1b8: {  	v8 =	vld [tilespmem:s0+$0x0];
	(xrf2) =	vadd.scan.msk.f32 $0xffff, v4  }
0x1b9: {  	(xrf2) =	vadd.scan.msk.f32 $0xffff, v7;
	_ =	sdelay $0x1  }
0x1ba: {  	s1 =	simm.s32 $0x0  }
0x1bb: {  	s1 =	sand.u32 $0xE0, s1  }
0x1bc: {  	v12 =	vld [tilespmem:s1+$0x100];
	(xrf2) =	vadd.scan.msk.f32 $0xffff, v8;
	_ =	sdelay $0x2  }
0x1bd: {  	s0 =	sand.u32 $0xF0, s0  }
0x1be: {  	s22 =	simm.s32 $0x30;
	v13 =	vld [tilespmem:s0+$0x100];
	v4, _, _ =	vpop (xrf2)  }
0x1bf: {  	v19 =	vld [tilespmem:s22+$0xFFFFFFF0];
	(xrf2) =	vadd.scan.msk.f32 $0xffff, v12;
	v3, _, _ =	vpop (xrf2)  }
0x1c0: {  	v5, _, _ =	vpop (xrf2)  }
0x1c1: {  	v21 =	vimm.f32 $0.0e+00;
	v6 =	vbroadcast v5, $0xF  }
0x1c2: {  	v4 =	vbroadcast v4, $0xF;
	v9 =	vadd.f32 v5, v21  }
0x1c3: {  	s23 =	simm.s32 $0x0;
	v20 =	vld [tilespmem:s22+$0x0];
	(xrf2) =	vadd.scan.msk.f32 $0xffff, v13;
	v10 =	vadd.f32 v6, v21  }
0x1c4: {  	s24 =	simm.s32 $0x20;
	(xrf2) =	vadd.scan.msk.f32 $0xffff, v19;
	v5 =	vbroadcast v3, $0xF;
	v11, _, _ =	vpop (xrf2);
	v6 =	vor.u32 s23, v0;
	v9 =	vsub.f32 v4, v9  }
0x1c5: {  	s1 =	sand.u32 $0xE0, s24;
	v15 =	vcvt.s32.f32 v6;
	v16 =	vadd.f32 v10, v11  }
0x1c6: {  	v6 =	vld [tilespmem:s1+$0x100];
	v9 =	vadd.f32 v9, v5  }
0x1c7: {  	v17 =	vadd.f32 $5.000000000e-01, v15;
	v15 =	vsub.f32 v4, v16  }
0x1c8: {  	(xrf2) =	vadd.scan.msk.f32 $0xffff, v20;
	v7 =	vadd.f32 v9, v7;
	v9 =	vmax.f32 v9, $1.000000000e+00  }
0x1c9: {  	s26 =	simm.s32 $0x30;
	v22, _, _ =	vpop (xrf2);
	(erf) = vrcp.f32 v9;
	v9 =	vbroadcast v11, $0xF;
	v15 =	vadd.f32 v15, v5  }
0x1ca: {  	s25 =	simm.s32 $0x20;
	v18 =	vor.u32 s26, v0;
	v23 =	vbroadcast v22, $0xF;
	v7 =	vmax.f32 v7, $1.000000000e+00  }
0x1cb: {  	s0 =	sand.u32 $0xF0, s22;
	v16 =	vor.u32 s25, v0;
	(xrf2) =	vadd.scan.msk.f32 $0xffff, v6;
	(erf) = vrcp.f32 v7;
	v11 =	vadd.f32 v15, v8  }
0x1cc: {  	s2 =	simm.s32 $0x10;
	v7 =	vcvt.s32.f32 v16;
	v16 =	vcvt.s32.f32 v18;
	v18 =	vadd.f32 v23, v21;
	v8 =	vld [tilespmem:s0+$0x100]  }
0x1cd: {  	v14 =	vor.u32 s2, v0;
	v23 =	vadd.f32 v9, v10;
	v9, _, _ =	vpop (xrf2);
	v10 =	vmax.f32 v11, $1.000000000e+00  }
0x1ce: {  	v11 =	vmax.f32 v15, $1.000000000e+00;
	v15 =	vadd.f32 v18, v9;
	v24, _, _ =	vpop (xrf2);
	v25 =	vbroadcast v9, $0xF  }
0x1cf: {  	v9 =	vadd.f32 $5.000000000e-01, v7;
	v7 =	vadd.f32 $5.000000000e-01, v16;
	v16 =	vbroadcast v24, $0xF  }
0x1d0: {  	v14 =	vcvt.s32.f32 v14  }
0x1d1: {  	s23 =	simm.s32 $0x50;
	(erf) = vrcp.f32 v10;
	(xrf2) =	vadd.scan.msk.f32 $0xffff, v8;
	v16 =	vadd.f32 v16, v23  }
0x1d2: {  	v14 =	vadd.f32 $5.000000000e-01, v14;
	v24 =	vadd.f32 v24, v23;
	(erf) = vrcp.f32 v11;
	v11 =	vld [tilespmem:s23+$0xFFFFFFF0];
	v23, _, _ =	vpop (xrf2)  }
0x1d3: {  	s29 =	simm.s32 $0x50;
	v22 =	vadd.f32 v22, v21;
	v25 =	vadd.f32 v25, v18;
	v26 =	vbroadcast v23, $0xF  }
0x1d4: {  	v18 =	vor.u32 s29, v0;
	v27 =	vsub.f32 v15, v13;
	v24 =	vsub.f32 v4, v24  }
0x1d5: {  	v15 =	vcvt.s32.f32 v18;
	v23 =	vadd.f32 v16, v23;
	v18 =	vadd.f32 v26, v16;
	v16, _, _ =	vpop (xrf2)  }
0x1d6: {  	v28 =	vpop (erf);
	v26 =	vmul.f32 $3.906250000e-03, v17;
	v30 =	vbroadcast v16, $0xF;
	v17 =	vadd.f32 v16, v25;
	v16 =	vld [tilespmem:s23+$0x0]  }
0x1d7: {  	s30 =	simm.s32 $0x40;
	v22 =	vsub.f32 v22, v12;
	v29 =	vpop (erf);
	(xrf2) =	vadd.scan.msk.f32 $0xffff, v11;
	v23 =	vsub.f32 v4, v23  }
0x1d8: {  	s0 =	sand.u32 $0xE0, s30;
	v24 =	vadd.f32 v24, v5;
	v29 =	vsub.f32 v28, v29  }
0x1d9: {  	v28 =	vmul.f32 v28, v12;
	v12 =	vld [tilespmem:s0+$0x100];
	v23 =	vadd.f32 v23, v5  }
0x1da: {  	v10 =	vmul.f32 $3.906250000e-03, v14;
	v19 =	vadd.f32 v24, v19;
	v22 =	vmul.f32 v29, v22;
	v31 =	vpop (erf)  }
0x1db: {  	s28 =	simm.s32 $0x40;
	v24 =	vmax.f32 v24, $1.000000000e+00;
	v63 =	vadd.f32 v23, v20;
	v20 =	vadd.f32 v30, v25;
	v25, _, _ =	vpop (xrf2);
	(xrf2) =	vadd.scan.msk.f32 $0xffff, v16  }
0x1dc: {  	v14 =	vor.u32 s28, v0;
	(erf) = vrcp.f32 v24;
	v61 =	vpop (erf);
	v22 =	vadd.f32 v22, v28  }
0x1dd: {  	v19 =	vmax.f32 v19, $1.000000000e+00;
	v62 =	vmul.f32 v61, v13;
	v13 =	vsub.f32 v61, v31  }
0x1de: {  	s31 =	sand.u32 $0xF0, s23;
	(erf) = vrcp.f32 v19;
	v22 =	vmul.f32 v22, v26;
	v24 =	vmax.f32 v63, $1.000000000e+00;
	(xrf2) =	vadd.scan.msk.f32 $0xffff, v12  }
0x1df: {  	v14 =	vcvt.s32.f32 v14;
	v23 =	vmax.f32 v23, $1.000000000e+00;
	v26 =	vmul.f32 v13, v27;
	v13 =	vld [tilespmem:s31+$0x100]  }
0x1e0: {  	v19 =	vadd.f32 v20, v25;
	(erf) = vrcp.f32 v24;
	v21 =	vadd.f32 v22, v21  }
0x1e1: {  	s24 =	simm.s32 $0x6;
	s25 =	simm.s32 $0x70;
	v22 =	vbroadcast v25, $0xF;
	(erf) = vrcp.f32 v23;
	v23 =	vadd.f32 v26, v62;
	v24, _, _ =	vpop (xrf2)  }
.LBB2_10:
0x1e2: {  	v25 =	vld [tilespmem:s25+$0xFFFFFFF0];
	s0 =	sshll.u32 s24, $0x4;
	p2 =	slt.u32 s24, $0xE;
	s24 =	sadd.s32 $0x2, s24;
	v26 =	vadd.f32 $5.000000000e-01, v14;
	v14 =	vmul.f32 $3.906250000e-03, v7;
	v7 =	vadd.f32 $5.000000000e-01, v15  }
0x1e3: {  	v15 =	vbroadcast v24, $0xF;
	s1 =	sadd.s32 $0x10, s0;
	v20 =	vadd.f32 v22, v20;
	v22 =	vmul.f32 v23, v10  }
0x1e4: {  	v31 =	vadd.f32 v24, v18;
	v28 =	vor.u32 s0, v0;
	v27 =	vor.u32 s1, v0;
	(xrf2) =	vadd.scan.msk.f32 $0xffff, v13;
	v10 =	vmovc v14  }
0x1e5: {  	v14 =	vcvt.s32.f32 v28;
	v18 =	vadd.f32 v15, v18;
	v23, _, _ =	vpop (xrf2);
	v21 =	vadd.f32 v22, v21  }
0x1e6: {  	s23 =	sadd.s32 $0x20, s23;
	v29 =	vsub.f32 v17, v6;
	v19 =	vsub.f32 v19, v8;
	v22 =	vld [tilespmem:s25+$0x0];
	v28 =	vbroadcast v23, $0xF;
	v30 =	vpop (erf)  }
0x1e7: {  	s0 =	sadd.s32 $0xFFFFFFF0, s23;
	v17 =	vsub.f32 v4, v31;
	v15 =	vcvt.s32.f32 v27;
	v23 =	vadd.f32 v18, v23;
	(xrf2) =	vadd.scan.msk.f32 $0xffff, v25;
	v24 =	vpop (erf)  }
0x1e8: {  	s0 =	sand.u32 $0xE0, s0;
	v18 =	vadd.f32 v28, v18;
	v27, _, _ =	vpop (xrf2);
	v28 =	vmul.f32 $3.906250000e-03, v9;
	v9 =	vsub.f32 v30, v24  }
0x1e9: {  	v31 =	vadd.f32 v17, v5;
	v23 =	vsub.f32 v4, v23;
	v24 =	vld [tilespmem:s0+$0x100];
	v32 =	vbroadcast v27, $0xF;
	v33 =	vpop (erf)  }
0x1ea: {  	v35 =	vmul.f32 v30, v6;
	v17 =	vadd.f32 v27, v20;
	v34 =	vmul.f32 v9, v29;
	v27 =	vpop (erf)  }
0x1eb: {  	v30 =	vmax.f32 v31, $1.000000000e+00;
	v29 =	vadd.f32 v31, v11;
	v23 =	vadd.f32 v23, v5;
	v11 =	vmovc v25;
	(xrf2) =	vadd.scan.msk.f32 $0xffff, v22  }
0x1ec: {  	v31 =	vmul.f32 v27, v8;
	v33 =	vsub.f32 v27, v33;
	v25 =	vadd.f32 v34, v35;
	v9 =	vmovc v26  }
.Ltmp6:
0x1ed: {  	v6 =	vmovc v12;
	v26 =	vmax.f32 v29, $1.000000000e+00;
	v27 =	vadd.f32 v23, v16;
	v16 =	vmovc v22;
	(erf) = vrcp.f32 v30;
	(pc) =	sbr.rel @p2 .LBB2_10-.Ltmp6, $4  }
0x1ee: {  	s0 =	sand.u32 $0xF0, s23;
	v20 =	vadd.f32 v32, v20;
	(xrf2) =	vadd.scan.msk.f32 $0xffff, v24;
	(erf) = vrcp.f32 v26;
	v22, _, _ =	vpop (xrf2);
	v25 =	vmul.f32 v25, v28  }
0x1ef: {  	v8 =	vmovc v13;
	v23 =	vmax.f32 v23, $1.000000000e+00;
	v26 =	vmax.f32 v27, $1.000000000e+00;
	v27 =	vmul.f32 v33, v19;
	v12 =	vmovc v24;
	v13 =	vld [tilespmem:s0+$0x100]  }
0x1f0: {  	v19 =	vadd.f32 v20, v22;
	(erf) = vrcp.f32 v26;
	v21 =	vadd.f32 v25, v21  }
0x1f1: {  	s25 =	sadd.s32 $0x20, s25;
	v22 =	vbroadcast v22, $0xF;
	v24, _, _ =	vpop (xrf2);
	(erf) = vrcp.f32 v23;
	v23 =	vadd.f32 v27, v31  }
0x1f2: {  	v25 =	vbroadcast v24, $0xF;
	_ =	sdelay $0x1  }
0x1f3: {  	v25 =	vadd.f32 v25, v18  }
0x1f4: {  	v33 =	vadd.f32 v24, v18;
	v34, _, _ =	vpop (xrf2)  }
0x1f5: {  	v24 =	vadd.f32 v25, v34  }
0x1f6: {  	v18 =	vsub.f32 v4, v33  }
0x1f7: {  	v35 =	vsub.f32 v4, v24  }
0x1f8: {  	v18 =	vadd.f32 v18, v5  }
0x1f9: {  	v4 =	vadd.f32 v35, v5  }
0x1fa: {  	(xrf2) =	vadd.scan.msk.f32 $0xffff, v13;
	v36 =	vadd.f32 v18, v11  }
0x1fb: {  	v37 =	vmax.f32 v18, $1.000000000e+00;
	v16 =	vadd.f32 v4, v16  }
0x1fc: {  	(erf) = vrcp.f32 v37;
	v5 =	vmax.f32 v36, $1.000000000e+00  }
0x1fd: {  	(erf) = vrcp.f32 v5;
	v38 =	vmax.f32 v16, $1.000000000e+00  }
0x1fe: {  	v4 =	vmax.f32 v4, $1.000000000e+00;
	(erf) = vrcp.f32 v38  }
0x1ff: {  	v39 =	vpop (erf);
	(erf) = vrcp.f32 v4  }
0x200: {  	v41 =	vadd.f32 $5.000000000e-01, v14;
	v40 =	vpop (erf)  }
0x201: {  	v42 =	vadd.f32 $5.000000000e-01, v15;
	v43 =	vsub.f32 v17, v6;
	v9 =	vmul.f32 $3.906250000e-03, v9;
	v44, _, _ =	vpop (xrf2)  }
0x202: {  	v46 =	vadd.f32 v22, v20;
	v45 =	vpop (erf);
	v47 =	vbroadcast v44, $0xF;
	v4 =	vsub.f32 v39, v40  }
0x203: {  	v19 =	vsub.f32 v19, v8;
	v10 =	vmul.f32 v23, v10;
	v48 =	vpop (erf);
	v5 =	vmul.f32 v39, v6  }
0x204: {  	v49 =	vsub.f32 v48, v45;
	v50 =	vadd.f32 v47, v46;
	v51, _, _ =	vpop (xrf2);
	v4 =	vmul.f32 v4, v43  }
0x205: {  	v10 =	vadd.f32 v10, v21;
	v53 =	vmul.f32 v48, v8;
	v16 =	vadd.f32 v44, v46;
	v52 =	vpop (erf)  }
0x206: {  	v6 =	vmul.f32 v49, v19;
	v15 =	vadd.f32 v50, v51;
	v4 =	vadd.f32 v4, v5;
	v54 =	vpop (erf)  }
0x207: {  	v7 =	vmul.f32 $3.906250000e-03, v7;
	v16 =	vsub.f32 v16, v12;
	v17 =	vsub.f32 v52, v54;
	v55 =	vpop (erf)  }
0x208: {  	v6 =	vadd.f32 v6, v53;
	v56 =	vsub.f32 v15, v13;
	v4 =	vmul.f32 v4, v9;
	v57 =	vpop (erf)  }
0x209: {  	v5 =	vmul.f32 v52, v12;
	v58 =	vmul.f32 v17, v16;
	v59 =	vsub.f32 v57, v55  }
0x20a: {  	v60 =	vmul.f32 $3.906250000e-03, v41;
	v6 =	vmul.f32 v6, v7;
	v4 =	vadd.f32 v4, v10  }
0x20b: {  	v5 =	vadd.f32 v58, v5;
	v9 =	vmul.f32 v57, v13;
	v8 =	vmul.f32 v59, v56  }
0x20c: {  	v61 =	vmul.f32 $3.906250000e-03, v42  }
0x20d: {  	v4 =	vadd.f32 v6, v4;
	v5 =	vmul.f32 v5, v60;
	v62 =	vadd.f32 v8, v9;
	_ =	sdelay $0x1  }
0x20e: {  	v4 =	vadd.f32 v5, v4;
	v63 =	vmul.f32 v62, v61;
	_ =	sdelay $0x1  }
0x20f: {  	v4 =	vadd.f32 v63, v4;
	_ =	sdelay $0x1  }
0x210: {  	(xrf2) =	vadd.scan.msk.f32 $0xffff, v4;
	_ =	sdelay $0x6  }
0x211: {  	vm4 =	vgt.f32 v3, $0.0e+00  }
0x212: {  	v3 =	vsel vm4, $0x1, v1  }
0x213: {  	v3 =	vbroadcast v3, $0xF  }
0x214: {  	v4, _, _ =	vpop (xrf2)  }
0x215: {  	v3 =	vand.u32 $0x1, v3;
	v4 =	vadd.f32 $0.0e+00, v4  }
0x216: {  	vm4 =	veq.s32 v3, $0x1  }
0x217: {  	v3 =	vsel vm4, $0x3F800000, v2;
	v4 =	vbroadcast v4, $0xF  }
0x218: {  	v3 =	vsel vm0, $0x0, v3  }
0x219: {  	v3 =	vsel vm1, v3, v4  }
.Ltmp7:
0x21a: {  	s0 =	rddreg [dreg:$0x8];
	s3 =	simm.s32 $0x2200;
	[tilespmem:$0x2200] =	vst v3;
	(pc) =	sbr.rel @p0 .LBB2_23-.Ltmp7, $4  }
0x21b: {  	[spmem:s0] =	stream.linear.scatter [tilespmem:s3], [sflag:$0x3], $0x80, $0x38;
	[tilespmem:$0x2298] =	vst v63  }
0x21c: {  	_ =	swait.ge [sflag:s21], $0x80  }
0x21d: {  	[sflag:s21] =	ssyncset.done $0x0  }
0x21e: {  	s8 =	simm.s32 $0x200;
	[sflag:s21] =	ssyncadd.s32 $0xFFFFFF80  }
0x21f: {  	s23 =	simm.s32 $0x0;
	s0 =	rddreg [dreg:$0x9]  }
0x220: {  	[tilespmem:s8], [sflag:$0x1] =	stream.linear.gather [hbm4b:s0+s23], $0x1000, $0x38;
	[tilespmem:$0x2298] =	vst v63  }
0x221: {  	s9 =	rddreg [dreg:$0xa];
	s1 =	simm.s32 $0x1200;
	s2 =	simm.s32 $0x1  }
0x222: {  	[tilespmem:s1], [sflag:$0x2] =	stream.linear.gather [hbm4b:s9+s23], $0x1000, $0x38;
	[tilespmem:$0x2298] =	vst v63  }
0x223: {  	s10 =	sand.u32 $0x40, s23;
	s11 =	sand.u32 $0xC00, s23;
	_ =	swait.ge [sflag:s2], $0x1000  }
0x224: {  	s29 =	sor.u32 $0x30, s10;
	s1 =	sor.u32 $0x200, s11;
	[sflag:s2] =	ssyncset.done $0x0  }
0x225: {  	s12 =	sor.u32 s29, s1;
	[sflag:s2] =	ssyncadd.s32 $0xFFFFF000  }
0x226: {  	v3 =	vld [tilespmem:s12+$0x0]  }
0x227: {  	s3 =	sor.u32 s10, s1;
	v4 =	vld [tilespmem:s12+$0x80]  }
0x228: {  	v5 =	vld [tilespmem:s3+$0x0]  }
0x229: {  	v6 =	vld [tilespmem:s12+$0x100]  }
0x22a: {  	s28 =	sor.u32 $0x10, s10;
	v7 =	vld [tilespmem:s3+$0x80]  }
0x22b: {  	s5 =	sor.u32 s28, s1;
	v8 =	vld [tilespmem:s12+$0x180]  }
0x22c: {  	v9 =	vld [tilespmem:s5+$0x0]  }
0x22d: {  	v10 =	vld [tilespmem:s12+$0x200]  }
0x22e: {  	s30 =	sor.u32 $0x20, s10;
	v11 =	vld [tilespmem:s5+$0x80]  }
0x22f: {  	s1 =	sor.u32 s30, s1;
	v12 =	vld [tilespmem:s12+$0x280]  }
0x230: {  	v13 =	vld [tilespmem:s1+$0x0]  }
0x231: {  	v14 =	vld [tilespmem:s12+$0x300]  }
0x232: {  	v15 =	vld [tilespmem:s1+$0x80]  }
0x233: {  	v16 =	vld [tilespmem:s12+$0x380]  }
0x234: {  	v17 =	vld [tilespmem:s3+$0x100]  }
0x235: {  	v18 =	vld [tilespmem:s5+$0x100]  }
0x236: {  	v19 =	vld [tilespmem:s1+$0x100]  }
0x237: {  	v20 =	vld [tilespmem:s3+$0x180]  }
0x238: {  	v21 =	vld [tilespmem:s5+$0x180]  }
0x239: {  	v22 =	vld [tilespmem:s1+$0x180]  }
0x23a: {  	v23 =	vld [tilespmem:s3+$0x200]  }
0x23b: {  	v24 =	vld [tilespmem:s5+$0x200]  }
0x23c: {  	v25 =	vld [tilespmem:s1+$0x200]  }
0x23d: {  	v26 =	vld [tilespmem:s3+$0x280]  }
0x23e: {  	v27 =	vld [tilespmem:s5+$0x280]  }
0x23f: {  	v28 =	vld [tilespmem:s1+$0x280]  }
0x240: {  	v29 =	vld [tilespmem:s3+$0x300]  }
0x241: {  	s13 =	simm.s32 $0x200;
	s14 =	simm.s32 $0x40;
	v30 =	vld [tilespmem:s5+$0x300]  }
0x242: {  	s6 =	sand.u32 $0x40, s14;
	s2 =	sand.u32 $0xC00, s13;
	v31 =	vld [tilespmem:s1+$0x300]  }
0x243: {  	s4 =	sor.u32 $0x30, s6;
	v32 =	vld [tilespmem:s3+$0x380];
	s2 =	sor.u32 $0x200, s2  }
0x244: {  	v33 =	vld [tilespmem:s5+$0x380];
	s15 =	sor.u32 s4, s2  }
0x245: {  	s24 =	sor.u32 s6, s2;
	v34 =	vld [tilespmem:s15+$0x0]  }
0x246: {  	s16 =	sor.u32 $0x10, s6;
	v35 =	vld [tilespmem:s24+$0x0]  }
0x247: {  	s10 =	sor.u32 $0x20, s6;
	s25 =	sor.u32 s16, s2;
	v36 =	vld [tilespmem:s24+$0x80]  }
0x248: {  	s26 =	sor.u32 s10, s2;
	v51 =	vld [tilespmem:s25+$0x80];
	v3 =	vadd.f32 v4, v3  }
0x249: {  	v53 =	vld [tilespmem:s26+$0x0]  }
0x24a: {  	v55 =	vld [tilespmem:s26+$0x80];
	v3 =	vadd.f32 v6, v3  }
0x24b: {  	v52 =	vld [tilespmem:s15+$0x280];
	v5 =	vadd.f32 v7, v5  }
0x24c: {  	v7 =	vld [tilespmem:s25+$0x0];
	v9 =	vadd.f32 v11, v9;
	v3 =	vadd.f32 v8, v3  }
0x24d: {  	v54 =	vld [tilespmem:s15+$0x300];
	v50 =	vadd.f32 v15, v13;
	v5 =	vadd.f32 v17, v5  }
0x24e: {  	v6 =	vld [tilespmem:s15+$0x80];
	v9 =	vadd.f32 v18, v9;
	v3 =	vadd.f32 v10, v3  }
0x24f: {  	v56 =	vld [tilespmem:s15+$0x380];
	v62 =	vadd.f32 v55, v53;
	v5 =	vadd.f32 v20, v5  }
0x250: {  	v8 =	vld [tilespmem:s15+$0x100];
	v3 =	vadd.f32 v12, v3;
	v12 =	vadd.f32 v19, v50  }
0x251: {  	v57 =	vld [tilespmem:s24+$0x100];
	v9 =	vadd.f32 v21, v9;
	v7 =	vadd.f32 v51, v7  }
0x252: {  	v10 =	vld [tilespmem:s15+$0x180];
	v5 =	vadd.f32 v23, v5;
	v12 =	vadd.f32 v22, v12  }
0x253: {  	v58 =	vld [tilespmem:s26+$0x100];
	v9 =	vadd.f32 v24, v9;
	v6 =	vadd.f32 v6, v34  }
0x254: {  	v11 =	vld [tilespmem:s15+$0x200];
	v5 =	vadd.f32 v26, v5;
	v12 =	vadd.f32 v25, v12  }
0x255: {  	v4 =	vld [tilespmem:s1+$0x380];
	v9 =	vadd.f32 v27, v9;
	v6 =	vadd.f32 v8, v6  }
0x256: {  	v59 =	vld [tilespmem:s25+$0x180];
	v3 =	vadd.f32 v14, v3;
	v12 =	vadd.f32 v28, v12  }
0x257: {  	v60 =	vld [tilespmem:s24+$0x200];
	v5 =	vadd.f32 v29, v5;
	v6 =	vadd.f32 v10, v6  }
0x258: {  	v8 =	vld [tilespmem:s25+$0x100];
	v9 =	vadd.f32 v30, v9;
	v12 =	vadd.f32 v31, v12  }
0x259: {  	v14 =	vadd.f32 v58, v62;
	v10 =	vld [tilespmem:s24+$0x180];
	v6 =	vadd.f32 v11, v6  }
0x25a: {  	v61 =	vld [tilespmem:s25+$0x200];
	v12 =	vadd.f32 v4, v12;
	v4 =	vadd.f32 v36, v35  }
0x25b: {  	v3 =	vadd.f32 v16, v3;
	v11 =	vld [tilespmem:s26+$0x180];
	v6 =	vadd.f32 v52, v6  }
0x25c: {  	s17 =	sand.u32 $0x180, s23;
	v63 =	vld [tilespmem:s26+$0x200];
	v5 =	vadd.f32 v32, v5;
	v4 =	vadd.f32 v57, v4  }
0x25d: {  	s18 =	sor.u32 s29, s17;
	v7 =	vadd.f32 v8, v7;
	v8 =	vld [tilespmem:s24+$0x280];
	v6 =	vadd.f32 v54, v6  }
0x25e: {  	v9 =	vadd.f32 v33, v9;
	[tilespmem:s18+$0x0] =	vst v3;
	v3 =	vld [tilespmem:s25+$0x280];
	v10 =	vadd.f32 v10, v4  }
0x25f: {  	s19 =	sor.u32 s28, s17;
	[tilespmem:s23+$0x0] =	vst v5;
	v16 =	vadd.f32 v56, v6;
	v6 =	vadd.f32 v59, v7;
	v4 =	vld [tilespmem:s26+$0x280]  }
0x260: {  	s20 =	sand.u32 $0x180, s14;
	s2 =	sor.u32 s30, s17;
	[tilespmem:s19+$0x0] =	vst v9;
	v5 =	vld [tilespmem:s24+$0x300];
	v7 =	vadd.f32 v11, v14;
	v11 =	vadd.f32 v60, v10  }
0x261: {  	s0 =	sor.u32 s16, s20;
	s22 =	sor.u32 s4, s20;
	s28 =	simm.s32 $0x4;
	[tilespmem:s2+$0x0] =	vst v12;
	v10 =	vadd.f32 v61, v6;
	v6 =	vld [tilespmem:s25+$0x300]  }
0x262: {  	s29 =	simm.s32 $0x400;
	s31 =	sor.u32 s10, s20;
	s30 =	simm.s32 $0x80;
	[tilespmem:s22+$0x0] =	vst v16;
	v9 =	vadd.f32 v63, v7;
	v7 =	vld [tilespmem:s26+$0x300];
	v8 =	vadd.f32 v8, v11  }
.LBB2_13:
0x263: {  	s2 =	sand.u32 $0x40, s30;
	s1 =	sand.u32 $0xC00, s29;
	v11 =	vld [tilespmem:s24+$0x380];
	v3 =	vadd.f32 v3, v10  }
0x264: {  	s28 =	sadd.s32 $0x4, s28;
	s3 =	sor.u32 $0x200, s1;
	s1 =	sor.u32 $0x30, s2;
	v10 =	vld [tilespmem:s25+$0x380];
	v4 =	vadd.f32 v4, v9  }
0x265: {  	s4 =	sor.u32 $0x10, s2;
	p2 =	slt.u32 s28, $0x1C;
	s6 =	sor.u32 s1, s3;
	v5 =	vadd.f32 v5, v8;
	v8 =	vld [tilespmem:s26+$0x380]  }
0x266: {  	s5 =	sor.u32 $0x20, s2;
	s24 =	sor.u32 s2, s3;
	s25 =	sor.u32 s4, s3;
	v9 =	vld [tilespmem:s6+$0x0];
	v3 =	vadd.f32 v6, v3  }
0x267: {  	s26 =	sor.u32 s5, s3;
	v6 =	vld [tilespmem:s6+$0x80];
	v4 =	vadd.f32 v7, v4  }
0x268: {  	v7 =	vld [tilespmem:s24+$0x0];
	v5 =	vadd.f32 v11, v5  }
0x269: {  	s23 =	sadd.s32 $0x40, s23;
	v11 =	vld [tilespmem:s6+$0x100];
	v3 =	vadd.f32 v10, v3  }
0x26a: {  	v10 =	vld [tilespmem:s24+$0x80];
	[tilespmem:s23+$0x0] =	vst v5;
	v4 =	vadd.f32 v8, v4  }
0x26b: {  	v5 =	vld [tilespmem:s6+$0x180];
	[tilespmem:s0+$0x0] =	vst v3  }
0x26c: {  	v3 =	vld [tilespmem:s25+$0x0];
	v6 =	vadd.f32 v6, v9;
	[tilespmem:s31+$0x0] =	vst v4  }
0x26d: {  	v4 =	vld [tilespmem:s6+$0x200]  }
0x26e: {  	v8 =	vld [tilespmem:s25+$0x80];
	v6 =	vadd.f32 v11, v6  }
0x26f: {  	v7 =	vadd.f32 v10, v7;
	v9 =	vld [tilespmem:s6+$0x280]  }
0x270: {  	v10 =	vld [tilespmem:s26+$0x0];
	v5 =	vadd.f32 v5, v6  }
0x271: {  	v6 =	vld [tilespmem:s6+$0x300]  }
0x272: {  	v11 =	vld [tilespmem:s26+$0x80];
	v4 =	vadd.f32 v4, v5  }
0x273: {  	v3 =	vadd.f32 v8, v3;
	v5 =	vld [tilespmem:s6+$0x380]  }
0x274: {  	v8 =	vld [tilespmem:s24+$0x100];
	v4 =	vadd.f32 v9, v4  }
0x275: {  	v9 =	vld [tilespmem:s25+$0x100]  }
0x276: {  	v12 =	vld [tilespmem:s26+$0x100];
	v4 =	vadd.f32 v6, v4  }
0x277: {  	v6 =	vld [tilespmem:s24+$0x180];
	v10 =	vadd.f32 v11, v10  }
0x278: {  	s2 =	sand.u32 $0x180, s30;
	v11 =	vld [tilespmem:s25+$0x180];
	v4 =	vadd.f32 v5, v4  }
0x279: {  	s1 =	sor.u32 s1, s2;
	s0 =	sor.u32 s4, s2;
	s31 =	sor.u32 s5, s2;
	v5 =	vadd.f32 v8, v7;
	v7 =	vld [tilespmem:s26+$0x180]  }
0x27a: {  	v8 =	vld [tilespmem:s24+$0x200];
	v3 =	vadd.f32 v9, v3;
	[tilespmem:s1+$0x0] =	vst v4  }
0x27b: {  	v9 =	vld [tilespmem:s25+$0x200];
	v4 =	vadd.f32 v12, v10  }
0x27c: {  	v5 =	vadd.f32 v6, v5;
	v12 =	vld [tilespmem:s26+$0x200]  }
0x27d: {  	v13 =	vld [tilespmem:s24+$0x280];
	v6 =	vadd.f32 v11, v3  }
.Ltmp8:
0x27e: {  	v3 =	vld [tilespmem:s25+$0x280];
	v7 =	vadd.f32 v7, v4;
	(pc) =	sbr.rel @p2 .LBB2_13-.Ltmp8, $4  }
0x27f: {  	v8 =	vadd.f32 v8, v5;
	v4 =	vld [tilespmem:s26+$0x280]  }
0x280: {  	v5 =	vld [tilespmem:s24+$0x300];
	v10 =	vadd.f32 v9, v6  }
0x281: {  	v6 =	vld [tilespmem:s25+$0x300];
	v9 =	vadd.f32 v12, v7  }
0x282: {  	s29 =	sadd.s32 $0x200, s29;
	s30 =	sadd.s32 $0x40, s30;
	v8 =	vadd.f32 v13, v8;
	v7 =	vld [tilespmem:s26+$0x300]  }
0x283: {  	v11 =	vld [tilespmem:s24+$0x380]  }
0x284: {  	v12 =	vld [tilespmem:s25+$0x380]  }
0x285: {  	v3 =	vadd.f32 v3, v10;
	v10 =	vld [tilespmem:s26+$0x380]  }
0x286: {  	v4 =	vadd.f32 v4, v9;
	v5 =	vadd.f32 v5, v8  }
0x287: {  	v3 =	vadd.f32 v6, v3  }
0x288: {  	v4 =	vadd.f32 v7, v4;
	v5 =	vadd.f32 v11, v5  }
0x289: {  	s1 =	sadd.s32 $0x40, s23;
	v3 =	vadd.f32 v12, v3  }
0x28a: {  	v4 =	vadd.f32 v10, v4;
	[tilespmem:s1+$0x0] =	vst v5  }
0x28b: {  	[tilespmem:s0+$0x0] =	vst v3  }
0x28c: {  	[tilespmem:s31+$0x0] =	vst v4  }
0x28d: {  	s23 =	simm.s32 $0x0;
	s11 =	simm.s32 $0x2;
	s0 =	rddreg [dreg:$0xb]  }
0x28e: {  	[tilespmem:s8], [sflag:$0x1] =	stream.linear.gather [hbm4b:s0+s23], $0x1000, $0x38;
	[tilespmem:$0x2298] =	vst v63  }
0x28f: {  	s2 =	sand.u32 $0xC00, s23;
	s0 =	sand.u32 $0x40, s23;
	_ =	swait.ge [sflag:s11], $0x1000  }
0x290: {  	s3 =	sor.u32 $0x1200, s2;
	s10 =	sor.u32 $0x30, s0;
	[sflag:s11] =	ssyncset.done $0x0  }
0x291: {  	s5 =	sor.u32 $0x1280, s2;
	s12 =	sor.u32 s10, s3;
	[sflag:s11] =	ssyncadd.s32 $0xFFFFF000  }
0x292: {  	s13 =	sor.u32 s10, s5;
	v3 =	vld [tilespmem:s12+$0x0]  }
0x293: {  	s6 =	sor.u32 $0x1300, s2;
	s4 =	sor.u32 s0, s3;
	v4 =	vld [tilespmem:s13+$0x0]  }
0x294: {  	s14 =	sor.u32 s10, s6;
	v5 =	vld [tilespmem:s4+$0x0]  }
0x295: {  	s7 =	sor.u32 $0x1380, s2;
	s15 =	sor.u32 s0, s5;
	v6 =	vld [tilespmem:s14+$0x0]  }
0x296: {  	s1 =	sor.u32 $0x10, s0;
	s16 =	sor.u32 s10, s7;
	v7 =	vld [tilespmem:s15+$0x0]  }
0x297: {  	s9 =	sadd.s32 $0x1400, s2;
	s17 =	sor.u32 s1, s3;
	v8 =	vld [tilespmem:s16+$0x0]  }
0x298: {  	s18 =	sor.u32 s10, s9;
	v9 =	vld [tilespmem:s17+$0x0]  }
0x299: {  	s8 =	sadd.s32 $0x1500, s2;
	s19 =	sor.u32 s1, s5;
	v10 =	vld [tilespmem:s18+$0x0]  }
0x29a: {  	s22 =	sor.u32 s10, s8;
	v11 =	vld [tilespmem:s19+$0x0]  }
0x29b: {  	s26 =	sor.u32 s0, s6;
	v14 =	vld [tilespmem:s22+$0x0]  }
0x29c: {  	s31 =	sor.u32 s1, s6;
	s11 =	sadd.s32 $0x1480, s2;
	v17 =	vld [tilespmem:s26+$0x0]  }
0x29d: {  	s2 =	sadd.s32 $0x1580, s2;
	s20 =	sor.u32 s10, s11;
	v18 =	vld [tilespmem:s31+$0x0]  }
0x29e: {  	s25 =	sor.u32 s10, s2;
	v59 =	vld [tilespmem:s20+$0x0]  }
0x29f: {  	s12 =	sor.u32 s1, s7;
	v16 =	vld [tilespmem:s25+$0x0]  }
0x2a0: {  	s14 =	sor.u32 s0, s9;
	v20 =	vld [tilespmem:s12+$0x0]  }
0x2a1: {  	s4 =	sor.u32 $0x20, s0;
	s18 =	sor.u32 s1, s11;
	v21 =	vld [tilespmem:s14+$0x0]  }
0x2a2: {  	s3 =	sor.u32 s4, s3;
	v22 =	vld [tilespmem:s18+$0x0]  }
0x2a3: {  	s24 =	sor.u32 s4, s5;
	v13 =	vld [tilespmem:s3+$0x0];
	v3 =	vadd.f32 v4, v3  }
0x2a4: {  	s19 =	sand.u32 $0x180, s23;
	s5 =	sor.u32 s4, s6;
	v15 =	vld [tilespmem:s24+$0x0]  }
0x2a5: {  	s20 =	sor.u32 s10, s19;
	v19 =	vld [tilespmem:s5+$0x0];
	v3 =	vadd.f32 v6, v3  }
0x2a6: {  	s6 =	sor.u32 s0, s7;
	v60 =	vld [tilespmem:s20+$0x0]  }
0x2a7: {  	s17 =	sor.u32 s0, s11;
	v4 =	vld [tilespmem:s6+$0x0];
	v3 =	vadd.f32 v8, v3  }
0x2a8: {  	s13 =	sor.u32 s4, s7;
	v5 =	vadd.f32 v7, v5;
	v7 =	vld [tilespmem:s17+$0x0]  }
0x2a9: {  	s15 =	sor.u32 s1, s9;
	v9 =	vadd.f32 v11, v9;
	v6 =	vld [tilespmem:s13+$0x0];
	v3 =	vadd.f32 v10, v3  }
0x2aa: {  	s16 =	sor.u32 s4, s9;
	v11 =	vadd.f32 v15, v13;
	v5 =	vadd.f32 v17, v5;
	v8 =	vld [tilespmem:s15+$0x0]  }
0x2ab: {  	s22 =	sor.u32 s4, s11;
	v9 =	vadd.f32 v18, v9;
	v10 =	vld [tilespmem:s16+$0x0];
	v3 =	vadd.f32 v59, v3  }
0x2ac: {  	v61 =	vld [tilespmem:s22+$0x0];
	s24 =	sor.u32 s0, s8;
	v11 =	vadd.f32 v19, v11;
	v63 =	vadd.f32 v4, v5  }
0x2ad: {  	s25 =	sor.u32 s1, s8;
	v62 =	vld [tilespmem:s24+$0x0];
	v9 =	vadd.f32 v20, v9;
	v3 =	vadd.f32 v14, v3  }
0x2ae: {  	s26 =	sor.u32 s4, s8;
	v5 =	vld [tilespmem:s25+$0x0];
	v6 =	vadd.f32 v6, v11;
	v11 =	vadd.f32 v21, v63  }
0x2af: {  	s0 =	sor.u32 s0, s2;
	v4 =	vld [tilespmem:s26+$0x0];
	v8 =	vadd.f32 v8, v9;
	v3 =	vadd.f32 v16, v3  }
0x2b0: {  	s31 =	sor.u32 s1, s2;
	v7 =	vadd.f32 v7, v11;
	v9 =	vadd.f32 v10, v6;
	v6 =	vld [tilespmem:s0+$0x0]  }
0x2b1: {  	s2 =	sor.u32 s4, s2;
	v11 =	vadd.f32 v22, v8;
	v8 =	vld [tilespmem:s31+$0x0];
	v12 =	vadd.f32 v3, v60  }
0x2b2: {  	s30 =	simm.s32 $0x0;
	s29 =	sor.u32 s1, s19;
	s28 =	sor.u32 s4, s19;
	v10 =	vadd.f32 v61, v9;
	v9 =	vadd.f32 v62, v7;
	v7 =	vld [tilespmem:s2+$0x0]  }
0x2b3: {  	s24 =	simm.s32 $0x0;
	s25 =	simm.s32 $0x200;
	s26 =	simm.s32 $0x40;
	v3 =	vld [tilespmem:s23+$0x0];
	[tilespmem:s20+$0x0] =	vst v12  }
.LBB2_15:
0x2b4: {  	s4 =	sand.u32 $0x40, s26;
	s1 =	sand.u32 $0xC00, s25;
	v5 =	vadd.f32 v5, v11;
	v11 =	vld [tilespmem:s29+$0x0];
	s23 =	sadd.s32 $0x40, s23  }
0x2b5: {  	s24 =	sadd.s32 $0x4, s24;
	s2 =	sor.u32 $0x1200, s1;
	s0 =	sor.u32 $0x30, s4;
	v4 =	vadd.f32 v4, v10;
	v10 =	vld [tilespmem:s28+$0x0]  }
0x2b6: {  	s3 =	sor.u32 $0x1280, s1;
	p2 =	slt.u32 s24, $0x1C;
	v12 =	vld [tilespmem:s23+$0x0];
	s5 =	sor.u32 s0, s2;
	v6 =	vadd.f32 v6, v9  }
0x2b7: {  	s10 =	sor.u32 $0x10, s4;
	s31 =	sor.u32 $0x20, s4;
	v9 =	vld [tilespmem:s5+$0x0];
	s5 =	sor.u32 s0, s3;
	v5 =	vadd.f32 v8, v5  }
0x2b8: {  	s8 =	sor.u32 $0x1300, s1;
	s6 =	sor.u32 s4, s2;
	s7 =	sor.u32 s4, s3;
	v8 =	vld [tilespmem:s5+$0x0];
	v13 =	vadd.f32 v6, v3;
	v4 =	vadd.f32 v7, v4  }
0x2b9: {  	s12 =	sor.u32 s10, s3;
	s5 =	sor.u32 s10, s2;
	v6 =	vld [tilespmem:s6+$0x0];
	s6 =	sor.u32 s0, s8;
	v5 =	vadd.f32 v5, v11  }
0x2ba: {  	s9 =	sor.u32 $0x1380, s1;
	s3 =	sor.u32 s31, s3;
	s2 =	sor.u32 s31, s2;
	v7 =	vld [tilespmem:s6+$0x0];
	[tilespmem:s30+$0x0] =	vst v13;
	v4 =	vadd.f32 v4, v10  }
0x2bb: {  	s16 =	sor.u32 s4, s8;
	s6 =	sor.u32 s10, s8;
	v10 =	vld [tilespmem:s7+$0x0];
	s7 =	sor.u32 s0, s9;
	[tilespmem:s29+$0x0] =	vst v5;
	v3 =	vmov v12  }
0x2bc: {  	s14 =	sadd.s32 $0x1400, s1;
	s13 =	sor.u32 s4, s9;
	s17 =	sor.u32 s31, s8;
	v5 =	vld [tilespmem:s7+$0x0];
	[tilespmem:s28+$0x0] =	vst v4  }
0x2bd: {  	s18 =	sor.u32 s10, s9;
	s9 =	sor.u32 s31, s9;
	v4 =	vld [tilespmem:s5+$0x0];
	v8 =	vadd.f32 v8, v9;
	s5 =	sor.u32 s0, s14  }
0x2be: {  	s19 =	sor.u32 s4, s14;
	s8 =	sor.u32 s10, s14;
	s7 =	sadd.s32 $0x1480, s1;
	v9 =	vld [tilespmem:s5+$0x0]  }
0x2bf: {  	s15 =	sor.u32 s31, s14;
	s11 =	sor.u32 s4, s7;
	s5 =	sor.u32 s0, s7;
	v11 =	vld [tilespmem:s12+$0x0];
	v7 =	vadd.f32 v7, v8  }
0x2c0: {  	s20 =	sadd.s32 $0x1500, s1;
	s22 =	sor.u32 s10, s7;
	s14 =	sor.u32 s31, s7;
	v6 =	vadd.f32 v10, v6;
	v8 =	vld [tilespmem:s5+$0x0]  }
0x2c1: {  	s12 =	sor.u32 s10, s20;
	s5 =	sor.u32 s4, s20;
	v10 =	vld [tilespmem:s2+$0x0];
	v5 =	vadd.f32 v5, v7;
	s2 =	sor.u32 s0, s20  }
0x2c2: {  	s30 =	smov.u32 s23;
	s28 =	sadd.s32 $0x1580, s1;
	s7 =	sor.u32 s31, s20;
	v7 =	vld [tilespmem:s2+$0x0]  }
0x2c3: {  	s1 =	sor.u32 s10, s28;
	s2 =	sor.u32 s4, s28;
	v12 =	vld [tilespmem:s3+$0x0];
	v5 =	vadd.f32 v9, v5;
	s3 =	sor.u32 s0, s28  }
0x2c4: {  	s20 =	sor.u32 s31, s28;
	s4 =	sand.u32 $0x180, s26;
	v4 =	vadd.f32 v11, v4;
	v9 =	vld [tilespmem:s3+$0x0]  }
0x2c5: {  	s29 =	sor.u32 s10, s4;
	s28 =	sor.u32 s31, s4;
	s0 =	sor.u32 s0, s4;
	v11 =	vld [tilespmem:s16+$0x0];
	v5 =	vadd.f32 v8, v5  }
0x2c6: {  	v8 =	vld [tilespmem:s0+$0x0]  }
0x2c7: {  	v13 =	vld [tilespmem:s6+$0x0];
	v5 =	vadd.f32 v7, v5  }
0x2c8: {  	v7 =	vadd.f32 v12, v10;
	v10 =	vld [tilespmem:s17+$0x0]  }
0x2c9: {  	v12 =	vld [tilespmem:s13+$0x0];
	v5 =	vadd.f32 v9, v5  }
0x2ca: {  	v6 =	vadd.f32 v11, v6;
	v9 =	vld [tilespmem:s18+$0x0]  }
0x2cb: {  	v11 =	vld [tilespmem:s9+$0x0];
	v5 =	vadd.f32 v5, v8  }
0x2cc: {  	v8 =	vld [tilespmem:s19+$0x0];
	v4 =	vadd.f32 v13, v4  }
0x2cd: {  	v13 =	vld [tilespmem:s8+$0x0];
	v7 =	vadd.f32 v10, v7;
	[tilespmem:s0+$0x0] =	vst v5  }
0x2ce: {  	v5 =	vadd.f32 v12, v6;
	v6 =	vld [tilespmem:s15+$0x0]  }
0x2cf: {  	v10 =	vld [tilespmem:s11+$0x0];
	v4 =	vadd.f32 v9, v4  }
0x2d0: {  	v9 =	vld [tilespmem:s22+$0x0];
	v7 =	vadd.f32 v11, v7  }
0x2d1: {  	v8 =	vadd.f32 v8, v5;
	v12 =	vld [tilespmem:s14+$0x0]  }
0x2d2: {  	v14 =	vld [tilespmem:s5+$0x0];
	v11 =	vadd.f32 v13, v4  }
.Ltmp9:
0x2d3: {  	v5 =	vld [tilespmem:s12+$0x0];
	v7 =	vadd.f32 v6, v7;
	(pc) =	sbr.rel @p2 .LBB2_15-.Ltmp9, $4  }
0x2d4: {  	v13 =	vadd.f32 v10, v8;
	v4 =	vld [tilespmem:s7+$0x0]  }
0x2d5: {  	v6 =	vld [tilespmem:s2+$0x0];
	v11 =	vadd.f32 v9, v11  }
0x2d6: {  	v8 =	vld [tilespmem:s1+$0x0];
	v10 =	vadd.f32 v12, v7  }
0x2d7: {  	s25 =	sadd.s32 $0x200, s25;
	s26 =	sadd.s32 $0x40, s26;
	v9 =	vadd.f32 v14, v13;
	v7 =	vld [tilespmem:s20+$0x0]  }
0x2d8: {  	v12 =	vld [tilespmem:s29+$0x0]  }
0x2d9: {  	v5 =	vadd.f32 v5, v11;
	v11 =	vld [tilespmem:s28+$0x0]  }
0x2da: {  	v4 =	vadd.f32 v4, v10;
	v6 =	vadd.f32 v6, v9  }
0x2db: {  	v5 =	vadd.f32 v8, v5  }
0x2dc: {  	v3 =	vadd.f32 v6, v3;
	v4 =	vadd.f32 v7, v4  }
0x2dd: {  	v5 =	vadd.f32 v5, v12  }
0x2de: {  	[tilespmem:s30+$0x0] =	vst v3;
	v3 =	vadd.f32 v4, v11  }
0x2df: {  	[tilespmem:s29+$0x0] =	vst v5  }
0x2e0: {  	s23 =	simm.s32 $0x0;
	[tilespmem:s28+$0x0] =	vst v3  }
0x2e1: {  	s1 =	simm.s32 $0x1200;
	s2 =	simm.s32 $0x1;
	s0 =	rddreg [dreg:$0xc]  }
0x2e2: {  	[tilespmem:s1], [sflag:$0x2] =	stream.linear.gather [hbm4b:s0+s23], $0x1000, $0x38;
	[tilespmem:$0x2298] =	vst v63  }
0x2e3: {  	_ =	swait.ge [sflag:s2], $0x1000  }
0x2e4: {  	s25 =	sand.u32 $0x40, s23;
	s26 =	sand.u32 $0xC00, s23;
	[sflag:s2] =	ssyncset.done $0x0  }
0x2e5: {  	s31 =	sor.u32 $0x30, s25;
	s1 =	sor.u32 $0x200, s26;
	[sflag:s2] =	ssyncadd.s32 $0xFFFFF000  }
0x2e6: {  	s3 =	sor.u32 s31, s1;
	v3 =	vld [tilespmem:s23+$0x0]  }
0x2e7: {  	v4 =	vld [tilespmem:s3+$0x0]  }
0x2e8: {  	s4 =	sor.u32 s25, s1;
	v5 =	vld [tilespmem:s3+$0x80]  }
0x2e9: {  	v6 =	vld [tilespmem:s4+$0x0]  }
0x2ea: {  	v7 =	vld [tilespmem:s3+$0x100]  }
0x2eb: {  	s5 =	sor.u32 $0x10, s25;
	v8 =	vld [tilespmem:s4+$0x80]  }
0x2ec: {  	s6 =	sor.u32 s5, s1;
	v9 =	vld [tilespmem:s3+$0x180]  }
0x2ed: {  	v10 =	vld [tilespmem:s6+$0x0]  }
0x2ee: {  	v11 =	vld [tilespmem:s3+$0x200]  }
0x2ef: {  	s0 =	sor.u32 $0x20, s25;
	v57 =	vld [tilespmem:s6+$0x80]  }
0x2f0: {  	s1 =	sor.u32 s0, s1;
	v13 =	vld [tilespmem:s3+$0x280]  }
0x2f1: {  	v14 =	vld [tilespmem:s1+$0x0]  }
0x2f2: {  	v15 =	vld [tilespmem:s3+$0x300]  }
0x2f3: {  	v16 =	vld [tilespmem:s1+$0x80]  }
0x2f4: {  	v17 =	vld [tilespmem:s3+$0x380]  }
0x2f5: {  	v18 =	vld [tilespmem:s4+$0x100]  }
0x2f6: {  	v19 =	vld [tilespmem:s6+$0x100];
	v4 =	vadd.f32 v5, v4  }
0x2f7: {  	v20 =	vld [tilespmem:s4+$0x180]  }
0x2f8: {  	v21 =	vld [tilespmem:s1+$0x180];
	v4 =	vadd.f32 v7, v4  }
0x2f9: {  	v22 =	vld [tilespmem:s6+$0x200]  }
0x2fa: {  	v59 =	vld [tilespmem:s4+$0x280];
	v4 =	vadd.f32 v9, v4  }
0x2fb: {  	v60 =	vld [tilespmem:s6+$0x280]  }
0x2fc: {  	v7 =	vld [tilespmem:s1+$0x100];
	v4 =	vadd.f32 v11, v4  }
0x2fd: {  	s7 =	sand.u32 $0x180, s23;
	v6 =	vadd.f32 v8, v6;
	v9 =	vld [tilespmem:s6+$0x180]  }
0x2fe: {  	s2 =	sor.u32 s31, s7;
	v8 =	vadd.f32 v57, v10;
	v11 =	vld [tilespmem:s4+$0x200];
	v4 =	vadd.f32 v13, v4  }
0x2ff: {  	v5 =	vld [tilespmem:s2+$0x0];
	v58 =	vadd.f32 v16, v14;
	v6 =	vadd.f32 v18, v6  }
0x300: {  	v10 =	vld [tilespmem:s1+$0x200];
	v8 =	vadd.f32 v19, v8;
	v4 =	vadd.f32 v15, v4  }
0x301: {  	v61 =	vld [tilespmem:s1+$0x280];
	v6 =	vadd.f32 v20, v6;
	v7 =	vadd.f32 v7, v58  }
0x302: {  	v62 =	vld [tilespmem:s4+$0x300];
	v9 =	vadd.f32 v9, v8;
	v4 =	vadd.f32 v17, v4  }
0x303: {  	v63 =	vadd.f32 v21, v7;
	v8 =	vld [tilespmem:s6+$0x300];
	v6 =	vadd.f32 v11, v6  }
0x304: {  	v7 =	vld [tilespmem:s1+$0x300];
	v17 =	vadd.f32 v4, v5;
	v5 =	vadd.f32 v22, v9  }
0x305: {  	v6 =	vadd.f32 v59, v6;
	v9 =	vadd.f32 v10, v63;
	v4 =	vld [tilespmem:s4+$0x380]  }
0x306: {  	s24 =	simm.s32 $0x0;
	s30 =	sor.u32 s5, s7;
	s28 =	simm.s32 $0x40;
	v11 =	vadd.f32 v60, v5;
	v5 =	vld [tilespmem:s6+$0x380]  }
0x307: {  	s26 =	simm.s32 $0x200;
	s29 =	sor.u32 s0, s7;
	s25 =	simm.s32 $0x0;
	[tilespmem:s2+$0x0] =	vst v17;
	v10 =	vadd.f32 v61, v9;
	v9 =	vadd.f32 v62, v6;
	v6 =	vld [tilespmem:s1+$0x380]  }
.LBB2_17:
0x308: {  	s2 =	sand.u32 $0x40, s28;
	s0 =	sand.u32 $0xC00, s26;
	v8 =	vadd.f32 v8, v11;
	v11 =	vld [tilespmem:s30+$0x0];
	s23 =	sadd.s32 $0x40, s23  }
0x309: {  	s24 =	sadd.s32 $0x4, s24;
	s3 =	sor.u32 $0x200, s0;
	s1 =	sor.u32 $0x30, s2;
	v7 =	vadd.f32 v7, v10;
	v10 =	vld [tilespmem:s29+$0x0]  }
0x30a: {  	s5 =	sor.u32 $0x10, s2;
	p2 =	slt.u32 s24, $0x1C;
	v12 =	vld [tilespmem:s23+$0x0];
	s6 =	sor.u32 s1, s3;
	v4 =	vadd.f32 v4, v9  }
0x30b: {  	s4 =	sor.u32 s2, s3;
	s0 =	sor.u32 s5, s3;
	s2 =	sor.u32 $0x20, s2;
	v9 =	vld [tilespmem:s6+$0x0];
	v5 =	vadd.f32 v5, v8  }
0x30c: {  	s31 =	sor.u32 s2, s3;
	v8 =	vld [tilespmem:s6+$0x80];
	v13 =	vadd.f32 v4, v3;
	v4 =	vadd.f32 v6, v7  }
0x30d: {  	v6 =	vld [tilespmem:s4+$0x0];
	v5 =	vadd.f32 v5, v11  }
0x30e: {  	v7 =	vld [tilespmem:s6+$0x100];
	[tilespmem:s25+$0x0] =	vst v13;
	v4 =	vadd.f32 v4, v10;
	s25 =	smov.u32 s23  }
0x30f: {  	v10 =	vld [tilespmem:s4+$0x80];
	[tilespmem:s30+$0x0] =	vst v5;
	v3 =	vmov v12  }
0x310: {  	v5 =	vld [tilespmem:s6+$0x180];
	[tilespmem:s29+$0x0] =	vst v4  }
0x311: {  	v4 =	vld [tilespmem:s0+$0x0];
	v8 =	vadd.f32 v8, v9  }
0x312: {  	v9 =	vld [tilespmem:s6+$0x200]  }
0x313: {  	v11 =	vld [tilespmem:s0+$0x80];
	v7 =	vadd.f32 v7, v8  }
0x314: {  	v6 =	vadd.f32 v10, v6;
	v8 =	vld [tilespmem:s6+$0x280]  }
0x315: {  	v10 =	vld [tilespmem:s31+$0x0];
	v5 =	vadd.f32 v5, v7  }
0x316: {  	v7 =	vld [tilespmem:s6+$0x300]  }
0x317: {  	v12 =	vld [tilespmem:s31+$0x80];
	v5 =	vadd.f32 v9, v5  }
0x318: {  	s3 =	sand.u32 $0x180, s28;
	v4 =	vadd.f32 v11, v4;
	v9 =	vld [tilespmem:s6+$0x380]  }
0x319: {  	s1 =	sor.u32 s1, s3;
	s30 =	sor.u32 s5, s3;
	s29 =	sor.u32 s2, s3;
	v11 =	vld [tilespmem:s4+$0x100];
	v5 =	vadd.f32 v8, v5  }
0x31a: {  	v8 =	vld [tilespmem:s1+$0x0]  }
0x31b: {  	v13 =	vld [tilespmem:s0+$0x100];
	v5 =	vadd.f32 v7, v5  }
0x31c: {  	v7 =	vadd.f32 v12, v10;
	v10 =	vld [tilespmem:s31+$0x100]  }
0x31d: {  	v12 =	vld [tilespmem:s4+$0x180];
	v5 =	vadd.f32 v9, v5  }
0x31e: {  	v6 =	vadd.f32 v11, v6;
	v9 =	vld [tilespmem:s0+$0x180]  }
0x31f: {  	v11 =	vld [tilespmem:s31+$0x180];
	v5 =	vadd.f32 v5, v8  }
0x320: {  	v8 =	vld [tilespmem:s4+$0x200];
	v4 =	vadd.f32 v13, v4  }
0x321: {  	v13 =	vld [tilespmem:s0+$0x200];
	v7 =	vadd.f32 v10, v7;
	[tilespmem:s1+$0x0] =	vst v5  }
0x322: {  	v5 =	vadd.f32 v12, v6;
	v6 =	vld [tilespmem:s31+$0x200]  }
0x323: {  	v10 =	vld [tilespmem:s4+$0x280];
	v4 =	vadd.f32 v9, v4  }
0x324: {  	v9 =	vld [tilespmem:s0+$0x280];
	v7 =	vadd.f32 v11, v7  }
0x325: {  	v5 =	vadd.f32 v8, v5;
	v12 =	vld [tilespmem:s31+$0x280]  }
0x326: {  	v14 =	vld [tilespmem:s4+$0x300];
	v11 =	vadd.f32 v13, v4  }
.Ltmp10:
0x327: {  	v8 =	vld [tilespmem:s0+$0x300];
	v6 =	vadd.f32 v6, v7;
	(pc) =	sbr.rel @p2 .LBB2_17-.Ltmp10, $4  }
0x328: {  	v13 =	vadd.f32 v10, v5;
	v7 =	vld [tilespmem:s31+$0x300]  }
0x329: {  	v4 =	vld [tilespmem:s4+$0x380];
	v11 =	vadd.f32 v9, v11  }
0x32a: {  	v5 =	vld [tilespmem:s0+$0x380];
	v10 =	vadd.f32 v12, v6  }
0x32b: {  	s26 =	sadd.s32 $0x200, s26;
	s28 =	sadd.s32 $0x40, s28;
	v9 =	vadd.f32 v14, v13;
	v6 =	vld [tilespmem:s31+$0x380]  }
0x32c: {  	v12 =	vld [tilespmem:s30+$0x0]  }
0x32d: {  	v8 =	vadd.f32 v8, v11;
	v11 =	vld [tilespmem:s29+$0x0]  }
0x32e: {  	v7 =	vadd.f32 v7, v10;
	v4 =	vadd.f32 v4, v9  }
0x32f: {  	v5 =	vadd.f32 v5, v8  }
0x330: {  	v3 =	vadd.f32 v4, v3;
	v4 =	vadd.f32 v6, v7  }
0x331: {  	v5 =	vadd.f32 v5, v12  }
0x332: {  	[tilespmem:s25+$0x0] =	vst v3;
	v3 =	vadd.f32 v4, v11  }
0x333: {  	[tilespmem:s30+$0x0] =	vst v5  }
0x334: {  	s1 =	simm.s32 $0x2;
	[tilespmem:s29+$0x0] =	vst v3  }
0x335: {  	s23 =	simm.s32 $0x0;
	_ =	swait.ge [sflag:s1], $0x1000  }
0x336: {  	s0 =	sand.u32 $0x40, s23;
	s2 =	sand.u32 $0xC00, s23;
	[sflag:s1] =	ssyncset.done $0x0  }
0x337: {  	s3 =	sor.u32 $0x1200, s2;
	s6 =	sor.u32 $0x30, s0;
	[sflag:s1] =	ssyncadd.s32 $0xFFFFF000  }
0x338: {  	s5 =	sor.u32 $0x1280, s2;
	s13 =	sor.u32 s6, s3;
	v3 =	vld [tilespmem:s23+$0x0]  }
0x339: {  	s14 =	sor.u32 s6, s5;
	v4 =	vld [tilespmem:s13+$0x0]  }
0x33a: {  	s7 =	sor.u32 $0x1300, s2;
	s4 =	sor.u32 s0, s3;
	v5 =	vld [tilespmem:s14+$0x0]  }
0x33b: {  	s15 =	sor.u32 s6, s7;
	v6 =	vld [tilespmem:s4+$0x0]  }
0x33c: {  	s8 =	sor.u32 $0x1380, s2;
	s16 =	sor.u32 s0, s5;
	v7 =	vld [tilespmem:s15+$0x0]  }
0x33d: {  	s10 =	sadd.s32 $0x1400, s2;
	s17 =	sor.u32 s6, s8;
	v8 =	vld [tilespmem:s16+$0x0]  }
0x33e: {  	s11 =	sadd.s32 $0x1480, s2;
	s18 =	sor.u32 s6, s10;
	v9 =	vld [tilespmem:s17+$0x0]  }
0x33f: {  	s12 =	sadd.s32 $0x1500, s2;
	s20 =	sor.u32 s6, s11;
	v11 =	vld [tilespmem:s18+$0x0]  }
0x340: {  	s22 =	sor.u32 s6, s12;
	v13 =	vld [tilespmem:s20+$0x0]  }
0x341: {  	s25 =	sor.u32 s0, s7;
	s1 =	sor.u32 $0x10, s0;
	v15 =	vld [tilespmem:s22+$0x0]  }
0x342: {  	s9 =	sor.u32 s1, s3;
	v18 =	vld [tilespmem:s25+$0x0]  }
0x343: {  	s19 =	sor.u32 s1, s5;
	v10 =	vld [tilespmem:s9+$0x0]  }
0x344: {  	s26 =	sor.u32 s1, s7;
	v58 =	vld [tilespmem:s19+$0x0]  }
0x345: {  	s16 =	sor.u32 s1, s10;
	v19 =	vld [tilespmem:s26+$0x0]  }
0x346: {  	s18 =	sor.u32 s0, s11;
	v22 =	vld [tilespmem:s16+$0x0]  }
0x347: {  	s4 =	sor.u32 $0x20, s0;
	s22 =	sor.u32 s0, s12;
	v60 =	vld [tilespmem:s18+$0x0]  }
0x348: {  	s3 =	sor.u32 s4, s3;
	v63 =	vld [tilespmem:s22+$0x0]  }
0x349: {  	s24 =	sor.u32 s4, s5;
	v14 =	vld [tilespmem:s3+$0x0];
	v4 =	vadd.f32 v5, v4  }
0x34a: {  	s31 =	sor.u32 s4, s7;
	s7 =	sor.u32 s0, s8;
	v16 =	vld [tilespmem:s24+$0x0]  }
0x34b: {  	s14 =	sor.u32 s4, s8;
	v20 =	vld [tilespmem:s7+$0x0];
	v4 =	vadd.f32 v7, v4  }
0x34c: {  	s5 =	sadd.s32 $0x1580, s2;
	v21 =	vld [tilespmem:s14+$0x0]  }
0x34d: {  	s2 =	sor.u32 s6, s5;
	v7 =	vld [tilespmem:s31+$0x0];
	v4 =	vadd.f32 v9, v4  }
0x34e: {  	s13 =	sor.u32 s1, s8;
	v17 =	vld [tilespmem:s2+$0x0]  }
0x34f: {  	s15 =	sor.u32 s0, s10;
	v6 =	vadd.f32 v8, v6;
	v9 =	vld [tilespmem:s13+$0x0];
	v4 =	vadd.f32 v11, v4  }
0x350: {  	s9 =	sand.u32 $0x180, s23;
	s17 =	sor.u32 s4, s10;
	v8 =	vadd.f32 v58, v10;
	v59 =	vadd.f32 v16, v14;
	v11 =	vld [tilespmem:s15+$0x0]  }
0x351: {  	s2 =	sor.u32 s6, s9;
	v10 =	vld [tilespmem:s17+$0x0];
	v6 =	vadd.f32 v18, v6;
	v4 =	vadd.f32 v13, v4  }
0x352: {  	s19 =	sor.u32 s1, s11;
	v5 =	vld [tilespmem:s2+$0x0];
	v8 =	vadd.f32 v19, v8;
	v7 =	vadd.f32 v7, v59  }
0x353: {  	s20 =	sor.u32 s4, s11;
	v61 =	vld [tilespmem:s19+$0x0];
	v6 =	vadd.f32 v20, v6;
	v4 =	vadd.f32 v15, v4  }
0x354: {  	v62 =	vld [tilespmem:s20+$0x0];
	s24 =	sor.u32 s1, s12;
	v9 =	vadd.f32 v9, v8;
	v7 =	vadd.f32 v21, v7  }
0x355: {  	s25 =	sor.u32 s4, s12;
	v8 =	vld [tilespmem:s24+$0x0];
	v11 =	vadd.f32 v11, v6;
	v4 =	vadd.f32 v17, v4  }
0x356: {  	s0 =	sor.u32 s0, s5;
	v9 =	vadd.f32 v22, v9;
	v6 =	vld [tilespmem:s25+$0x0];
	v10 =	vadd.f32 v10, v7  }
0x357: {  	s30 =	simm.s32 $0x0;
	s26 =	sor.u32 s1, s5;
	v13 =	vadd.f32 v60, v11;
	v5 =	vadd.f32 v4, v5;
	v4 =	vld [tilespmem:s0+$0x0]  }
0x358: {  	s29 =	sor.u32 s1, s9;
	s28 =	sor.u32 s4, s9;
	s31 =	sor.u32 s4, s5;
	v7 =	vld [tilespmem:s26+$0x0];
	v11 =	vadd.f32 v61, v9  }
0x359: {  	s24 =	simm.s32 $0x0;
	s25 =	simm.s32 $0x200;
	s26 =	simm.s32 $0x40;
	v10 =	vadd.f32 v62, v10;
	v9 =	vadd.f32 v63, v13;
	[tilespmem:s2+$0x0] =	vst v5;
	v5 =	vld [tilespmem:s31+$0x0]  }
.LBB2_19:
0x35a: {  	s4 =	sand.u32 $0x40, s26;
	s1 =	sand.u32 $0xC00, s25;
	v8 =	vadd.f32 v8, v11;
	v11 =	vld [tilespmem:s29+$0x0];
	s23 =	sadd.s32 $0x40, s23  }
0x35b: {  	s24 =	sadd.s32 $0x4, s24;
	s2 =	sor.u32 $0x1200, s1;
	s0 =	sor.u32 $0x30, s4;
	v6 =	vadd.f32 v6, v10;
	v10 =	vld [tilespmem:s28+$0x0]  }
0x35c: {  	s3 =	sor.u32 $0x1280, s1;
	p2 =	slt.u32 s24, $0x1C;
	v12 =	vld [tilespmem:s23+$0x0];
	s5 =	sor.u32 s0, s2;
	v4 =	vadd.f32 v4, v9  }
0x35d: {  	s10 =	sor.u32 $0x10, s4;
	s31 =	sor.u32 $0x20, s4;
	v9 =	vld [tilespmem:s5+$0x0];
	s5 =	sor.u32 s0, s3;
	v7 =	vadd.f32 v7, v8  }
0x35e: {  	s8 =	sor.u32 $0x1300, s1;
	s6 =	sor.u32 s4, s2;
	s7 =	sor.u32 s4, s3;
	v8 =	vld [tilespmem:s5+$0x0];
	v13 =	vadd.f32 v4, v3;
	v4 =	vadd.f32 v5, v6  }
0x35f: {  	s12 =	sor.u32 s10, s3;
	s5 =	sor.u32 s10, s2;
	v5 =	vld [tilespmem:s6+$0x0];
	s6 =	sor.u32 s0, s8;
	v6 =	vadd.f32 v7, v11  }
0x360: {  	s9 =	sor.u32 $0x1380, s1;
	s3 =	sor.u32 s31, s3;
	s2 =	sor.u32 s31, s2;
	v7 =	vld [tilespmem:s6+$0x0];
	[tilespmem:s30+$0x0] =	vst v13;
	v4 =	vadd.f32 v4, v10  }
0x361: {  	s16 =	sor.u32 s4, s8;
	s6 =	sor.u32 s10, s8;
	v10 =	vld [tilespmem:s7+$0x0];
	s7 =	sor.u32 s0, s9;
	[tilespmem:s29+$0x0] =	vst v6;
	v3 =	vmov v12  }
0x362: {  	s14 =	sadd.s32 $0x1400, s1;
	s13 =	sor.u32 s4, s9;
	s17 =	sor.u32 s31, s8;
	v6 =	vld [tilespmem:s7+$0x0];
	[tilespmem:s28+$0x0] =	vst v4  }
0x363: {  	s18 =	sor.u32 s10, s9;
	s9 =	sor.u32 s31, s9;
	v4 =	vld [tilespmem:s5+$0x0];
	v8 =	vadd.f32 v8, v9;
	s5 =	sor.u32 s0, s14  }
0x364: {  	s19 =	sor.u32 s4, s14;
	s8 =	sor.u32 s10, s14;
	s7 =	sadd.s32 $0x1480, s1;
	v9 =	vld [tilespmem:s5+$0x0]  }
0x365: {  	s15 =	sor.u32 s31, s14;
	s11 =	sor.u32 s4, s7;
	s5 =	sor.u32 s0, s7;
	v11 =	vld [tilespmem:s12+$0x0];
	v7 =	vadd.f32 v7, v8  }
0x366: {  	s20 =	sadd.s32 $0x1500, s1;
	s22 =	sor.u32 s10, s7;
	s14 =	sor.u32 s31, s7;
	v5 =	vadd.f32 v10, v5;
	v8 =	vld [tilespmem:s5+$0x0]  }
0x367: {  	s12 =	sor.u32 s10, s20;
	s5 =	sor.u32 s4, s20;
	v10 =	vld [tilespmem:s2+$0x0];
	v6 =	vadd.f32 v6, v7;
	s2 =	sor.u32 s0, s20  }
0x368: {  	s30 =	smov.u32 s23;
	s28 =	sadd.s32 $0x1580, s1;
	s7 =	sor.u32 s31, s20;
	v7 =	vld [tilespmem:s2+$0x0]  }
0x369: {  	s1 =	sor.u32 s10, s28;
	s2 =	sor.u32 s4, s28;
	v12 =	vld [tilespmem:s3+$0x0];
	v6 =	vadd.f32 v9, v6;
	s3 =	sor.u32 s0, s28  }
0x36a: {  	s20 =	sor.u32 s31, s28;
	s4 =	sand.u32 $0x180, s26;
	v4 =	vadd.f32 v11, v4;
	v9 =	vld [tilespmem:s3+$0x0]  }
0x36b: {  	s29 =	sor.u32 s10, s4;
	s28 =	sor.u32 s31, s4;
	s0 =	sor.u32 s0, s4;
	v11 =	vld [tilespmem:s16+$0x0];
	v6 =	vadd.f32 v8, v6  }
0x36c: {  	v8 =	vld [tilespmem:s0+$0x0]  }
0x36d: {  	v13 =	vld [tilespmem:s6+$0x0];
	v6 =	vadd.f32 v7, v6  }
0x36e: {  	v7 =	vadd.f32 v12, v10;
	v10 =	vld [tilespmem:s17+$0x0]  }
0x36f: {  	v12 =	vld [tilespmem:s13+$0x0];
	v6 =	vadd.f32 v9, v6  }
0x370: {  	v5 =	vadd.f32 v11, v5;
	v9 =	vld [tilespmem:s18+$0x0]  }
0x371: {  	v11 =	vld [tilespmem:s9+$0x0];
	v6 =	vadd.f32 v6, v8  }
0x372: {  	v8 =	vld [tilespmem:s19+$0x0];
	v4 =	vadd.f32 v13, v4  }
0x373: {  	v13 =	vld [tilespmem:s8+$0x0];
	v7 =	vadd.f32 v10, v7;
	[tilespmem:s0+$0x0] =	vst v6  }
0x374: {  	v5 =	vadd.f32 v12, v5;
	v6 =	vld [tilespmem:s15+$0x0]  }
0x375: {  	v10 =	vld [tilespmem:s11+$0x0];
	v4 =	vadd.f32 v9, v4  }
0x376: {  	v9 =	vld [tilespmem:s22+$0x0];
	v7 =	vadd.f32 v11, v7  }
0x377: {  	v5 =	vadd.f32 v8, v5;
	v12 =	vld [tilespmem:s14+$0x0]  }
0x378: {  	v14 =	vld [tilespmem:s5+$0x0];
	v11 =	vadd.f32 v13, v4  }
.Ltmp11:
0x379: {  	v8 =	vld [tilespmem:s12+$0x0];
	v13 =	vadd.f32 v6, v7;
	(pc) =	sbr.rel @p2 .LBB2_19-.Ltmp11, $4  }
0x37a: {  	v5 =	vadd.f32 v10, v5;
	v6 =	vld [tilespmem:s7+$0x0]  }
0x37b: {  	v4 =	vld [tilespmem:s2+$0x0];
	v11 =	vadd.f32 v9, v11  }
0x37c: {  	v7 =	vld [tilespmem:s1+$0x0];
	v10 =	vadd.f32 v12, v13  }
0x37d: {  	s25 =	sadd.s32 $0x200, s25;
	s26 =	sadd.s32 $0x40, s26;
	v9 =	vadd.f32 v14, v5;
	v5 =	vld [tilespmem:s20+$0x0]  }
0x37e: {  	v12 =	vld [tilespmem:s29+$0x0]  }
0x37f: {  	v8 =	vadd.f32 v8, v11;
	v11 =	vld [tilespmem:s28+$0x0]  }
0x380: {  	v6 =	vadd.f32 v6, v10;
	v4 =	vadd.f32 v4, v9  }
0x381: {  	v7 =	vadd.f32 v7, v8  }
0x382: {  	v3 =	vadd.f32 v4, v3;
	v4 =	vadd.f32 v5, v6  }
0x383: {  	v5 =	vadd.f32 v7, v12  }
0x384: {  	[tilespmem:s30+$0x0] =	vst v3;
	v3 =	vadd.f32 v4, v11  }
0x385: {  	[tilespmem:s29+$0x0] =	vst v5  }
0x386: {  	[tilespmem:s28+$0x0] =	vst v3  }
0x387: {  	v3 =	vld [tilespmem:$0x0]  }
0x388: {  	v4 =	vld [tilespmem:$0x100]  }
0x389: {  	v5 =	vld [tilespmem:$0x10]  }
0x38a: {  	v6 =	vld [tilespmem:$0x110]  }
0x38b: {  	v7 =	vld [tilespmem:$0x20]  }
0x38c: {  	v8 =	vld [tilespmem:$0x120];
	v3 =	vadd.f32 $0.0e+00, v3  }
0x38d: {  	v9 =	vld [tilespmem:$0x30];
	v4 =	vadd.f32 $0.0e+00, v4  }
0x38e: {  	v3 =	vadd.f32 v5, v3;
	v5 =	vld [tilespmem:$0x130]  }
0x38f: {  	v4 =	vadd.f32 v6, v4;
	v6 =	vld [tilespmem:$0x40]  }
0x390: {  	v3 =	vadd.f32 v7, v3;
	v7 =	vld [tilespmem:$0x140]  }
0x391: {  	v4 =	vadd.f32 v8, v4;
	v8 =	vld [tilespmem:$0x50]  }
0x392: {  	v3 =	vadd.f32 v9, v3;
	v9 =	vld [tilespmem:$0x150]  }
0x393: {  	v4 =	vadd.f32 v5, v4;
	v5 =	vld [tilespmem:$0x60]  }
0x394: {  	v3 =	vadd.f32 v6, v3;
	v6 =	vld [tilespmem:$0x160]  }
0x395: {  	v4 =	vadd.f32 v7, v4;
	v7 =	vld [tilespmem:$0x70]  }
0x396: {  	v3 =	vadd.f32 v8, v3;
	v8 =	vld [tilespmem:$0x170]  }
0x397: {  	v4 =	vadd.f32 v9, v4;
	v9 =	vld [tilespmem:$0x80]  }
0x398: {  	v3 =	vadd.f32 v5, v3;
	v5 =	vld [tilespmem:$0x180]  }
0x399: {  	v4 =	vadd.f32 v6, v4;
	v6 =	vld [tilespmem:$0x90]  }
0x39a: {  	v3 =	vadd.f32 v7, v3;
	v7 =	vld [tilespmem:$0x190]  }
0x39b: {  	v4 =	vadd.f32 v8, v4;
	v8 =	vld [tilespmem:$0xA0]  }
0x39c: {  	v3 =	vadd.f32 v9, v3;
	v9 =	vld [tilespmem:$0x1A0]  }
0x39d: {  	v4 =	vadd.f32 v5, v4;
	v5 =	vld [tilespmem:$0xB0]  }
0x39e: {  	v3 =	vadd.f32 v6, v3;
	v6 =	vld [tilespmem:$0x1B0]  }
0x39f: {  	v4 =	vadd.f32 v7, v4;
	v7 =	vld [tilespmem:$0xC0]  }
0x3a0: {  	v3 =	vadd.f32 v8, v3;
	v8 =	vld [tilespmem:$0x1C0]  }
0x3a1: {  	v4 =	vadd.f32 v9, v4;
	v9 =	vld [tilespmem:$0xD0]  }
0x3a2: {  	v3 =	vadd.f32 v5, v3;
	v5 =	vld [tilespmem:$0x1D0]  }
0x3a3: {  	v4 =	vadd.f32 v6, v4;
	v6 =	vld [tilespmem:$0xE0]  }
0x3a4: {  	v3 =	vadd.f32 v7, v3;
	v7 =	vld [tilespmem:$0x1E0]  }
0x3a5: {  	v4 =	vadd.f32 v8, v4;
	v8 =	vld [tilespmem:$0xF0]  }
0x3a6: {  	v3 =	vadd.f32 v9, v3;
	v9 =	vld [tilespmem:$0x1F0]  }
0x3a7: {  	v4 =	vadd.f32 v5, v4  }
0x3a8: {  	s0 =	simm.s32 $0x10;
	v3 =	vadd.f32 v6, v3  }
0x3a9: {  	v4 =	vadd.f32 v7, v4;
	v7 =	vld [tilespmem:s0+$0xFFFFFFF0]  }
0x3aa: {  	v3 =	vadd.f32 v8, v3  }
0x3ab: {  	v4 =	vadd.f32 v9, v4  }
0x3ac: {  	(xrf2) =	vadd.scan.msk.f32 $0xffff, v3  }
0x3ad: {  	v8 =	vld [tilespmem:s0+$0x0];
	(xrf2) =	vadd.scan.msk.f32 $0xffff, v4  }
0x3ae: {  	(xrf2) =	vadd.scan.msk.f32 $0xffff, v7;
	_ =	sdelay $0x1  }
0x3af: {  	s1 =	simm.s32 $0x0  }
0x3b0: {  	s1 =	sand.u32 $0xE0, s1  }
0x3b1: {  	v12 =	vld [tilespmem:s1+$0x100];
	(xrf2) =	vadd.scan.msk.f32 $0xffff, v8;
	_ =	sdelay $0x2  }
0x3b2: {  	s0 =	sand.u32 $0xF0, s0  }
0x3b3: {  	s22 =	simm.s32 $0x30;
	v13 =	vld [tilespmem:s0+$0x100];
	v4, _, _ =	vpop (xrf2)  }
0x3b4: {  	v19 =	vld [tilespmem:s22+$0xFFFFFFF0];
	(xrf2) =	vadd.scan.msk.f32 $0xffff, v12;
	v3, _, _ =	vpop (xrf2)  }
0x3b5: {  	v5, _, _ =	vpop (xrf2)  }
0x3b6: {  	v21 =	vimm.f32 $0.0e+00;
	v6 =	vbroadcast v5, $0xF  }
0x3b7: {  	v4 =	vbroadcast v4, $0xF;
	v9 =	vadd.f32 v5, v21  }
0x3b8: {  	s23 =	simm.s32 $0x0;
	v20 =	vld [tilespmem:s22+$0x0];
	(xrf2) =	vadd.scan.msk.f32 $0xffff, v13;
	v10 =	vadd.f32 v6, v21  }
0x3b9: {  	s24 =	simm.s32 $0x20;
	(xrf2) =	vadd.scan.msk.f32 $0xffff, v19;
	v5 =	vbroadcast v3, $0xF;
	v11, _, _ =	vpop (xrf2);
	v6 =	vor.u32 s23, v0;
	v9 =	vsub.f32 v4, v9  }
0x3ba: {  	s1 =	sand.u32 $0xE0, s24;
	v15 =	vcvt.s32.f32 v6;
	v16 =	vadd.f32 v10, v11  }
0x3bb: {  	v6 =	vld [tilespmem:s1+$0x100];
	v9 =	vadd.f32 v9, v5  }
0x3bc: {  	v17 =	vadd.f32 $5.000000000e-01, v15;
	v15 =	vsub.f32 v4, v16  }
0x3bd: {  	(xrf2) =	vadd.scan.msk.f32 $0xffff, v20;
	v7 =	vadd.f32 v9, v7;
	v9 =	vmax.f32 v9, $1.000000000e+00  }
0x3be: {  	s26 =	simm.s32 $0x30;
	v22, _, _ =	vpop (xrf2);
	(erf) = vrcp.f32 v9;
	v9 =	vbroadcast v11, $0xF;
	v15 =	vadd.f32 v15, v5  }
0x3bf: {  	s25 =	simm.s32 $0x20;
	v18 =	vor.u32 s26, v0;
	v23 =	vbroadcast v22, $0xF;
	v7 =	vmax.f32 v7, $1.000000000e+00  }
0x3c0: {  	s0 =	sand.u32 $0xF0, s22;
	v16 =	vor.u32 s25, v0;
	(xrf2) =	vadd.scan.msk.f32 $0xffff, v6;
	(erf) = vrcp.f32 v7;
	v11 =	vadd.f32 v15, v8  }
0x3c1: {  	s2 =	simm.s32 $0x10;
	v7 =	vcvt.s32.f32 v16;
	v16 =	vcvt.s32.f32 v18;
	v18 =	vadd.f32 v23, v21;
	v8 =	vld [tilespmem:s0+$0x100]  }
0x3c2: {  	v14 =	vor.u32 s2, v0;
	v23 =	vadd.f32 v9, v10;
	v9, _, _ =	vpop (xrf2);
	v10 =	vmax.f32 v11, $1.000000000e+00  }
0x3c3: {  	v11 =	vmax.f32 v15, $1.000000000e+00;
	v15 =	vadd.f32 v18, v9;
	v24, _, _ =	vpop (xrf2);
	v25 =	vbroadcast v9, $0xF  }
0x3c4: {  	v9 =	vadd.f32 $5.000000000e-01, v7;
	v7 =	vadd.f32 $5.000000000e-01, v16;
	v16 =	vbroadcast v24, $0xF  }
0x3c5: {  	v14 =	vcvt.s32.f32 v14  }
0x3c6: {  	s23 =	simm.s32 $0x50;
	(erf) = vrcp.f32 v10;
	(xrf2) =	vadd.scan.msk.f32 $0xffff, v8;
	v16 =	vadd.f32 v16, v23  }
0x3c7: {  	v14 =	vadd.f32 $5.000000000e-01, v14;
	v24 =	vadd.f32 v24, v23;
	(erf) = vrcp.f32 v11;
	v11 =	vld [tilespmem:s23+$0xFFFFFFF0];
	v23, _, _ =	vpop (xrf2)  }
0x3c8: {  	s29 =	simm.s32 $0x50;
	v22 =	vadd.f32 v22, v21;
	v25 =	vadd.f32 v25, v18;
	v26 =	vbroadcast v23, $0xF  }
0x3c9: {  	v18 =	vor.u32 s29, v0;
	v27 =	vsub.f32 v15, v13;
	v24 =	vsub.f32 v4, v24  }
0x3ca: {  	v15 =	vcvt.s32.f32 v18;
	v23 =	vadd.f32 v16, v23;
	v18 =	vadd.f32 v26, v16;
	v16, _, _ =	vpop (xrf2)  }
0x3cb: {  	v28 =	vpop (erf);
	v26 =	vmul.f32 $3.906250000e-03, v17;
	v30 =	vbroadcast v16, $0xF;
	v17 =	vadd.f32 v16, v25;
	v16 =	vld [tilespmem:s23+$0x0]  }
0x3cc: {  	s30 =	simm.s32 $0x40;
	v22 =	vsub.f32 v22, v12;
	v29 =	vpop (erf);
	(xrf2) =	vadd.scan.msk.f32 $0xffff, v11;
	v23 =	vsub.f32 v4, v23  }
0x3cd: {  	s0 =	sand.u32 $0xE0, s30;
	v24 =	vadd.f32 v24, v5;
	v29 =	vsub.f32 v28, v29  }
0x3ce: {  	v28 =	vmul.f32 v28, v12;
	v12 =	vld [tilespmem:s0+$0x100];
	v23 =	vadd.f32 v23, v5  }
0x3cf: {  	v10 =	vmul.f32 $3.906250000e-03, v14;
	v19 =	vadd.f32 v24, v19;
	v22 =	vmul.f32 v29, v22;
	v31 =	vpop (erf)  }
0x3d0: {  	s28 =	simm.s32 $0x40;
	v24 =	vmax.f32 v24, $1.000000000e+00;
	v63 =	vadd.f32 v23, v20;
	v20 =	vadd.f32 v30, v25;
	v25, _, _ =	vpop (xrf2);
	(xrf2) =	vadd.scan.msk.f32 $0xffff, v16  }
0x3d1: {  	v14 =	vor.u32 s28, v0;
	(erf) = vrcp.f32 v24;
	v61 =	vpop (erf);
	v22 =	vadd.f32 v22, v28  }
0x3d2: {  	v19 =	vmax.f32 v19, $1.000000000e+00;
	v62 =	vmul.f32 v61, v13;
	v13 =	vsub.f32 v61, v31  }
0x3d3: {  	s31 =	sand.u32 $0xF0, s23;
	(erf) = vrcp.f32 v19;
	v22 =	vmul.f32 v22, v26;
	v24 =	vmax.f32 v63, $1.000000000e+00;
	(xrf2) =	vadd.scan.msk.f32 $0xffff, v12  }
0x3d4: {  	v14 =	vcvt.s32.f32 v14;
	v23 =	vmax.f32 v23, $1.000000000e+00;
	v26 =	vmul.f32 v13, v27;
	v13 =	vld [tilespmem:s31+$0x100]  }
0x3d5: {  	v19 =	vadd.f32 v20, v25;
	(erf) = vrcp.f32 v24;
	v21 =	vadd.f32 v22, v21  }
0x3d6: {  	s24 =	simm.s32 $0x6;
	s25 =	simm.s32 $0x70;
	v22 =	vbroadcast v25, $0xF;
	(erf) = vrcp.f32 v23;
	v23 =	vadd.f32 v26, v62;
	v24, _, _ =	vpop (xrf2)  }
.LBB2_21:
0x3d7: {  	v25 =	vld [tilespmem:s25+$0xFFFFFFF0];
	s0 =	sshll.u32 s24, $0x4;
	p2 =	slt.u32 s24, $0xE;
	s24 =	sadd.s32 $0x2, s24;
	v26 =	vadd.f32 $5.000000000e-01, v14;
	v14 =	vmul.f32 $3.906250000e-03, v7;
	v7 =	vadd.f32 $5.000000000e-01, v15  }
0x3d8: {  	v15 =	vbroadcast v24, $0xF;
	s1 =	sadd.s32 $0x10, s0;
	v20 =	vadd.f32 v22, v20;
	v22 =	vmul.f32 v23, v10  }
0x3d9: {  	v31 =	vadd.f32 v24, v18;
	v28 =	vor.u32 s0, v0;
	v27 =	vor.u32 s1, v0;
	(xrf2) =	vadd.scan.msk.f32 $0xffff, v13;
	v10 =	vmovc v14  }
0x3da: {  	v14 =	vcvt.s32.f32 v28;
	v18 =	vadd.f32 v15, v18;
	v23, _, _ =	vpop (xrf2);
	v21 =	vadd.f32 v22, v21  }
0x3db: {  	s23 =	sadd.s32 $0x20, s23;
	v29 =	vsub.f32 v17, v6;
	v19 =	vsub.f32 v19, v8;
	v22 =	vld [tilespmem:s25+$0x0];
	v28 =	vbroadcast v23, $0xF;
	v30 =	vpop (erf)  }
0x3dc: {  	s0 =	sadd.s32 $0xFFFFFFF0, s23;
	v17 =	vsub.f32 v4, v31;
	v15 =	vcvt.s32.f32 v27;
	v23 =	vadd.f32 v18, v23;
	(xrf2) =	vadd.scan.msk.f32 $0xffff, v25;
	v24 =	vpop (erf)  }
0x3dd: {  	s0 =	sand.u32 $0xE0, s0;
	v18 =	vadd.f32 v28, v18;
	v27, _, _ =	vpop (xrf2);
	v28 =	vmul.f32 $3.906250000e-03, v9;
	v9 =	vsub.f32 v30, v24  }
0x3de: {  	v31 =	vadd.f32 v17, v5;
	v23 =	vsub.f32 v4, v23;
	v24 =	vld [tilespmem:s0+$0x100];
	v32 =	vbroadcast v27, $0xF;
	v33 =	vpop (erf)  }
0x3df: {  	v35 =	vmul.f32 v30, v6;
	v17 =	vadd.f32 v27, v20;
	v34 =	vmul.f32 v9, v29;
	v27 =	vpop (erf)  }
0x3e0: {  	v30 =	vmax.f32 v31, $1.000000000e+00;
	v29 =	vadd.f32 v31, v11;
	v23 =	vadd.f32 v23, v5;
	v11 =	vmovc v25;
	(xrf2) =	vadd.scan.msk.f32 $0xffff, v22  }
0x3e1: {  	v31 =	vmul.f32 v27, v8;
	v33 =	vsub.f32 v27, v33;
	v25 =	vadd.f32 v34, v35;
	v9 =	vmovc v26  }
.Ltmp12:
0x3e2: {  	v6 =	vmovc v12;
	v26 =	vmax.f32 v29, $1.000000000e+00;
	v27 =	vadd.f32 v23, v16;
	v16 =	vmovc v22;
	(erf) = vrcp.f32 v30;
	(pc) =	sbr.rel @p2 .LBB2_21-.Ltmp12, $4  }
0x3e3: {  	s0 =	sand.u32 $0xF0, s23;
	v20 =	vadd.f32 v32, v20;
	(xrf2) =	vadd.scan.msk.f32 $0xffff, v24;
	(erf) = vrcp.f32 v26;
	v22, _, _ =	vpop (xrf2);
	v25 =	vmul.f32 v25, v28  }
0x3e4: {  	v8 =	vmovc v13;
	v23 =	vmax.f32 v23, $1.000000000e+00;
	v26 =	vmax.f32 v27, $1.000000000e+00;
	v27 =	vmul.f32 v33, v19;
	v12 =	vmovc v24;
	v13 =	vld [tilespmem:s0+$0x100]  }
0x3e5: {  	v19 =	vadd.f32 v20, v22;
	(erf) = vrcp.f32 v26;
	v21 =	vadd.f32 v25, v21  }
0x3e6: {  	s25 =	sadd.s32 $0x20, s25;
	v22 =	vbroadcast v22, $0xF;
	v24, _, _ =	vpop (xrf2);
	(erf) = vrcp.f32 v23;
	v23 =	vadd.f32 v27, v31  }
0x3e7: {  	v25 =	vbroadcast v24, $0xF;
	_ =	sdelay $0x1  }
0x3e8: {  	v25 =	vadd.f32 v25, v18  }
0x3e9: {  	v33 =	vadd.f32 v24, v18;
	v34, _, _ =	vpop (xrf2)  }
0x3ea: {  	v24 =	vadd.f32 v25, v34  }
0x3eb: {  	v18 =	vsub.f32 v4, v33  }
0x3ec: {  	v35 =	vsub.f32 v4, v24  }
0x3ed: {  	v18 =	vadd.f32 v18, v5  }
0x3ee: {  	v4 =	vadd.f32 v35, v5  }
0x3ef: {  	(xrf2) =	vadd.scan.msk.f32 $0xffff, v13;
	v36 =	vadd.f32 v18, v11  }
0x3f0: {  	v37 =	vmax.f32 v18, $1.000000000e+00;
	v16 =	vadd.f32 v4, v16  }
0x3f1: {  	(erf) = vrcp.f32 v37;
	v5 =	vmax.f32 v36, $1.000000000e+00  }
0x3f2: {  	(erf) = vrcp.f32 v5;
	v38 =	vmax.f32 v16, $1.000000000e+00  }
0x3f3: {  	v4 =	vmax.f32 v4, $1.000000000e+00;
	(erf) = vrcp.f32 v38  }
0x3f4: {  	v39 =	vpop (erf);
	(erf) = vrcp.f32 v4  }
0x3f5: {  	v41 =	vadd.f32 $5.000000000e-01, v14;
	v40 =	vpop (erf)  }
0x3f6: {  	v42 =	vadd.f32 $5.000000000e-01, v15;
	v43 =	vsub.f32 v17, v6;
	v9 =	vmul.f32 $3.906250000e-03, v9;
	v44, _, _ =	vpop (xrf2)  }
0x3f7: {  	v46 =	vadd.f32 v22, v20;
	v45 =	vpop (erf);
	v47 =	vbroadcast v44, $0xF;
	v4 =	vsub.f32 v39, v40  }
0x3f8: {  	v19 =	vsub.f32 v19, v8;
	v10 =	vmul.f32 v23, v10;
	v48 =	vpop (erf);
	v5 =	vmul.f32 v39, v6  }
0x3f9: {  	v49 =	vsub.f32 v48, v45;
	v50 =	vadd.f32 v47, v46;
	v51, _, _ =	vpop (xrf2);
	v4 =	vmul.f32 v4, v43  }
0x3fa: {  	v10 =	vadd.f32 v10, v21;
	v53 =	vmul.f32 v48, v8;
	v16 =	vadd.f32 v44, v46;
	v52 =	vpop (erf)  }
0x3fb: {  	v6 =	vmul.f32 v49, v19;
	v15 =	vadd.f32 v50, v51;
	v4 =	vadd.f32 v4, v5;
	v54 =	vpop (erf)  }
0x3fc: {  	v7 =	vmul.f32 $3.906250000e-03, v7;
	v16 =	vsub.f32 v16, v12;
	v17 =	vsub.f32 v52, v54;
	v55 =	vpop (erf)  }
0x3fd: {  	v6 =	vadd.f32 v6, v53;
	v56 =	vsub.f32 v15, v13;
	v4 =	vmul.f32 v4, v9;
	v57 =	vpop (erf)  }
0x3fe: {  	v5 =	vmul.f32 v52, v12;
	v58 =	vmul.f32 v17, v16;
	v59 =	vsub.f32 v57, v55  }
0x3ff: {  	v60 =	vmul.f32 $3.906250000e-03, v41;
	v6 =	vmul.f32 v6, v7;
	v4 =	vadd.f32 v4, v10  }
0x400: {  	v5 =	vadd.f32 v58, v5;
	v9 =	vmul.f32 v57, v13;
	v8 =	vmul.f32 v59, v56  }
0x401: {  	v61 =	vmul.f32 $3.906250000e-03, v42  }
0x402: {  	v4 =	vadd.f32 v6, v4;
	v5 =	vmul.f32 v5, v60;
	v62 =	vadd.f32 v8, v9;
	_ =	sdelay $0x1  }
0x403: {  	v4 =	vadd.f32 v5, v4;
	v63 =	vmul.f32 v62, v61;
	_ =	sdelay $0x1  }
0x404: {  	v4 =	vadd.f32 v63, v4;
	_ =	sdelay $0x1  }
0x405: {  	(xrf2) =	vadd.scan.msk.f32 $0xffff, v4;
	_ =	sdelay $0x6  }
0x406: {  	vm4 =	vgt.f32 v3, $0.0e+00  }
0x407: {  	v3 =	vsel vm4, $0x1, v1  }
0x408: {  	v3 =	vbroadcast v3, $0xF  }
0x409: {  	v4, _, _ =	vpop (xrf2)  }
0x40a: {  	v3 =	vand.u32 $0x1, v3;
	v4 =	vadd.f32 $0.0e+00, v4  }
0x40b: {  	vm4 =	veq.s32 v3, $0x1  }
0x40c: {  	v3 =	vsel vm4, $0x3F800000, v2;
	v4 =	vbroadcast v4, $0xF  }
0x40d: {  	v3 =	vsel vm0, $0x0, v3  }
0x40e: {  	v3 =	vsel vm1, v3, v4  }
0x40f: {  	s0 =	rddreg [dreg:$0xd];
	s3 =	simm.s32 $0x2200;
	[tilespmem:$0x2200] =	vst v3  }
0x410: {  	[spmem:s0] =	stream.linear.scatter [tilespmem:s3], [sflag:$0x3], $0x80, $0x38;
	[tilespmem:$0x2298] =	vst v63  }
0x411: {  	_ =	swait.ge [sflag:s21], $0x80  }
0x412: {  	[sflag:s21] =	ssyncset.done $0x0  }
0x413: {  	s8 =	simm.s32 $0x200;
	[sflag:s21] =	ssyncadd.s32 $0xFFFFFF80  }
.LBB2_23:
.Ltmp13:
0x414: {  	(pc) =	sbr.rel @p1 .LBB2_27-.Ltmp13, $4  }
0x415: {  	_ = 	snop  }
0x416: {  	[bflag:$0x0] =	sbarrier.arrive $0xFFFF  }
0x417: {  	s2 =	rddreg [dreg:$0x2]  }
0x418: {  	s1 =	rddreg [dreg:$0xf]  }
0x419: {  	s0 =	sadd.s32 $0x0, s2  }
0x41a: {  	[tilespmem:s3], [sflag:$0x3] =	stream.linear.gather [spmem:s0], $0x80, $0x38;
	[tilespmem:$0x2298] =	vst v63  }
0x41b: {  	_ =	swait.ge [sflag:s21], $0x80  }
0x41c: {  	[sflag:s21] =	ssyncset.done $0x0  }
0x41d: {  	v3 =	vimm.f32 $0.0e+00;
	s0 =	simm.s32 $0x200;
	[sflag:s21] =	ssyncadd.s32 $0xFFFFFF80  }
.LBB2_25:
0x41e: {  	s1 =	sshra.s32 s0, $0x2;
	v4 =	vld [tilespmem:$0x2200];
	p2 =	sne.s32 s0, $0x2400  }
.Ltmp14:
0x41f: {  	s0 =	sadd.s32 $0x200, s0;
	s1 =	sadd.s32 s1, s2;
	(pc) =	sbr.rel @p2 .LBB2_25-.Ltmp14, $4  }
0x420: {  	[tilespmem:s3], [sflag:$0x3] =	stream.linear.gather [spmem:s1], $0x80, $0x38;
	[tilespmem:$0x2298] =	vst v63  }
0x421: {  	_ =	swait.ge [sflag:s21], $0x80  }
0x422: {  	[sflag:s21] =	ssyncset.done $0x0  }
0x423: {  	[sflag:s21] =	ssyncadd.s32 $0xFFFFFF80;
	v3 =	vadd.f32 v4, v3  }
.Ltmp15:
0x424: {  	_ = 	snop;
	(pc) =	sbr.rel .LBB2_26-.Ltmp15, $1  }
0x425: {  	_ =	sdelay $0x3  }
.LBB2_28:
0x426: {  	_ =	sfence.sel $0x180000  }
0x427: {  	[bflag:$0x0] =	sbarrier.arrive $0xFFFF  }
0x428: {  	_ =	strace $0x9000004A  }
0x429: {  	s0 =	stileid.u32;
	[bflag:$0x2] =	sbarrier.arrive $0xFFFF  }
0x42a: {  	p0 =	sne.s32 s0, $0x0;
	s0 =	rddreg [dreg:$0x3]  }
0x42b: {  	s0 =	sadd.s32 @!p0 $0x100000, s0  }
0x42c: {  	[sflag:s0] =	ssyncadd.tile.s32 @!p0 $0x1;
	_ =	shalt  }
.Lfunc_end2:
_tile_overlayer_lowered:
.L_overlay_start_2:
0x42d: {  	(tag) =	ssettag $0x2  }
0x42e: {  	s0 =	rddreg [dreg:$0x0];
	s2 =	stileid.u32  }
0x42f: {  	s1 =	rddreg [dreg:$0x1];
	p0 =	sne.s32 s2, $0x0  }
0x430: {  	s3 =	rddreg [dreg:$0x2];
	[bflag:$0x3] =	sbarrier.arrive $0xFFFF;
	s2 =	simm.s32 @!p0 $0x1C03  }
0x431: {  	[timem:s3], [sflag:s2] =	dma.local @!p0 [hbm:s0], s1  }
0x432: {  	s0 =	simm.s32 @!p0 $0x3  }
0x433: {  	_ =	swait.ge @!p0 [sflag:s0], s1  }
0x434: {  	s1 =	ssub.s32 @!p0 $0x0, s1;
	[sflag:s0] =	ssyncset.done @!p0 $0x0  }
0x435: {  	[sflag:s0] =	ssyncadd.s32 @!p0 s1  }
0x436: {  	[bflag:$0x3] =	sbarrier.arrive $0xFFFF  }
0x437: {  	_ =	shalt  }

</sc_bundles>
